<compile_context>
chip_gen: v7x
topology: tpu7x:2x2x1
jax: 0.10.2.dev20260603
libtpu: 0.0.44.dev20260713+nightly
codegen_flags: <defaults>
</compile_context>

<pallas_src>
import functools

import jax
import jax.numpy as jnp
from jax import lax
from jax.experimental import pallas as pl
from jax.experimental.pallas import tpu as pltpu
from jax.experimental.pallas import tpu_sc as plsc

NUM_USERS = 1000000
BATCH = 16384
HIDDEN = 16
NUM_CORES = 2
NUM_SUBCORES = 16
NUM_WORKERS = NUM_CORES * NUM_SUBCORES
BPW = BATCH // NUM_WORKERS
LANES = 16
CHUNK = 8
NPAIRS = BPW // (2 * CHUNK)
IDX_PAD = BPW + LANES


def _gmf_body(uidx_hbm, iidx_hbm, utab_hbm, itab_hbm, w_hbm, b_hbm, out_hbm,
              uidx_v, iidx_v, ustage_a, istage_a, ustage_b, istage_b,
              w_v, b_v, out_v, sem_a, sem_b):
    wid = lax.axis_index("s") * NUM_CORES + lax.axis_index("c")
    base = wid * BPW

    pltpu.sync_copy(uidx_hbm.at[pl.ds(base, BPW)], uidx_v.at[pl.ds(0, BPW)])
    pltpu.sync_copy(iidx_hbm.at[pl.ds(base, BPW)], iidx_v.at[pl.ds(0, BPW)])
    pltpu.sync_copy(w_hbm, w_v)
    pltpu.sync_copy(b_hbm, b_v)

    wvec = w_v[...]
    bvec = b_v[...]
    iota = lax.iota(jnp.int32, LANES)
    masks = [iota == k for k in range(LANES)]
    zeros = jnp.zeros((LANES,), jnp.float32)
    zeros_i = jnp.zeros((LANES,), jnp.int32)

    def fire(c, ustage, istage, sem):
        uvec = uidx_v[pl.ds(c * CHUNK, LANES)]
        ivec = iidx_v[pl.ds(c * CHUNK, LANES)]
        ualign = (uvec >> 7) << 7
        ialign = (ivec >> 7) << 7
        for k in range(CHUNK):
            uoff = pl.multiple_of(ualign[k], 128)
            ioff = pl.multiple_of(ialign[k], 128)
            pltpu.make_async_copy(
                utab_hbm.at[iota, pl.ds(uoff, 128)], ustage.at[k], sem
            ).start()
            pltpu.make_async_copy(
                itab_hbm.at[iota, pl.ds(ioff, 128)], istage.at[k], sem
            ).start()

    def drain(ustage, istage, sem):
        for k in range(CHUNK):
            pltpu.make_async_copy(
                utab_hbm.at[iota, pl.ds(0, 128)], ustage.at[k], sem
            ).wait()
            pltpu.make_async_copy(
                itab_hbm.at[iota, pl.ds(0, 128)], istage.at[k], sem
            ).wait()

    def accum(c, ustage, istage, acc, k0):
        uvec = uidx_v[pl.ds(c * CHUNK, LANES)]
        ivec = iidx_v[pl.ds(c * CHUNK, LANES)]
        ulane = uvec & 127
        ilane = ivec & 127
        for k in range(CHUNK):
            urow = plsc.load_gather(
                ustage, [zeros_i + k, iota, zeros_i + ulane[k]]
            )
            irow = plsc.load_gather(
                istage, [zeros_i + k, iota, zeros_i + ilane[k]]
            )
            p = urow * irow * wvec
            acc = jnp.where(masks[k0 + k], jnp.sum(p), acc)
        return acc

    fire(0, ustage_a, istage_a, sem_a)

    def pair(c2, carry):
        c = 2 * c2
        fire(c + 1, ustage_b, istage_b, sem_b)
        drain(ustage_a, istage_a, sem_a)
        acc = accum(c, ustage_a, istage_a, zeros, 0)

        @pl.when(c2 < NPAIRS - 1)
        def _():
            fire(c + 2, ustage_a, istage_a, sem_a)

        drain(ustage_b, istage_b, sem_b)
        acc = accum(c + 1, ustage_b, istage_b, acc, CHUNK)
        z = acc + bvec
        out_v[pl.ds(c * CHUNK, LANES)] = 1.0 / (1.0 + jnp.exp(-z))
        return carry

    lax.fori_loop(0, NPAIRS, pair, 0)

    pltpu.sync_copy(out_v, out_hbm.at[pl.ds(base, BPW)])


@functools.partial(
    pl.kernel,
    mesh=plsc.VectorSubcoreMesh(core_axis_name="c", subcore_axis_name="s"),
    out_type=jax.ShapeDtypeStruct((BATCH,), jnp.float32),
    compiler_params=pltpu.CompilerParams(needs_layout_passes=False),
    scratch_types=[
        pltpu.VMEM((IDX_PAD,), jnp.int32),
        pltpu.VMEM((IDX_PAD,), jnp.int32),
        pltpu.VMEM((CHUNK, HIDDEN, 128), jnp.float32),
        pltpu.VMEM((CHUNK, HIDDEN, 128), jnp.float32),
        pltpu.VMEM((CHUNK, HIDDEN, 128), jnp.float32),
        pltpu.VMEM((CHUNK, HIDDEN, 128), jnp.float32),
        pltpu.VMEM((LANES,), jnp.float32),
        pltpu.VMEM((LANES,), jnp.float32),
        pltpu.VMEM((BPW,), jnp.float32),
        pltpu.SemaphoreType.DMA,
        pltpu.SemaphoreType.DMA,
    ],
)
def _gmf_sc(*refs):
    _gmf_body(*refs)


def kernel(user_indices, item_indices, user_table, item_table, W, b):
    uidx = user_indices.astype(jnp.int32)
    iidx = item_indices.astype(jnp.int32)
    ut2 = user_table.T
    it2 = item_table.T
    w16 = W.astype(jnp.float32).reshape(HIDDEN)
    b16 = jnp.broadcast_to(b.astype(jnp.float32), (LANES,))
    out = _gmf_sc(uidx, iidx, ut2, it2, w16, b16)
    return out.reshape(BATCH, 1)

# --- scband reference (transcript-rebuilt; emitter-appended) ---
"""Pipeline reference for scband-gmf-implicit-3453153706054 (READ-ONLY COPY).

The authoritative reference and input builder live on the scoring server;
editing this copy changes nothing except your own understanding.
"""

import jax, jax.numpy as jnp
import numpy as np

NUM_USERS = 1000000
NUM_ITEMS = 1000000
HIDDEN = 16
BATCH = 16384


def setup_inputs(seed: int = 0) -> dict:
    key = jax.random.key(seed)
    k1, k2, k3, k4, k5, k6 = jax.random.split(key, 6)
    user_indices = jax.random.randint(k1, (BATCH,), 0, NUM_USERS, dtype=jnp.int32).astype(jnp.int64) if False else jax.random.randint(k1, (BATCH,), 0, NUM_USERS)
    item_indices = jax.random.randint(k2, (BATCH,), 0, NUM_ITEMS)
    # nn.Embedding default init: N(0, 1)
    user_table = jax.random.normal(k3, (NUM_USERS, HIDDEN), dtype=jnp.float32)
    item_table = jax.random.normal(k4, (NUM_ITEMS, HIDDEN), dtype=jnp.float32)
    # nn.Linear default init: U(-1/sqrt(fan_in), 1/sqrt(fan_in))
    bound = 1.0 / np.sqrt(HIDDEN)
    W = jax.random.uniform(k5, (HIDDEN, 1), dtype=jnp.float32, minval=-bound, maxval=bound)
    b = jax.random.uniform(k6, (1,), dtype=jnp.float32, minval=-bound, maxval=bound)
    return {
        "user_indices": user_indices,
        "item_indices": item_indices,
        "user_table": user_table,
        "item_table": item_table,
        "W": W,
        "b": b,
    }


def reference(user_indices, item_indices, user_table, item_table, W, b):
    # GMF_implicit.forward
    user_embedding = jnp.take(user_table, user_indices, axis=0)   # [B, H] gather
    item_embedding = jnp.take(item_table, item_indices, axis=0)   # [B, H] gather
    element_product = user_embedding * item_embedding             # torch.mul
    logits = element_product @ W + b                              # affine_output
    output = jax.nn.sigmoid(logits)                               # torch.sigmoid
    return output

if __name__ == "__main__":
    import jax
    _d = setup_inputs()
    print(jax.jit(kernel)(*tuple(_d.values())))

</pallas_src>

<mosaic_0001>
#map = affine_map<(d0, d1) -> (0)>
#map1 = affine_map<(d0, d1) -> (0, 0)>
module attributes {stable_mosaic.version = 14 : i64} {
  func.func @_gmf_sc(%arg0: i32, %arg1: i32, %arg2: memref<16384xi32, #tpu.memory_space<hbm>>, %arg3: memref<16384xi32, #tpu.memory_space<hbm>>, %arg4: memref<16x1000000xf32, #tpu.memory_space<hbm>>, %arg5: memref<16x1000000xf32, #tpu.memory_space<hbm>>, %arg6: memref<16xf32, #tpu.memory_space<hbm>>, %arg7: memref<16xf32, #tpu.memory_space<hbm>>, %arg8: memref<16384xf32, #tpu.memory_space<hbm>>, %arg9: memref<528xi32, #tpu.memory_space<vmem>>, %arg10: memref<528xi32, #tpu.memory_space<vmem>>, %arg11: memref<8x16x128xf32, #tpu.memory_space<vmem>>, %arg12: memref<8x16x128xf32, #tpu.memory_space<vmem>>, %arg13: memref<8x16x128xf32, #tpu.memory_space<vmem>>, %arg14: memref<8x16x128xf32, #tpu.memory_space<vmem>>, %arg15: memref<16xf32, #tpu.memory_space<vmem>>, %arg16: memref<16xf32, #tpu.memory_space<vmem>>, %arg17: memref<512xf32, #tpu.memory_space<vmem>>, %arg18: memref<!tpu.dma_semaphore, #tpu.memory_space<semaphore_mem>>, %arg19: memref<!tpu.dma_semaphore, #tpu.memory_space<semaphore_mem>>) attributes {dimension_semantics = [#tpu.dimension_semantics<core_parallel>, #tpu.dimension_semantics<subcore_parallel>], iteration_bounds = array<i64: 2, 16>, scalar_prefetch = 0 : i64, scratch_operands = 11 : i64, tpu.core_type = #tpu.core_type<sc_vector_subcore>, window_params = [{transform_indices = #map}, {transform_indices = #map}, {transform_indices = #map1}, {transform_indices = #map1}, {transform_indices = #map}, {transform_indices = #map}, {transform_indices = #map}]} {
    %mul3A = arith.constant 2 : i32
    %mul3A_0 = arith.muli %arg1, %mul3A : i32
    %add3A = arith.addi %mul3A_0, %arg0 : i32
    %mul3A_1 = arith.constant 512 : i32
    %mul3A_2 = arith.muli %add3A, %mul3A_1 : i32
    "tpu.region"() ({
      %run_scoped3A = tpu.sem_alloc : memref<!tpu.dma_semaphore, #tpu.memory_space<semaphore_mem>>
      %dma_start3A_231 = arith.constant 0 : i32
      %dma_start3A_232 = tpu.memref_slice %arg9[%dma_start3A_231] : memref<528xi32, #tpu.memory_space<vmem>> -> memref<512xi32, #tpu.memory_space<vmem>>
      %dma_start3A_233 = tpu.memref_slice %arg2[%mul3A_2] : memref<16384xi32, #tpu.memory_space<hbm>> -> memref<512xi32, #tpu.memory_space<hbm>>
      %dma_start3A_234 = arith.constant 0 : i32
      %dma_start3A_235 = tpu.memref_slice %arg9[%dma_start3A_234] : memref<528xi32, #tpu.memory_space<vmem>> -> memref<512xi32, #tpu.memory_space<vmem>>
      %dma_start3A_236 = tpu.memref_slice %arg2[%mul3A_2] : memref<16384xi32, #tpu.memory_space<hbm>> -> memref<512xi32, #tpu.memory_space<hbm>>
      tpu.enqueue_dma source(%dma_start3A_236 : memref<512xi32, #tpu.memory_space<hbm>>) target(%dma_start3A_235 : memref<512xi32, #tpu.memory_space<vmem>>) target_semaphore(%run_scoped3A : memref<!tpu.dma_semaphore, #tpu.memory_space<semaphore_mem>>)
      %dma_wait3A = arith.constant 0 : i32
      %dma_wait3A_237 = tpu.memref_slice %arg9[%dma_wait3A] : memref<528xi32, #tpu.memory_space<vmem>> -> memref<512xi32, #tpu.memory_space<vmem>>
      %dma_wait3A_238 = tpu.memref_slice %arg2[%mul3A_2] : memref<16384xi32, #tpu.memory_space<hbm>> -> memref<512xi32, #tpu.memory_space<hbm>>
      %dma_wait3A_239 = arith.constant 0 : i32
      %dma_wait3A_240 = tpu.memref_slice %arg9[%dma_wait3A_239] : memref<528xi32, #tpu.memory_space<vmem>> -> memref<512xi32, #tpu.memory_space<vmem>>
      %dma_wait3A_241 = tpu.memref_slice %arg2[%mul3A_2] : memref<16384xi32, #tpu.memory_space<hbm>> -> memref<512xi32, #tpu.memory_space<hbm>>
      tpu.wait_dma2 semaphore(%run_scoped3A : memref<!tpu.dma_semaphore, #tpu.memory_space<semaphore_mem>>) src(%dma_wait3A_241 : memref<512xi32, #tpu.memory_space<hbm>>) dst(%dma_wait3A_240 : memref<512xi32, #tpu.memory_space<vmem>>)
      tpu.yield
    }) : () -> ()
    "tpu.region"() ({
      %run_scoped3A = tpu.sem_alloc : memref<!tpu.dma_semaphore, #tpu.memory_space<semaphore_mem>>
      %dma_start3A_231 = arith.constant 0 : i32
      %dma_start3A_232 = tpu.memref_slice %arg10[%dma_start3A_231] : memref<528xi32, #tpu.memory_space<vmem>> -> memref<512xi32, #tpu.memory_space<vmem>>
      %dma_start3A_233 = tpu.memref_slice %arg3[%mul3A_2] : memref<16384xi32, #tpu.memory_space<hbm>> -> memref<512xi32, #tpu.memory_space<hbm>>
      %dma_start3A_234 = arith.constant 0 : i32
      %dma_start3A_235 = tpu.memref_slice %arg10[%dma_start3A_234] : memref<528xi32, #tpu.memory_space<vmem>> -> memref<512xi32, #tpu.memory_space<vmem>>
      %dma_start3A_236 = tpu.memref_slice %arg3[%mul3A_2] : memref<16384xi32, #tpu.memory_space<hbm>> -> memref<512xi32, #tpu.memory_space<hbm>>
      tpu.enqueue_dma source(%dma_start3A_236 : memref<512xi32, #tpu.memory_space<hbm>>) target(%dma_start3A_235 : memref<512xi32, #tpu.memory_space<vmem>>) target_semaphore(%run_scoped3A : memref<!tpu.dma_semaphore, #tpu.memory_space<semaphore_mem>>)
      %dma_wait3A = arith.constant 0 : i32
      %dma_wait3A_237 = tpu.memref_slice %arg10[%dma_wait3A] : memref<528xi32, #tpu.memory_space<vmem>> -> memref<512xi32, #tpu.memory_space<vmem>>
      %dma_wait3A_238 = tpu.memref_slice %arg3[%mul3A_2] : memref<16384xi32, #tpu.memory_space<hbm>> -> memref<512xi32, #tpu.memory_space<hbm>>
      %dma_wait3A_239 = arith.constant 0 : i32
      %dma_wait3A_240 = tpu.memref_slice %arg10[%dma_wait3A_239] : memref<528xi32, #tpu.memory_space<vmem>> -> memref<512xi32, #tpu.memory_space<vmem>>
      %dma_wait3A_241 = tpu.memref_slice %arg3[%mul3A_2] : memref<16384xi32, #tpu.memory_space<hbm>> -> memref<512xi32, #tpu.memory_space<hbm>>
      tpu.wait_dma2 semaphore(%run_scoped3A : memref<!tpu.dma_semaphore, #tpu.memory_space<semaphore_mem>>) src(%dma_wait3A_241 : memref<512xi32, #tpu.memory_space<hbm>>) dst(%dma_wait3A_240 : memref<512xi32, #tpu.memory_space<vmem>>)
      tpu.yield
    }) : () -> ()
    "tpu.region"() ({
      %run_scoped3A = tpu.sem_alloc : memref<!tpu.dma_semaphore, #tpu.memory_space<semaphore_mem>>
      tpu.enqueue_dma source(%arg6 : memref<16xf32, #tpu.memory_space<hbm>>) target(%arg15 : memref<16xf32, #tpu.memory_space<vmem>>) target_semaphore(%run_scoped3A : memref<!tpu.dma_semaphore, #tpu.memory_space<semaphore_mem>>)
      tpu.wait_dma2 semaphore(%run_scoped3A : memref<!tpu.dma_semaphore, #tpu.memory_space<semaphore_mem>>) src(%arg6 : memref<16xf32, #tpu.memory_space<hbm>>) dst(%arg15 : memref<16xf32, #tpu.memory_space<vmem>>)
      tpu.yield
    }) : () -> ()
    "tpu.region"() ({
      %run_scoped3A = tpu.sem_alloc : memref<!tpu.dma_semaphore, #tpu.memory_space<semaphore_mem>>
      tpu.enqueue_dma source(%arg7 : memref<16xf32, #tpu.memory_space<hbm>>) target(%arg16 : memref<16xf32, #tpu.memory_space<vmem>>) target_semaphore(%run_scoped3A : memref<!tpu.dma_semaphore, #tpu.memory_space<semaphore_mem>>)
      tpu.wait_dma2 semaphore(%run_scoped3A : memref<!tpu.dma_semaphore, #tpu.memory_space<semaphore_mem>>) src(%arg7 : memref<16xf32, #tpu.memory_space<hbm>>) dst(%arg16 : memref<16xf32, #tpu.memory_space<vmem>>)
      tpu.yield
    }) : () -> ()
    %get3A = arith.constant 0 : index
    %get3A_3 = tpu.vector_load %arg15[%get3A] {strides = array<i32>} : memref<16xf32, #tpu.memory_space<vmem>>, vector<16xf32>,
    %get3A_4 = arith.constant 0 : index
    %get3A_5 = tpu.vector_load %arg16[%get3A_4] {strides = array<i32>} : memref<16xf32, #tpu.memory_space<vmem>>, vector<16xf32>,
    %iota3A = tpu.iota {dimensions = array<i32: 0>} : vector<16xi32>
    %eq3A = arith.constant 0 : i32
    %eq3A_6 = vector.broadcast %eq3A : i32 to vector<16xi32>
    %eq3A_7 = arith.cmpi eq, %iota3A, %eq3A_6 : vector<16xi32>
    %eq3A_8 = arith.constant 1 : i32
    %eq3A_9 = vector.broadcast %eq3A_8 : i32 to vector<16xi32>
    %eq3A_10 = arith.cmpi eq, %iota3A, %eq3A_9 : vector<16xi32>
    %eq3A_11 = arith.constant 2 : i32
    %eq3A_12 = vector.broadcast %eq3A_11 : i32 to vector<16xi32>
    %eq3A_13 = arith.cmpi eq, %iota3A, %eq3A_12 : vector<16xi32>
    %eq3A_14 = arith.constant 3 : i32
    %eq3A_15 = vector.broadcast %eq3A_14 : i32 to vector<16xi32>
    %eq3A_16 = arith.cmpi eq, %iota3A, %eq3A_15 : vector<16xi32>
    %eq3A_17 = arith.constant 4 : i32
    %eq3A_18 = vector.broadcast %eq3A_17 : i32 to vector<16xi32>
    %eq3A_19 = arith.cmpi eq, %iota3A, %eq3A_18 : vector<16xi32>
    %eq3A_20 = arith.constant 5 : i32
    %eq3A_21 = vector.broadcast %eq3A_20 : i32 to vector<16xi32>
    %eq3A_22 = arith.cmpi eq, %iota3A, %eq3A_21 : vector<16xi32>
    %eq3A_23 = arith.constant 6 : i32
    %eq3A_24 = vector.broadcast %eq3A_23 : i32 to vector<16xi32>
    %eq3A_25 = arith.cmpi eq, %iota3A, %eq3A_24 : vector<16xi32>
    %eq3A_26 = arith.constant 7 : i32
    %eq3A_27 = vector.broadcast %eq3A_26 : i32 to vector<16xi32>
    %eq3A_28 = arith.cmpi eq, %iota3A, %eq3A_27 : vector<16xi32>
    %eq3A_29 = arith.constant 8 : i32
    %eq3A_30 = vector.broadcast %eq3A_29 : i32 to vector<16xi32>
    %eq3A_31 = arith.cmpi eq, %iota3A, %eq3A_30 : vector<16xi32>
    %eq3A_32 = arith.constant 9 : i32
    %eq3A_33 = vector.broadcast %eq3A_32 : i32 to vector<16xi32>
    %eq3A_34 = arith.cmpi eq, %iota3A, %eq3A_33 : vector<16xi32>
    %eq3A_35 = arith.constant 10 : i32
    %eq3A_36 = vector.broadcast %eq3A_35 : i32 to vector<16xi32>
    %eq3A_37 = arith.cmpi eq, %iota3A, %eq3A_36 : vector<16xi32>
    %eq3A_38 = arith.constant 11 : i32
    %eq3A_39 = vector.broadcast %eq3A_38 : i32 to vector<16xi32>
    %eq3A_40 = arith.cmpi eq, %iota3A, %eq3A_39 : vector<16xi32>
    %eq3A_41 = arith.constant 12 : i32
    %eq3A_42 = vector.broadcast %eq3A_41 : i32 to vector<16xi32>
    %eq3A_43 = arith.cmpi eq, %iota3A, %eq3A_42 : vector<16xi32>
    %eq3A_44 = arith.constant 13 : i32
    %eq3A_45 = vector.broadcast %eq3A_44 : i32 to vector<16xi32>
    %eq3A_46 = arith.cmpi eq, %iota3A, %eq3A_45 : vector<16xi32>
    %eq3A_47 = arith.constant 14 : i32
    %eq3A_48 = vector.broadcast %eq3A_47 : i32 to vector<16xi32>
    %eq3A_49 = arith.cmpi eq, %iota3A, %eq3A_48 : vector<16xi32>
    %eq3A_50 = arith.constant 15 : i32
    %eq3A_51 = vector.broadcast %eq3A_50 : i32 to vector<16xi32>
    %eq3A_52 = arith.cmpi eq, %iota3A, %eq3A_51 : vector<16xi32>
    %broadcast_in_dim3A = arith.constant 0.000000e+00 : f32
    %broadcast_in_dim3A_53 = vector.broadcast %broadcast_in_dim3A : f32 to vector<16xf32>
    %broadcast_in_dim3A_54 = arith.constant 0 : i32
    %broadcast_in_dim3A_55 = vector.broadcast %broadcast_in_dim3A_54 : i32 to vector<16xi32>
    %get3A_56 = arith.constant 0 : index
    %get3A_57 = tpu.vector_load %arg9[%get3A_56] {strides = array<i32>} : memref<528xi32, #tpu.memory_space<vmem>>, vector<16xi32>,
    %get3A_58 = arith.constant 0 : index
    %get3A_59 = tpu.vector_load %arg10[%get3A_58] {strides = array<i32>} : memref<528xi32, #tpu.memory_space<vmem>>, vector<16xi32>,
    %shift_right_arithmetic3A = arith.constant 7 : i32
    %shift_right_arithmetic3A_60 = vector.broadcast %shift_right_arithmetic3A : i32 to vector<16xi32>
    %shift_right_arithmetic3A_61 = arith.shrsi %get3A_57, %shift_right_arithmetic3A_60 : vector<16xi32>
    %shift_left3A = arith.constant 7 : i32
    %shift_left3A_62 = vector.broadcast %shift_left3A : i32 to vector<16xi32>
    %shift_left3A_63 = arith.shli %shift_right_arithmetic3A_61, %shift_left3A_62 : vector<16xi32>
    %shift_right_arithmetic3A_64 = arith.constant 7 : i32
    %shift_right_arithmetic3A_65 = vector.broadcast %shift_right_arithmetic3A_64 : i32 to vector<16xi32>
    %shift_right_arithmetic3A_66 = arith.shrsi %get3A_59, %shift_right_arithmetic3A_65 : vector<16xi32>
    %shift_left3A_67 = arith.constant 7 : i32
    %shift_left3A_68 = vector.broadcast %shift_left3A_67 : i32 to vector<16xi32>
    %shift_left3A_69 = arith.shli %shift_right_arithmetic3A_66, %shift_left3A_68 : vector<16xi32>
    %slice3A = vector.extract_strided_slice %shift_left3A_63 {offsets = [0], sizes = [1], strides = [1]} : vector<16xi32> to vector<1xi32>
    %squeeze3A = vector.extract %slice3A[0] : i32 from vector<1xi32>
    %multiple_of3A = tpu.assume_multiple %squeeze3A, 128 : i32
    %slice3A_70 = vector.extract_strided_slice %shift_left3A_69 {offsets = [0], sizes = [1], strides = [1]} : vector<16xi32> to vector<1xi32>
    %squeeze3A_71 = vector.extract %slice3A_70[0] : i32 from vector<1xi32>
    %multiple_of3A_72 = tpu.assume_multiple %squeeze3A_71, 128 : i32
    %dma_start3A = arith.constant 0 : i32
    %dma_start3A_73 = arith.constant 0 : i32
    %dma_start3A_74 = arith.constant 0 : i32
    %dma_start3A_75 = tpu.memref_slice %arg11[%dma_start3A, %dma_start3A_73, %dma_start3A_74] : memref<8x16x128xf32, #tpu.memory_space<vmem>> -> memref<1x16x128xf32, #tpu.memory_space<vmem>>
    %dma_start3A_76 = tpu.memref_squeeze %dma_start3A_75 : memref<1x16x128xf32, #tpu.memory_space<vmem>> -> memref<16x128xf32, #tpu.memory_space<vmem>>
    %dma_start3A_77 = arith.constant 0 : i32
    %dma_start3A_78 = tpu.memref_slice %arg4[%dma_start3A_77, %multiple_of3A] : memref<16x1000000xf32, #tpu.memory_space<hbm>> -> memref<16x128xf32, #tpu.memory_space<hbm>>
    tpu.enqueue_indirect_dma source(%dma_start3A_78 : memref<16x128xf32, #tpu.memory_space<hbm>>) target(%dma_start3A_76 : memref<16x128xf32, #tpu.memory_space<vmem>>) offsets(%iota3A : vector<16xi32>) semaphore(%arg18 : memref<!tpu.dma_semaphore, #tpu.memory_space<semaphore_mem>>)
    %dma_start3A_79 = arith.constant 0 : i32
    %dma_start3A_80 = arith.constant 0 : i32
    %dma_start3A_81 = arith.constant 0 : i32
    %dma_start3A_82 = tpu.memref_slice %arg12[%dma_start3A_79, %dma_start3A_80, %dma_start3A_81] : memref<8x16x128xf32, #tpu.memory_space<vmem>> -> memref<1x16x128xf32, #tpu.memory_space<vmem>>
    %dma_start3A_83 = tpu.memref_squeeze %dma_start3A_82 : memref<1x16x128xf32, #tpu.memory_space<vmem>> -> memref<16x128xf32, #tpu.memory_space<vmem>>
    %dma_start3A_84 = arith.constant 0 : i32
    %dma_start3A_85 = tpu.memref_slice %arg5[%dma_start3A_84, %multiple_of3A_72] : memref<16x1000000xf32, #tpu.memory_space<hbm>> -> memref<16x128xf32, #tpu.memory_space<hbm>>
    tpu.enqueue_indirect_dma source(%dma_start3A_85 : memref<16x128xf32, #tpu.memory_space<hbm>>) target(%dma_start3A_83 : memref<16x128xf32, #tpu.memory_space<vmem>>) offsets(%iota3A : vector<16xi32>) semaphore(%arg18 : memref<!tpu.dma_semaphore, #tpu.memory_space<semaphore_mem>>)
    %slice3A_86 = vector.extract_strided_slice %shift_left3A_63 {offsets = [1], sizes = [1], strides = [1]} : vector<16xi32> to vector<1xi32>
    %squeeze3A_87 = vector.extract %slice3A_86[0] : i32 from vector<1xi32>
    %multiple_of3A_88 = tpu.assume_multiple %squeeze3A_87, 128 : i32
    %slice3A_89 = vector.extract_strided_slice %shift_left3A_69 {offsets = [1], sizes = [1], strides = [1]} : vector<16xi32> to vector<1xi32>
    %squeeze3A_90 = vector.extract %slice3A_89[0] : i32 from vector<1xi32>
    %multiple_of3A_91 = tpu.assume_multiple %squeeze3A_90, 128 : i32
    %dma_start3A_92 = arith.constant 1 : i32
    %dma_start3A_93 = arith.constant 0 : i32
    %dma_start3A_94 = arith.constant 0 : i32
    %dma_start3A_95 = tpu.memref_slice %arg11[%dma_start3A_92, %dma_start3A_93, %dma_start3A_94] : memref<8x16x128xf32, #tpu.memory_space<vmem>> -> memref<1x16x128xf32, #tpu.memory_space<vmem>>
    %dma_start3A_96 = tpu.memref_squeeze %dma_start3A_95 : memref<1x16x128xf32, #tpu.memory_space<vmem>> -> memref<16x128xf32, #tpu.memory_space<vmem>>
    %dma_start3A_97 = arith.constant 0 : i32
    %dma_start3A_98 = tpu.memref_slice %arg4[%dma_start3A_97, %multiple_of3A_88] : memref<16x1000000xf32, #tpu.memory_space<hbm>> -> memref<16x128xf32, #tpu.memory_space<hbm>>
    tpu.enqueue_indirect_dma source(%dma_start3A_98 : memref<16x128xf32, #tpu.memory_space<hbm>>) target(%dma_start3A_96 : memref<16x128xf32, #tpu.memory_space<vmem>>) offsets(%iota3A : vector<16xi32>) semaphore(%arg18 : memref<!tpu.dma_semaphore, #tpu.memory_space<semaphore_mem>>)
    %dma_start3A_99 = arith.constant 1 : i32
    %dma_start3A_100 = arith.constant 0 : i32
    %dma_start3A_101 = arith.constant 0 : i32
    %dma_start3A_102 = tpu.memref_slice %arg12[%dma_start3A_99, %dma_start3A_100, %dma_start3A_101] : memref<8x16x128xf32, #tpu.memory_space<vmem>> -> memref<1x16x128xf32, #tpu.memory_space<vmem>>
    %dma_start3A_103 = tpu.memref_squeeze %dma_start3A_102 : memref<1x16x128xf32, #tpu.memory_space<vmem>> -> memref<16x128xf32, #tpu.memory_space<vmem>>
    %dma_start3A_104 = arith.constant 0 : i32
    %dma_start3A_105 = tpu.memref_slice %arg5[%dma_start3A_104, %multiple_of3A_91] : memref<16x1000000xf32, #tpu.memory_space<hbm>> -> memref<16x128xf32, #tpu.memory_space<hbm>>
    tpu.enqueue_indirect_dma source(%dma_start3A_105 : memref<16x128xf32, #tpu.memory_space<hbm>>) target(%dma_start3A_103 : memref<16x128xf32, #tpu.memory_space<vmem>>) offsets(%iota3A : vector<16xi32>) semaphore(%arg18 : memref<!tpu.dma_semaphore, #tpu.memory_space<semaphore_mem>>)
    %slice3A_106 = vector.extract_strided_slice %shift_left3A_63 {offsets = [2], sizes = [1], strides = [1]} : vector<16xi32> to vector<1xi32>
    %squeeze3A_107 = vector.extract %slice3A_106[0] : i32 from vector<1xi32>
    %multiple_of3A_108 = tpu.assume_multiple %squeeze3A_107, 128 : i32
    %slice3A_109 = vector.extract_strided_slice %shift_left3A_69 {offsets = [2], sizes = [1], strides = [1]} : vector<16xi32> to vector<1xi32>
    %squeeze3A_110 = vector.extract %slice3A_109[0] : i32 from vector<1xi32>
    %multiple_of3A_111 = tpu.assume_multiple %squeeze3A_110, 128 : i32
    %dma_start3A_112 = arith.constant 2 : i32
    %dma_start3A_113 = arith.constant 0 : i32
    %dma_start3A_114 = arith.constant 0 : i32
    %dma_start3A_115 = tpu.memref_slice %arg11[%dma_start3A_112, %dma_start3A_113, %dma_start3A_114] : memref<8x16x128xf32, #tpu.memory_space<vmem>> -> memref<1x16x128xf32, #tpu.memory_space<vmem>>
    %dma_start3A_116 = tpu.memref_squeeze %dma_start3A_115 : memref<1x16x128xf32, #tpu.memory_space<vmem>> -> memref<16x128xf32, #tpu.memory_space<vmem>>
    %dma_start3A_117 = arith.constant 0 : i32
    %dma_start3A_118 = tpu.memref_slice %arg4[%dma_start3A_117, %multiple_of3A_108] : memref<16x1000000xf32, #tpu.memory_space<hbm>> -> memref<16x128xf32, #tpu.memory_space<hbm>>
    tpu.enqueue_indirect_dma source(%dma_start3A_118 : memref<16x128xf32, #tpu.memory_space<hbm>>) target(%dma_start3A_116 : memref<16x128xf32, #tpu.memory_space<vmem>>) offsets(%iota3A : vector<16xi32>) semaphore(%arg18 : memref<!tpu.dma_semaphore, #tpu.memory_space<semaphore_mem>>)
    %dma_start3A_119 = arith.constant 2 : i32
    %dma_start3A_120 = arith.constant 0 : i32
    %dma_start3A_121 = arith.constant 0 : i32
    %dma_start3A_122 = tpu.memref_slice %arg12[%dma_start3A_119, %dma_start3A_120, %dma_start3A_121] : memref<8x16x128xf32, #tpu.memory_space<vmem>> -> memref<1x16x128xf32, #tpu.memory_space<vmem>>
    %dma_start3A_123 = tpu.memref_squeeze %dma_start3A_122 : memref<1x16x128xf32, #tpu.memory_space<vmem>> -> memref<16x128xf32, #tpu.memory_space<vmem>>
    %dma_start3A_124 = arith.constant 0 : i32
    %dma_start3A_125 = tpu.memref_slice %arg5[%dma_start3A_124, %multiple_of3A_111] : memref<16x1000000xf32, #tpu.memory_space<hbm>> -> memref<16x128xf32, #tpu.memory_space<hbm>>
    tpu.enqueue_indirect_dma source(%dma_start3A_125 : memref<16x128xf32, #tpu.memory_space<hbm>>) target(%dma_start3A_123 : memref<16x128xf32, #tpu.memory_space<vmem>>) offsets(%iota3A : vector<16xi32>) semaphore(%arg18 : memref<!tpu.dma_semaphore, #tpu.memory_space<semaphore_mem>>)
    %slice3A_126 = vector.extract_strided_slice %shift_left3A_63 {offsets = [3], sizes = [1], strides = [1]} : vector<16xi32> to vector<1xi32>
    %squeeze3A_127 = vector.extract %slice3A_126[0] : i32 from vector<1xi32>
    %multiple_of3A_128 = tpu.assume_multiple %squeeze3A_127, 128 : i32
    %slice3A_129 = vector.extract_strided_slice %shift_left3A_69 {offsets = [3], sizes = [1], strides = [1]} : vector<16xi32> to vector<1xi32>
    %squeeze3A_130 = vector.extract %slice3A_129[0] : i32 from vector<1xi32>
    %multiple_of3A_131 = tpu.assume_multiple %squeeze3A_130, 128 : i32
    %dma_start3A_132 = arith.constant 3 : i32
    %dma_start3A_133 = arith.constant 0 : i32
    %dma_start3A_134 = arith.constant 0 : i32
    %dma_start3A_135 = tpu.memref_slice %arg11[%dma_start3A_132, %dma_start3A_133, %dma_start3A_134] : memref<8x16x128xf32, #tpu.memory_space<vmem>> -> memref<1x16x128xf32, #tpu.memory_space<vmem>>
    %dma_start3A_136 = tpu.memref_squeeze %dma_start3A_135 : memref<1x16x128xf32, #tpu.memory_space<vmem>> -> memref<16x128xf32, #tpu.memory_space<vmem>>
    %dma_start3A_137 = arith.constant 0 : i32
    %dma_start3A_138 = tpu.memref_slice %arg4[%dma_start3A_137, %multiple_of3A_128] : memref<16x1000000xf32, #tpu.memory_space<hbm>> -> memref<16x128xf32, #tpu.memory_space<hbm>>
    tpu.enqueue_indirect_dma source(%dma_start3A_138 : memref<16x128xf32, #tpu.memory_space<hbm>>) target(%dma_start3A_136 : memref<16x128xf32, #tpu.memory_space<vmem>>) offsets(%iota3A : vector<16xi32>) semaphore(%arg18 : memref<!tpu.dma_semaphore, #tpu.memory_space<semaphore_mem>>)
    %dma_start3A_139 = arith.constant 3 : i32
    %dma_start3A_140 = arith.constant 0 : i32
    %dma_start3A_141 = arith.constant 0 : i32
    %dma_start3A_142 = tpu.memref_slice %arg12[%dma_start3A_139, %dma_start3A_140, %dma_start3A_141] : memref<8x16x128xf32, #tpu.memory_space<vmem>> -> memref<1x16x128xf32, #tpu.memory_space<vmem>>
    %dma_start3A_143 = tpu.memref_squeeze %dma_start3A_142 : memref<1x16x128xf32, #tpu.memory_space<vmem>> -> memref<16x128xf32, #tpu.memory_space<vmem>>
    %dma_start3A_144 = arith.constant 0 : i32
    %dma_start3A_145 = tpu.memref_slice %arg5[%dma_start3A_144, %multiple_of3A_131] : memref<16x1000000xf32, #tpu.memory_space<hbm>> -> memref<16x128xf32, #tpu.memory_space<hbm>>
    tpu.enqueue_indirect_dma source(%dma_start3A_145 : memref<16x128xf32, #tpu.memory_space<hbm>>) target(%dma_start3A_143 : memref<16x128xf32, #tpu.memory_space<vmem>>) offsets(%iota3A : vector<16xi32>) semaphore(%arg18 : memref<!tpu.dma_semaphore, #tpu.memory_space<semaphore_mem>>)
    %slice3A_146 = vector.extract_strided_slice %shift_left3A_63 {offsets = [4], sizes = [1], strides = [1]} : vector<16xi32> to vector<1xi32>
    %squeeze3A_147 = vector.extract %slice3A_146[0] : i32 from vector<1xi32>
    %multiple_of3A_148 = tpu.assume_multiple %squeeze3A_147, 128 : i32
    %slice3A_149 = vector.extract_strided_slice %shift_left3A_69 {offsets = [4], sizes = [1], strides = [1]} : vector<16xi32> to vector<1xi32>
    %squeeze3A_150 = vector.extract %slice3A_149[0] : i32 from vector<1xi32>
    %multiple_of3A_151 = tpu.assume_multiple %squeeze3A_150, 128 : i32
    %dma_start3A_152 = arith.constant 4 : i32
    %dma_start3A_153 = arith.constant 0 : i32
    %dma_start3A_154 = arith.constant 0 : i32
    %dma_start3A_155 = tpu.memref_slice %arg11[%dma_start3A_152, %dma_start3A_153, %dma_start3A_154] : memref<8x16x128xf32, #tpu.memory_space<vmem>> -> memref<1x16x128xf32, #tpu.memory_space<vmem>>
    %dma_start3A_156 = tpu.memref_squeeze %dma_start3A_155 : memref<1x16x128xf32, #tpu.memory_space<vmem>> -> memref<16x128xf32, #tpu.memory_space<vmem>>
    %dma_start3A_157 = arith.constant 0 : i32
    %dma_start3A_158 = tpu.memref_slice %arg4[%dma_start3A_157, %multiple_of3A_148] : memref<16x1000000xf32, #tpu.memory_space<hbm>> -> memref<16x128xf32, #tpu.memory_space<hbm>>
    tpu.enqueue_indirect_dma source(%dma_start3A_158 : memref<16x128xf32, #tpu.memory_space<hbm>>) target(%dma_start3A_156 : memref<16x128xf32, #tpu.memory_space<vmem>>) offsets(%iota3A : vector<16xi32>) semaphore(%arg18 : memref<!tpu.dma_semaphore, #tpu.memory_space<semaphore_mem>>)
    %dma_start3A_159 = arith.constant 4 : i32
    %dma_start3A_160 = arith.constant 0 : i32
    %dma_start3A_161 = arith.constant 0 : i32
    %dma_start3A_162 = tpu.memref_slice %arg12[%dma_start3A_159, %dma_start3A_160, %dma_start3A_161] : memref<8x16x128xf32, #tpu.memory_space<vmem>> -> memref<1x16x128xf32, #tpu.memory_space<vmem>>
    %dma_start3A_163 = tpu.memref_squeeze %dma_start3A_162 : memref<1x16x128xf32, #tpu.memory_space<vmem>> -> memref<16x128xf32, #tpu.memory_space<vmem>>
    %dma_start3A_164 = arith.constant 0 : i32
    %dma_start3A_165 = tpu.memref_slice %arg5[%dma_start3A_164, %multiple_of3A_151] : memref<16x1000000xf32, #tpu.memory_space<hbm>> -> memref<16x128xf32, #tpu.memory_space<hbm>>
    tpu.enqueue_indirect_dma source(%dma_start3A_165 : memref<16x128xf32, #tpu.memory_space<hbm>>) target(%dma_start3A_163 : memref<16x128xf32, #tpu.memory_space<vmem>>) offsets(%iota3A : vector<16xi32>) semaphore(%arg18 : memref<!tpu.dma_semaphore, #tpu.memory_space<semaphore_mem>>)
    %slice3A_166 = vector.extract_strided_slice %shift_left3A_63 {offsets = [5], sizes = [1], strides = [1]} : vector<16xi32> to vector<1xi32>
    %squeeze3A_167 = vector.extract %slice3A_166[0] : i32 from vector<1xi32>
    %multiple_of3A_168 = tpu.assume_multiple %squeeze3A_167, 128 : i32
    %slice3A_169 = vector.extract_strided_slice %shift_left3A_69 {offsets = [5], sizes = [1], strides = [1]} : vector<16xi32> to vector<1xi32>
    %squeeze3A_170 = vector.extract %slice3A_169[0] : i32 from vector<1xi32>
    %multiple_of3A_171 = tpu.assume_multiple %squeeze3A_170, 128 : i32
    %dma_start3A_172 = arith.constant 5 : i32
    %dma_start3A_173 = arith.constant 0 : i32
    %dma_start3A_174 = arith.constant 0 : i32
    %dma_start3A_175 = tpu.memref_slice %arg11[%dma_start3A_172, %dma_start3A_173, %dma_start3A_174] : memref<8x16x128xf32, #tpu.memory_space<vmem>> -> memref<1x16x128xf32, #tpu.memory_space<vmem>>
    %dma_start3A_176 = tpu.memref_squeeze %dma_start3A_175 : memref<1x16x128xf32, #tpu.memory_space<vmem>> -> memref<16x128xf32, #tpu.memory_space<vmem>>
    %dma_start3A_177 = arith.constant 0 : i32
    %dma_start3A_178 = tpu.memref_slice %arg4[%dma_start3A_177, %multiple_of3A_168] : memref<16x1000000xf32, #tpu.memory_space<hbm>> -> memref<16x128xf32, #tpu.memory_space<hbm>>
    tpu.enqueue_indirect_dma source(%dma_start3A_178 : memref<16x128xf32, #tpu.memory_space<hbm>>) target(%dma_start3A_176 : memref<16x128xf32, #tpu.memory_space<vmem>>) offsets(%iota3A : vector<16xi32>) semaphore(%arg18 : memref<!tpu.dma_semaphore, #tpu.memory_space<semaphore_mem>>)
    %dma_start3A_179 = arith.constant 5 : i32
    %dma_start3A_180 = arith.constant 0 : i32
    %dma_start3A_181 = arith.constant 0 : i32
    %dma_start3A_182 = tpu.memref_slice %arg12[%dma_start3A_179, %dma_start3A_180, %dma_start3A_181] : memref<8x16x128xf32, #tpu.memory_space<vmem>> -> memref<1x16x128xf32, #tpu.memory_space<vmem>>
    %dma_start3A_183 = tpu.memref_squeeze %dma_start3A_182 : memref<1x16x128xf32, #tpu.memory_space<vmem>> -> memref<16x128xf32, #tpu.memory_space<vmem>>
    %dma_start3A_184 = arith.constant 0 : i32
    %dma_start3A_185 = tpu.memref_slice %arg5[%dma_start3A_184, %multiple_of3A_171] : memref<16x1000000xf32, #tpu.memory_space<hbm>> -> memref<16x128xf32, #tpu.memory_space<hbm>>
    tpu.enqueue_indirect_dma source(%dma_start3A_185 : memref<16x128xf32, #tpu.memory_space<hbm>>) target(%dma_start3A_183 : memref<16x128xf32, #tpu.memory_space<vmem>>) offsets(%iota3A : vector<16xi32>) semaphore(%arg18 : memref<!tpu.dma_semaphore, #tpu.memory_space<semaphore_mem>>)
    %slice3A_186 = vector.extract_strided_slice %shift_left3A_63 {offsets = [6], sizes = [1], strides = [1]} : vector<16xi32> to vector<1xi32>
    %squeeze3A_187 = vector.extract %slice3A_186[0] : i32 from vector<1xi32>
    %multiple_of3A_188 = tpu.assume_multiple %squeeze3A_187, 128 : i32
    %slice3A_189 = vector.extract_strided_slice %shift_left3A_69 {offsets = [6], sizes = [1], strides = [1]} : vector<16xi32> to vector<1xi32>
    %squeeze3A_190 = vector.extract %slice3A_189[0] : i32 from vector<1xi32>
    %multiple_of3A_191 = tpu.assume_multiple %squeeze3A_190, 128 : i32
    %dma_start3A_192 = arith.constant 6 : i32
    %dma_start3A_193 = arith.constant 0 : i32
    %dma_start3A_194 = arith.constant 0 : i32
    %dma_start3A_195 = tpu.memref_slice %arg11[%dma_start3A_192, %dma_start3A_193, %dma_start3A_194] : memref<8x16x128xf32, #tpu.memory_space<vmem>> -> memref<1x16x128xf32, #tpu.memory_space<vmem>>
    %dma_start3A_196 = tpu.memref_squeeze %dma_start3A_195 : memref<1x16x128xf32, #tpu.memory_space<vmem>> -> memref<16x128xf32, #tpu.memory_space<vmem>>
    %dma_start3A_197 = arith.constant 0 : i32
    %dma_start3A_198 = tpu.memref_slice %arg4[%dma_start3A_197, %multiple_of3A_188] : memref<16x1000000xf32, #tpu.memory_space<hbm>> -> memref<16x128xf32, #tpu.memory_space<hbm>>
    tpu.enqueue_indirect_dma source(%dma_start3A_198 : memref<16x128xf32, #tpu.memory_space<hbm>>) target(%dma_start3A_196 : memref<16x128xf32, #tpu.memory_space<vmem>>) offsets(%iota3A : vector<16xi32>) semaphore(%arg18 : memref<!tpu.dma_semaphore, #tpu.memory_space<semaphore_mem>>)
    %dma_start3A_199 = arith.constant 6 : i32
    %dma_start3A_200 = arith.constant 0 : i32
    %dma_start3A_201 = arith.constant 0 : i32
    %dma_start3A_202 = tpu.memref_slice %arg12[%dma_start3A_199, %dma_start3A_200, %dma_start3A_201] : memref<8x16x128xf32, #tpu.memory_space<vmem>> -> memref<1x16x128xf32, #tpu.memory_space<vmem>>
    %dma_start3A_203 = tpu.memref_squeeze %dma_start3A_202 : memref<1x16x128xf32, #tpu.memory_space<vmem>> -> memref<16x128xf32, #tpu.memory_space<vmem>>
    %dma_start3A_204 = arith.constant 0 : i32
    %dma_start3A_205 = tpu.memref_slice %arg5[%dma_start3A_204, %multiple_of3A_191] : memref<16x1000000xf32, #tpu.memory_space<hbm>> -> memref<16x128xf32, #tpu.memory_space<hbm>>
    tpu.enqueue_indirect_dma source(%dma_start3A_205 : memref<16x128xf32, #tpu.memory_space<hbm>>) target(%dma_start3A_203 : memref<16x128xf32, #tpu.memory_space<vmem>>) offsets(%iota3A : vector<16xi32>) semaphore(%arg18 : memref<!tpu.dma_semaphore, #tpu.memory_space<semaphore_mem>>)
    %slice3A_206 = vector.extract_strided_slice %shift_left3A_63 {offsets = [7], sizes = [1], strides = [1]} : vector<16xi32> to vector<1xi32>
    %squeeze3A_207 = vector.extract %slice3A_206[0] : i32 from vector<1xi32>
    %multiple_of3A_208 = tpu.assume_multiple %squeeze3A_207, 128 : i32
    %slice3A_209 = vector.extract_strided_slice %shift_left3A_69 {offsets = [7], sizes = [1], strides = [1]} : vector<16xi32> to vector<1xi32>
    %squeeze3A_210 = vector.extract %slice3A_209[0] : i32 from vector<1xi32>
    %multiple_of3A_211 = tpu.assume_multiple %squeeze3A_210, 128 : i32
    %dma_start3A_212 = arith.constant 7 : i32
    %dma_start3A_213 = arith.constant 0 : i32
    %dma_start3A_214 = arith.constant 0 : i32
    %dma_start3A_215 = tpu.memref_slice %arg11[%dma_start3A_212, %dma_start3A_213, %dma_start3A_214] : memref<8x16x128xf32, #tpu.memory_space<vmem>> -> memref<1x16x128xf32, #tpu.memory_space<vmem>>
    %dma_start3A_216 = tpu.memref_squeeze %dma_start3A_215 : memref<1x16x128xf32, #tpu.memory_space<vmem>> -> memref<16x128xf32, #tpu.memory_space<vmem>>
    %dma_start3A_217 = arith.constant 0 : i32
    %dma_start3A_218 = tpu.memref_slice %arg4[%dma_start3A_217, %multiple_of3A_208] : memref<16x1000000xf32, #tpu.memory_space<hbm>> -> memref<16x128xf32, #tpu.memory_space<hbm>>
    tpu.enqueue_indirect_dma source(%dma_start3A_218 : memref<16x128xf32, #tpu.memory_space<hbm>>) target(%dma_start3A_216 : memref<16x128xf32, #tpu.memory_space<vmem>>) offsets(%iota3A : vector<16xi32>) semaphore(%arg18 : memref<!tpu.dma_semaphore, #tpu.memory_space<semaphore_mem>>)
    %dma_start3A_219 = arith.constant 7 : i32
    %dma_start3A_220 = arith.constant 0 : i32
    %dma_start3A_221 = arith.constant 0 : i32
    %dma_start3A_222 = tpu.memref_slice %arg12[%dma_start3A_219, %dma_start3A_220, %dma_start3A_221] : memref<8x16x128xf32, #tpu.memory_space<vmem>> -> memref<1x16x128xf32, #tpu.memory_space<vmem>>
    %dma_start3A_223 = tpu.memref_squeeze %dma_start3A_222 : memref<1x16x128xf32, #tpu.memory_space<vmem>> -> memref<16x128xf32, #tpu.memory_space<vmem>>
    %dma_start3A_224 = arith.constant 0 : i32
    %dma_start3A_225 = tpu.memref_slice %arg5[%dma_start3A_224, %multiple_of3A_211] : memref<16x1000000xf32, #tpu.memory_space<hbm>> -> memref<16x128xf32, #tpu.memory_space<hbm>>
    tpu.enqueue_indirect_dma source(%dma_start3A_225 : memref<16x128xf32, #tpu.memory_space<hbm>>) target(%dma_start3A_223 : memref<16x128xf32, #tpu.memory_space<vmem>>) offsets(%iota3A : vector<16xi32>) semaphore(%arg18 : memref<!tpu.dma_semaphore, #tpu.memory_space<semaphore_mem>>)
    %scan3A = arith.constant 0 : i32
    %scan3A_226 = arith.constant 0 : i32
    %scan3A_227 = arith.constant 32 : i32
    %scan3A_228 = arith.addi %scan3A_226, %scan3A_227 : i32
    %scan3A_229 = arith.constant 1 : i32
    scf.for %scan3A_231 = %scan3A_226 to %scan3A_228 step %scan3A_229  : i32 {
      %mul3A_232 = arith.constant 2 : i32
      %mul3A_233 = arith.muli %mul3A_232, %scan3A_231 : i32
      %add3A_234 = arith.constant 1 : i32
      %add3A_235 = arith.addi %mul3A_233, %add3A_234 : i32
      %mul3A_236 = arith.constant 8 : i32
      %mul3A_237 = arith.muli %add3A_235, %mul3A_236 : i32
      %get3A_238 = arith.index_cast %mul3A_237 : i32 to index
      %get3A_239 = tpu.vector_load %arg9[%get3A_238] {strides = array<i32>} : memref<528xi32, #tpu.memory_space<vmem>>, vector<16xi32>,
      %mul3A_240 = arith.constant 8 : i32
      %mul3A_241 = arith.muli %add3A_235, %mul3A_240 : i32
      %get3A_242 = arith.index_cast %mul3A_241 : i32 to index
      %get3A_243 = tpu.vector_load %arg10[%get3A_242] {strides = array<i32>} : memref<528xi32, #tpu.memory_space<vmem>>, vector<16xi32>,
      %shift_right_arithmetic3A_244 = arith.constant 7 : i32
      %shift_right_arithmetic3A_245 = vector.broadcast %shift_right_arithmetic3A_244 : i32 to vector<16xi32>
      %shift_right_arithmetic3A_246 = arith.shrsi %get3A_239, %shift_right_arithmetic3A_245 : vector<16xi32>
      %shift_left3A_247 = arith.constant 7 : i32
      %shift_left3A_248 = vector.broadcast %shift_left3A_247 : i32 to vector<16xi32>
      %shift_left3A_249 = arith.shli %shift_right_arithmetic3A_246, %shift_left3A_248 : vector<16xi32>
      %shift_right_arithmetic3A_250 = arith.constant 7 : i32
      %shift_right_arithmetic3A_251 = vector.broadcast %shift_right_arithmetic3A_250 : i32 to vector<16xi32>
      %shift_right_arithmetic3A_252 = arith.shrsi %get3A_243, %shift_right_arithmetic3A_251 : vector<16xi32>
      %shift_left3A_253 = arith.constant 7 : i32
      %shift_left3A_254 = vector.broadcast %shift_left3A_253 : i32 to vector<16xi32>
      %shift_left3A_255 = arith.shli %shift_right_arithmetic3A_252, %shift_left3A_254 : vector<16xi32>
      %slice3A_256 = vector.extract_strided_slice %shift_left3A_249 {offsets = [0], sizes = [1], strides = [1]} : vector<16xi32> to vector<1xi32>
      %squeeze3A_257 = vector.extract %slice3A_256[0] : i32 from vector<1xi32>
      %multiple_of3A_258 = tpu.assume_multiple %squeeze3A_257, 128 : i32
      %slice3A_259 = vector.extract_strided_slice %shift_left3A_255 {offsets = [0], sizes = [1], strides = [1]} : vector<16xi32> to vector<1xi32>
      %squeeze3A_260 = vector.extract %slice3A_259[0] : i32 from vector<1xi32>
      %multiple_of3A_261 = tpu.assume_multiple %squeeze3A_260, 128 : i32
      %dma_start3A_262 = arith.constant 0 : i32
      %dma_start3A_263 = arith.constant 0 : i32
      %dma_start3A_264 = arith.constant 0 : i32
      %dma_start3A_265 = tpu.memref_slice %arg13[%dma_start3A_262, %dma_start3A_263, %dma_start3A_264] : memref<8x16x128xf32, #tpu.memory_space<vmem>> -> memref<1x16x128xf32, #tpu.memory_space<vmem>>
      %dma_start3A_266 = tpu.memref_squeeze %dma_start3A_265 : memref<1x16x128xf32, #tpu.memory_space<vmem>> -> memref<16x128xf32, #tpu.memory_space<vmem>>
      %dma_start3A_267 = arith.constant 0 : i32
      %dma_start3A_268 = tpu.memref_slice %arg4[%dma_start3A_267, %multiple_of3A_258] : memref<16x1000000xf32, #tpu.memory_space<hbm>> -> memref<16x128xf32, #tpu.memory_space<hbm>>
      tpu.enqueue_indirect_dma source(%dma_start3A_268 : memref<16x128xf32, #tpu.memory_space<hbm>>) target(%dma_start3A_266 : memref<16x128xf32, #tpu.memory_space<vmem>>) offsets(%iota3A : vector<16xi32>) semaphore(%arg19 : memref<!tpu.dma_semaphore, #tpu.memory_space<semaphore_mem>>)
      %dma_start3A_269 = arith.constant 0 : i32
      %dma_start3A_270 = arith.constant 0 : i32
      %dma_start3A_271 = arith.constant 0 : i32
      %dma_start3A_272 = tpu.memref_slice %arg14[%dma_start3A_269, %dma_start3A_270, %dma_start3A_271] : memref<8x16x128xf32, #tpu.memory_space<vmem>> -> memref<1x16x128xf32, #tpu.memory_space<vmem>>
      %dma_start3A_273 = tpu.memref_squeeze %dma_start3A_272 : memref<1x16x128xf32, #tpu.memory_space<vmem>> -> memref<16x128xf32, #tpu.memory_space<vmem>>
      %dma_start3A_274 = arith.constant 0 : i32
      %dma_start3A_275 = tpu.memref_slice %arg5[%dma_start3A_274, %multiple_of3A_261] : memref<16x1000000xf32, #tpu.memory_space<hbm>> -> memref<16x128xf32, #tpu.memory_space<hbm>>
      tpu.enqueue_indirect_dma source(%dma_start3A_275 : memref<16x128xf32, #tpu.memory_space<hbm>>) target(%dma_start3A_273 : memref<16x128xf32, #tpu.memory_space<vmem>>) offsets(%iota3A : vector<16xi32>) semaphore(%arg19 : memref<!tpu.dma_semaphore, #tpu.memory_space<semaphore_mem>>)
      %slice3A_276 = vector.extract_strided_slice %shift_left3A_249 {offsets = [1], sizes = [1], strides = [1]} : vector<16xi32> to vector<1xi32>
      %squeeze3A_277 = vector.extract %slice3A_276[0] : i32 from vector<1xi32>
      %multiple_of3A_278 = tpu.assume_multiple %squeeze3A_277, 128 : i32
      %slice3A_279 = vector.extract_strided_slice %shift_left3A_255 {offsets = [1], sizes = [1], strides = [1]} : vector<16xi32> to vector<1xi32>
      %squeeze3A_280 = vector.extract %slice3A_279[0] : i32 from vector<1xi32>
      %multiple_of3A_281 = tpu.assume_multiple %squeeze3A_280, 128 : i32
      %dma_start3A_282 = arith.constant 1 : i32
      %dma_start3A_283 = arith.constant 0 : i32
      %dma_start3A_284 = arith.constant 0 : i32
      %dma_start3A_285 = tpu.memref_slice %arg13[%dma_start3A_282, %dma_start3A_283, %dma_start3A_284] : memref<8x16x128xf32, #tpu.memory_space<vmem>> -> memref<1x16x128xf32, #tpu.memory_space<vmem>>
      %dma_start3A_286 = tpu.memref_squeeze %dma_start3A_285 : memref<1x16x128xf32, #tpu.memory_space<vmem>> -> memref<16x128xf32, #tpu.memory_space<vmem>>
      %dma_start3A_287 = arith.constant 0 : i32
      %dma_start3A_288 = tpu.memref_slice %arg4[%dma_start3A_287, %multiple_of3A_278] : memref<16x1000000xf32, #tpu.memory_space<hbm>> -> memref<16x128xf32, #tpu.memory_space<hbm>>
      tpu.enqueue_indirect_dma source(%dma_start3A_288 : memref<16x128xf32, #tpu.memory_space<hbm>>) target(%dma_start3A_286 : memref<16x128xf32, #tpu.memory_space<vmem>>) offsets(%iota3A : vector<16xi32>) semaphore(%arg19 : memref<!tpu.dma_semaphore, #tpu.memory_space<semaphore_mem>>)
      %dma_start3A_289 = arith.constant 1 : i32
      %dma_start3A_290 = arith.constant 0 : i32
      %dma_start3A_291 = arith.constant 0 : i32
      %dma_start3A_292 = tpu.memref_slice %arg14[%dma_start3A_289, %dma_start3A_290, %dma_start3A_291] : memref<8x16x128xf32, #tpu.memory_space<vmem>> -> memref<1x16x128xf32, #tpu.memory_space<vmem>>
      %dma_start3A_293 = tpu.memref_squeeze %dma_start3A_292 : memref<1x16x128xf32, #tpu.memory_space<vmem>> -> memref<16x128xf32, #tpu.memory_space<vmem>>
      %dma_start3A_294 = arith.constant 0 : i32
      %dma_start3A_295 = tpu.memref_slice %arg5[%dma_start3A_294, %multiple_of3A_281] : memref<16x1000000xf32, #tpu.memory_space<hbm>> -> memref<16x128xf32, #tpu.memory_space<hbm>>
      tpu.enqueue_indirect_dma source(%dma_start3A_295 : memref<16x128xf32, #tpu.memory_space<hbm>>) target(%dma_start3A_293 : memref<16x128xf32, #tpu.memory_space<vmem>>) offsets(%iota3A : vector<16xi32>) semaphore(%arg19 : memref<!tpu.dma_semaphore, #tpu.memory_space<semaphore_mem>>)
      %slice3A_296 = vector.extract_strided_slice %shift_left3A_249 {offsets = [2], sizes = [1], strides = [1]} : vector<16xi32> to vector<1xi32>
      %squeeze3A_297 = vector.extract %slice3A_296[0] : i32 from vector<1xi32>
      %multiple_of3A_298 = tpu.assume_multiple %squeeze3A_297, 128 : i32
      %slice3A_299 = vector.extract_strided_slice %shift_left3A_255 {offsets = [2], sizes = [1], strides = [1]} : vector<16xi32> to vector<1xi32>
      %squeeze3A_300 = vector.extract %slice3A_299[0] : i32 from vector<1xi32>
      %multiple_of3A_301 = tpu.assume_multiple %squeeze3A_300, 128 : i32
      %dma_start3A_302 = arith.constant 2 : i32
      %dma_start3A_303 = arith.constant 0 : i32
      %dma_start3A_304 = arith.constant 0 : i32
      %dma_start3A_305 = tpu.memref_slice %arg13[%dma_start3A_302, %dma_start3A_303, %dma_start3A_304] : memref<8x16x128xf32, #tpu.memory_space<vmem>> -> memref<1x16x128xf32, #tpu.memory_space<vmem>>
      %dma_start3A_306 = tpu.memref_squeeze %dma_start3A_305 : memref<1x16x128xf32, #tpu.memory_space<vmem>> -> memref<16x128xf32, #tpu.memory_space<vmem>>
      %dma_start3A_307 = arith.constant 0 : i32
      %dma_start3A_308 = tpu.memref_slice %arg4[%dma_start3A_307, %multiple_of3A_298] : memref<16x1000000xf32, #tpu.memory_space<hbm>> -> memref<16x128xf32, #tpu.memory_space<hbm>>
      tpu.enqueue_indirect_dma source(%dma_start3A_308 : memref<16x128xf32, #tpu.memory_space<hbm>>) target(%dma_start3A_306 : memref<16x128xf32, #tpu.memory_space<vmem>>) offsets(%iota3A : vector<16xi32>) semaphore(%arg19 : memref<!tpu.dma_semaphore, #tpu.memory_space<semaphore_mem>>)
      %dma_start3A_309 = arith.constant 2 : i32
      %dma_start3A_310 = arith.constant 0 : i32
      %dma_start3A_311 = arith.constant 0 : i32
      %dma_start3A_312 = tpu.memref_slice %arg14[%dma_start3A_309, %dma_start3A_310, %dma_start3A_311] : memref<8x16x128xf32, #tpu.memory_space<vmem>> -> memref<1x16x128xf32, #tpu.memory_space<vmem>>
      %dma_start3A_313 = tpu.memref_squeeze %dma_start3A_312 : memref<1x16x128xf32, #tpu.memory_space<vmem>> -> memref<16x128xf32, #tpu.memory_space<vmem>>
      %dma_start3A_314 = arith.constant 0 : i32
      %dma_start3A_315 = tpu.memref_slice %arg5[%dma_start3A_314, %multiple_of3A_301] : memref<16x1000000xf32, #tpu.memory_space<hbm>> -> memref<16x128xf32, #tpu.memory_space<hbm>>
      tpu.enqueue_indirect_dma source(%dma_start3A_315 : memref<16x128xf32, #tpu.memory_space<hbm>>) target(%dma_start3A_313 : memref<16x128xf32, #tpu.memory_space<vmem>>) offsets(%iota3A : vector<16xi32>) semaphore(%arg19 : memref<!tpu.dma_semaphore, #tpu.memory_space<semaphore_mem>>)
      %slice3A_316 = vector.extract_strided_slice %shift_left3A_249 {offsets = [3], sizes = [1], strides = [1]} : vector<16xi32> to vector<1xi32>
      %squeeze3A_317 = vector.extract %slice3A_316[0] : i32 from vector<1xi32>
      %multiple_of3A_318 = tpu.assume_multiple %squeeze3A_317, 128 : i32
      %slice3A_319 = vector.extract_strided_slice %shift_left3A_255 {offsets = [3], sizes = [1], strides = [1]} : vector<16xi32> to vector<1xi32>
      %squeeze3A_320 = vector.extract %slice3A_319[0] : i32 from vector<1xi32>
      %multiple_of3A_321 = tpu.assume_multiple %squeeze3A_320, 128 : i32
      %dma_start3A_322 = arith.constant 3 : i32
      %dma_start3A_323 = arith.constant 0 : i32
      %dma_start3A_324 = arith.constant 0 : i32
      %dma_start3A_325 = tpu.memref_slice %arg13[%dma_start3A_322, %dma_start3A_323, %dma_start3A_324] : memref<8x16x128xf32, #tpu.memory_space<vmem>> -> memref<1x16x128xf32, #tpu.memory_space<vmem>>
      %dma_start3A_326 = tpu.memref_squeeze %dma_start3A_325 : memref<1x16x128xf32, #tpu.memory_space<vmem>> -> memref<16x128xf32, #tpu.memory_space<vmem>>
      %dma_start3A_327 = arith.constant 0 : i32
      %dma_start3A_328 = tpu.memref_slice %arg4[%dma_start3A_327, %multiple_of3A_318] : memref<16x1000000xf32, #tpu.memory_space<hbm>> -> memref<16x128xf32, #tpu.memory_space<hbm>>
      tpu.enqueue_indirect_dma source(%dma_start3A_328 : memref<16x128xf32, #tpu.memory_space<hbm>>) target(%dma_start3A_326 : memref<16x128xf32, #tpu.memory_space<vmem>>) offsets(%iota3A : vector<16xi32>) semaphore(%arg19 : memref<!tpu.dma_semaphore, #tpu.memory_space<semaphore_mem>>)
      %dma_start3A_329 = arith.constant 3 : i32
      %dma_start3A_330 = arith.constant 0 : i32
      %dma_start3A_331 = arith.constant 0 : i32
      %dma_start3A_332 = tpu.memref_slice %arg14[%dma_start3A_329, %dma_start3A_330, %dma_start3A_331] : memref<8x16x128xf32, #tpu.memory_space<vmem>> -> memref<1x16x128xf32, #tpu.memory_space<vmem>>
      %dma_start3A_333 = tpu.memref_squeeze %dma_start3A_332 : memref<1x16x128xf32, #tpu.memory_space<vmem>> -> memref<16x128xf32, #tpu.memory_space<vmem>>
      %dma_start3A_334 = arith.constant 0 : i32
      %dma_start3A_335 = tpu.memref_slice %arg5[%dma_start3A_334, %multiple_of3A_321] : memref<16x1000000xf32, #tpu.memory_space<hbm>> -> memref<16x128xf32, #tpu.memory_space<hbm>>
      tpu.enqueue_indirect_dma source(%dma_start3A_335 : memref<16x128xf32, #tpu.memory_space<hbm>>) target(%dma_start3A_333 : memref<16x128xf32, #tpu.memory_space<vmem>>) offsets(%iota3A : vector<16xi32>) semaphore(%arg19 : memref<!tpu.dma_semaphore, #tpu.memory_space<semaphore_mem>>)
      %slice3A_336 = vector.extract_strided_slice %shift_left3A_249 {offsets = [4], sizes = [1], strides = [1]} : vector<16xi32> to vector<1xi32>
      %squeeze3A_337 = vector.extract %slice3A_336[0] : i32 from vector<1xi32>
      %multiple_of3A_338 = tpu.assume_multiple %squeeze3A_337, 128 : i32
      %slice3A_339 = vector.extract_strided_slice %shift_left3A_255 {offsets = [4], sizes = [1], strides = [1]} : vector<16xi32> to vector<1xi32>
      %squeeze3A_340 = vector.extract %slice3A_339[0] : i32 from vector<1xi32>
      %multiple_of3A_341 = tpu.assume_multiple %squeeze3A_340, 128 : i32
      %dma_start3A_342 = arith.constant 4 : i32
      %dma_start3A_343 = arith.constant 0 : i32
      %dma_start3A_344 = arith.constant 0 : i32
      %dma_start3A_345 = tpu.memref_slice %arg13[%dma_start3A_342, %dma_start3A_343, %dma_start3A_344] : memref<8x16x128xf32, #tpu.memory_space<vmem>> -> memref<1x16x128xf32, #tpu.memory_space<vmem>>
      %dma_start3A_346 = tpu.memref_squeeze %dma_start3A_345 : memref<1x16x128xf32, #tpu.memory_space<vmem>> -> memref<16x128xf32, #tpu.memory_space<vmem>>
      %dma_start3A_347 = arith.constant 0 : i32
      %dma_start3A_348 = tpu.memref_slice %arg4[%dma_start3A_347, %multiple_of3A_338] : memref<16x1000000xf32, #tpu.memory_space<hbm>> -> memref<16x128xf32, #tpu.memory_space<hbm>>
      tpu.enqueue_indirect_dma source(%dma_start3A_348 : memref<16x128xf32, #tpu.memory_space<hbm>>) target(%dma_start3A_346 : memref<16x128xf32, #tpu.memory_space<vmem>>) offsets(%iota3A : vector<16xi32>) semaphore(%arg19 : memref<!tpu.dma_semaphore, #tpu.memory_space<semaphore_mem>>)
      %dma_start3A_349 = arith.constant 4 : i32
      %dma_start3A_350 = arith.constant 0 : i32
      %dma_start3A_351 = arith.constant 0 : i32
      %dma_start3A_352 = tpu.memref_slice %arg14[%dma_start3A_349, %dma_start3A_350, %dma_start3A_351] : memref<8x16x128xf32, #tpu.memory_space<vmem>> -> memref<1x16x128xf32, #tpu.memory_space<vmem>>
      %dma_start3A_353 = tpu.memref_squeeze %dma_start3A_352 : memref<1x16x128xf32, #tpu.memory_space<vmem>> -> memref<16x128xf32, #tpu.memory_space<vmem>>
      %dma_start3A_354 = arith.constant 0 : i32
      %dma_start3A_355 = tpu.memref_slice %arg5[%dma_start3A_354, %multiple_of3A_341] : memref<16x1000000xf32, #tpu.memory_space<hbm>> -> memref<16x128xf32, #tpu.memory_space<hbm>>
      tpu.enqueue_indirect_dma source(%dma_start3A_355 : memref<16x128xf32, #tpu.memory_space<hbm>>) target(%dma_start3A_353 : memref<16x128xf32, #tpu.memory_space<vmem>>) offsets(%iota3A : vector<16xi32>) semaphore(%arg19 : memref<!tpu.dma_semaphore, #tpu.memory_space<semaphore_mem>>)
      %slice3A_356 = vector.extract_strided_slice %shift_left3A_249 {offsets = [5], sizes = [1], strides = [1]} : vector<16xi32> to vector<1xi32>
      %squeeze3A_357 = vector.extract %slice3A_356[0] : i32 from vector<1xi32>
      %multiple_of3A_358 = tpu.assume_multiple %squeeze3A_357, 128 : i32
      %slice3A_359 = vector.extract_strided_slice %shift_left3A_255 {offsets = [5], sizes = [1], strides = [1]} : vector<16xi32> to vector<1xi32>
      %squeeze3A_360 = vector.extract %slice3A_359[0] : i32 from vector<1xi32>
      %multiple_of3A_361 = tpu.assume_multiple %squeeze3A_360, 128 : i32
      %dma_start3A_362 = arith.constant 5 : i32
      %dma_start3A_363 = arith.constant 0 : i32
      %dma_start3A_364 = arith.constant 0 : i32
      %dma_start3A_365 = tpu.memref_slice %arg13[%dma_start3A_362, %dma_start3A_363, %dma_start3A_364] : memref<8x16x128xf32, #tpu.memory_space<vmem>> -> memref<1x16x128xf32, #tpu.memory_space<vmem>>
      %dma_start3A_366 = tpu.memref_squeeze %dma_start3A_365 : memref<1x16x128xf32, #tpu.memory_space<vmem>> -> memref<16x128xf32, #tpu.memory_space<vmem>>
      %dma_start3A_367 = arith.constant 0 : i32
      %dma_start3A_368 = tpu.memref_slice %arg4[%dma_start3A_367, %multiple_of3A_358] : memref<16x1000000xf32, #tpu.memory_space<hbm>> -> memref<16x128xf32, #tpu.memory_space<hbm>>
      tpu.enqueue_indirect_dma source(%dma_start3A_368 : memref<16x128xf32, #tpu.memory_space<hbm>>) target(%dma_start3A_366 : memref<16x128xf32, #tpu.memory_space<vmem>>) offsets(%iota3A : vector<16xi32>) semaphore(%arg19 : memref<!tpu.dma_semaphore, #tpu.memory_space<semaphore_mem>>)
      %dma_start3A_369 = arith.constant 5 : i32
      %dma_start3A_370 = arith.constant 0 : i32
      %dma_start3A_371 = arith.constant 0 : i32
      %dma_start3A_372 = tpu.memref_slice %arg14[%dma_start3A_369, %dma_start3A_370, %dma_start3A_371] : memref<8x16x128xf32, #tpu.memory_space<vmem>> -> memref<1x16x128xf32, #tpu.memory_space<vmem>>
      %dma_start3A_373 = tpu.memref_squeeze %dma_start3A_372 : memref<1x16x128xf32, #tpu.memory_space<vmem>> -> memref<16x128xf32, #tpu.memory_space<vmem>>
      %dma_start3A_374 = arith.constant 0 : i32
      %dma_start3A_375 = tpu.memref_slice %arg5[%dma_start3A_374, %multiple_of3A_361] : memref<16x1000000xf32, #tpu.memory_space<hbm>> -> memref<16x128xf32, #tpu.memory_space<hbm>>
      tpu.enqueue_indirect_dma source(%dma_start3A_375 : memref<16x128xf32, #tpu.memory_space<hbm>>) target(%dma_start3A_373 : memref<16x128xf32, #tpu.memory_space<vmem>>) offsets(%iota3A : vector<16xi32>) semaphore(%arg19 : memref<!tpu.dma_semaphore, #tpu.memory_space<semaphore_mem>>)
      %slice3A_376 = vector.extract_strided_slice %shift_left3A_249 {offsets = [6], sizes = [1], strides = [1]} : vector<16xi32> to vector<1xi32>
      %squeeze3A_377 = vector.extract %slice3A_376[0] : i32 from vector<1xi32>
      %multiple_of3A_378 = tpu.assume_multiple %squeeze3A_377, 128 : i32
      %slice3A_379 = vector.extract_strided_slice %shift_left3A_255 {offsets = [6], sizes = [1], strides = [1]} : vector<16xi32> to vector<1xi32>
      %squeeze3A_380 = vector.extract %slice3A_379[0] : i32 from vector<1xi32>
      %multiple_of3A_381 = tpu.assume_multiple %squeeze3A_380, 128 : i32
      %dma_start3A_382 = arith.constant 6 : i32
      %dma_start3A_383 = arith.constant 0 : i32
      %dma_start3A_384 = arith.constant 0 : i32
      %dma_start3A_385 = tpu.memref_slice %arg13[%dma_start3A_382, %dma_start3A_383, %dma_start3A_384] : memref<8x16x128xf32, #tpu.memory_space<vmem>> -> memref<1x16x128xf32, #tpu.memory_space<vmem>>
      %dma_start3A_386 = tpu.memref_squeeze %dma_start3A_385 : memref<1x16x128xf32, #tpu.memory_space<vmem>> -> memref<16x128xf32, #tpu.memory_space<vmem>>
      %dma_start3A_387 = arith.constant 0 : i32
      %dma_start3A_388 = tpu.memref_slice %arg4[%dma_start3A_387, %multiple_of3A_378] : memref<16x1000000xf32, #tpu.memory_space<hbm>> -> memref<16x128xf32, #tpu.memory_space<hbm>>
      tpu.enqueue_indirect_dma source(%dma_start3A_388 : memref<16x128xf32, #tpu.memory_space<hbm>>) target(%dma_start3A_386 : memref<16x128xf32, #tpu.memory_space<vmem>>) offsets(%iota3A : vector<16xi32>) semaphore(%arg19 : memref<!tpu.dma_semaphore, #tpu.memory_space<semaphore_mem>>)
      %dma_start3A_389 = arith.constant 6 : i32
      %dma_start3A_390 = arith.constant 0 : i32
      %dma_start3A_391 = arith.constant 0 : i32
      %dma_start3A_392 = tpu.memref_slice %arg14[%dma_start3A_389, %dma_start3A_390, %dma_start3A_391] : memref<8x16x128xf32, #tpu.memory_space<vmem>> -> memref<1x16x128xf32, #tpu.memory_space<vmem>>
      %dma_start3A_393 = tpu.memref_squeeze %dma_start3A_392 : memref<1x16x128xf32, #tpu.memory_space<vmem>> -> memref<16x128xf32, #tpu.memory_space<vmem>>
      %dma_start3A_394 = arith.constant 0 : i32
      %dma_start3A_395 = tpu.memref_slice %arg5[%dma_start3A_394, %multiple_of3A_381] : memref<16x1000000xf32, #tpu.memory_space<hbm>> -> memref<16x128xf32, #tpu.memory_space<hbm>>
      tpu.enqueue_indirect_dma source(%dma_start3A_395 : memref<16x128xf32, #tpu.memory_space<hbm>>) target(%dma_start3A_393 : memref<16x128xf32, #tpu.memory_space<vmem>>) offsets(%iota3A : vector<16xi32>) semaphore(%arg19 : memref<!tpu.dma_semaphore, #tpu.memory_space<semaphore_mem>>)
      %slice3A_396 = vector.extract_strided_slice %shift_left3A_249 {offsets = [7], sizes = [1], strides = [1]} : vector<16xi32> to vector<1xi32>
      %squeeze3A_397 = vector.extract %slice3A_396[0] : i32 from vector<1xi32>
      %multiple_of3A_398 = tpu.assume_multiple %squeeze3A_397, 128 : i32
      %slice3A_399 = vector.extract_strided_slice %shift_left3A_255 {offsets = [7], sizes = [1], strides = [1]} : vector<16xi32> to vector<1xi32>
      %squeeze3A_400 = vector.extract %slice3A_399[0] : i32 from vector<1xi32>
      %multiple_of3A_401 = tpu.assume_multiple %squeeze3A_400, 128 : i32
      %dma_start3A_402 = arith.constant 7 : i32
      %dma_start3A_403 = arith.constant 0 : i32
      %dma_start3A_404 = arith.constant 0 : i32
      %dma_start3A_405 = tpu.memref_slice %arg13[%dma_start3A_402, %dma_start3A_403, %dma_start3A_404] : memref<8x16x128xf32, #tpu.memory_space<vmem>> -> memref<1x16x128xf32, #tpu.memory_space<vmem>>
      %dma_start3A_406 = tpu.memref_squeeze %dma_start3A_405 : memref<1x16x128xf32, #tpu.memory_space<vmem>> -> memref<16x128xf32, #tpu.memory_space<vmem>>
      %dma_start3A_407 = arith.constant 0 : i32
      %dma_start3A_408 = tpu.memref_slice %arg4[%dma_start3A_407, %multiple_of3A_398] : memref<16x1000000xf32, #tpu.memory_space<hbm>> -> memref<16x128xf32, #tpu.memory_space<hbm>>
      tpu.enqueue_indirect_dma source(%dma_start3A_408 : memref<16x128xf32, #tpu.memory_space<hbm>>) target(%dma_start3A_406 : memref<16x128xf32, #tpu.memory_space<vmem>>) offsets(%iota3A : vector<16xi32>) semaphore(%arg19 : memref<!tpu.dma_semaphore, #tpu.memory_space<semaphore_mem>>)
      %dma_start3A_409 = arith.constant 7 : i32
      %dma_start3A_410 = arith.constant 0 : i32
      %dma_start3A_411 = arith.constant 0 : i32
      %dma_start3A_412 = tpu.memref_slice %arg14[%dma_start3A_409, %dma_start3A_410, %dma_start3A_411] : memref<8x16x128xf32, #tpu.memory_space<vmem>> -> memref<1x16x128xf32, #tpu.memory_space<vmem>>
      %dma_start3A_413 = tpu.memref_squeeze %dma_start3A_412 : memref<1x16x128xf32, #tpu.memory_space<vmem>> -> memref<16x128xf32, #tpu.memory_space<vmem>>
      %dma_start3A_414 = arith.constant 0 : i32
      %dma_start3A_415 = tpu.memref_slice %arg5[%dma_start3A_414, %multiple_of3A_401] : memref<16x1000000xf32, #tpu.memory_space<hbm>> -> memref<16x128xf32, #tpu.memory_space<hbm>>
      tpu.enqueue_indirect_dma source(%dma_start3A_415 : memref<16x128xf32, #tpu.memory_space<hbm>>) target(%dma_start3A_413 : memref<16x128xf32, #tpu.memory_space<vmem>>) offsets(%iota3A : vector<16xi32>) semaphore(%arg19 : memref<!tpu.dma_semaphore, #tpu.memory_space<semaphore_mem>>)
      %dma_wait3A = arith.constant 0 : i32
      %dma_wait3A_416 = arith.constant 0 : i32
      %dma_wait3A_417 = arith.constant 0 : i32
      %dma_wait3A_418 = tpu.memref_slice %arg11[%dma_wait3A, %dma_wait3A_416, %dma_wait3A_417] : memref<8x16x128xf32, #tpu.memory_space<vmem>> -> memref<1x16x128xf32, #tpu.memory_space<vmem>>
      %dma_wait3A_419 = tpu.memref_squeeze %dma_wait3A_418 : memref<1x16x128xf32, #tpu.memory_space<vmem>> -> memref<16x128xf32, #tpu.memory_space<vmem>>
      %dma_wait3A_420 = arith.constant 0 : i32
      %dma_wait3A_421 = arith.constant 0 : i32
      %dma_wait3A_422 = tpu.memref_slice %arg4[%dma_wait3A_420, %dma_wait3A_421] : memref<16x1000000xf32, #tpu.memory_space<hbm>> -> memref<16x128xf32, #tpu.memory_space<hbm>>
      tpu.wait_indirect_dma semaphore(%arg18 : memref<!tpu.dma_semaphore, #tpu.memory_space<semaphore_mem>>) src(%dma_wait3A_422 : memref<16x128xf32, #tpu.memory_space<hbm>>) dst(%dma_wait3A_419 : memref<16x128xf32, #tpu.memory_space<vmem>>)
      %dma_wait3A_423 = arith.constant 0 : i32
      %dma_wait3A_424 = arith.constant 0 : i32
      %dma_wait3A_425 = arith.constant 0 : i32
      %dma_wait3A_426 = tpu.memref_slice %arg12[%dma_wait3A_423, %dma_wait3A_424, %dma_wait3A_425] : memref<8x16x128xf32, #tpu.memory_space<vmem>> -> memref<1x16x128xf32, #tpu.memory_space<vmem>>
      %dma_wait3A_427 = tpu.memref_squeeze %dma_wait3A_426 : memref<1x16x128xf32, #tpu.memory_space<vmem>> -> memref<16x128xf32, #tpu.memory_space<vmem>>
      %dma_wait3A_428 = arith.constant 0 : i32
      %dma_wait3A_429 = arith.constant 0 : i32
      %dma_wait3A_430 = tpu.memref_slice %arg5[%dma_wait3A_428, %dma_wait3A_429] : memref<16x1000000xf32, #tpu.memory_space<hbm>> -> memref<16x128xf32, #tpu.memory_space<hbm>>
      tpu.wait_indirect_dma semaphore(%arg18 : memref<!tpu.dma_semaphore, #tpu.memory_space<semaphore_mem>>) src(%dma_wait3A_430 : memref<16x128xf32, #tpu.memory_space<hbm>>) dst(%dma_wait3A_427 : memref<16x128xf32, #tpu.memory_space<vmem>>)
      %dma_wait3A_431 = arith.constant 1 : i32
      %dma_wait3A_432 = arith.constant 0 : i32
      %dma_wait3A_433 = arith.constant 0 : i32
      %dma_wait3A_434 = tpu.memref_slice %arg11[%dma_wait3A_431, %dma_wait3A_432, %dma_wait3A_433] : memref<8x16x128xf32, #tpu.memory_space<vmem>> -> memref<1x16x128xf32, #tpu.memory_space<vmem>>
      %dma_wait3A_435 = tpu.memref_squeeze %dma_wait3A_434 : memref<1x16x128xf32, #tpu.memory_space<vmem>> -> memref<16x128xf32, #tpu.memory_space<vmem>>
      %dma_wait3A_436 = arith.constant 0 : i32
      %dma_wait3A_437 = arith.constant 0 : i32
      %dma_wait3A_438 = tpu.memref_slice %arg4[%dma_wait3A_436, %dma_wait3A_437] : memref<16x1000000xf32, #tpu.memory_space<hbm>> -> memref<16x128xf32, #tpu.memory_space<hbm>>
      tpu.wait_indirect_dma semaphore(%arg18 : memref<!tpu.dma_semaphore, #tpu.memory_space<semaphore_mem>>) src(%dma_wait3A_438 : memref<16x128xf32, #tpu.memory_space<hbm>>) dst(%dma_wait3A_435 : memref<16x128xf32, #tpu.memory_space<vmem>>)
      %dma_wait3A_439 = arith.constant 1 : i32
      %dma_wait3A_440 = arith.constant 0 : i32
      %dma_wait3A_441 = arith.constant 0 : i32
      %dma_wait3A_442 = tpu.memref_slice %arg12[%dma_wait3A_439, %dma_wait3A_440, %dma_wait3A_441] : memref<8x16x128xf32, #tpu.memory_space<vmem>> -> memref<1x16x128xf32, #tpu.memory_space<vmem>>
      %dma_wait3A_443 = tpu.memref_squeeze %dma_wait3A_442 : memref<1x16x128xf32, #tpu.memory_space<vmem>> -> memref<16x128xf32, #tpu.memory_space<vmem>>
      %dma_wait3A_444 = arith.constant 0 : i32
      %dma_wait3A_445 = arith.constant 0 : i32
      %dma_wait3A_446 = tpu.memref_slice %arg5[%dma_wait3A_444, %dma_wait3A_445] : memref<16x1000000xf32, #tpu.memory_space<hbm>> -> memref<16x128xf32, #tpu.memory_space<hbm>>
      tpu.wait_indirect_dma semaphore(%arg18 : memref<!tpu.dma_semaphore, #tpu.memory_space<semaphore_mem>>) src(%dma_wait3A_446 : memref<16x128xf32, #tpu.memory_space<hbm>>) dst(%dma_wait3A_443 : memref<16x128xf32, #tpu.memory_space<vmem>>)
      %dma_wait3A_447 = arith.constant 2 : i32
      %dma_wait3A_448 = arith.constant 0 : i32
      %dma_wait3A_449 = arith.constant 0 : i32
      %dma_wait3A_450 = tpu.memref_slice %arg11[%dma_wait3A_447, %dma_wait3A_448, %dma_wait3A_449] : memref<8x16x128xf32, #tpu.memory_space<vmem>> -> memref<1x16x128xf32, #tpu.memory_space<vmem>>
      %dma_wait3A_451 = tpu.memref_squeeze %dma_wait3A_450 : memref<1x16x128xf32, #tpu.memory_space<vmem>> -> memref<16x128xf32, #tpu.memory_space<vmem>>
      %dma_wait3A_452 = arith.constant 0 : i32
      %dma_wait3A_453 = arith.constant 0 : i32
      %dma_wait3A_454 = tpu.memref_slice %arg4[%dma_wait3A_452, %dma_wait3A_453] : memref<16x1000000xf32, #tpu.memory_space<hbm>> -> memref<16x128xf32, #tpu.memory_space<hbm>>
      tpu.wait_indirect_dma semaphore(%arg18 : memref<!tpu.dma_semaphore, #tpu.memory_space<semaphore_mem>>) src(%dma_wait3A_454 : memref<16x128xf32, #tpu.memory_space<hbm>>) dst(%dma_wait3A_451 : memref<16x128xf32, #tpu.memory_space<vmem>>)
      %dma_wait3A_455 = arith.constant 2 : i32
      %dma_wait3A_456 = arith.constant 0 : i32
      %dma_wait3A_457 = arith.constant 0 : i32
      %dma_wait3A_458 = tpu.memref_slice %arg12[%dma_wait3A_455, %dma_wait3A_456, %dma_wait3A_457] : memref<8x16x128xf32, #tpu.memory_space<vmem>> -> memref<1x16x128xf32, #tpu.memory_space<vmem>>
      %dma_wait3A_459 = tpu.memref_squeeze %dma_wait3A_458 : memref<1x16x128xf32, #tpu.memory_space<vmem>> -> memref<16x128xf32, #tpu.memory_space<vmem>>
      %dma_wait3A_460 = arith.constant 0 : i32
      %dma_wait3A_461 = arith.constant 0 : i32
      %dma_wait3A_462 = tpu.memref_slice %arg5[%dma_wait3A_460, %dma_wait3A_461] : memref<16x1000000xf32, #tpu.memory_space<hbm>> -> memref<16x128xf32, #tpu.memory_space<hbm>>
      tpu.wait_indirect_dma semaphore(%arg18 : memref<!tpu.dma_semaphore, #tpu.memory_space<semaphore_mem>>) src(%dma_wait3A_462 : memref<16x128xf32, #tpu.memory_space<hbm>>) dst(%dma_wait3A_459 : memref<16x128xf32, #tpu.memory_space<vmem>>)
      %dma_wait3A_463 = arith.constant 3 : i32
      %dma_wait3A_464 = arith.constant 0 : i32
      %dma_wait3A_465 = arith.constant 0 : i32
      %dma_wait3A_466 = tpu.memref_slice %arg11[%dma_wait3A_463, %dma_wait3A_464, %dma_wait3A_465] : memref<8x16x128xf32, #tpu.memory_space<vmem>> -> memref<1x16x128xf32, #tpu.memory_space<vmem>>
      %dma_wait3A_467 = tpu.memref_squeeze %dma_wait3A_466 : memref<1x16x128xf32, #tpu.memory_space<vmem>> -> memref<16x128xf32, #tpu.memory_space<vmem>>
      %dma_wait3A_468 = arith.constant 0 : i32
      %dma_wait3A_469 = arith.constant 0 : i32
      %dma_wait3A_470 = tpu.memref_slice %arg4[%dma_wait3A_468, %dma_wait3A_469] : memref<16x1000000xf32, #tpu.memory_space<hbm>> -> memref<16x128xf32, #tpu.memory_space<hbm>>
      tpu.wait_indirect_dma semaphore(%arg18 : memref<!tpu.dma_semaphore, #tpu.memory_space<semaphore_mem>>) src(%dma_wait3A_470 : memref<16x128xf32, #tpu.memory_space<hbm>>) dst(%dma_wait3A_467 : memref<16x128xf32, #tpu.memory_space<vmem>>)
      %dma_wait3A_471 = arith.constant 3 : i32
      %dma_wait3A_472 = arith.constant 0 : i32
      %dma_wait3A_473 = arith.constant 0 : i32
      %dma_wait3A_474 = tpu.memref_slice %arg12[%dma_wait3A_471, %dma_wait3A_472, %dma_wait3A_473] : memref<8x16x128xf32, #tpu.memory_space<vmem>> -> memref<1x16x128xf32, #tpu.memory_space<vmem>>
      %dma_wait3A_475 = tpu.memref_squeeze %dma_wait3A_474 : memref<1x16x128xf32, #tpu.memory_space<vmem>> -> memref<16x128xf32, #tpu.memory_space<vmem>>
      %dma_wait3A_476 = arith.constant 0 : i32
      %dma_wait3A_477 = arith.constant 0 : i32
      %dma_wait3A_478 = tpu.memref_slice %arg5[%dma_wait3A_476, %dma_wait3A_477] : memref<16x1000000xf32, #tpu.memory_space<hbm>> -> memref<16x128xf32, #tpu.memory_space<hbm>>
      tpu.wait_indirect_dma semaphore(%arg18 : memref<!tpu.dma_semaphore, #tpu.memory_space<semaphore_mem>>) src(%dma_wait3A_478 : memref<16x128xf32, #tpu.memory_space<hbm>>) dst(%dma_wait3A_475 : memref<16x128xf32, #tpu.memory_space<vmem>>)
      %dma_wait3A_479 = arith.constant 4 : i32
      %dma_wait3A_480 = arith.constant 0 : i32
      %dma_wait3A_481 = arith.constant 0 : i32
      %dma_wait3A_482 = tpu.memref_slice %arg11[%dma_wait3A_479, %dma_wait3A_480, %dma_wait3A_481] : memref<8x16x128xf32, #tpu.memory_space<vmem>> -> memref<1x16x128xf32, #tpu.memory_space<vmem>>
      %dma_wait3A_483 = tpu.memref_squeeze %dma_wait3A_482 : memref<1x16x128xf32, #tpu.memory_space<vmem>> -> memref<16x128xf32, #tpu.memory_space<vmem>>
      %dma_wait3A_484 = arith.constant 0 : i32
      %dma_wait3A_485 = arith.constant 0 : i32
      %dma_wait3A_486 = tpu.memref_slice %arg4[%dma_wait3A_484, %dma_wait3A_485] : memref<16x1000000xf32, #tpu.memory_space<hbm>> -> memref<16x128xf32, #tpu.memory_space<hbm>>
      tpu.wait_indirect_dma semaphore(%arg18 : memref<!tpu.dma_semaphore, #tpu.memory_space<semaphore_mem>>) src(%dma_wait3A_486 : memref<16x128xf32, #tpu.memory_space<hbm>>) dst(%dma_wait3A_483 : memref<16x128xf32, #tpu.memory_space<vmem>>)
      %dma_wait3A_487 = arith.constant 4 : i32
      %dma_wait3A_488 = arith.constant 0 : i32
      %dma_wait3A_489 = arith.constant 0 : i32
      %dma_wait3A_490 = tpu.memref_slice %arg12[%dma_wait3A_487, %dma_wait3A_488, %dma_wait3A_489] : memref<8x16x128xf32, #tpu.memory_space<vmem>> -> memref<1x16x128xf32, #tpu.memory_space<vmem>>
      %dma_wait3A_491 = tpu.memref_squeeze %dma_wait3A_490 : memref<1x16x128xf32, #tpu.memory_space<vmem>> -> memref<16x128xf32, #tpu.memory_space<vmem>>
      %dma_wait3A_492 = arith.constant 0 : i32
      %dma_wait3A_493 = arith.constant 0 : i32
      %dma_wait3A_494 = tpu.memref_slice %arg5[%dma_wait3A_492, %dma_wait3A_493] : memref<16x1000000xf32, #tpu.memory_space<hbm>> -> memref<16x128xf32, #tpu.memory_space<hbm>>
      tpu.wait_indirect_dma semaphore(%arg18 : memref<!tpu.dma_semaphore, #tpu.memory_space<semaphore_mem>>) src(%dma_wait3A_494 : memref<16x128xf32, #tpu.memory_space<hbm>>) dst(%dma_wait3A_491 : memref<16x128xf32, #tpu.memory_space<vmem>>)
      %dma_wait3A_495 = arith.constant 5 : i32
      %dma_wait3A_496 = arith.constant 0 : i32
      %dma_wait3A_497 = arith.constant 0 : i32
      %dma_wait3A_498 = tpu.memref_slice %arg11[%dma_wait3A_495, %dma_wait3A_496, %dma_wait3A_497] : memref<8x16x128xf32, #tpu.memory_space<vmem>> -> memref<1x16x128xf32, #tpu.memory_space<vmem>>
      %dma_wait3A_499 = tpu.memref_squeeze %dma_wait3A_498 : memref<1x16x128xf32, #tpu.memory_space<vmem>> -> memref<16x128xf32, #tpu.memory_space<vmem>>
      %dma_wait3A_500 = arith.constant 0 : i32
      %dma_wait3A_501 = arith.constant 0 : i32
      %dma_wait3A_502 = tpu.memref_slice %arg4[%dma_wait3A_500, %dma_wait3A_501] : memref<16x1000000xf32, #tpu.memory_space<hbm>> -> memref<16x128xf32, #tpu.memory_space<hbm>>
      tpu.wait_indirect_dma semaphore(%arg18 : memref<!tpu.dma_semaphore, #tpu.memory_space<semaphore_mem>>) src(%dma_wait3A_502 : memref<16x128xf32, #tpu.memory_space<hbm>>) dst(%dma_wait3A_499 : memref<16x128xf32, #tpu.memory_space<vmem>>)
      %dma_wait3A_503 = arith.constant 5 : i32
      %dma_wait3A_504 = arith.constant 0 : i32
      %dma_wait3A_505 = arith.constant 0 : i32
      %dma_wait3A_506 = tpu.memref_slice %arg12[%dma_wait3A_503, %dma_wait3A_504, %dma_wait3A_505] : memref<8x16x128xf32, #tpu.memory_space<vmem>> -> memref<1x16x128xf32, #tpu.memory_space<vmem>>
      %dma_wait3A_507 = tpu.memref_squeeze %dma_wait3A_506 : memref<1x16x128xf32, #tpu.memory_space<vmem>> -> memref<16x128xf32, #tpu.memory_space<vmem>>
      %dma_wait3A_508 = arith.constant 0 : i32
      %dma_wait3A_509 = arith.constant 0 : i32
      %dma_wait3A_510 = tpu.memref_slice %arg5[%dma_wait3A_508, %dma_wait3A_509] : memref<16x1000000xf32, #tpu.memory_space<hbm>> -> memref<16x128xf32, #tpu.memory_space<hbm>>
      tpu.wait_indirect_dma semaphore(%arg18 : memref<!tpu.dma_semaphore, #tpu.memory_space<semaphore_mem>>) src(%dma_wait3A_510 : memref<16x128xf32, #tpu.memory_space<hbm>>) dst(%dma_wait3A_507 : memref<16x128xf32, #tpu.memory_space<vmem>>)
      %dma_wait3A_511 = arith.constant 6 : i32
      %dma_wait3A_512 = arith.constant 0 : i32
      %dma_wait3A_513 = arith.constant 0 : i32
      %dma_wait3A_514 = tpu.memref_slice %arg11[%dma_wait3A_511, %dma_wait3A_512, %dma_wait3A_513] : memref<8x16x128xf32, #tpu.memory_space<vmem>> -> memref<1x16x128xf32, #tpu.memory_space<vmem>>
      %dma_wait3A_515 = tpu.memref_squeeze %dma_wait3A_514 : memref<1x16x128xf32, #tpu.memory_space<vmem>> -> memref<16x128xf32, #tpu.memory_space<vmem>>
      %dma_wait3A_516 = arith.constant 0 : i32
      %dma_wait3A_517 = arith.constant 0 : i32
      %dma_wait3A_518 = tpu.memref_slice %arg4[%dma_wait3A_516, %dma_wait3A_517] : memref<16x1000000xf32, #tpu.memory_space<hbm>> -> memref<16x128xf32, #tpu.memory_space<hbm>>
      tpu.wait_indirect_dma semaphore(%arg18 : memref<!tpu.dma_semaphore, #tpu.memory_space<semaphore_mem>>) src(%dma_wait3A_518 : memref<16x128xf32, #tpu.memory_space<hbm>>) dst(%dma_wait3A_515 : memref<16x128xf32, #tpu.memory_space<vmem>>)
      %dma_wait3A_519 = arith.constant 6 : i32
      %dma_wait3A_520 = arith.constant 0 : i32
      %dma_wait3A_521 = arith.constant 0 : i32
      %dma_wait3A_522 = tpu.memref_slice %arg12[%dma_wait3A_519, %dma_wait3A_520, %dma_wait3A_521] : memref<8x16x128xf32, #tpu.memory_space<vmem>> -> memref<1x16x128xf32, #tpu.memory_space<vmem>>
      %dma_wait3A_523 = tpu.memref_squeeze %dma_wait3A_522 : memref<1x16x128xf32, #tpu.memory_space<vmem>> -> memref<16x128xf32, #tpu.memory_space<vmem>>
      %dma_wait3A_524 = arith.constant 0 : i32
      %dma_wait3A_525 = arith.constant 0 : i32
      %dma_wait3A_526 = tpu.memref_slice %arg5[%dma_wait3A_524, %dma_wait3A_525] : memref<16x1000000xf32, #tpu.memory_space<hbm>> -> memref<16x128xf32, #tpu.memory_space<hbm>>
      tpu.wait_indirect_dma semaphore(%arg18 : memref<!tpu.dma_semaphore, #tpu.memory_space<semaphore_mem>>) src(%dma_wait3A_526 : memref<16x128xf32, #tpu.memory_space<hbm>>) dst(%dma_wait3A_523 : memref<16x128xf32, #tpu.memory_space<vmem>>)
      %dma_wait3A_527 = arith.constant 7 : i32
      %dma_wait3A_528 = arith.constant 0 : i32
      %dma_wait3A_529 = arith.constant 0 : i32
      %dma_wait3A_530 = tpu.memref_slice %arg11[%dma_wait3A_527, %dma_wait3A_528, %dma_wait3A_529] : memref<8x16x128xf32, #tpu.memory_space<vmem>> -> memref<1x16x128xf32, #tpu.memory_space<vmem>>
      %dma_wait3A_531 = tpu.memref_squeeze %dma_wait3A_530 : memref<1x16x128xf32, #tpu.memory_space<vmem>> -> memref<16x128xf32, #tpu.memory_space<vmem>>
      %dma_wait3A_532 = arith.constant 0 : i32
      %dma_wait3A_533 = arith.constant 0 : i32
      %dma_wait3A_534 = tpu.memref_slice %arg4[%dma_wait3A_532, %dma_wait3A_533] : memref<16x1000000xf32, #tpu.memory_space<hbm>> -> memref<16x128xf32, #tpu.memory_space<hbm>>
      tpu.wait_indirect_dma semaphore(%arg18 : memref<!tpu.dma_semaphore, #tpu.memory_space<semaphore_mem>>) src(%dma_wait3A_534 : memref<16x128xf32, #tpu.memory_space<hbm>>) dst(%dma_wait3A_531 : memref<16x128xf32, #tpu.memory_space<vmem>>)
      %dma_wait3A_535 = arith.constant 7 : i32
      %dma_wait3A_536 = arith.constant 0 : i32
      %dma_wait3A_537 = arith.constant 0 : i32
      %dma_wait3A_538 = tpu.memref_slice %arg12[%dma_wait3A_535, %dma_wait3A_536, %dma_wait3A_537] : memref<8x16x128xf32, #tpu.memory_space<vmem>> -> memref<1x16x128xf32, #tpu.memory_space<vmem>>
      %dma_wait3A_539 = tpu.memref_squeeze %dma_wait3A_538 : memref<1x16x128xf32, #tpu.memory_space<vmem>> -> memref<16x128xf32, #tpu.memory_space<vmem>>
      %dma_wait3A_540 = arith.constant 0 : i32
      %dma_wait3A_541 = arith.constant 0 : i32
      %dma_wait3A_542 = tpu.memref_slice %arg5[%dma_wait3A_540, %dma_wait3A_541] : memref<16x1000000xf32, #tpu.memory_space<hbm>> -> memref<16x128xf32, #tpu.memory_space<hbm>>
      tpu.wait_indirect_dma semaphore(%arg18 : memref<!tpu.dma_semaphore, #tpu.memory_space<semaphore_mem>>) src(%dma_wait3A_542 : memref<16x128xf32, #tpu.memory_space<hbm>>) dst(%dma_wait3A_539 : memref<16x128xf32, #tpu.memory_space<vmem>>)
      %mul3A_543 = arith.constant 8 : i32
      %mul3A_544 = arith.muli %mul3A_233, %mul3A_543 : i32
      %get3A_545 = arith.index_cast %mul3A_544 : i32 to index
      %get3A_546 = tpu.vector_load %arg9[%get3A_545] {strides = array<i32>} : memref<528xi32, #tpu.memory_space<vmem>>, vector<16xi32>,
      %mul3A_547 = arith.constant 8 : i32
      %mul3A_548 = arith.muli %mul3A_233, %mul3A_547 : i32
      %get3A_549 = arith.index_cast %mul3A_548 : i32 to index
      %get3A_550 = tpu.vector_load %arg10[%get3A_549] {strides = array<i32>} : memref<528xi32, #tpu.memory_space<vmem>>, vector<16xi32>,
      %and3A = arith.constant 127 : i32
      %and3A_551 = vector.broadcast %and3A : i32 to vector<16xi32>
      %and3A_552 = arith.andi %get3A_546, %and3A_551 : vector<16xi32>
      %and3A_553 = arith.constant 127 : i32
      %and3A_554 = vector.broadcast %and3A_553 : i32 to vector<16xi32>
      %and3A_555 = arith.andi %get3A_550, %and3A_554 : vector<16xi32>
      %add3A_556 = arith.constant 0 : i32
      %add3A_557 = vector.broadcast %add3A_556 : i32 to vector<16xi32>
      %add3A_558 = arith.addi %broadcast_in_dim3A_55, %add3A_557 : vector<16xi32>
      %slice3A_559 = vector.extract_strided_slice %and3A_552 {offsets = [0], sizes = [1], strides = [1]} : vector<16xi32> to vector<1xi32>
      %squeeze3A_560 = vector.extract %slice3A_559[0] : i32 from vector<1xi32>
      %add3A_561 = vector.broadcast %squeeze3A_560 : i32 to vector<16xi32>
      %add3A_562 = arith.addi %broadcast_in_dim3A_55, %add3A_561 : vector<16xi32>
      %gather3A = tpu.vector_load_idx %arg11[%add3A_558, %iota3A, %add3A_562] : memref<8x16x128xf32, #tpu.memory_space<vmem>>[vector<16xi32>, vector<16xi32>, vector<16xi32>], vector<16xf32>,
      %add3A_563 = arith.constant 0 : i32
      %add3A_564 = vector.broadcast %add3A_563 : i32 to vector<16xi32>
      %add3A_565 = arith.addi %broadcast_in_dim3A_55, %add3A_564 : vector<16xi32>
      %slice3A_566 = vector.extract_strided_slice %and3A_555 {offsets = [0], sizes = [1], strides = [1]} : vector<16xi32> to vector<1xi32>
      %squeeze3A_567 = vector.extract %slice3A_566[0] : i32 from vector<1xi32>
      %add3A_568 = vector.broadcast %squeeze3A_567 : i32 to vector<16xi32>
      %add3A_569 = arith.addi %broadcast_in_dim3A_55, %add3A_568 : vector<16xi32>
      %gather3A_570 = tpu.vector_load_idx %arg12[%add3A_565, %iota3A, %add3A_569] : memref<8x16x128xf32, #tpu.memory_space<vmem>>[vector<16xi32>, vector<16xi32>, vector<16xi32>], vector<16xf32>,
      %mul3A_571 = arith.mulf %gather3A, %gather3A_570 : vector<16xf32>
      %mul3A_572 = arith.mulf %mul3A_571, %get3A_3 : vector<16xf32>
      %reduce_sum3A = arith.constant true
      %reduce_sum3A_573 = vector.broadcast %reduce_sum3A : i1 to vector<16xi1>
      %reduce_sum3A_574 = tpu.scan <sum>, %mul3A_572 masked %reduce_sum3A_573 : vector<16xf32>, vector<16xi1> -> vector<16xf32>
      %reduce_sum3A_575 = vector.extract %reduce_sum3A_574[15] : f32 from vector<16xf32>
      %broadcast_in_dim3A_576 = vector.broadcast %reduce_sum3A_575 : f32 to vector<16xf32>
      %select_n3A = arith.select %eq3A_7, %broadcast_in_dim3A_576, %broadcast_in_dim3A_53 : vector<16xi1>, vector<16xf32>
      %add3A_577 = arith.constant 1 : i32
      %add3A_578 = vector.broadcast %add3A_577 : i32 to vector<16xi32>
      %add3A_579 = arith.addi %broadcast_in_dim3A_55, %add3A_578 : vector<16xi32>
      %slice3A_580 = vector.extract_strided_slice %and3A_552 {offsets = [1], sizes = [1], strides = [1]} : vector<16xi32> to vector<1xi32>
      %squeeze3A_581 = vector.extract %slice3A_580[0] : i32 from vector<1xi32>
      %add3A_582 = vector.broadcast %squeeze3A_581 : i32 to vector<16xi32>
      %add3A_583 = arith.addi %broadcast_in_dim3A_55, %add3A_582 : vector<16xi32>
      %gather3A_584 = tpu.vector_load_idx %arg11[%add3A_579, %iota3A, %add3A_583] : memref<8x16x128xf32, #tpu.memory_space<vmem>>[vector<16xi32>, vector<16xi32>, vector<16xi32>], vector<16xf32>,
      %add3A_585 = arith.constant 1 : i32
      %add3A_586 = vector.broadcast %add3A_585 : i32 to vector<16xi32>
      %add3A_587 = arith.addi %broadcast_in_dim3A_55, %add3A_586 : vector<16xi32>
      %slice3A_588 = vector.extract_strided_slice %and3A_555 {offsets = [1], sizes = [1], strides = [1]} : vector<16xi32> to vector<1xi32>
      %squeeze3A_589 = vector.extract %slice3A_588[0] : i32 from vector<1xi32>
      %add3A_590 = vector.broadcast %squeeze3A_589 : i32 to vector<16xi32>
      %add3A_591 = arith.addi %broadcast_in_dim3A_55, %add3A_590 : vector<16xi32>
      %gather3A_592 = tpu.vector_load_idx %arg12[%add3A_587, %iota3A, %add3A_591] : memref<8x16x128xf32, #tpu.memory_space<vmem>>[vector<16xi32>, vector<16xi32>, vector<16xi32>], vector<16xf32>,
      %mul3A_593 = arith.mulf %gather3A_584, %gather3A_592 : vector<16xf32>
      %mul3A_594 = arith.mulf %mul3A_593, %get3A_3 : vector<16xf32>
      %reduce_sum3A_595 = arith.constant true
      %reduce_sum3A_596 = vector.broadcast %reduce_sum3A_595 : i1 to vector<16xi1>
      %reduce_sum3A_597 = tpu.scan <sum>, %mul3A_594 masked %reduce_sum3A_596 : vector<16xf32>, vector<16xi1> -> vector<16xf32>
      %reduce_sum3A_598 = vector.extract %reduce_sum3A_597[15] : f32 from vector<16xf32>
      %broadcast_in_dim3A_599 = vector.broadcast %reduce_sum3A_598 : f32 to vector<16xf32>
      %select_n3A_600 = arith.select %eq3A_10, %broadcast_in_dim3A_599, %select_n3A : vector<16xi1>, vector<16xf32>
      %add3A_601 = arith.constant 2 : i32
      %add3A_602 = vector.broadcast %add3A_601 : i32 to vector<16xi32>
      %add3A_603 = arith.addi %broadcast_in_dim3A_55, %add3A_602 : vector<16xi32>
      %slice3A_604 = vector.extract_strided_slice %and3A_552 {offsets = [2], sizes = [1], strides = [1]} : vector<16xi32> to vector<1xi32>
      %squeeze3A_605 = vector.extract %slice3A_604[0] : i32 from vector<1xi32>
      %add3A_606 = vector.broadcast %squeeze3A_605 : i32 to vector<16xi32>
      %add3A_607 = arith.addi %broadcast_in_dim3A_55, %add3A_606 : vector<16xi32>
      %gather3A_608 = tpu.vector_load_idx %arg11[%add3A_603, %iota3A, %add3A_607] : memref<8x16x128xf32, #tpu.memory_space<vmem>>[vector<16xi32>, vector<16xi32>, vector<16xi32>], vector<16xf32>,
      %add3A_609 = arith.constant 2 : i32
      %add3A_610 = vector.broadcast %add3A_609 : i32 to vector<16xi32>
      %add3A_611 = arith.addi %broadcast_in_dim3A_55, %add3A_610 : vector<16xi32>
      %slice3A_612 = vector.extract_strided_slice %and3A_555 {offsets = [2], sizes = [1], strides = [1]} : vector<16xi32> to vector<1xi32>
      %squeeze3A_613 = vector.extract %slice3A_612[0] : i32 from vector<1xi32>
      %add3A_614 = vector.broadcast %squeeze3A_613 : i32 to vector<16xi32>
      %add3A_615 = arith.addi %broadcast_in_dim3A_55, %add3A_614 : vector<16xi32>
      %gather3A_616 = tpu.vector_load_idx %arg12[%add3A_611, %iota3A, %add3A_615] : memref<8x16x128xf32, #tpu.memory_space<vmem>>[vector<16xi32>, vector<16xi32>, vector<16xi32>], vector<16xf32>,
      %mul3A_617 = arith.mulf %gather3A_608, %gather3A_616 : vector<16xf32>
      %mul3A_618 = arith.mulf %mul3A_617, %get3A_3 : vector<16xf32>
      %reduce_sum3A_619 = arith.constant true
      %reduce_sum3A_620 = vector.broadcast %reduce_sum3A_619 : i1 to vector<16xi1>
      %reduce_sum3A_621 = tpu.scan <sum>, %mul3A_618 masked %reduce_sum3A_620 : vector<16xf32>, vector<16xi1> -> vector<16xf32>
      %reduce_sum3A_622 = vector.extract %reduce_sum3A_621[15] : f32 from vector<16xf32>
      %broadcast_in_dim3A_623 = vector.broadcast %reduce_sum3A_622 : f32 to vector<16xf32>
      %select_n3A_624 = arith.select %eq3A_13, %broadcast_in_dim3A_623, %select_n3A_600 : vector<16xi1>, vector<16xf32>
      %add3A_625 = arith.constant 3 : i32
      %add3A_626 = vector.broadcast %add3A_625 : i32 to vector<16xi32>
      %add3A_627 = arith.addi %broadcast_in_dim3A_55, %add3A_626 : vector<16xi32>
      %slice3A_628 = vector.extract_strided_slice %and3A_552 {offsets = [3], sizes = [1], strides = [1]} : vector<16xi32> to vector<1xi32>
      %squeeze3A_629 = vector.extract %slice3A_628[0] : i32 from vector<1xi32>
      %add3A_630 = vector.broadcast %squeeze3A_629 : i32 to vector<16xi32>
      %add3A_631 = arith.addi %broadcast_in_dim3A_55, %add3A_630 : vector<16xi32>
      %gather3A_632 = tpu.vector_load_idx %arg11[%add3A_627, %iota3A, %add3A_631] : memref<8x16x128xf32, #tpu.memory_space<vmem>>[vector<16xi32>, vector<16xi32>, vector<16xi32>], vector<16xf32>,
      %add3A_633 = arith.constant 3 : i32
      %add3A_634 = vector.broadcast %add3A_633 : i32 to vector<16xi32>
      %add3A_635 = arith.addi %broadcast_in_dim3A_55, %add3A_634 : vector<16xi32>
      %slice3A_636 = vector.extract_strided_slice %and3A_555 {offsets = [3], sizes = [1], strides = [1]} : vector<16xi32> to vector<1xi32>
      %squeeze3A_637 = vector.extract %slice3A_636[0] : i32 from vector<1xi32>
      %add3A_638 = vector.broadcast %squeeze3A_637 : i32 to vector<16xi32>
      %add3A_639 = arith.addi %broadcast_in_dim3A_55, %add3A_638 : vector<16xi32>
      %gather3A_640 = tpu.vector_load_idx %arg12[%add3A_635, %iota3A, %add3A_639] : memref<8x16x128xf32, #tpu.memory_space<vmem>>[vector<16xi32>, vector<16xi32>, vector<16xi32>], vector<16xf32>,
      %mul3A_641 = arith.mulf %gather3A_632, %gather3A_640 : vector<16xf32>
      %mul3A_642 = arith.mulf %mul3A_641, %get3A_3 : vector<16xf32>
      %reduce_sum3A_643 = arith.constant true
      %reduce_sum3A_644 = vector.broadcast %reduce_sum3A_643 : i1 to vector<16xi1>
      %reduce_sum3A_645 = tpu.scan <sum>, %mul3A_642 masked %reduce_sum3A_644 : vector<16xf32>, vector<16xi1> -> vector<16xf32>
      %reduce_sum3A_646 = vector.extract %reduce_sum3A_645[15] : f32 from vector<16xf32>
      %broadcast_in_dim3A_647 = vector.broadcast %reduce_sum3A_646 : f32 to vector<16xf32>
      %select_n3A_648 = arith.select %eq3A_16, %broadcast_in_dim3A_647, %select_n3A_624 : vector<16xi1>, vector<16xf32>
      %add3A_649 = arith.constant 4 : i32
      %add3A_650 = vector.broadcast %add3A_649 : i32 to vector<16xi32>
      %add3A_651 = arith.addi %broadcast_in_dim3A_55, %add3A_650 : vector<16xi32>
      %slice3A_652 = vector.extract_strided_slice %and3A_552 {offsets = [4], sizes = [1], strides = [1]} : vector<16xi32> to vector<1xi32>
      %squeeze3A_653 = vector.extract %slice3A_652[0] : i32 from vector<1xi32>
      %add3A_654 = vector.broadcast %squeeze3A_653 : i32 to vector<16xi32>
      %add3A_655 = arith.addi %broadcast_in_dim3A_55, %add3A_654 : vector<16xi32>
      %gather3A_656 = tpu.vector_load_idx %arg11[%add3A_651, %iota3A, %add3A_655] : memref<8x16x128xf32, #tpu.memory_space<vmem>>[vector<16xi32>, vector<16xi32>, vector<16xi32>], vector<16xf32>,
      %add3A_657 = arith.constant 4 : i32
      %add3A_658 = vector.broadcast %add3A_657 : i32 to vector<16xi32>
      %add3A_659 = arith.addi %broadcast_in_dim3A_55, %add3A_658 : vector<16xi32>
      %slice3A_660 = vector.extract_strided_slice %and3A_555 {offsets = [4], sizes = [1], strides = [1]} : vector<16xi32> to vector<1xi32>
      %squeeze3A_661 = vector.extract %slice3A_660[0] : i32 from vector<1xi32>
      %add3A_662 = vector.broadcast %squeeze3A_661 : i32 to vector<16xi32>
      %add3A_663 = arith.addi %broadcast_in_dim3A_55, %add3A_662 : vector<16xi32>
      %gather3A_664 = tpu.vector_load_idx %arg12[%add3A_659, %iota3A, %add3A_663] : memref<8x16x128xf32, #tpu.memory_space<vmem>>[vector<16xi32>, vector<16xi32>, vector<16xi32>], vector<16xf32>,
      %mul3A_665 = arith.mulf %gather3A_656, %gather3A_664 : vector<16xf32>
      %mul3A_666 = arith.mulf %mul3A_665, %get3A_3 : vector<16xf32>
      %reduce_sum3A_667 = arith.constant true
      %reduce_sum3A_668 = vector.broadcast %reduce_sum3A_667 : i1 to vector<16xi1>
      %reduce_sum3A_669 = tpu.scan <sum>, %mul3A_666 masked %reduce_sum3A_668 : vector<16xf32>, vector<16xi1> -> vector<16xf32>
      %reduce_sum3A_670 = vector.extract %reduce_sum3A_669[15] : f32 from vector<16xf32>
      %broadcast_in_dim3A_671 = vector.broadcast %reduce_sum3A_670 : f32 to vector<16xf32>
      %select_n3A_672 = arith.select %eq3A_19, %broadcast_in_dim3A_671, %select_n3A_648 : vector<16xi1>, vector<16xf32>
      %add3A_673 = arith.constant 5 : i32
      %add3A_674 = vector.broadcast %add3A_673 : i32 to vector<16xi32>
      %add3A_675 = arith.addi %broadcast_in_dim3A_55, %add3A_674 : vector<16xi32>
      %slice3A_676 = vector.extract_strided_slice %and3A_552 {offsets = [5], sizes = [1], strides = [1]} : vector<16xi32> to vector<1xi32>
      %squeeze3A_677 = vector.extract %slice3A_676[0] : i32 from vector<1xi32>
      %add3A_678 = vector.broadcast %squeeze3A_677 : i32 to vector<16xi32>
      %add3A_679 = arith.addi %broadcast_in_dim3A_55, %add3A_678 : vector<16xi32>
      %gather3A_680 = tpu.vector_load_idx %arg11[%add3A_675, %iota3A, %add3A_679] : memref<8x16x128xf32, #tpu.memory_space<vmem>>[vector<16xi32>, vector<16xi32>, vector<16xi32>], vector<16xf32>,
      %add3A_681 = arith.constant 5 : i32
      %add3A_682 = vector.broadcast %add3A_681 : i32 to vector<16xi32>
      %add3A_683 = arith.addi %broadcast_in_dim3A_55, %add3A_682 : vector<16xi32>
      %slice3A_684 = vector.extract_strided_slice %and3A_555 {offsets = [5], sizes = [1], strides = [1]} : vector<16xi32> to vector<1xi32>
      %squeeze3A_685 = vector.extract %slice3A_684[0] : i32 from vector<1xi32>
      %add3A_686 = vector.broadcast %squeeze3A_685 : i32 to vector<16xi32>
      %add3A_687 = arith.addi %broadcast_in_dim3A_55, %add3A_686 : vector<16xi32>
      %gather3A_688 = tpu.vector_load_idx %arg12[%add3A_683, %iota3A, %add3A_687] : memref<8x16x128xf32, #tpu.memory_space<vmem>>[vector<16xi32>, vector<16xi32>, vector<16xi32>], vector<16xf32>,
      %mul3A_689 = arith.mulf %gather3A_680, %gather3A_688 : vector<16xf32>
      %mul3A_690 = arith.mulf %mul3A_689, %get3A_3 : vector<16xf32>
      %reduce_sum3A_691 = arith.constant true
      %reduce_sum3A_692 = vector.broadcast %reduce_sum3A_691 : i1 to vector<16xi1>
      %reduce_sum3A_693 = tpu.scan <sum>, %mul3A_690 masked %reduce_sum3A_692 : vector<16xf32>, vector<16xi1> -> vector<16xf32>
      %reduce_sum3A_694 = vector.extract %reduce_sum3A_693[15] : f32 from vector<16xf32>
      %broadcast_in_dim3A_695 = vector.broadcast %reduce_sum3A_694 : f32 to vector<16xf32>
      %select_n3A_696 = arith.select %eq3A_22, %broadcast_in_dim3A_695, %select_n3A_672 : vector<16xi1>, vector<16xf32>
      %add3A_697 = arith.constant 6 : i32
      %add3A_698 = vector.broadcast %add3A_697 : i32 to vector<16xi32>
      %add3A_699 = arith.addi %broadcast_in_dim3A_55, %add3A_698 : vector<16xi32>
      %slice3A_700 = vector.extract_strided_slice %and3A_552 {offsets = [6], sizes = [1], strides = [1]} : vector<16xi32> to vector<1xi32>
      %squeeze3A_701 = vector.extract %slice3A_700[0] : i32 from vector<1xi32>
      %add3A_702 = vector.broadcast %squeeze3A_701 : i32 to vector<16xi32>
      %add3A_703 = arith.addi %broadcast_in_dim3A_55, %add3A_702 : vector<16xi32>
      %gather3A_704 = tpu.vector_load_idx %arg11[%add3A_699, %iota3A, %add3A_703] : memref<8x16x128xf32, #tpu.memory_space<vmem>>[vector<16xi32>, vector<16xi32>, vector<16xi32>], vector<16xf32>,
      %add3A_705 = arith.constant 6 : i32
      %add3A_706 = vector.broadcast %add3A_705 : i32 to vector<16xi32>
      %add3A_707 = arith.addi %broadcast_in_dim3A_55, %add3A_706 : vector<16xi32>
      %slice3A_708 = vector.extract_strided_slice %and3A_555 {offsets = [6], sizes = [1], strides = [1]} : vector<16xi32> to vector<1xi32>
      %squeeze3A_709 = vector.extract %slice3A_708[0] : i32 from vector<1xi32>
      %add3A_710 = vector.broadcast %squeeze3A_709 : i32 to vector<16xi32>
      %add3A_711 = arith.addi %broadcast_in_dim3A_55, %add3A_710 : vector<16xi32>
      %gather3A_712 = tpu.vector_load_idx %arg12[%add3A_707, %iota3A, %add3A_711] : memref<8x16x128xf32, #tpu.memory_space<vmem>>[vector<16xi32>, vector<16xi32>, vector<16xi32>], vector<16xf32>,
      %mul3A_713 = arith.mulf %gather3A_704, %gather3A_712 : vector<16xf32>
      %mul3A_714 = arith.mulf %mul3A_713, %get3A_3 : vector<16xf32>
      %reduce_sum3A_715 = arith.constant true
      %reduce_sum3A_716 = vector.broadcast %reduce_sum3A_715 : i1 to vector<16xi1>
      %reduce_sum3A_717 = tpu.scan <sum>, %mul3A_714 masked %reduce_sum3A_716 : vector<16xf32>, vector<16xi1> -> vector<16xf32>
      %reduce_sum3A_718 = vector.extract %reduce_sum3A_717[15] : f32 from vector<16xf32>
      %broadcast_in_dim3A_719 = vector.broadcast %reduce_sum3A_718 : f32 to vector<16xf32>
      %select_n3A_720 = arith.select %eq3A_25, %broadcast_in_dim3A_719, %select_n3A_696 : vector<16xi1>, vector<16xf32>
      %add3A_721 = arith.constant 7 : i32
      %add3A_722 = vector.broadcast %add3A_721 : i32 to vector<16xi32>
      %add3A_723 = arith.addi %broadcast_in_dim3A_55, %add3A_722 : vector<16xi32>
      %slice3A_724 = vector.extract_strided_slice %and3A_552 {offsets = [7], sizes = [1], strides = [1]} : vector<16xi32> to vector<1xi32>
      %squeeze3A_725 = vector.extract %slice3A_724[0] : i32 from vector<1xi32>
      %add3A_726 = vector.broadcast %squeeze3A_725 : i32 to vector<16xi32>
      %add3A_727 = arith.addi %broadcast_in_dim3A_55, %add3A_726 : vector<16xi32>
      %gather3A_728 = tpu.vector_load_idx %arg11[%add3A_723, %iota3A, %add3A_727] : memref<8x16x128xf32, #tpu.memory_space<vmem>>[vector<16xi32>, vector<16xi32>, vector<16xi32>], vector<16xf32>,
      %add3A_729 = arith.constant 7 : i32
      %add3A_730 = vector.broadcast %add3A_729 : i32 to vector<16xi32>
      %add3A_731 = arith.addi %broadcast_in_dim3A_55, %add3A_730 : vector<16xi32>
      %slice3A_732 = vector.extract_strided_slice %and3A_555 {offsets = [7], sizes = [1], strides = [1]} : vector<16xi32> to vector<1xi32>
      %squeeze3A_733 = vector.extract %slice3A_732[0] : i32 from vector<1xi32>
      %add3A_734 = vector.broadcast %squeeze3A_733 : i32 to vector<16xi32>
      %add3A_735 = arith.addi %broadcast_in_dim3A_55, %add3A_734 : vector<16xi32>
      %gather3A_736 = tpu.vector_load_idx %arg12[%add3A_731, %iota3A, %add3A_735] : memref<8x16x128xf32, #tpu.memory_space<vmem>>[vector<16xi32>, vector<16xi32>, vector<16xi32>], vector<16xf32>,
      %mul3A_737 = arith.mulf %gather3A_728, %gather3A_736 : vector<16xf32>
      %mul3A_738 = arith.mulf %mul3A_737, %get3A_3 : vector<16xf32>
      %reduce_sum3A_739 = arith.constant true
      %reduce_sum3A_740 = vector.broadcast %reduce_sum3A_739 : i1 to vector<16xi1>
      %reduce_sum3A_741 = tpu.scan <sum>, %mul3A_738 masked %reduce_sum3A_740 : vector<16xf32>, vector<16xi1> -> vector<16xf32>
      %reduce_sum3A_742 = vector.extract %reduce_sum3A_741[15] : f32 from vector<16xf32>
      %broadcast_in_dim3A_743 = vector.broadcast %reduce_sum3A_742 : f32 to vector<16xf32>
      %select_n3A_744 = arith.select %eq3A_28, %broadcast_in_dim3A_743, %select_n3A_720 : vector<16xi1>, vector<16xf32>
      %lt3A = arith.constant 31 : i32
      %lt3A_745 = arith.cmpi slt, %scan3A_231, %lt3A : i32
      %convert_element_type3A = arith.extui %lt3A_745 : i1 to i32
      %cond3A = arith.constant 0 : i32
      %cond3A_746 = arith.cmpi ne, %convert_element_type3A, %cond3A : i32
      scf.if %cond3A_746 {
        %add3A_1094 = arith.constant 2 : i32
        %add3A_1095 = arith.addi %mul3A_233, %add3A_1094 : i32
        %mul3A_1096 = arith.constant 8 : i32
        %mul3A_1097 = arith.muli %add3A_1095, %mul3A_1096 : i32
        %get3A_1098 = arith.index_cast %mul3A_1097 : i32 to index
        %get3A_1099 = tpu.vector_load %arg9[%get3A_1098] {strides = array<i32>} : memref<528xi32, #tpu.memory_space<vmem>>, vector<16xi32>,
        %mul3A_1100 = arith.constant 8 : i32
        %mul3A_1101 = arith.muli %add3A_1095, %mul3A_1100 : i32
        %get3A_1102 = arith.index_cast %mul3A_1101 : i32 to index
        %get3A_1103 = tpu.vector_load %arg10[%get3A_1102] {strides = array<i32>} : memref<528xi32, #tpu.memory_space<vmem>>, vector<16xi32>,
        %shift_right_arithmetic3A_1104 = arith.constant 7 : i32
        %shift_right_arithmetic3A_1105 = vector.broadcast %shift_right_arithmetic3A_1104 : i32 to vector<16xi32>
        %shift_right_arithmetic3A_1106 = arith.shrsi %get3A_1099, %shift_right_arithmetic3A_1105 : vector<16xi32>
        %shift_left3A_1107 = arith.constant 7 : i32
        %shift_left3A_1108 = vector.broadcast %shift_left3A_1107 : i32 to vector<16xi32>
        %shift_left3A_1109 = arith.shli %shift_right_arithmetic3A_1106, %shift_left3A_1108 : vector<16xi32>
        %shift_right_arithmetic3A_1110 = arith.constant 7 : i32
        %shift_right_arithmetic3A_1111 = vector.broadcast %shift_right_arithmetic3A_1110 : i32 to vector<16xi32>
        %shift_right_arithmetic3A_1112 = arith.shrsi %get3A_1103, %shift_right_arithmetic3A_1111 : vector<16xi32>
        %shift_left3A_1113 = arith.constant 7 : i32
        %shift_left3A_1114 = vector.broadcast %shift_left3A_1113 : i32 to vector<16xi32>
        %shift_left3A_1115 = arith.shli %shift_right_arithmetic3A_1112, %shift_left3A_1114 : vector<16xi32>
        %slice3A_1116 = vector.extract_strided_slice %shift_left3A_1109 {offsets = [0], sizes = [1], strides = [1]} : vector<16xi32> to vector<1xi32>
        %squeeze3A_1117 = vector.extract %slice3A_1116[0] : i32 from vector<1xi32>
        %multiple_of3A_1118 = tpu.assume_multiple %squeeze3A_1117, 128 : i32
        %slice3A_1119 = vector.extract_strided_slice %shift_left3A_1115 {offsets = [0], sizes = [1], strides = [1]} : vector<16xi32> to vector<1xi32>
        %squeeze3A_1120 = vector.extract %slice3A_1119[0] : i32 from vector<1xi32>
        %multiple_of3A_1121 = tpu.assume_multiple %squeeze3A_1120, 128 : i32
        %dma_start3A_1122 = arith.constant 0 : i32
        %dma_start3A_1123 = arith.constant 0 : i32
        %dma_start3A_1124 = arith.constant 0 : i32
        %dma_start3A_1125 = tpu.memref_slice %arg11[%dma_start3A_1122, %dma_start3A_1123, %dma_start3A_1124] : memref<8x16x128xf32, #tpu.memory_space<vmem>> -> memref<1x16x128xf32, #tpu.memory_space<vmem>>
        %dma_start3A_1126 = tpu.memref_squeeze %dma_start3A_1125 : memref<1x16x128xf32, #tpu.memory_space<vmem>> -> memref<16x128xf32, #tpu.memory_space<vmem>>
        %dma_start3A_1127 = arith.constant 0 : i32
        %dma_start3A_1128 = tpu.memref_slice %arg4[%dma_start3A_1127, %multiple_of3A_1118] : memref<16x1000000xf32, #tpu.memory_space<hbm>> -> memref<16x128xf32, #tpu.memory_space<hbm>>
        tpu.enqueue_indirect_dma source(%dma_start3A_1128 : memref<16x128xf32, #tpu.memory_space<hbm>>) target(%dma_start3A_1126 : memref<16x128xf32, #tpu.memory_space<vmem>>) offsets(%iota3A : vector<16xi32>) semaphore(%arg18 : memref<!tpu.dma_semaphore, #tpu.memory_space<semaphore_mem>>)
        %dma_start3A_1129 = arith.constant 0 : i32
        %dma_start3A_1130 = arith.constant 0 : i32
        %dma_start3A_1131 = arith.constant 0 : i32
        %dma_start3A_1132 = tpu.memref_slice %arg12[%dma_start3A_1129, %dma_start3A_1130, %dma_start3A_1131] : memref<8x16x128xf32, #tpu.memory_space<vmem>> -> memref<1x16x128xf32, #tpu.memory_space<vmem>>
        %dma_start3A_1133 = tpu.memref_squeeze %dma_start3A_1132 : memref<1x16x128xf32, #tpu.memory_space<vmem>> -> memref<16x128xf32, #tpu.memory_space<vmem>>
        %dma_start3A_1134 = arith.constant 0 : i32
        %dma_start3A_1135 = tpu.memref_slice %arg5[%dma_start3A_1134, %multiple_of3A_1121] : memref<16x1000000xf32, #tpu.memory_space<hbm>> -> memref<16x128xf32, #tpu.memory_space<hbm>>
        tpu.enqueue_indirect_dma source(%dma_start3A_1135 : memref<16x128xf32, #tpu.memory_space<hbm>>) target(%dma_start3A_1133 : memref<16x128xf32, #tpu.memory_space<vmem>>) offsets(%iota3A : vector<16xi32>) semaphore(%arg18 : memref<!tpu.dma_semaphore, #tpu.memory_space<semaphore_mem>>)
        %slice3A_1136 = vector.extract_strided_slice %shift_left3A_1109 {offsets = [1], sizes = [1], strides = [1]} : vector<16xi32> to vector<1xi32>
        %squeeze3A_1137 = vector.extract %slice3A_1136[0] : i32 from vector<1xi32>
        %multiple_of3A_1138 = tpu.assume_multiple %squeeze3A_1137, 128 : i32
        %slice3A_1139 = vector.extract_strided_slice %shift_left3A_1115 {offsets = [1], sizes = [1], strides = [1]} : vector<16xi32> to vector<1xi32>
        %squeeze3A_1140 = vector.extract %slice3A_1139[0] : i32 from vector<1xi32>
        %multiple_of3A_1141 = tpu.assume_multiple %squeeze3A_1140, 128 : i32
        %dma_start3A_1142 = arith.constant 1 : i32
        %dma_start3A_1143 = arith.constant 0 : i32
        %dma_start3A_1144 = arith.constant 0 : i32
        %dma_start3A_1145 = tpu.memref_slice %arg11[%dma_start3A_1142, %dma_start3A_1143, %dma_start3A_1144] : memref<8x16x128xf32, #tpu.memory_space<vmem>> -> memref<1x16x128xf32, #tpu.memory_space<vmem>>
        %dma_start3A_1146 = tpu.memref_squeeze %dma_start3A_1145 : memref<1x16x128xf32, #tpu.memory_space<vmem>> -> memref<16x128xf32, #tpu.memory_space<vmem>>
        %dma_start3A_1147 = arith.constant 0 : i32
        %dma_start3A_1148 = tpu.memref_slice %arg4[%dma_start3A_1147, %multiple_of3A_1138] : memref<16x1000000xf32, #tpu.memory_space<hbm>> -> memref<16x128xf32, #tpu.memory_space<hbm>>
        tpu.enqueue_indirect_dma source(%dma_start3A_1148 : memref<16x128xf32, #tpu.memory_space<hbm>>) target(%dma_start3A_1146 : memref<16x128xf32, #tpu.memory_space<vmem>>) offsets(%iota3A : vector<16xi32>) semaphore(%arg18 : memref<!tpu.dma_semaphore, #tpu.memory_space<semaphore_mem>>)
        %dma_start3A_1149 = arith.constant 1 : i32
        %dma_start3A_1150 = arith.constant 0 : i32
        %dma_start3A_1151 = arith.constant 0 : i32
        %dma_start3A_1152 = tpu.memref_slice %arg12[%dma_start3A_1149, %dma_start3A_1150, %dma_start3A_1151] : memref<8x16x128xf32, #tpu.memory_space<vmem>> -> memref<1x16x128xf32, #tpu.memory_space<vmem>>
        %dma_start3A_1153 = tpu.memref_squeeze %dma_start3A_1152 : memref<1x16x128xf32, #tpu.memory_space<vmem>> -> memref<16x128xf32, #tpu.memory_space<vmem>>
        %dma_start3A_1154 = arith.constant 0 : i32
        %dma_start3A_1155 = tpu.memref_slice %arg5[%dma_start3A_1154, %multiple_of3A_1141] : memref<16x1000000xf32, #tpu.memory_space<hbm>> -> memref<16x128xf32, #tpu.memory_space<hbm>>
        tpu.enqueue_indirect_dma source(%dma_start3A_1155 : memref<16x128xf32, #tpu.memory_space<hbm>>) target(%dma_start3A_1153 : memref<16x128xf32, #tpu.memory_space<vmem>>) offsets(%iota3A : vector<16xi32>) semaphore(%arg18 : memref<!tpu.dma_semaphore, #tpu.memory_space<semaphore_mem>>)
        %slice3A_1156 = vector.extract_strided_slice %shift_left3A_1109 {offsets = [2], sizes = [1], strides = [1]} : vector<16xi32> to vector<1xi32>
        %squeeze3A_1157 = vector.extract %slice3A_1156[0] : i32 from vector<1xi32>
        %multiple_of3A_1158 = tpu.assume_multiple %squeeze3A_1157, 128 : i32
        %slice3A_1159 = vector.extract_strided_slice %shift_left3A_1115 {offsets = [2], sizes = [1], strides = [1]} : vector<16xi32> to vector<1xi32>
        %squeeze3A_1160 = vector.extract %slice3A_1159[0] : i32 from vector<1xi32>
        %multiple_of3A_1161 = tpu.assume_multiple %squeeze3A_1160, 128 : i32
        %dma_start3A_1162 = arith.constant 2 : i32
        %dma_start3A_1163 = arith.constant 0 : i32
        %dma_start3A_1164 = arith.constant 0 : i32
        %dma_start3A_1165 = tpu.memref_slice %arg11[%dma_start3A_1162, %dma_start3A_1163, %dma_start3A_1164] : memref<8x16x128xf32, #tpu.memory_space<vmem>> -> memref<1x16x128xf32, #tpu.memory_space<vmem>>
        %dma_start3A_1166 = tpu.memref_squeeze %dma_start3A_1165 : memref<1x16x128xf32, #tpu.memory_space<vmem>> -> memref<16x128xf32, #tpu.memory_space<vmem>>
        %dma_start3A_1167 = arith.constant 0 : i32
        %dma_start3A_1168 = tpu.memref_slice %arg4[%dma_start3A_1167, %multiple_of3A_1158] : memref<16x1000000xf32, #tpu.memory_space<hbm>> -> memref<16x128xf32, #tpu.memory_space<hbm>>
        tpu.enqueue_indirect_dma source(%dma_start3A_1168 : memref<16x128xf32, #tpu.memory_space<hbm>>) target(%dma_start3A_1166 : memref<16x128xf32, #tpu.memory_space<vmem>>) offsets(%iota3A : vector<16xi32>) semaphore(%arg18 : memref<!tpu.dma_semaphore, #tpu.memory_space<semaphore_mem>>)
        %dma_start3A_1169 = arith.constant 2 : i32
        %dma_start3A_1170 = arith.constant 0 : i32
        %dma_start3A_1171 = arith.constant 0 : i32
        %dma_start3A_1172 = tpu.memref_slice %arg12[%dma_start3A_1169, %dma_start3A_1170, %dma_start3A_1171] : memref<8x16x128xf32, #tpu.memory_space<vmem>> -> memref<1x16x128xf32, #tpu.memory_space<vmem>>
        %dma_start3A_1173 = tpu.memref_squeeze %dma_start3A_1172 : memref<1x16x128xf32, #tpu.memory_space<vmem>> -> memref<16x128xf32, #tpu.memory_space<vmem>>
        %dma_start3A_1174 = arith.constant 0 : i32
        %dma_start3A_1175 = tpu.memref_slice %arg5[%dma_start3A_1174, %multiple_of3A_1161] : memref<16x1000000xf32, #tpu.memory_space<hbm>> -> memref<16x128xf32, #tpu.memory_space<hbm>>
        tpu.enqueue_indirect_dma source(%dma_start3A_1175 : memref<16x128xf32, #tpu.memory_space<hbm>>) target(%dma_start3A_1173 : memref<16x128xf32, #tpu.memory_space<vmem>>) offsets(%iota3A : vector<16xi32>) semaphore(%arg18 : memref<!tpu.dma_semaphore, #tpu.memory_space<semaphore_mem>>)
        %slice3A_1176 = vector.extract_strided_slice %shift_left3A_1109 {offsets = [3], sizes = [1], strides = [1]} : vector<16xi32> to vector<1xi32>
        %squeeze3A_1177 = vector.extract %slice3A_1176[0] : i32 from vector<1xi32>
        %multiple_of3A_1178 = tpu.assume_multiple %squeeze3A_1177, 128 : i32
        %slice3A_1179 = vector.extract_strided_slice %shift_left3A_1115 {offsets = [3], sizes = [1], strides = [1]} : vector<16xi32> to vector<1xi32>
        %squeeze3A_1180 = vector.extract %slice3A_1179[0] : i32 from vector<1xi32>
        %multiple_of3A_1181 = tpu.assume_multiple %squeeze3A_1180, 128 : i32
        %dma_start3A_1182 = arith.constant 3 : i32
        %dma_start3A_1183 = arith.constant 0 : i32
        %dma_start3A_1184 = arith.constant 0 : i32
        %dma_start3A_1185 = tpu.memref_slice %arg11[%dma_start3A_1182, %dma_start3A_1183, %dma_start3A_1184] : memref<8x16x128xf32, #tpu.memory_space<vmem>> -> memref<1x16x128xf32, #tpu.memory_space<vmem>>
        %dma_start3A_1186 = tpu.memref_squeeze %dma_start3A_1185 : memref<1x16x128xf32, #tpu.memory_space<vmem>> -> memref<16x128xf32, #tpu.memory_space<vmem>>
        %dma_start3A_1187 = arith.constant 0 : i32
        %dma_start3A_1188 = tpu.memref_slice %arg4[%dma_start3A_1187, %multiple_of3A_1178] : memref<16x1000000xf32, #tpu.memory_space<hbm>> -> memref<16x128xf32, #tpu.memory_space<hbm>>
        tpu.enqueue_indirect_dma source(%dma_start3A_1188 : memref<16x128xf32, #tpu.memory_space<hbm>>) target(%dma_start3A_1186 : memref<16x128xf32, #tpu.memory_space<vmem>>) offsets(%iota3A : vector<16xi32>) semaphore(%arg18 : memref<!tpu.dma_semaphore, #tpu.memory_space<semaphore_mem>>)
        %dma_start3A_1189 = arith.constant 3 : i32
        %dma_start3A_1190 = arith.constant 0 : i32
        %dma_start3A_1191 = arith.constant 0 : i32
        %dma_start3A_1192 = tpu.memref_slice %arg12[%dma_start3A_1189, %dma_start3A_1190, %dma_start3A_1191] : memref<8x16x128xf32, #tpu.memory_space<vmem>> -> memref<1x16x128xf32, #tpu.memory_space<vmem>>
        %dma_start3A_1193 = tpu.memref_squeeze %dma_start3A_1192 : memref<1x16x128xf32, #tpu.memory_space<vmem>> -> memref<16x128xf32, #tpu.memory_space<vmem>>
        %dma_start3A_1194 = arith.constant 0 : i32
        %dma_start3A_1195 = tpu.memref_slice %arg5[%dma_start3A_1194, %multiple_of3A_1181] : memref<16x1000000xf32, #tpu.memory_space<hbm>> -> memref<16x128xf32, #tpu.memory_space<hbm>>
        tpu.enqueue_indirect_dma source(%dma_start3A_1195 : memref<16x128xf32, #tpu.memory_space<hbm>>) target(%dma_start3A_1193 : memref<16x128xf32, #tpu.memory_space<vmem>>) offsets(%iota3A : vector<16xi32>) semaphore(%arg18 : memref<!tpu.dma_semaphore, #tpu.memory_space<semaphore_mem>>)
        %slice3A_1196 = vector.extract_strided_slice %shift_left3A_1109 {offsets = [4], sizes = [1], strides = [1]} : vector<16xi32> to vector<1xi32>
        %squeeze3A_1197 = vector.extract %slice3A_1196[0] : i32 from vector<1xi32>
        %multiple_of3A_1198 = tpu.assume_multiple %squeeze3A_1197, 128 : i32
        %slice3A_1199 = vector.extract_strided_slice %shift_left3A_1115 {offsets = [4], sizes = [1], strides = [1]} : vector<16xi32> to vector<1xi32>
        %squeeze3A_1200 = vector.extract %slice3A_1199[0] : i32 from vector<1xi32>
        %multiple_of3A_1201 = tpu.assume_multiple %squeeze3A_1200, 128 : i32
        %dma_start3A_1202 = arith.constant 4 : i32
        %dma_start3A_1203 = arith.constant 0 : i32
        %dma_start3A_1204 = arith.constant 0 : i32
        %dma_start3A_1205 = tpu.memref_slice %arg11[%dma_start3A_1202, %dma_start3A_1203, %dma_start3A_1204] : memref<8x16x128xf32, #tpu.memory_space<vmem>> -> memref<1x16x128xf32, #tpu.memory_space<vmem>>
        %dma_start3A_1206 = tpu.memref_squeeze %dma_start3A_1205 : memref<1x16x128xf32, #tpu.memory_space<vmem>> -> memref<16x128xf32, #tpu.memory_space<vmem>>
        %dma_start3A_1207 = arith.constant 0 : i32
        %dma_start3A_1208 = tpu.memref_slice %arg4[%dma_start3A_1207, %multiple_of3A_1198] : memref<16x1000000xf32, #tpu.memory_space<hbm>> -> memref<16x128xf32, #tpu.memory_space<hbm>>
        tpu.enqueue_indirect_dma source(%dma_start3A_1208 : memref<16x128xf32, #tpu.memory_space<hbm>>) target(%dma_start3A_1206 : memref<16x128xf32, #tpu.memory_space<vmem>>) offsets(%iota3A : vector<16xi32>) semaphore(%arg18 : memref<!tpu.dma_semaphore, #tpu.memory_space<semaphore_mem>>)
        %dma_start3A_1209 = arith.constant 4 : i32
        %dma_start3A_1210 = arith.constant 0 : i32
        %dma_start3A_1211 = arith.constant 0 : i32
        %dma_start3A_1212 = tpu.memref_slice %arg12[%dma_start3A_1209, %dma_start3A_1210, %dma_start3A_1211] : memref<8x16x128xf32, #tpu.memory_space<vmem>> -> memref<1x16x128xf32, #tpu.memory_space<vmem>>
        %dma_start3A_1213 = tpu.memref_squeeze %dma_start3A_1212 : memref<1x16x128xf32, #tpu.memory_space<vmem>> -> memref<16x128xf32, #tpu.memory_space<vmem>>
        %dma_start3A_1214 = arith.constant 0 : i32
        %dma_start3A_1215 = tpu.memref_slice %arg5[%dma_start3A_1214, %multiple_of3A_1201] : memref<16x1000000xf32, #tpu.memory_space<hbm>> -> memref<16x128xf32, #tpu.memory_space<hbm>>
        tpu.enqueue_indirect_dma source(%dma_start3A_1215 : memref<16x128xf32, #tpu.memory_space<hbm>>) target(%dma_start3A_1213 : memref<16x128xf32, #tpu.memory_space<vmem>>) offsets(%iota3A : vector<16xi32>) semaphore(%arg18 : memref<!tpu.dma_semaphore, #tpu.memory_space<semaphore_mem>>)
        %slice3A_1216 = vector.extract_strided_slice %shift_left3A_1109 {offsets = [5], sizes = [1], strides = [1]} : vector<16xi32> to vector<1xi32>
        %squeeze3A_1217 = vector.extract %slice3A_1216[0] : i32 from vector<1xi32>
        %multiple_of3A_1218 = tpu.assume_multiple %squeeze3A_1217, 128 : i32
        %slice3A_1219 = vector.extract_strided_slice %shift_left3A_1115 {offsets = [5], sizes = [1], strides = [1]} : vector<16xi32> to vector<1xi32>
        %squeeze3A_1220 = vector.extract %slice3A_1219[0] : i32 from vector<1xi32>
        %multiple_of3A_1221 = tpu.assume_multiple %squeeze3A_1220, 128 : i32
        %dma_start3A_1222 = arith.constant 5 : i32
        %dma_start3A_1223 = arith.constant 0 : i32
        %dma_start3A_1224 = arith.constant 0 : i32
        %dma_start3A_1225 = tpu.memref_slice %arg11[%dma_start3A_1222, %dma_start3A_1223, %dma_start3A_1224] : memref<8x16x128xf32, #tpu.memory_space<vmem>> -> memref<1x16x128xf32, #tpu.memory_space<vmem>>
        %dma_start3A_1226 = tpu.memref_squeeze %dma_start3A_1225 : memref<1x16x128xf32, #tpu.memory_space<vmem>> -> memref<16x128xf32, #tpu.memory_space<vmem>>
        %dma_start3A_1227 = arith.constant 0 : i32
        %dma_start3A_1228 = tpu.memref_slice %arg4[%dma_start3A_1227, %multiple_of3A_1218] : memref<16x1000000xf32, #tpu.memory_space<hbm>> -> memref<16x128xf32, #tpu.memory_space<hbm>>
        tpu.enqueue_indirect_dma source(%dma_start3A_1228 : memref<16x128xf32, #tpu.memory_space<hbm>>) target(%dma_start3A_1226 : memref<16x128xf32, #tpu.memory_space<vmem>>) offsets(%iota3A : vector<16xi32>) semaphore(%arg18 : memref<!tpu.dma_semaphore, #tpu.memory_space<semaphore_mem>>)
        %dma_start3A_1229 = arith.constant 5 : i32
        %dma_start3A_1230 = arith.constant 0 : i32
        %dma_start3A_1231 = arith.constant 0 : i32
        %dma_start3A_1232 = tpu.memref_slice %arg12[%dma_start3A_1229, %dma_start3A_1230, %dma_start3A_1231] : memref<8x16x128xf32, #tpu.memory_space<vmem>> -> memref<1x16x128xf32, #tpu.memory_space<vmem>>
        %dma_start3A_1233 = tpu.memref_squeeze %dma_start3A_1232 : memref<1x16x128xf32, #tpu.memory_space<vmem>> -> memref<16x128xf32, #tpu.memory_space<vmem>>
        %dma_start3A_1234 = arith.constant 0 : i32
        %dma_start3A_1235 = tpu.memref_slice %arg5[%dma_start3A_1234, %multiple_of3A_1221] : memref<16x1000000xf32, #tpu.memory_space<hbm>> -> memref<16x128xf32, #tpu.memory_space<hbm>>
        tpu.enqueue_indirect_dma source(%dma_start3A_1235 : memref<16x128xf32, #tpu.memory_space<hbm>>) target(%dma_start3A_1233 : memref<16x128xf32, #tpu.memory_space<vmem>>) offsets(%iota3A : vector<16xi32>) semaphore(%arg18 : memref<!tpu.dma_semaphore, #tpu.memory_space<semaphore_mem>>)
        %slice3A_1236 = vector.extract_strided_slice %shift_left3A_1109 {offsets = [6], sizes = [1], strides = [1]} : vector<16xi32> to vector<1xi32>
        %squeeze3A_1237 = vector.extract %slice3A_1236[0] : i32 from vector<1xi32>
        %multiple_of3A_1238 = tpu.assume_multiple %squeeze3A_1237, 128 : i32
        %slice3A_1239 = vector.extract_strided_slice %shift_left3A_1115 {offsets = [6], sizes = [1], strides = [1]} : vector<16xi32> to vector<1xi32>
        %squeeze3A_1240 = vector.extract %slice3A_1239[0] : i32 from vector<1xi32>
        %multiple_of3A_1241 = tpu.assume_multiple %squeeze3A_1240, 128 : i32
        %dma_start3A_1242 = arith.constant 6 : i32
        %dma_start3A_1243 = arith.constant 0 : i32
        %dma_start3A_1244 = arith.constant 0 : i32
        %dma_start3A_1245 = tpu.memref_slice %arg11[%dma_start3A_1242, %dma_start3A_1243, %dma_start3A_1244] : memref<8x16x128xf32, #tpu.memory_space<vmem>> -> memref<1x16x128xf32, #tpu.memory_space<vmem>>
        %dma_start3A_1246 = tpu.memref_squeeze %dma_start3A_1245 : memref<1x16x128xf32, #tpu.memory_space<vmem>> -> memref<16x128xf32, #tpu.memory_space<vmem>>
        %dma_start3A_1247 = arith.constant 0 : i32
        %dma_start3A_1248 = tpu.memref_slice %arg4[%dma_start3A_1247, %multiple_of3A_1238] : memref<16x1000000xf32, #tpu.memory_space<hbm>> -> memref<16x128xf32, #tpu.memory_space<hbm>>
        tpu.enqueue_indirect_dma source(%dma_start3A_1248 : memref<16x128xf32, #tpu.memory_space<hbm>>) target(%dma_start3A_1246 : memref<16x128xf32, #tpu.memory_space<vmem>>) offsets(%iota3A : vector<16xi32>) semaphore(%arg18 : memref<!tpu.dma_semaphore, #tpu.memory_space<semaphore_mem>>)
        %dma_start3A_1249 = arith.constant 6 : i32
        %dma_start3A_1250 = arith.constant 0 : i32
        %dma_start3A_1251 = arith.constant 0 : i32
        %dma_start3A_1252 = tpu.memref_slice %arg12[%dma_start3A_1249, %dma_start3A_1250, %dma_start3A_1251] : memref<8x16x128xf32, #tpu.memory_space<vmem>> -> memref<1x16x128xf32, #tpu.memory_space<vmem>>
        %dma_start3A_1253 = tpu.memref_squeeze %dma_start3A_1252 : memref<1x16x128xf32, #tpu.memory_space<vmem>> -> memref<16x128xf32, #tpu.memory_space<vmem>>
        %dma_start3A_1254 = arith.constant 0 : i32
        %dma_start3A_1255 = tpu.memref_slice %arg5[%dma_start3A_1254, %multiple_of3A_1241] : memref<16x1000000xf32, #tpu.memory_space<hbm>> -> memref<16x128xf32, #tpu.memory_space<hbm>>
        tpu.enqueue_indirect_dma source(%dma_start3A_1255 : memref<16x128xf32, #tpu.memory_space<hbm>>) target(%dma_start3A_1253 : memref<16x128xf32, #tpu.memory_space<vmem>>) offsets(%iota3A : vector<16xi32>) semaphore(%arg18 : memref<!tpu.dma_semaphore, #tpu.memory_space<semaphore_mem>>)
        %slice3A_1256 = vector.extract_strided_slice %shift_left3A_1109 {offsets = [7], sizes = [1], strides = [1]} : vector<16xi32> to vector<1xi32>
        %squeeze3A_1257 = vector.extract %slice3A_1256[0] : i32 from vector<1xi32>
        %multiple_of3A_1258 = tpu.assume_multiple %squeeze3A_1257, 128 : i32
        %slice3A_1259 = vector.extract_strided_slice %shift_left3A_1115 {offsets = [7], sizes = [1], strides = [1]} : vector<16xi32> to vector<1xi32>
        %squeeze3A_1260 = vector.extract %slice3A_1259[0] : i32 from vector<1xi32>
        %multiple_of3A_1261 = tpu.assume_multiple %squeeze3A_1260, 128 : i32
        %dma_start3A_1262 = arith.constant 7 : i32
        %dma_start3A_1263 = arith.constant 0 : i32
        %dma_start3A_1264 = arith.constant 0 : i32
        %dma_start3A_1265 = tpu.memref_slice %arg11[%dma_start3A_1262, %dma_start3A_1263, %dma_start3A_1264] : memref<8x16x128xf32, #tpu.memory_space<vmem>> -> memref<1x16x128xf32, #tpu.memory_space<vmem>>
        %dma_start3A_1266 = tpu.memref_squeeze %dma_start3A_1265 : memref<1x16x128xf32, #tpu.memory_space<vmem>> -> memref<16x128xf32, #tpu.memory_space<vmem>>
        %dma_start3A_1267 = arith.constant 0 : i32
        %dma_start3A_1268 = tpu.memref_slice %arg4[%dma_start3A_1267, %multiple_of3A_1258] : memref<16x1000000xf32, #tpu.memory_space<hbm>> -> memref<16x128xf32, #tpu.memory_space<hbm>>
        tpu.enqueue_indirect_dma source(%dma_start3A_1268 : memref<16x128xf32, #tpu.memory_space<hbm>>) target(%dma_start3A_1266 : memref<16x128xf32, #tpu.memory_space<vmem>>) offsets(%iota3A : vector<16xi32>) semaphore(%arg18 : memref<!tpu.dma_semaphore, #tpu.memory_space<semaphore_mem>>)
        %dma_start3A_1269 = arith.constant 7 : i32
        %dma_start3A_1270 = arith.constant 0 : i32
        %dma_start3A_1271 = arith.constant 0 : i32
        %dma_start3A_1272 = tpu.memref_slice %arg12[%dma_start3A_1269, %dma_start3A_1270, %dma_start3A_1271] : memref<8x16x128xf32, #tpu.memory_space<vmem>> -> memref<1x16x128xf32, #tpu.memory_space<vmem>>
        %dma_start3A_1273 = tpu.memref_squeeze %dma_start3A_1272 : memref<1x16x128xf32, #tpu.memory_space<vmem>> -> memref<16x128xf32, #tpu.memory_space<vmem>>
        %dma_start3A_1274 = arith.constant 0 : i32
        %dma_start3A_1275 = tpu.memref_slice %arg5[%dma_start3A_1274, %multiple_of3A_1261] : memref<16x1000000xf32, #tpu.memory_space<hbm>> -> memref<16x128xf32, #tpu.memory_space<hbm>>
        tpu.enqueue_indirect_dma source(%dma_start3A_1275 : memref<16x128xf32, #tpu.memory_space<hbm>>) target(%dma_start3A_1273 : memref<16x128xf32, #tpu.memory_space<vmem>>) offsets(%iota3A : vector<16xi32>) semaphore(%arg18 : memref<!tpu.dma_semaphore, #tpu.memory_space<semaphore_mem>>)
      } else {
      }
      %dma_wait3A_747 = arith.constant 0 : i32
      %dma_wait3A_748 = arith.constant 0 : i32
      %dma_wait3A_749 = arith.constant 0 : i32
      %dma_wait3A_750 = tpu.memref_slice %arg13[%dma_wait3A_747, %dma_wait3A_748, %dma_wait3A_749] : memref<8x16x128xf32, #tpu.memory_space<vmem>> -> memref<1x16x128xf32, #tpu.memory_space<vmem>>
      %dma_wait3A_751 = tpu.memref_squeeze %dma_wait3A_750 : memref<1x16x128xf32, #tpu.memory_space<vmem>> -> memref<16x128xf32, #tpu.memory_space<vmem>>
      %dma_wait3A_752 = arith.constant 0 : i32
      %dma_wait3A_753 = arith.constant 0 : i32
      %dma_wait3A_754 = tpu.memref_slice %arg4[%dma_wait3A_752, %dma_wait3A_753] : memref<16x1000000xf32, #tpu.memory_space<hbm>> -> memref<16x128xf32, #tpu.memory_space<hbm>>
      tpu.wait_indirect_dma semaphore(%arg19 : memref<!tpu.dma_semaphore, #tpu.memory_space<semaphore_mem>>) src(%dma_wait3A_754 : memref<16x128xf32, #tpu.memory_space<hbm>>) dst(%dma_wait3A_751 : memref<16x128xf32, #tpu.memory_space<vmem>>)
      %dma_wait3A_755 = arith.constant 0 : i32
      %dma_wait3A_756 = arith.constant 0 : i32
      %dma_wait3A_757 = arith.constant 0 : i32
      %dma_wait3A_758 = tpu.memref_slice %arg14[%dma_wait3A_755, %dma_wait3A_756, %dma_wait3A_757] : memref<8x16x128xf32, #tpu.memory_space<vmem>> -> memref<1x16x128xf32, #tpu.memory_space<vmem>>
      %dma_wait3A_759 = tpu.memref_squeeze %dma_wait3A_758 : memref<1x16x128xf32, #tpu.memory_space<vmem>> -> memref<16x128xf32, #tpu.memory_space<vmem>>
      %dma_wait3A_760 = arith.constant 0 : i32
      %dma_wait3A_761 = arith.constant 0 : i32
      %dma_wait3A_762 = tpu.memref_slice %arg5[%dma_wait3A_760, %dma_wait3A_761] : memref<16x1000000xf32, #tpu.memory_space<hbm>> -> memref<16x128xf32, #tpu.memory_space<hbm>>
      tpu.wait_indirect_dma semaphore(%arg19 : memref<!tpu.dma_semaphore, #tpu.memory_space<semaphore_mem>>) src(%dma_wait3A_762 : memref<16x128xf32, #tpu.memory_space<hbm>>) dst(%dma_wait3A_759 : memref<16x128xf32, #tpu.memory_space<vmem>>)
      %dma_wait3A_763 = arith.constant 1 : i32
      %dma_wait3A_764 = arith.constant 0 : i32
      %dma_wait3A_765 = arith.constant 0 : i32
      %dma_wait3A_766 = tpu.memref_slice %arg13[%dma_wait3A_763, %dma_wait3A_764, %dma_wait3A_765] : memref<8x16x128xf32, #tpu.memory_space<vmem>> -> memref<1x16x128xf32, #tpu.memory_space<vmem>>
      %dma_wait3A_767 = tpu.memref_squeeze %dma_wait3A_766 : memref<1x16x128xf32, #tpu.memory_space<vmem>> -> memref<16x128xf32, #tpu.memory_space<vmem>>
      %dma_wait3A_768 = arith.constant 0 : i32
      %dma_wait3A_769 = arith.constant 0 : i32
      %dma_wait3A_770 = tpu.memref_slice %arg4[%dma_wait3A_768, %dma_wait3A_769] : memref<16x1000000xf32, #tpu.memory_space<hbm>> -> memref<16x128xf32, #tpu.memory_space<hbm>>
      tpu.wait_indirect_dma semaphore(%arg19 : memref<!tpu.dma_semaphore, #tpu.memory_space<semaphore_mem>>) src(%dma_wait3A_770 : memref<16x128xf32, #tpu.memory_space<hbm>>) dst(%dma_wait3A_767 : memref<16x128xf32, #tpu.memory_space<vmem>>)
      %dma_wait3A_771 = arith.constant 1 : i32
      %dma_wait3A_772 = arith.constant 0 : i32
      %dma_wait3A_773 = arith.constant 0 : i32
      %dma_wait3A_774 = tpu.memref_slice %arg14[%dma_wait3A_771, %dma_wait3A_772, %dma_wait3A_773] : memref<8x16x128xf32, #tpu.memory_space<vmem>> -> memref<1x16x128xf32, #tpu.memory_space<vmem>>
      %dma_wait3A_775 = tpu.memref_squeeze %dma_wait3A_774 : memref<1x16x128xf32, #tpu.memory_space<vmem>> -> memref<16x128xf32, #tpu.memory_space<vmem>>
      %dma_wait3A_776 = arith.constant 0 : i32
      %dma_wait3A_777 = arith.constant 0 : i32
      %dma_wait3A_778 = tpu.memref_slice %arg5[%dma_wait3A_776, %dma_wait3A_777] : memref<16x1000000xf32, #tpu.memory_space<hbm>> -> memref<16x128xf32, #tpu.memory_space<hbm>>
      tpu.wait_indirect_dma semaphore(%arg19 : memref<!tpu.dma_semaphore, #tpu.memory_space<semaphore_mem>>) src(%dma_wait3A_778 : memref<16x128xf32, #tpu.memory_space<hbm>>) dst(%dma_wait3A_775 : memref<16x128xf32, #tpu.memory_space<vmem>>)
      %dma_wait3A_779 = arith.constant 2 : i32
      %dma_wait3A_780 = arith.constant 0 : i32
      %dma_wait3A_781 = arith.constant 0 : i32
      %dma_wait3A_782 = tpu.memref_slice %arg13[%dma_wait3A_779, %dma_wait3A_780, %dma_wait3A_781] : memref<8x16x128xf32, #tpu.memory_space<vmem>> -> memref<1x16x128xf32, #tpu.memory_space<vmem>>
      %dma_wait3A_783 = tpu.memref_squeeze %dma_wait3A_782 : memref<1x16x128xf32, #tpu.memory_space<vmem>> -> memref<16x128xf32, #tpu.memory_space<vmem>>
      %dma_wait3A_784 = arith.constant 0 : i32
      %dma_wait3A_785 = arith.constant 0 : i32
      %dma_wait3A_786 = tpu.memref_slice %arg4[%dma_wait3A_784, %dma_wait3A_785] : memref<16x1000000xf32, #tpu.memory_space<hbm>> -> memref<16x128xf32, #tpu.memory_space<hbm>>
      tpu.wait_indirect_dma semaphore(%arg19 : memref<!tpu.dma_semaphore, #tpu.memory_space<semaphore_mem>>) src(%dma_wait3A_786 : memref<16x128xf32, #tpu.memory_space<hbm>>) dst(%dma_wait3A_783 : memref<16x128xf32, #tpu.memory_space<vmem>>)
      %dma_wait3A_787 = arith.constant 2 : i32
      %dma_wait3A_788 = arith.constant 0 : i32
      %dma_wait3A_789 = arith.constant 0 : i32
      %dma_wait3A_790 = tpu.memref_slice %arg14[%dma_wait3A_787, %dma_wait3A_788, %dma_wait3A_789] : memref<8x16x128xf32, #tpu.memory_space<vmem>> -> memref<1x16x128xf32, #tpu.memory_space<vmem>>
      %dma_wait3A_791 = tpu.memref_squeeze %dma_wait3A_790 : memref<1x16x128xf32, #tpu.memory_space<vmem>> -> memref<16x128xf32, #tpu.memory_space<vmem>>
      %dma_wait3A_792 = arith.constant 0 : i32
      %dma_wait3A_793 = arith.constant 0 : i32
      %dma_wait3A_794 = tpu.memref_slice %arg5[%dma_wait3A_792, %dma_wait3A_793] : memref<16x1000000xf32, #tpu.memory_space<hbm>> -> memref<16x128xf32, #tpu.memory_space<hbm>>
      tpu.wait_indirect_dma semaphore(%arg19 : memref<!tpu.dma_semaphore, #tpu.memory_space<semaphore_mem>>) src(%dma_wait3A_794 : memref<16x128xf32, #tpu.memory_space<hbm>>) dst(%dma_wait3A_791 : memref<16x128xf32, #tpu.memory_space<vmem>>)
      %dma_wait3A_795 = arith.constant 3 : i32
      %dma_wait3A_796 = arith.constant 0 : i32
      %dma_wait3A_797 = arith.constant 0 : i32
      %dma_wait3A_798 = tpu.memref_slice %arg13[%dma_wait3A_795, %dma_wait3A_796, %dma_wait3A_797] : memref<8x16x128xf32, #tpu.memory_space<vmem>> -> memref<1x16x128xf32, #tpu.memory_space<vmem>>
      %dma_wait3A_799 = tpu.memref_squeeze %dma_wait3A_798 : memref<1x16x128xf32, #tpu.memory_space<vmem>> -> memref<16x128xf32, #tpu.memory_space<vmem>>
      %dma_wait3A_800 = arith.constant 0 : i32
      %dma_wait3A_801 = arith.constant 0 : i32
      %dma_wait3A_802 = tpu.memref_slice %arg4[%dma_wait3A_800, %dma_wait3A_801] : memref<16x1000000xf32, #tpu.memory_space<hbm>> -> memref<16x128xf32, #tpu.memory_space<hbm>>
      tpu.wait_indirect_dma semaphore(%arg19 : memref<!tpu.dma_semaphore, #tpu.memory_space<semaphore_mem>>) src(%dma_wait3A_802 : memref<16x128xf32, #tpu.memory_space<hbm>>) dst(%dma_wait3A_799 : memref<16x128xf32, #tpu.memory_space<vmem>>)
      %dma_wait3A_803 = arith.constant 3 : i32
      %dma_wait3A_804 = arith.constant 0 : i32
      %dma_wait3A_805 = arith.constant 0 : i32
      %dma_wait3A_806 = tpu.memref_slice %arg14[%dma_wait3A_803, %dma_wait3A_804, %dma_wait3A_805] : memref<8x16x128xf32, #tpu.memory_space<vmem>> -> memref<1x16x128xf32, #tpu.memory_space<vmem>>
      %dma_wait3A_807 = tpu.memref_squeeze %dma_wait3A_806 : memref<1x16x128xf32, #tpu.memory_space<vmem>> -> memref<16x128xf32, #tpu.memory_space<vmem>>
      %dma_wait3A_808 = arith.constant 0 : i32
      %dma_wait3A_809 = arith.constant 0 : i32
      %dma_wait3A_810 = tpu.memref_slice %arg5[%dma_wait3A_808, %dma_wait3A_809] : memref<16x1000000xf32, #tpu.memory_space<hbm>> -> memref<16x128xf32, #tpu.memory_space<hbm>>
      tpu.wait_indirect_dma semaphore(%arg19 : memref<!tpu.dma_semaphore, #tpu.memory_space<semaphore_mem>>) src(%dma_wait3A_810 : memref<16x128xf32, #tpu.memory_space<hbm>>) dst(%dma_wait3A_807 : memref<16x128xf32, #tpu.memory_space<vmem>>)
      %dma_wait3A_811 = arith.constant 4 : i32
      %dma_wait3A_812 = arith.constant 0 : i32
      %dma_wait3A_813 = arith.constant 0 : i32
      %dma_wait3A_814 = tpu.memref_slice %arg13[%dma_wait3A_811, %dma_wait3A_812, %dma_wait3A_813] : memref<8x16x128xf32, #tpu.memory_space<vmem>> -> memref<1x16x128xf32, #tpu.memory_space<vmem>>
      %dma_wait3A_815 = tpu.memref_squeeze %dma_wait3A_814 : memref<1x16x128xf32, #tpu.memory_space<vmem>> -> memref<16x128xf32, #tpu.memory_space<vmem>>
      %dma_wait3A_816 = arith.constant 0 : i32
      %dma_wait3A_817 = arith.constant 0 : i32
      %dma_wait3A_818 = tpu.memref_slice %arg4[%dma_wait3A_816, %dma_wait3A_817] : memref<16x1000000xf32, #tpu.memory_space<hbm>> -> memref<16x128xf32, #tpu.memory_space<hbm>>
      tpu.wait_indirect_dma semaphore(%arg19 : memref<!tpu.dma_semaphore, #tpu.memory_space<semaphore_mem>>) src(%dma_wait3A_818 : memref<16x128xf32, #tpu.memory_space<hbm>>) dst(%dma_wait3A_815 : memref<16x128xf32, #tpu.memory_space<vmem>>)
      %dma_wait3A_819 = arith.constant 4 : i32
      %dma_wait3A_820 = arith.constant 0 : i32
      %dma_wait3A_821 = arith.constant 0 : i32
      %dma_wait3A_822 = tpu.memref_slice %arg14[%dma_wait3A_819, %dma_wait3A_820, %dma_wait3A_821] : memref<8x16x128xf32, #tpu.memory_space<vmem>> -> memref<1x16x128xf32, #tpu.memory_space<vmem>>
      %dma_wait3A_823 = tpu.memref_squeeze %dma_wait3A_822 : memref<1x16x128xf32, #tpu.memory_space<vmem>> -> memref<16x128xf32, #tpu.memory_space<vmem>>
      %dma_wait3A_824 = arith.constant 0 : i32
      %dma_wait3A_825 = arith.constant 0 : i32
      %dma_wait3A_826 = tpu.memref_slice %arg5[%dma_wait3A_824, %dma_wait3A_825] : memref<16x1000000xf32, #tpu.memory_space<hbm>> -> memref<16x128xf32, #tpu.memory_space<hbm>>
      tpu.wait_indirect_dma semaphore(%arg19 : memref<!tpu.dma_semaphore, #tpu.memory_space<semaphore_mem>>) src(%dma_wait3A_826 : memref<16x128xf32, #tpu.memory_space<hbm>>) dst(%dma_wait3A_823 : memref<16x128xf32, #tpu.memory_space<vmem>>)
      %dma_wait3A_827 = arith.constant 5 : i32
      %dma_wait3A_828 = arith.constant 0 : i32
      %dma_wait3A_829 = arith.constant 0 : i32
      %dma_wait3A_830 = tpu.memref_slice %arg13[%dma_wait3A_827, %dma_wait3A_828, %dma_wait3A_829] : memref<8x16x128xf32, #tpu.memory_space<vmem>> -> memref<1x16x128xf32, #tpu.memory_space<vmem>>
      %dma_wait3A_831 = tpu.memref_squeeze %dma_wait3A_830 : memref<1x16x128xf32, #tpu.memory_space<vmem>> -> memref<16x128xf32, #tpu.memory_space<vmem>>
      %dma_wait3A_832 = arith.constant 0 : i32
      %dma_wait3A_833 = arith.constant 0 : i32
      %dma_wait3A_834 = tpu.memref_slice %arg4[%dma_wait3A_832, %dma_wait3A_833] : memref<16x1000000xf32, #tpu.memory_space<hbm>> -> memref<16x128xf32, #tpu.memory_space<hbm>>
      tpu.wait_indirect_dma semaphore(%arg19 : memref<!tpu.dma_semaphore, #tpu.memory_space<semaphore_mem>>) src(%dma_wait3A_834 : memref<16x128xf32, #tpu.memory_space<hbm>>) dst(%dma_wait3A_831 : memref<16x128xf32, #tpu.memory_space<vmem>>)
      %dma_wait3A_835 = arith.constant 5 : i32
      %dma_wait3A_836 = arith.constant 0 : i32
      %dma_wait3A_837 = arith.constant 0 : i32
      %dma_wait3A_838 = tpu.memref_slice %arg14[%dma_wait3A_835, %dma_wait3A_836, %dma_wait3A_837] : memref<8x16x128xf32, #tpu.memory_space<vmem>> -> memref<1x16x128xf32, #tpu.memory_space<vmem>>
      %dma_wait3A_839 = tpu.memref_squeeze %dma_wait3A_838 : memref<1x16x128xf32, #tpu.memory_space<vmem>> -> memref<16x128xf32, #tpu.memory_space<vmem>>
      %dma_wait3A_840 = arith.constant 0 : i32
      %dma_wait3A_841 = arith.constant 0 : i32
      %dma_wait3A_842 = tpu.memref_slice %arg5[%dma_wait3A_840, %dma_wait3A_841] : memref<16x1000000xf32, #tpu.memory_space<hbm>> -> memref<16x128xf32, #tpu.memory_space<hbm>>
      tpu.wait_indirect_dma semaphore(%arg19 : memref<!tpu.dma_semaphore, #tpu.memory_space<semaphore_mem>>) src(%dma_wait3A_842 : memref<16x128xf32, #tpu.memory_space<hbm>>) dst(%dma_wait3A_839 : memref<16x128xf32, #tpu.memory_space<vmem>>)
      %dma_wait3A_843 = arith.constant 6 : i32
      %dma_wait3A_844 = arith.constant 0 : i32
      %dma_wait3A_845 = arith.constant 0 : i32
      %dma_wait3A_846 = tpu.memref_slice %arg13[%dma_wait3A_843, %dma_wait3A_844, %dma_wait3A_845] : memref<8x16x128xf32, #tpu.memory_space<vmem>> -> memref<1x16x128xf32, #tpu.memory_space<vmem>>
      %dma_wait3A_847 = tpu.memref_squeeze %dma_wait3A_846 : memref<1x16x128xf32, #tpu.memory_space<vmem>> -> memref<16x128xf32, #tpu.memory_space<vmem>>
      %dma_wait3A_848 = arith.constant 0 : i32
      %dma_wait3A_849 = arith.constant 0 : i32
      %dma_wait3A_850 = tpu.memref_slice %arg4[%dma_wait3A_848, %dma_wait3A_849] : memref<16x1000000xf32, #tpu.memory_space<hbm>> -> memref<16x128xf32, #tpu.memory_space<hbm>>
      tpu.wait_indirect_dma semaphore(%arg19 : memref<!tpu.dma_semaphore, #tpu.memory_space<semaphore_mem>>) src(%dma_wait3A_850 : memref<16x128xf32, #tpu.memory_space<hbm>>) dst(%dma_wait3A_847 : memref<16x128xf32, #tpu.memory_space<vmem>>)
      %dma_wait3A_851 = arith.constant 6 : i32
      %dma_wait3A_852 = arith.constant 0 : i32
      %dma_wait3A_853 = arith.constant 0 : i32
      %dma_wait3A_854 = tpu.memref_slice %arg14[%dma_wait3A_851, %dma_wait3A_852, %dma_wait3A_853] : memref<8x16x128xf32, #tpu.memory_space<vmem>> -> memref<1x16x128xf32, #tpu.memory_space<vmem>>
      %dma_wait3A_855 = tpu.memref_squeeze %dma_wait3A_854 : memref<1x16x128xf32, #tpu.memory_space<vmem>> -> memref<16x128xf32, #tpu.memory_space<vmem>>
      %dma_wait3A_856 = arith.constant 0 : i32
      %dma_wait3A_857 = arith.constant 0 : i32
      %dma_wait3A_858 = tpu.memref_slice %arg5[%dma_wait3A_856, %dma_wait3A_857] : memref<16x1000000xf32, #tpu.memory_space<hbm>> -> memref<16x128xf32, #tpu.memory_space<hbm>>
      tpu.wait_indirect_dma semaphore(%arg19 : memref<!tpu.dma_semaphore, #tpu.memory_space<semaphore_mem>>) src(%dma_wait3A_858 : memref<16x128xf32, #tpu.memory_space<hbm>>) dst(%dma_wait3A_855 : memref<16x128xf32, #tpu.memory_space<vmem>>)
      %dma_wait3A_859 = arith.constant 7 : i32
      %dma_wait3A_860 = arith.constant 0 : i32
      %dma_wait3A_861 = arith.constant 0 : i32
      %dma_wait3A_862 = tpu.memref_slice %arg13[%dma_wait3A_859, %dma_wait3A_860, %dma_wait3A_861] : memref<8x16x128xf32, #tpu.memory_space<vmem>> -> memref<1x16x128xf32, #tpu.memory_space<vmem>>
      %dma_wait3A_863 = tpu.memref_squeeze %dma_wait3A_862 : memref<1x16x128xf32, #tpu.memory_space<vmem>> -> memref<16x128xf32, #tpu.memory_space<vmem>>
      %dma_wait3A_864 = arith.constant 0 : i32
      %dma_wait3A_865 = arith.constant 0 : i32
      %dma_wait3A_866 = tpu.memref_slice %arg4[%dma_wait3A_864, %dma_wait3A_865] : memref<16x1000000xf32, #tpu.memory_space<hbm>> -> memref<16x128xf32, #tpu.memory_space<hbm>>
      tpu.wait_indirect_dma semaphore(%arg19 : memref<!tpu.dma_semaphore, #tpu.memory_space<semaphore_mem>>) src(%dma_wait3A_866 : memref<16x128xf32, #tpu.memory_space<hbm>>) dst(%dma_wait3A_863 : memref<16x128xf32, #tpu.memory_space<vmem>>)
      %dma_wait3A_867 = arith.constant 7 : i32
      %dma_wait3A_868 = arith.constant 0 : i32
      %dma_wait3A_869 = arith.constant 0 : i32
      %dma_wait3A_870 = tpu.memref_slice %arg14[%dma_wait3A_867, %dma_wait3A_868, %dma_wait3A_869] : memref<8x16x128xf32, #tpu.memory_space<vmem>> -> memref<1x16x128xf32, #tpu.memory_space<vmem>>
      %dma_wait3A_871 = tpu.memref_squeeze %dma_wait3A_870 : memref<1x16x128xf32, #tpu.memory_space<vmem>> -> memref<16x128xf32, #tpu.memory_space<vmem>>
      %dma_wait3A_872 = arith.constant 0 : i32
      %dma_wait3A_873 = arith.constant 0 : i32
      %dma_wait3A_874 = tpu.memref_slice %arg5[%dma_wait3A_872, %dma_wait3A_873] : memref<16x1000000xf32, #tpu.memory_space<hbm>> -> memref<16x128xf32, #tpu.memory_space<hbm>>
      tpu.wait_indirect_dma semaphore(%arg19 : memref<!tpu.dma_semaphore, #tpu.memory_space<semaphore_mem>>) src(%dma_wait3A_874 : memref<16x128xf32, #tpu.memory_space<hbm>>) dst(%dma_wait3A_871 : memref<16x128xf32, #tpu.memory_space<vmem>>)
      %add3A_875 = arith.constant 1 : i32
      %add3A_876 = arith.addi %mul3A_233, %add3A_875 : i32
      %mul3A_877 = arith.constant 8 : i32
      %mul3A_878 = arith.muli %add3A_876, %mul3A_877 : i32
      %get3A_879 = arith.index_cast %mul3A_878 : i32 to index
      %get3A_880 = tpu.vector_load %arg9[%get3A_879] {strides = array<i32>} : memref<528xi32, #tpu.memory_space<vmem>>, vector<16xi32>,
      %mul3A_881 = arith.constant 8 : i32
      %mul3A_882 = arith.muli %add3A_876, %mul3A_881 : i32
      %get3A_883 = arith.index_cast %mul3A_882 : i32 to index
      %get3A_884 = tpu.vector_load %arg10[%get3A_883] {strides = array<i32>} : memref<528xi32, #tpu.memory_space<vmem>>, vector<16xi32>,
      %and3A_885 = arith.constant 127 : i32
      %and3A_886 = vector.broadcast %and3A_885 : i32 to vector<16xi32>
      %and3A_887 = arith.andi %get3A_880, %and3A_886 : vector<16xi32>
      %and3A_888 = arith.constant 127 : i32
      %and3A_889 = vector.broadcast %and3A_888 : i32 to vector<16xi32>
      %and3A_890 = arith.andi %get3A_884, %and3A_889 : vector<16xi32>
      %add3A_891 = arith.constant 0 : i32
      %add3A_892 = vector.broadcast %add3A_891 : i32 to vector<16xi32>
      %add3A_893 = arith.addi %broadcast_in_dim3A_55, %add3A_892 : vector<16xi32>
      %slice3A_894 = vector.extract_strided_slice %and3A_887 {offsets = [0], sizes = [1], strides = [1]} : vector<16xi32> to vector<1xi32>
      %squeeze3A_895 = vector.extract %slice3A_894[0] : i32 from vector<1xi32>
      %add3A_896 = vector.broadcast %squeeze3A_895 : i32 to vector<16xi32>
      %add3A_897 = arith.addi %broadcast_in_dim3A_55, %add3A_896 : vector<16xi32>
      %gather3A_898 = tpu.vector_load_idx %arg13[%add3A_893, %iota3A, %add3A_897] : memref<8x16x128xf32, #tpu.memory_space<vmem>>[vector<16xi32>, vector<16xi32>, vector<16xi32>], vector<16xf32>,
      %add3A_899 = arith.constant 0 : i32
      %add3A_900 = vector.broadcast %add3A_899 : i32 to vector<16xi32>
      %add3A_901 = arith.addi %broadcast_in_dim3A_55, %add3A_900 : vector<16xi32>
      %slice3A_902 = vector.extract_strided_slice %and3A_890 {offsets = [0], sizes = [1], strides = [1]} : vector<16xi32> to vector<1xi32>
      %squeeze3A_903 = vector.extract %slice3A_902[0] : i32 from vector<1xi32>
      %add3A_904 = vector.broadcast %squeeze3A_903 : i32 to vector<16xi32>
      %add3A_905 = arith.addi %broadcast_in_dim3A_55, %add3A_904 : vector<16xi32>
      %gather3A_906 = tpu.vector_load_idx %arg14[%add3A_901, %iota3A, %add3A_905] : memref<8x16x128xf32, #tpu.memory_space<vmem>>[vector<16xi32>, vector<16xi32>, vector<16xi32>], vector<16xf32>,
      %mul3A_907 = arith.mulf %gather3A_898, %gather3A_906 : vector<16xf32>
      %mul3A_908 = arith.mulf %mul3A_907, %get3A_3 : vector<16xf32>
      %reduce_sum3A_909 = arith.constant true
      %reduce_sum3A_910 = vector.broadcast %reduce_sum3A_909 : i1 to vector<16xi1>
      %reduce_sum3A_911 = tpu.scan <sum>, %mul3A_908 masked %reduce_sum3A_910 : vector<16xf32>, vector<16xi1> -> vector<16xf32>
      %reduce_sum3A_912 = vector.extract %reduce_sum3A_911[15] : f32 from vector<16xf32>
      %broadcast_in_dim3A_913 = vector.broadcast %reduce_sum3A_912 : f32 to vector<16xf32>
      %select_n3A_914 = arith.select %eq3A_31, %broadcast_in_dim3A_913, %select_n3A_744 : vector<16xi1>, vector<16xf32>
      %add3A_915 = arith.constant 1 : i32
      %add3A_916 = vector.broadcast %add3A_915 : i32 to vector<16xi32>
      %add3A_917 = arith.addi %broadcast_in_dim3A_55, %add3A_916 : vector<16xi32>
      %slice3A_918 = vector.extract_strided_slice %and3A_887 {offsets = [1], sizes = [1], strides = [1]} : vector<16xi32> to vector<1xi32>
      %squeeze3A_919 = vector.extract %slice3A_918[0] : i32 from vector<1xi32>
      %add3A_920 = vector.broadcast %squeeze3A_919 : i32 to vector<16xi32>
      %add3A_921 = arith.addi %broadcast_in_dim3A_55, %add3A_920 : vector<16xi32>
      %gather3A_922 = tpu.vector_load_idx %arg13[%add3A_917, %iota3A, %add3A_921] : memref<8x16x128xf32, #tpu.memory_space<vmem>>[vector<16xi32>, vector<16xi32>, vector<16xi32>], vector<16xf32>,
      %add3A_923 = arith.constant 1 : i32
      %add3A_924 = vector.broadcast %add3A_923 : i32 to vector<16xi32>
      %add3A_925 = arith.addi %broadcast_in_dim3A_55, %add3A_924 : vector<16xi32>
      %slice3A_926 = vector.extract_strided_slice %and3A_890 {offsets = [1], sizes = [1], strides = [1]} : vector<16xi32> to vector<1xi32>
      %squeeze3A_927 = vector.extract %slice3A_926[0] : i32 from vector<1xi32>
      %add3A_928 = vector.broadcast %squeeze3A_927 : i32 to vector<16xi32>
      %add3A_929 = arith.addi %broadcast_in_dim3A_55, %add3A_928 : vector<16xi32>
      %gather3A_930 = tpu.vector_load_idx %arg14[%add3A_925, %iota3A, %add3A_929] : memref<8x16x128xf32, #tpu.memory_space<vmem>>[vector<16xi32>, vector<16xi32>, vector<16xi32>], vector<16xf32>,
      %mul3A_931 = arith.mulf %gather3A_922, %gather3A_930 : vector<16xf32>
      %mul3A_932 = arith.mulf %mul3A_931, %get3A_3 : vector<16xf32>
      %reduce_sum3A_933 = arith.constant true
      %reduce_sum3A_934 = vector.broadcast %reduce_sum3A_933 : i1 to vector<16xi1>
      %reduce_sum3A_935 = tpu.scan <sum>, %mul3A_932 masked %reduce_sum3A_934 : vector<16xf32>, vector<16xi1> -> vector<16xf32>
      %reduce_sum3A_936 = vector.extract %reduce_sum3A_935[15] : f32 from vector<16xf32>
      %broadcast_in_dim3A_937 = vector.broadcast %reduce_sum3A_936 : f32 to vector<16xf32>
      %select_n3A_938 = arith.select %eq3A_34, %broadcast_in_dim3A_937, %select_n3A_914 : vector<16xi1>, vector<16xf32>
      %add3A_939 = arith.constant 2 : i32
      %add3A_940 = vector.broadcast %add3A_939 : i32 to vector<16xi32>
      %add3A_941 = arith.addi %broadcast_in_dim3A_55, %add3A_940 : vector<16xi32>
      %slice3A_942 = vector.extract_strided_slice %and3A_887 {offsets = [2], sizes = [1], strides = [1]} : vector<16xi32> to vector<1xi32>
      %squeeze3A_943 = vector.extract %slice3A_942[0] : i32 from vector<1xi32>
      %add3A_944 = vector.broadcast %squeeze3A_943 : i32 to vector<16xi32>
      %add3A_945 = arith.addi %broadcast_in_dim3A_55, %add3A_944 : vector<16xi32>
      %gather3A_946 = tpu.vector_load_idx %arg13[%add3A_941, %iota3A, %add3A_945] : memref<8x16x128xf32, #tpu.memory_space<vmem>>[vector<16xi32>, vector<16xi32>, vector<16xi32>], vector<16xf32>,
      %add3A_947 = arith.constant 2 : i32
      %add3A_948 = vector.broadcast %add3A_947 : i32 to vector<16xi32>
      %add3A_949 = arith.addi %broadcast_in_dim3A_55, %add3A_948 : vector<16xi32>
      %slice3A_950 = vector.extract_strided_slice %and3A_890 {offsets = [2], sizes = [1], strides = [1]} : vector<16xi32> to vector<1xi32>
      %squeeze3A_951 = vector.extract %slice3A_950[0] : i32 from vector<1xi32>
      %add3A_952 = vector.broadcast %squeeze3A_951 : i32 to vector<16xi32>
      %add3A_953 = arith.addi %broadcast_in_dim3A_55, %add3A_952 : vector<16xi32>
      %gather3A_954 = tpu.vector_load_idx %arg14[%add3A_949, %iota3A, %add3A_953] : memref<8x16x128xf32, #tpu.memory_space<vmem>>[vector<16xi32>, vector<16xi32>, vector<16xi32>], vector<16xf32>,
      %mul3A_955 = arith.mulf %gather3A_946, %gather3A_954 : vector<16xf32>
      %mul3A_956 = arith.mulf %mul3A_955, %get3A_3 : vector<16xf32>
      %reduce_sum3A_957 = arith.constant true
      %reduce_sum3A_958 = vector.broadcast %reduce_sum3A_957 : i1 to vector<16xi1>
      %reduce_sum3A_959 = tpu.scan <sum>, %mul3A_956 masked %reduce_sum3A_958 : vector<16xf32>, vector<16xi1> -> vector<16xf32>
      %reduce_sum3A_960 = vector.extract %reduce_sum3A_959[15] : f32 from vector<16xf32>
      %broadcast_in_dim3A_961 = vector.broadcast %reduce_sum3A_960 : f32 to vector<16xf32>
      %select_n3A_962 = arith.select %eq3A_37, %broadcast_in_dim3A_961, %select_n3A_938 : vector<16xi1>, vector<16xf32>
      %add3A_963 = arith.constant 3 : i32
      %add3A_964 = vector.broadcast %add3A_963 : i32 to vector<16xi32>
      %add3A_965 = arith.addi %broadcast_in_dim3A_55, %add3A_964 : vector<16xi32>
      %slice3A_966 = vector.extract_strided_slice %and3A_887 {offsets = [3], sizes = [1], strides = [1]} : vector<16xi32> to vector<1xi32>
      %squeeze3A_967 = vector.extract %slice3A_966[0] : i32 from vector<1xi32>
      %add3A_968 = vector.broadcast %squeeze3A_967 : i32 to vector<16xi32>
      %add3A_969 = arith.addi %broadcast_in_dim3A_55, %add3A_968 : vector<16xi32>
      %gather3A_970 = tpu.vector_load_idx %arg13[%add3A_965, %iota3A, %add3A_969] : memref<8x16x128xf32, #tpu.memory_space<vmem>>[vector<16xi32>, vector<16xi32>, vector<16xi32>], vector<16xf32>,
      %add3A_971 = arith.constant 3 : i32
      %add3A_972 = vector.broadcast %add3A_971 : i32 to vector<16xi32>
      %add3A_973 = arith.addi %broadcast_in_dim3A_55, %add3A_972 : vector<16xi32>
      %slice3A_974 = vector.extract_strided_slice %and3A_890 {offsets = [3], sizes = [1], strides = [1]} : vector<16xi32> to vector<1xi32>
      %squeeze3A_975 = vector.extract %slice3A_974[0] : i32 from vector<1xi32>
      %add3A_976 = vector.broadcast %squeeze3A_975 : i32 to vector<16xi32>
      %add3A_977 = arith.addi %broadcast_in_dim3A_55, %add3A_976 : vector<16xi32>
      %gather3A_978 = tpu.vector_load_idx %arg14[%add3A_973, %iota3A, %add3A_977] : memref<8x16x128xf32, #tpu.memory_space<vmem>>[vector<16xi32>, vector<16xi32>, vector<16xi32>], vector<16xf32>,
      %mul3A_979 = arith.mulf %gather3A_970, %gather3A_978 : vector<16xf32>
      %mul3A_980 = arith.mulf %mul3A_979, %get3A_3 : vector<16xf32>
      %reduce_sum3A_981 = arith.constant true
      %reduce_sum3A_982 = vector.broadcast %reduce_sum3A_981 : i1 to vector<16xi1>
      %reduce_sum3A_983 = tpu.scan <sum>, %mul3A_980 masked %reduce_sum3A_982 : vector<16xf32>, vector<16xi1> -> vector<16xf32>
      %reduce_sum3A_984 = vector.extract %reduce_sum3A_983[15] : f32 from vector<16xf32>
      %broadcast_in_dim3A_985 = vector.broadcast %reduce_sum3A_984 : f32 to vector<16xf32>
      %select_n3A_986 = arith.select %eq3A_40, %broadcast_in_dim3A_985, %select_n3A_962 : vector<16xi1>, vector<16xf32>
      %add3A_987 = arith.constant 4 : i32
      %add3A_988 = vector.broadcast %add3A_987 : i32 to vector<16xi32>
      %add3A_989 = arith.addi %broadcast_in_dim3A_55, %add3A_988 : vector<16xi32>
      %slice3A_990 = vector.extract_strided_slice %and3A_887 {offsets = [4], sizes = [1], strides = [1]} : vector<16xi32> to vector<1xi32>
      %squeeze3A_991 = vector.extract %slice3A_990[0] : i32 from vector<1xi32>
      %add3A_992 = vector.broadcast %squeeze3A_991 : i32 to vector<16xi32>
      %add3A_993 = arith.addi %broadcast_in_dim3A_55, %add3A_992 : vector<16xi32>
      %gather3A_994 = tpu.vector_load_idx %arg13[%add3A_989, %iota3A, %add3A_993] : memref<8x16x128xf32, #tpu.memory_space<vmem>>[vector<16xi32>, vector<16xi32>, vector<16xi32>], vector<16xf32>,
      %add3A_995 = arith.constant 4 : i32
      %add3A_996 = vector.broadcast %add3A_995 : i32 to vector<16xi32>
      %add3A_997 = arith.addi %broadcast_in_dim3A_55, %add3A_996 : vector<16xi32>
      %slice3A_998 = vector.extract_strided_slice %and3A_890 {offsets = [4], sizes = [1], strides = [1]} : vector<16xi32> to vector<1xi32>
      %squeeze3A_999 = vector.extract %slice3A_998[0] : i32 from vector<1xi32>
      %add3A_1000 = vector.broadcast %squeeze3A_999 : i32 to vector<16xi32>
      %add3A_1001 = arith.addi %broadcast_in_dim3A_55, %add3A_1000 : vector<16xi32>
      %gather3A_1002 = tpu.vector_load_idx %arg14[%add3A_997, %iota3A, %add3A_1001] : memref<8x16x128xf32, #tpu.memory_space<vmem>>[vector<16xi32>, vector<16xi32>, vector<16xi32>], vector<16xf32>,
      %mul3A_1003 = arith.mulf %gather3A_994, %gather3A_1002 : vector<16xf32>
      %mul3A_1004 = arith.mulf %mul3A_1003, %get3A_3 : vector<16xf32>
      %reduce_sum3A_1005 = arith.constant true
      %reduce_sum3A_1006 = vector.broadcast %reduce_sum3A_1005 : i1 to vector<16xi1>
      %reduce_sum3A_1007 = tpu.scan <sum>, %mul3A_1004 masked %reduce_sum3A_1006 : vector<16xf32>, vector<16xi1> -> vector<16xf32>
      %reduce_sum3A_1008 = vector.extract %reduce_sum3A_1007[15] : f32 from vector<16xf32>
      %broadcast_in_dim3A_1009 = vector.broadcast %reduce_sum3A_1008 : f32 to vector<16xf32>
      %select_n3A_1010 = arith.select %eq3A_43, %broadcast_in_dim3A_1009, %select_n3A_986 : vector<16xi1>, vector<16xf32>
      %add3A_1011 = arith.constant 5 : i32
      %add3A_1012 = vector.broadcast %add3A_1011 : i32 to vector<16xi32>
      %add3A_1013 = arith.addi %broadcast_in_dim3A_55, %add3A_1012 : vector<16xi32>
      %slice3A_1014 = vector.extract_strided_slice %and3A_887 {offsets = [5], sizes = [1], strides = [1]} : vector<16xi32> to vector<1xi32>
      %squeeze3A_1015 = vector.extract %slice3A_1014[0] : i32 from vector<1xi32>
      %add3A_1016 = vector.broadcast %squeeze3A_1015 : i32 to vector<16xi32>
      %add3A_1017 = arith.addi %broadcast_in_dim3A_55, %add3A_1016 : vector<16xi32>
      %gather3A_1018 = tpu.vector_load_idx %arg13[%add3A_1013, %iota3A, %add3A_1017] : memref<8x16x128xf32, #tpu.memory_space<vmem>>[vector<16xi32>, vector<16xi32>, vector<16xi32>], vector<16xf32>,
      %add3A_1019 = arith.constant 5 : i32
      %add3A_1020 = vector.broadcast %add3A_1019 : i32 to vector<16xi32>
      %add3A_1021 = arith.addi %broadcast_in_dim3A_55, %add3A_1020 : vector<16xi32>
      %slice3A_1022 = vector.extract_strided_slice %and3A_890 {offsets = [5], sizes = [1], strides = [1]} : vector<16xi32> to vector<1xi32>
      %squeeze3A_1023 = vector.extract %slice3A_1022[0] : i32 from vector<1xi32>
      %add3A_1024 = vector.broadcast %squeeze3A_1023 : i32 to vector<16xi32>
      %add3A_1025 = arith.addi %broadcast_in_dim3A_55, %add3A_1024 : vector<16xi32>
      %gather3A_1026 = tpu.vector_load_idx %arg14[%add3A_1021, %iota3A, %add3A_1025] : memref<8x16x128xf32, #tpu.memory_space<vmem>>[vector<16xi32>, vector<16xi32>, vector<16xi32>], vector<16xf32>,
      %mul3A_1027 = arith.mulf %gather3A_1018, %gather3A_1026 : vector<16xf32>
      %mul3A_1028 = arith.mulf %mul3A_1027, %get3A_3 : vector<16xf32>
      %reduce_sum3A_1029 = arith.constant true
      %reduce_sum3A_1030 = vector.broadcast %reduce_sum3A_1029 : i1 to vector<16xi1>
      %reduce_sum3A_1031 = tpu.scan <sum>, %mul3A_1028 masked %reduce_sum3A_1030 : vector<16xf32>, vector<16xi1> -> vector<16xf32>
      %reduce_sum3A_1032 = vector.extract %reduce_sum3A_1031[15] : f32 from vector<16xf32>
      %broadcast_in_dim3A_1033 = vector.broadcast %reduce_sum3A_1032 : f32 to vector<16xf32>
      %select_n3A_1034 = arith.select %eq3A_46, %broadcast_in_dim3A_1033, %select_n3A_1010 : vector<16xi1>, vector<16xf32>
      %add3A_1035 = arith.constant 6 : i32
      %add3A_1036 = vector.broadcast %add3A_1035 : i32 to vector<16xi32>
      %add3A_1037 = arith.addi %broadcast_in_dim3A_55, %add3A_1036 : vector<16xi32>
      %slice3A_1038 = vector.extract_strided_slice %and3A_887 {offsets = [6], sizes = [1], strides = [1]} : vector<16xi32> to vector<1xi32>
      %squeeze3A_1039 = vector.extract %slice3A_1038[0] : i32 from vector<1xi32>
      %add3A_1040 = vector.broadcast %squeeze3A_1039 : i32 to vector<16xi32>
      %add3A_1041 = arith.addi %broadcast_in_dim3A_55, %add3A_1040 : vector<16xi32>
      %gather3A_1042 = tpu.vector_load_idx %arg13[%add3A_1037, %iota3A, %add3A_1041] : memref<8x16x128xf32, #tpu.memory_space<vmem>>[vector<16xi32>, vector<16xi32>, vector<16xi32>], vector<16xf32>,
      %add3A_1043 = arith.constant 6 : i32
      %add3A_1044 = vector.broadcast %add3A_1043 : i32 to vector<16xi32>
      %add3A_1045 = arith.addi %broadcast_in_dim3A_55, %add3A_1044 : vector<16xi32>
      %slice3A_1046 = vector.extract_strided_slice %and3A_890 {offsets = [6], sizes = [1], strides = [1]} : vector<16xi32> to vector<1xi32>
      %squeeze3A_1047 = vector.extract %slice3A_1046[0] : i32 from vector<1xi32>
      %add3A_1048 = vector.broadcast %squeeze3A_1047 : i32 to vector<16xi32>
      %add3A_1049 = arith.addi %broadcast_in_dim3A_55, %add3A_1048 : vector<16xi32>
      %gather3A_1050 = tpu.vector_load_idx %arg14[%add3A_1045, %iota3A, %add3A_1049] : memref<8x16x128xf32, #tpu.memory_space<vmem>>[vector<16xi32>, vector<16xi32>, vector<16xi32>], vector<16xf32>,
      %mul3A_1051 = arith.mulf %gather3A_1042, %gather3A_1050 : vector<16xf32>
      %mul3A_1052 = arith.mulf %mul3A_1051, %get3A_3 : vector<16xf32>
      %reduce_sum3A_1053 = arith.constant true
      %reduce_sum3A_1054 = vector.broadcast %reduce_sum3A_1053 : i1 to vector<16xi1>
      %reduce_sum3A_1055 = tpu.scan <sum>, %mul3A_1052 masked %reduce_sum3A_1054 : vector<16xf32>, vector<16xi1> -> vector<16xf32>
      %reduce_sum3A_1056 = vector.extract %reduce_sum3A_1055[15] : f32 from vector<16xf32>
      %broadcast_in_dim3A_1057 = vector.broadcast %reduce_sum3A_1056 : f32 to vector<16xf32>
      %select_n3A_1058 = arith.select %eq3A_49, %broadcast_in_dim3A_1057, %select_n3A_1034 : vector<16xi1>, vector<16xf32>
      %add3A_1059 = arith.constant 7 : i32
      %add3A_1060 = vector.broadcast %add3A_1059 : i32 to vector<16xi32>
      %add3A_1061 = arith.addi %broadcast_in_dim3A_55, %add3A_1060 : vector<16xi32>
      %slice3A_1062 = vector.extract_strided_slice %and3A_887 {offsets = [7], sizes = [1], strides = [1]} : vector<16xi32> to vector<1xi32>
      %squeeze3A_1063 = vector.extract %slice3A_1062[0] : i32 from vector<1xi32>
      %add3A_1064 = vector.broadcast %squeeze3A_1063 : i32 to vector<16xi32>
      %add3A_1065 = arith.addi %broadcast_in_dim3A_55, %add3A_1064 : vector<16xi32>
      %gather3A_1066 = tpu.vector_load_idx %arg13[%add3A_1061, %iota3A, %add3A_1065] : memref<8x16x128xf32, #tpu.memory_space<vmem>>[vector<16xi32>, vector<16xi32>, vector<16xi32>], vector<16xf32>,
      %add3A_1067 = arith.constant 7 : i32
      %add3A_1068 = vector.broadcast %add3A_1067 : i32 to vector<16xi32>
      %add3A_1069 = arith.addi %broadcast_in_dim3A_55, %add3A_1068 : vector<16xi32>
      %slice3A_1070 = vector.extract_strided_slice %and3A_890 {offsets = [7], sizes = [1], strides = [1]} : vector<16xi32> to vector<1xi32>
      %squeeze3A_1071 = vector.extract %slice3A_1070[0] : i32 from vector<1xi32>
      %add3A_1072 = vector.broadcast %squeeze3A_1071 : i32 to vector<16xi32>
      %add3A_1073 = arith.addi %broadcast_in_dim3A_55, %add3A_1072 : vector<16xi32>
      %gather3A_1074 = tpu.vector_load_idx %arg14[%add3A_1069, %iota3A, %add3A_1073] : memref<8x16x128xf32, #tpu.memory_space<vmem>>[vector<16xi32>, vector<16xi32>, vector<16xi32>], vector<16xf32>,
      %mul3A_1075 = arith.mulf %gather3A_1066, %gather3A_1074 : vector<16xf32>
      %mul3A_1076 = arith.mulf %mul3A_1075, %get3A_3 : vector<16xf32>
      %reduce_sum3A_1077 = arith.constant true
      %reduce_sum3A_1078 = vector.broadcast %reduce_sum3A_1077 : i1 to vector<16xi1>
      %reduce_sum3A_1079 = tpu.scan <sum>, %mul3A_1076 masked %reduce_sum3A_1078 : vector<16xf32>, vector<16xi1> -> vector<16xf32>
      %reduce_sum3A_1080 = vector.extract %reduce_sum3A_1079[15] : f32 from vector<16xf32>
      %broadcast_in_dim3A_1081 = vector.broadcast %reduce_sum3A_1080 : f32 to vector<16xf32>
      %select_n3A_1082 = arith.select %eq3A_52, %broadcast_in_dim3A_1081, %select_n3A_1058 : vector<16xi1>, vector<16xf32>
      %add3A_1083 = arith.addf %select_n3A_1082, %get3A_5 : vector<16xf32>
      %neg3A = arith.constant 0.000000e+00 : f32
      %neg3A_1084 = vector.broadcast %neg3A : f32 to vector<16xf32>
      %neg3A_1085 = arith.subf %neg3A_1084, %add3A_1083 : vector<16xf32>
      %exp3A = math.exp %neg3A_1085 : vector<16xf32>
      %add3A_1086 = arith.constant 1.000000e+00 : f32
      %add3A_1087 = vector.broadcast %add3A_1086 : f32 to vector<16xf32>
      %add3A_1088 = arith.addf %add3A_1087, %exp3A : vector<16xf32>
      %div3A = arith.constant 1.000000e+00 : f32
      %div3A_1089 = vector.broadcast %div3A : f32 to vector<16xf32>
      %div3A_1090 = arith.divf %div3A_1089, %add3A_1088 : vector<16xf32>
      %mul3A_1091 = arith.constant 8 : i32
      %mul3A_1092 = arith.muli %mul3A_233, %mul3A_1091 : i32
      %swap3A = arith.index_cast %mul3A_1092 : i32 to index
      %swap3A_1093 = tpu.vector_load %arg17[%swap3A] {strides = array<i32>} : memref<512xf32, #tpu.memory_space<vmem>>, vector<16xf32>,
      tpu.vector_store %arg17[%swap3A], %div3A_1090 {strides = array<i32>} : memref<512xf32, #tpu.memory_space<vmem>>, vector<16xf32>,
    }
    %scan3A_230 = arith.constant 32 : i32
    "tpu.region"() ({
      %run_scoped3A = tpu.sem_alloc : memref<!tpu.dma_semaphore, #tpu.memory_space<semaphore_mem>>
      %dma_start3A_231 = tpu.memref_slice %arg8[%mul3A_2] : memref<16384xf32, #tpu.memory_space<hbm>> -> memref<512xf32, #tpu.memory_space<hbm>>
      %dma_start3A_232 = tpu.memref_slice %arg8[%mul3A_2] : memref<16384xf32, #tpu.memory_space<hbm>> -> memref<512xf32, #tpu.memory_space<hbm>>
      tpu.enqueue_dma source(%arg17 : memref<512xf32, #tpu.memory_space<vmem>>) target(%dma_start3A_232 : memref<512xf32, #tpu.memory_space<hbm>>) target_semaphore(%run_scoped3A : memref<!tpu.dma_semaphore, #tpu.memory_space<semaphore_mem>>)
      %dma_wait3A = tpu.memref_slice %arg8[%mul3A_2] : memref<16384xf32, #tpu.memory_space<hbm>> -> memref<512xf32, #tpu.memory_space<hbm>>
      %dma_wait3A_233 = tpu.memref_slice %arg8[%mul3A_2] : memref<16384xf32, #tpu.memory_space<hbm>> -> memref<512xf32, #tpu.memory_space<hbm>>
      tpu.wait_dma2 semaphore(%run_scoped3A : memref<!tpu.dma_semaphore, #tpu.memory_space<semaphore_mem>>) src(%arg17 : memref<512xf32, #tpu.memory_space<vmem>>) dst(%dma_wait3A_233 : memref<512xf32, #tpu.memory_space<hbm>>)
      tpu.yield
    }) : () -> ()
    return
  }
}

</mosaic_0001>

<sc_bundles>
// kernel: kernel.3.cloned.1.call-start
scs
__scs_entry_jumppad:
0x0: {  	(pc) =	sbr.rel $0x88, $3  }
0x1: {  	(tag) =	ssettag $0x0;
	lr =	simm.s32 $0x1  }
0x2: {  	[smem:$0x3F9B] =	sst lr;
	_ =	strace $0xD0000000  }
0x3: {  	_ = 	snop  }
0x4: {  	_ = 	snop  }
0x5: {  	_ = 	snop  }
0x6: {  	_ = 	snop  }
0x7: {  	_ = 	snop  }
__scs_overlays_trampoline_lowered:
0x8: {  	[smem:$0x3FAA] =	sst s0  }
0x9: {  	[smem:$0x3FAB] =	sst s1  }
0xa: {  	[smem:$0x3FAC] =	sst s2  }
0xb: {  	[smem:$0x3FAD] =	sst s3  }
0xc: {  	[smem:$0x3FAE] =	sst s4  }
0xd: {  	[smem:$0x3FAF] =	sst s5  }
0xe: {  	[smem:$0x3FB0] =	sst s6  }
0xf: {  	[smem:$0x3FB1] =	sst s7  }
0x10: {  	[smem:$0x3FB2] =	sst s8  }
0x11: {  	[smem:$0x3FB3] =	sst s9;
	s0 =	simm.s32 @!p0 $0x0  }
0x12: {  	s1 =	sld [smem:$0x3F99];
	s0 =	simm.s32 @p0 $0x1  }
0x13: {  	[smem:$0x3FB4] =	sst s0;
	s0 =	simm.s32 @!p1 $0x0  }
0x14: {  	s2 =	sld [smem:$0x3F98];
	s0 =	simm.s32 @p1 $0x1  }
0x15: {  	[smem:$0x3FB5] =	sst s0;
	s0 =	simm.s32 @!p2 $0x0  }
0x16: {  	s3 =	sld [smem:$0x3FDB];
	s0 =	simm.s32 @p2 $0x1  }
0x17: {  	s4 =	simm.s32 $0x1BF5;
	[smem:$0x3FB7] =	sst s0  }
0x18: {  	s0 =	sld [smem:$0x3F9A];
	_ =	swait.ge [sflag:s4], $0x0  }
0x19: {  	s7 =	sld [smem:$0x3F9B]  }
0x1a: {  	s8 =	sadd.s32 $0xFFFFE003, lr  }
0x1b: {  	s9 =	sadd.s32 $0xFFFFFEF7, lr;
	s5 =	simm.s32 $0xFFFFFFFF;
	p2 =	slt.u32 s8, $0xFFFFF086  }
0x1c: {  	p1 =	slt.u32 s9, $0xF7A;
	s5 =	simm.s32 @!p2 $0x0  }
0x1d: {  	s5 =	simm.s32 @p1 $0x1;
	p0 =	seq.s32 s7, s2  }
0x1e: {  	s7 =	smul.u32 @!p0 $0xF7A, s2;
	p2 =	seq.s32 @!p0 s5, $0x0  }
0x1f: {  	s9 =	smul.u32 $0xF7A, s1;
	s8 =	simm.s32 @!p0 $0x1BF5;
	p2 =	por !p2, p0  }
0x20: {  	[sflag:s8] =	ssyncset.s32 @!p0 $0xFFFFF086;
	s6 =	sadd.s32 @!p0 s3, s7;
	s7 =	simm.s32 @!p0 $0x108  }
0x21: {  	s3 =	sadd.s32 s3, s9;
	s6 =	sadd.s32 @!p0 $0x88, s6;
	s7 =	simm.s32 @p2 $0x1082  }
0x22: {  	[simem:s7], [sflag:s8] =	dma.local @!p0 [hbm:s6], $0xF7A  }
0x23: {  	s9 =	sor.u32 $0xD0000000, s2;
	s6 =	simm.s32 $0x108;
	_ =	swait.ge @!p0 [sflag:s8], $0x0  }
0x24: {  	s3 =	sadd.s32 $0x88, s3;
	s6 =	simm.s32 @!p1 $0x1082;
	[sflag:s4] =	ssyncset.s32 $0xFFFFF086  }
0x25: {  	[simem:s6], [sflag:s4] =	dma.local [hbm:s3], $0xF7A  }
0x26: {  	[smem:$0x3F9B] =	sst s1;
	(tag) =	ssettag s2;
	_ =	strace s9  }
0x27: {  	s1 =	sld [smem:$0x3FAB]  }
0x28: {  	s2 =	sld [smem:$0x3FAC]  }
0x29: {  	s4 =	sld [smem:$0x3FAE]  }
0x2a: {  	p0 =	seq.s32 s5, $0x0;
	s5 =	sld [smem:$0x3FAF]  }
0x2b: {  	s6 =	sld [smem:$0x3FB0]  }
0x2c: {  	s7 =	sld [smem:$0x3FB1]  }
0x2d: {  	s3 =	simm.s32 $0x108;
	s8 =	sld [smem:$0x3FB2]  }
0x2e: {  	s3 =	simm.s32 @!p0 $0x1082;
	s9 =	sld [smem:$0x3FB3]  }
0x2f: {  	lr =	sadd.s32 s0, s3;
	s0 =	sld [smem:$0x3FAA]  }
0x30: {  	s3 =	sld [smem:$0x3FAD]  }
0x31: {  	[smem:$0x3FB6] =	sst s10  }
0x32: {  	s10 =	sld [smem:$0x3FB4];
	_ =	sdelay $0x3  }
0x33: {  	p0 =	seq.s32 s10, $0x1;
	s10 =	sld [smem:$0x3FB6];
	_ =	sdelay $0x3  }
0x34: {  	[smem:$0x3FB6] =	sst s10  }
0x35: {  	s10 =	sld [smem:$0x3FB5];
	_ =	sdelay $0x3  }
0x36: {  	p1 =	seq.s32 s10, $0x1;
	s10 =	sld [smem:$0x3FB6];
	_ =	sdelay $0x3  }
0x37: {  	[smem:$0x3FB6] =	sst s10  }
0x38: {  	s10 =	sld [smem:$0x3FB7]  }
0x39: {  	_ = 	snop;
	(pc) =	sbr.ind lr, $3  }
0x3a: {  	_ = 	snop  }
0x3b: {  	_ = 	snop  }
0x3c: {  	p2 =	seq.s32 s10, $0x1;
	s10 =	sld [smem:$0x3FB6]  }
0x3d: {  	_ =	shalt  }
0x3e: {  	_ =	shalt  }
0x3f: {  	_ =	shalt  }
0x40: {  	_ =	shalt  }
0x41: {  	_ =	shalt  }
0x42: {  	_ =	shalt  }
0x43: {  	_ =	shalt  }
0x44: {  	_ =	shalt  }
0x45: {  	_ =	shalt  }
0x46: {  	_ =	shalt  }
0x47: {  	_ =	shalt  }
0x48: {  	_ =	shalt  }
0x49: {  	_ =	shalt  }
0x4a: {  	_ =	shalt  }
0x4b: {  	_ =	shalt  }
0x4c: {  	_ =	shalt  }
0x4d: {  	_ =	shalt  }
0x4e: {  	_ =	shalt  }
0x4f: {  	_ =	shalt  }
0x50: {  	_ =	shalt  }
0x51: {  	_ =	shalt  }
0x52: {  	_ =	shalt  }
0x53: {  	_ =	shalt  }
0x54: {  	_ =	shalt  }
0x55: {  	_ =	shalt  }
0x56: {  	_ =	shalt  }
0x57: {  	_ =	shalt  }
0x58: {  	_ =	shalt  }
0x59: {  	_ =	shalt  }
0x5a: {  	_ =	shalt  }
0x5b: {  	_ =	shalt  }
0x5c: {  	_ =	shalt  }
0x5d: {  	_ =	shalt  }
0x5e: {  	_ =	shalt  }
0x5f: {  	_ =	shalt  }
0x60: {  	_ =	shalt  }
0x61: {  	_ =	shalt  }
0x62: {  	_ =	shalt  }
0x63: {  	_ =	shalt  }
0x64: {  	_ =	shalt  }
0x65: {  	_ =	shalt  }
0x66: {  	_ =	shalt  }
0x67: {  	_ =	shalt  }
0x68: {  	_ =	shalt  }
0x69: {  	_ =	shalt  }
0x6a: {  	_ =	shalt  }
0x6b: {  	_ =	shalt  }
0x6c: {  	_ =	shalt  }
0x6d: {  	_ =	shalt  }
0x6e: {  	_ =	shalt  }
0x6f: {  	_ =	shalt  }
0x70: {  	_ =	shalt  }
0x71: {  	_ =	shalt  }
0x72: {  	_ =	shalt  }
0x73: {  	_ =	shalt  }
0x74: {  	_ =	shalt  }
0x75: {  	_ =	shalt  }
0x76: {  	_ =	shalt  }
0x77: {  	_ =	shalt  }
0x78: {  	_ =	shalt  }
0x79: {  	_ =	shalt  }
0x7a: {  	_ =	shalt  }
0x7b: {  	_ =	shalt  }
0x7c: {  	_ =	shalt  }
0x7d: {  	_ =	shalt  }
0x7e: {  	_ =	shalt  }
0x7f: {  	_ =	shalt  }
0x80: {  	_ =	shalt  }
0x81: {  	_ =	shalt  }
0x82: {  	_ =	shalt  }
0x83: {  	_ =	shalt  }
0x84: {  	_ =	shalt  }
0x85: {  	_ =	shalt  }
0x86: {  	_ =	shalt  }
0x87: {  	_ =	shalt  }
.Lfunc_end0:
.L_simem_size_0:
called_computation_lowered:
.L_overlay_start_0:
0x88: {  	s2 =	sld [smem:$0x3FD9]  }
0x89: {  	s3 =	sld [smem:$0x3FFE];
	_ =	sdelay $0x1  }
0x8a: {  	s1 =	srdreg.scid  }
0x8b: {  	s0 =	sand.u32 $0x1, s1  }
0x8c: {  	s17 =	sshll.u32 s0, $0xA;
	s2 =	sadd.s32 s3, s2  }
0x8d: {  	s2 =	sadd.s32 s2, s17  }
0x8e: {  	[smem:$0x3FC2] =	sst s2  }
0x8f: {  	_ = 	snop  }
0x90: {  	s2 =	sld [smem:$0x3FC9]  }
0x91: {  	s18 =	sld [smem:$0x3FC8]  }
0x92: {  	s4 =	sld [smem:$0x3FC7]  }
0x93: {  	s5 =	sld [smem:$0x3FC6]  }
0x94: {  	s6 =	sld [smem:$0x3FC5]  }
0x95: {  	s7 =	sld [smem:$0x3FD0];
	(tm) =	ssettm $0x1  }
0x96: {  	s8 =	sld [smem:$0x3FFB];
	_ =	sdelay $0x3  }
0x97: {  	_ =	strace s8  }
0x98: {  	s8 =	sld [smem:$0x3FFC];
	_ =	sdelay $0x3  }
0x99: {  	_ =	strace s8  }
0x9a: {  	s8 =	sld [smem:$0x3FFD];
	_ =	sdelay $0x3  }
0x9b: {  	_ =	strace s8  }
0x9c: {  	_ =	strace $0x8FFFFFFF  }
0x9d: {  	s19 =	sld [smem:$0x3FDB];
	_ =	sdelay $0x1  }
0x9e: {  	s9 =	simm.s32 $_scs_section_size  }
0x9f: {  	s10 =	simm.s32 $_size__tile_overlayer_lowered;
	s11 =	simm.s32 $_tile_overlayer_lowered  }
0xa0: {  	s22 =	simm.s32 $0x1BFF;
	s21 =	sshll.u32 s11, $0x1;
	s8 =	sadd.s32 s9, s19  }
0xa1: {  	s12 =	simm.s32 $0x0;
	s20 =	sshll.u32 s10, $0x1;
	s10 =	sadd.s32 s21, s8  }
0xa2: {  	[timem:s12], [sflag:s22] =	dma.local [hbm:s10], s20  }
0xa3: {  	_ =	swait.ge [sflag:s22], s20  }
0xa4: {  	s9 =	ssub.s32 $0x0, s20;
	[sflag:s22] =	ssyncset.done $0x0  }
0xa5: {  	[sflag:s22] =	ssyncadd.s32 s9;
	_ =	sdelay $0x1  }
0xa6: {  	s23 =	simm.s32 $0x1B8B  }
0xa7: {  	_ =	swait.ge [sflag:s23], $0x1  }
0xa8: {  	[sflag:s23] =	ssyncset.done $0x0  }
0xa9: {  	s25 =	simm.s32 $0x1B8E;
	s24 =	sld [smem:$0x3FFE];
	[sflag:s23] =	ssyncadd.s32 $0xFFFFFFFF  }
0xaa: {  	s26 =	simm.s32 $execute0_lowered;
	[smem:$0x3FD2] =	sst s25  }
0xab: {  	s10 =	sshll.u32 s26, $0x1;
	_ =	strace $0x80000046;
	[dreg:$0x1] =	wrdreg $0xFFFFFFFF  }
0xac: {  	s28 =	simm.s32 $_size_execute0_lowered;
	s8 =	sadd.s32 s8, s10;
	[dreg:$0x0] =	wrdreg $0x0  }
0xad: {  	s10 =	sshll.u32 s28, $0x1;
	[dreg:$0x2] =	wrdreg s8  }
0xae: {  	[dreg:$0x3] =	wrdreg s10  }
0xaf: {  	[dreg:$0x4] =	wrdreg $0xC0  }
0xb0: {  	_ =	task [dreg:s12], $0x5FFFF  }
0xb1: {  	[dreg:$0x1] =	wrdreg $0xFFFFFFFF  }
0xb2: {  	[dreg:$0x0] =	wrdreg $0x60  }
0xb3: {  	[dreg:$0x2] =	wrdreg s2  }
0xb4: {  	[dreg:$0x3] =	wrdreg s18  }
0xb5: {  	[dreg:$0x4] =	wrdreg s4  }
0xb6: {  	[dreg:$0x5] =	wrdreg s5  }
0xb7: {  	[dreg:$0x6] =	wrdreg s6  }
0xb8: {  	[dreg:$0x7] =	wrdreg s24  }
0xb9: {  	[dreg:$0x8] =	wrdreg s7  }
0xba: {  	[dreg:$0x9] =	wrdreg $0x9  }
0xbb: {  	_ =	task.clear_ibuf [dreg:s12], $0xAFFFF;
	_ =	strace $0x90000046  }
0xbc: {  	s29 =	simm.s32 $0x9;
	_ =	strace $0x80000048  }
0xbd: {  	_ =	swait.ge [sflag:s29], $0x1  }
0xbe: {  	[sflag:s29] =	ssyncadd.s32 $0xFFFFFFFF  }
0xbf: {  	_ =	strace $0x90000048  }
0xc0: {  	_ =	sfence  }
0xc1: {  	s30 =	sld [smem:$0x0];
	_ =	sdelay $0x2  }
0xc2: {  	s31 =	sshll.u32 s1, $0xD;
	s1 =	sshrl.u32 s1, $0x2  }
0xc3: {  	s3 =	sand.u32 $0x4000, s31;
	s1 =	sadd.s32 s1, s30  }
0xc4: {  	s0 =	sor.u32 s3, s0;
	s1 =	sshll.u32 s1, $0x11  }
0xc5: {  	s0 =	sor.u32 s1, s0  }
0xc6: {  	s0 =	sadd.s32 $0x8F2B, s0  }
0xc7: {  	[sflag:s0] =	ssyncadd.remote.s32 $0x1  }
0xc8: {  	_ =	sfence.sel $0xFFFF  }
0xc9: {  	[dreg:$0x0] =	wrdreg $0xFFFFFFFF;
	(pc) =	sbr.abs _section_cstart, $3  }
0xca: {  	[dreg:$0x1] =	wrdreg $0xFFFFFFFF  }
0xcb: {  	_ =	task.clear_ibuf [dreg:s12], $0x2FFFF;
	_ =	strace $0x9FFFFFFF  }
0xcc: {  	(tm) =	ssettm $0x7FFFFFFF  }
0xcd: {  	_ =	shalt  }
tec
execute0_lowered:
.L_overlay_start_1:
0x0: {  	(tag) =	ssettag $0x1  }
0x1: {  	v0 =	vimm.s32 $0x76543210  }
0x2: {  	vm0 =	vcmask $0x1F00;
	vm1 =	vcmask $0x2724;
	v13 =	vlaneseq.u32  }
0x3: {  	v1 =	vimm.s32 $0x1;
	v2 =	vimm.s32 $0x2;
	v3 =	vimm.s32 $0x3  }
0x4: {  	v4 =	vimm.s32 $0x4;
	v5 =	vimm.s32 $0x5;
	v0 =	vunpack.c.l.s4.s8 v0  }
0x5: {  	v6 =	vimm.s32 $0x6;
	v7 =	vimm.s32 $0x7;
	v8 =	vimm.s32 $0x8  }
0x6: {  	v9 =	vimm.s32 $0x9;
	v10 =	vimm.s32 $0xA;
	v0 =	vunpack.c.0.s8.s32 v0  }
0x7: {  	v11 =	vimm.s32 $0xB;
	v14 =	vimm.s32 $0xC;
	v15 =	vimm.s32 $0xD  }
0x8: {  	v17 =	vimm.s32 $0xE;
	v0 =	vnsel vm0, $0xF42F, v0;
	vm0 =	vcmask $0x2320  }
0x9: {  	v18 =	vimm.s32 $0xF;
	vm2 =	vmmov $0x3;
	v0 =	vsel vm0, $0xF428, v0  }
0xa: {  	s0 =	rddreg [dreg:$0x0];
	vm3 =	vmmov $0x7;
	v0 =	vsel vm1, $0xF429, v0;
	vm1 =	vcmask $0x2B28  }
0xb: {  	s3 =	rddreg [dreg:$0x1];
	vm4 =	vmmov $0xf;
	v0 =	vsel vm1, $0xF42A, v0;
	vm1 =	vcmask $0x2F2C  }
0xc: {  	s1 =	rddreg [dreg:$0x2];
	vm5 =	vmmov $0x1f;
	v0 =	vsel vm1, $0xF42B, v0;
	vm1 =	vcmask $0x3330  }
0xd: {  	s2 =	rddreg [dreg:$0x3];
	vm6 =	vmmov $0x3f;
	v0 =	vsel vm1, $0xF42C, v0;
	vm1 =	vcmask $0x3734  }
0xe: {  	s4 =	rddreg [dreg:$0x5];
	vm7 =	vmmov $0x7f;
	v0 =	vsel vm1, $0xF42D, v0;
	vm1 =	vcmask $0x3B38  }
0xf: {  	s6 =	rddreg [dreg:$0x6];
	s5 =	simm.s32 $0x0;
	vm8 =	vmmov $0x1ff;
	v12 =	vsel vm1, $0xF42E, v0;
	v0 =	vimm.s32 $0x0  }
0x10: {  	s7 =	srdreg.scid;
	s9 =	stileid.u32;
	s20 =	simm.s32 $0x3;
	vm9 =	vmmov $0x3ff;
	v0 =	vperm.xlane v12, v0;
	v1 =	vperm.xlane v12, v1  }
0x11: {  	s15 =	simm.s32 $0x500;
	s21 =	simm.s32 $0x8500;
	s22 =	simm.s32 $0x10480;
	vm10 =	vmmov $0x7ff;
	v2 =	vperm.xlane v12, v2;
	v3 =	vperm.xlane v12, v3  }
0x12: {  	s23 =	simm.s32 $0x10400;
	s29 =	simm.s32 $0x10200;
	s30 =	simm.s32 $0x10300;
	vm11 =	vmmov $0xfff;
	v4 =	vperm.xlane v12, v4;
	v5 =	vperm.xlane v12, v5  }
0x13: {  	s31 =	simm.s32 $0x10280;
	s12 =	simm.s32 $0x10180;
	s13 =	simm.s32 $0x10100;
	vm12 =	vmmov $0x1fff;
	v6 =	vperm.xlane v12, v6;
	v7 =	vperm.xlane v12, v7  }
0x14: {  	s14 =	simm.s32 $0xFF00;
	s10 =	simm.s32 $0xFE00;
	s11 =	simm.s32 $0xC480;
	vm13 =	vmmov $0x3fff;
	v8 =	vperm.xlane v12, v8;
	v9 =	vperm.xlane v12, v9  }
0x15: {  	s16 =	simm.s32 $0xFD00;
	s17 =	simm.s32 $0xFD80;
	vm14 =	vmmov $0x7fff;
	s18 =	simm.s32 $0x2;
	v10 =	vperm.xlane v12, v10;
	v11 =	vperm.xlane v12, v11  }
0x16: {  	[smem:$0x7FF] =	sst s5;
	s7 =	sand.u32 $0x1, s7;
	s9 =	sshll.u32 s9, $0x7;
	v16 =	vmul.u32 $0x8, v13;
	v14 =	vperm.xlane v12, v14;
	v15 =	vperm.xlane v12, v15  }
0x17: {  	s4 =	sadd.s32 $0x400, s4;
	_ =	strace $0x80000047;
	s8 =	ssub.s32 $0x2, s7;
	vm1 =	vmmov $0x1;
	v17 =	vperm.xlane v12, v17;
	v18 =	vperm.xlane v12, v18  }
0x18: {  	s7 =	sshll.u32 s7, $0x6;
	[dreg:$0x8] =	wrdreg s4;
	s24 =	sshrl.u32 s8, $0x1;
	v12 =	vmul.u32 $0x80, v13;
	v0 =	vadd.s32 v16, v0;
	v1 =	vadd.s32 v16, v1  }
0x19: {  	s7 =	sor.u32 s7, s9;
	s9 =	simm.s32 $0xFE80;
	s4 =	ssub.s32 s8, s24;
	v2 =	vadd.s32 v16, v2;
	v3 =	vadd.s32 v16, v3;
	v4 =	vadd.s32 v16, v4  }
0x1a: {  	s0 =	sadd.s32 s0, s7;
	s25 =	sadd.s32 s3, s7;
	s26 =	sadd.s32 s6, s7;
	v5 =	vadd.s32 v16, v5;
	v6 =	vadd.s32 v16, v6;
	v7 =	vadd.s32 v16, v7  }
.Ltmp0:
0x1b: {  	s3 =	simm.s32 $0x10080;
	[dreg:$0x9] =	wrdreg s0;
	v8 =	vadd.s32 v16, v8;
	v9 =	vadd.s32 v16, v9;
	v10 =	vadd.s32 v16, v10;
	(pc) =	sbr.rel .LBB2_1-.Ltmp0, $4  }
0x1c: {  	s6 =	simm.s32 $0x10000;
	s7 =	simm.s32 $0xFF80;
	[dreg:$0xa] =	wrdreg s25;
	v11 =	vadd.s32 v16, v11;
	v13 =	vadd.s32 v16, v14;
	v14 =	vadd.s32 v16, v15  }
0x1d: {  	s8 =	simm.s32 $0xC400;
	s24 =	simm.s32 $0x0;
	[dreg:$0xb] =	wrdreg s26;
	v15 =	vadd.s32 v16, v17;
	v16 =	vadd.s32 v16, v18;
	v17 =	vor.u32 $0x800, v12  }
0x1e: {  	s28 =	smax.u32 s4, $0x1;
	s0 =	simm.s32 $0x4500;
	s25 =	simm.s32 $0xC680;
	v18 =	vor.u32 $0x1000, v12;
	v19 =	vor.u32 $0x1800, v12;
	v20 =	vor.u32 $0x2000, v12  }
0x1f: {  	s4 =	simm.s32 $0xC500;
	s26 =	simm.s32 $0x1;
	[dreg:$0xc] =	wrdreg s28;
	v21 =	vor.u32 $0x2800, v12;
	v22 =	vor.u32 $0x3000, v12;
	v23 =	vor.u32 $0x3800, v12  }
.LBB2_5:
0x20: {  	s19 =	rddreg [dreg:$0xb];
	s20 =	simm.s32 $0x10600  }
0x21: {  	[hbm4b:s19+s5] =	stream.linear.scatter [tilespmem:s20], [sflag:$0x3], $0x200, $0x38;
	[tilespmem:$0x10800] =	vst v63  }
0x22: {  	s20 =	simm.s32 $0x3  }
0x23: {  	_ =	swait.ge [sflag:s20], $0x200  }
0x24: {  	s24 =	rddreg [dreg:$0xd]  }
0x25: {  	s28 =	rddreg [dreg:$0xc];
	s24 =	sadd.s32 $0x1, s24  }
0x26: {  	p0 =	sne.s32 s24, s28  }
.Ltmp1:
0x27: {  	_ = 	snop;
	(pc) =	sbr.rel @!p0 .LBB2_6-.Ltmp1, $3  }
0x28: {  	_ =	sdelay $0x1  }
0x29: {  	[sflag:s20] =	ssyncset.done $0x0  }
0x2a: {  	[sflag:s20] =	ssyncadd.s32 $0xFFFFFE00  }
.LBB2_1:
0x2b: {  	[dreg:$0xd] =	wrdreg s24  }
0x2c: {  	s19 =	rddreg [dreg:$0x9]  }
0x2d: {  	[tilespmem:s5], [sflag:$0x3] =	stream.linear.gather [hbm4b:s19+s5], $0x200, $0x38;
	[tilespmem:$0x10800] =	vst v63  }
0x2e: {  	_ =	swait.ge [sflag:s20], $0x200  }
0x2f: {  	[sflag:s20] =	ssyncset.done $0x0  }
0x30: {  	s28 =	simm.s32 $0x280;
	s24 =	rddreg [dreg:$0xa];
	[sflag:s20] =	ssyncadd.s32 $0xFFFFFE00  }
0x31: {  	[tilespmem:s28], [sflag:$0x3] =	stream.linear.gather [hbm4b:s24+s5], $0x200, $0x38;
	[tilespmem:$0x10800] =	vst v63  }
0x32: {  	_ =	swait.ge [sflag:s20], $0x200  }
0x33: {  	[sflag:s20] =	ssyncset.done $0x0  }
0x34: {  	[sflag:s20] =	ssyncadd.s32 $0xFFFFFE00  }
0x35: {  	s28 =	simm.s32 $0x10500;
	s24 =	rddreg [dreg:$0x4]  }
0x36: {  	[tilespmem:s28], [sflag:$0x3] =	stream.linear.gather [hbm4b:s24+s5], $0x80, $0x38;
	[tilespmem:$0x10800] =	vst v63  }
0x37: {  	_ =	swait.ge [sflag:s20], $0x80  }
0x38: {  	[sflag:s20] =	ssyncset.done $0x0  }
0x39: {  	s28 =	simm.s32 $0x10580;
	s24 =	rddreg [dreg:$0x8];
	[sflag:s20] =	ssyncadd.s32 $0xFFFFFF80  }
0x3a: {  	[tilespmem:s28], [sflag:$0x3] =	stream.linear.gather [hbm4b:s24+s5], $0x80, $0x38;
	[tilespmem:$0x10800] =	vst v63  }
0x3b: {  	_ =	swait.ge [sflag:s20], $0x80  }
0x3c: {  	[sflag:s20] =	ssyncset.done $0x0  }
0x3d: {  	[sflag:s20] =	ssyncadd.s32 $0xFFFFFF80  }
0x3e: {  	v24 =	vld [tilespmem:$0x0];
	_ =	sdelay $0x4  }
0x3f: {  	v24 =	vand.u32 $0xFFFFFF80, v24  }
0x40: {  	v27 =	vadd.s32 s1, v24  }
0x41: {  	(v2sf) =	vpush v27, $0x0;
	_ =	sdelay $0xd  }
0x42: {  	v25 =	vld [tilespmem:$0x10580]  }
0x43: {  	v26 =	vld [tilespmem:$0x280];
	s19 =	spop (v2sf)  }
0x44: {  	v24 =	vld [tilespmem:$0x10500];
	[tilespmem:s15], [sflag:$0x1] =	stream.indirect_vreg.gather [hbm4b:s19+s5], $0x80, v0, vm1, $0xb8  }
0x45: {  	s24 =	simm.s32 $0x580  }
0x46: {  	[tilespmem:s24], [sflag:$0x1] =	stream.indirect_vreg.gather [hbm4b:s19+s5], $0x80, v1, vm1, $0xb8;
	[tilespmem:$0x10800] =	vst v63  }
0x47: {  	s28 =	simm.s32 $0x600  }
0x48: {  	[tilespmem:s28], [sflag:$0x1] =	stream.indirect_vreg.gather [hbm4b:s19+s5], $0x80, v2, vm1, $0xb8;
	[tilespmem:$0x10800] =	vst v63  }
0x49: {  	s24 =	simm.s32 $0x680  }
0x4a: {  	[tilespmem:s24], [sflag:$0x1] =	stream.indirect_vreg.gather [hbm4b:s19+s5], $0x80, v3, vm1, $0xb8;
	[tilespmem:$0x10800] =	vst v63  }
0x4b: {  	s28 =	simm.s32 $0x700  }
0x4c: {  	[tilespmem:s28], [sflag:$0x1] =	stream.indirect_vreg.gather [hbm4b:s19+s5], $0x80, v4, vm1, $0xb8;
	[tilespmem:$0x10800] =	vst v63  }
0x4d: {  	s24 =	simm.s32 $0x780  }
0x4e: {  	[tilespmem:s24], [sflag:$0x1] =	stream.indirect_vreg.gather [hbm4b:s19+s5], $0x80, v5, vm1, $0xb8;
	[tilespmem:$0x10800] =	vst v63  }
0x4f: {  	s28 =	simm.s32 $0x800  }
0x50: {  	[tilespmem:s28], [sflag:$0x1] =	stream.indirect_vreg.gather [hbm4b:s19+s5], $0x80, v6, vm1, $0xb8;
	[tilespmem:$0x10800] =	vst v63  }
0x51: {  	s24 =	simm.s32 $0x880  }
0x52: {  	v26 =	vand.u32 $0xFFFFFF80, v26;
	[tilespmem:s24], [sflag:$0x1] =	stream.indirect_vreg.gather [hbm4b:s19+s5], $0x80, v7, vm1, $0xb8;
	[tilespmem:$0x10800] =	vst v63  }
0x53: {  	v26 =	vadd.s32 s2, v26;
	s28 =	simm.s32 $0x900  }
0x54: {  	(v2sf) =	vpush v26, $0x0;
	[tilespmem:s28], [sflag:$0x1] =	stream.indirect_vreg.gather [hbm4b:s19+s5], $0x80, v8, vm1, $0xb8;
	[tilespmem:$0x10800] =	vst v63  }
0x55: {  	s24 =	simm.s32 $0x980  }
0x56: {  	[tilespmem:s24], [sflag:$0x1] =	stream.indirect_vreg.gather [hbm4b:s19+s5], $0x80, v9, vm1, $0xb8;
	[tilespmem:$0x10800] =	vst v63  }
0x57: {  	s28 =	simm.s32 $0xA00  }
0x58: {  	[tilespmem:s28], [sflag:$0x1] =	stream.indirect_vreg.gather [hbm4b:s19+s5], $0x80, v10, vm1, $0xb8;
	[tilespmem:$0x10800] =	vst v63  }
0x59: {  	s24 =	simm.s32 $0xA80  }
0x5a: {  	[tilespmem:s24], [sflag:$0x1] =	stream.indirect_vreg.gather [hbm4b:s19+s5], $0x80, v11, vm1, $0xb8;
	[tilespmem:$0x10800] =	vst v63  }
0x5b: {  	s28 =	simm.s32 $0xB00  }
0x5c: {  	[tilespmem:s28], [sflag:$0x1] =	stream.indirect_vreg.gather [hbm4b:s19+s5], $0x80, v13, vm1, $0xb8;
	[tilespmem:$0x10800] =	vst v63  }
0x5d: {  	s24 =	simm.s32 $0xB80  }
0x5e: {  	[tilespmem:s24], [sflag:$0x1] =	stream.indirect_vreg.gather [hbm4b:s19+s5], $0x80, v14, vm1, $0xb8;
	[tilespmem:$0x10800] =	vst v63  }
0x5f: {  	s28 =	simm.s32 $0xC00  }
0x60: {  	[tilespmem:s28], [sflag:$0x1] =	stream.indirect_vreg.gather [hbm4b:s19+s5], $0x80, v15, vm1, $0xb8;
	[tilespmem:$0x10800] =	vst v63  }
0x61: {  	s24 =	simm.s32 $0xC80  }
0x62: {  	[tilespmem:s24], [sflag:$0x1] =	stream.indirect_vreg.gather [hbm4b:s19+s5], $0x80, v16, vm1, $0xb8;
	[tilespmem:$0x10800] =	vst v63  }
0x63: {  	s19 =	spop (v2sf)  }
0x64: {  	[tilespmem:s0], [sflag:$0x1] =	stream.indirect_vreg.gather [hbm4b:s19+s5], $0x80, v0, vm1, $0xb8;
	[tilespmem:$0x10800] =	vst v63  }
0x65: {  	s28 =	simm.s32 $0x4580  }
0x66: {  	[tilespmem:s28], [sflag:$0x1] =	stream.indirect_vreg.gather [hbm4b:s19+s5], $0x80, v1, vm1, $0xb8;
	[tilespmem:$0x10800] =	vst v63  }
0x67: {  	s24 =	simm.s32 $0x4600  }
0x68: {  	[tilespmem:s24], [sflag:$0x1] =	stream.indirect_vreg.gather [hbm4b:s19+s5], $0x80, v2, vm1, $0xb8;
	[tilespmem:$0x10800] =	vst v63  }
0x69: {  	s28 =	simm.s32 $0x4680  }
0x6a: {  	[tilespmem:s28], [sflag:$0x1] =	stream.indirect_vreg.gather [hbm4b:s19+s5], $0x80, v3, vm1, $0xb8;
	[tilespmem:$0x10800] =	vst v63  }
0x6b: {  	s24 =	simm.s32 $0x4700  }
0x6c: {  	[tilespmem:s24], [sflag:$0x1] =	stream.indirect_vreg.gather [hbm4b:s19+s5], $0x80, v4, vm1, $0xb8;
	[tilespmem:$0x10800] =	vst v63  }
0x6d: {  	s28 =	simm.s32 $0x4780  }
0x6e: {  	[tilespmem:s28], [sflag:$0x1] =	stream.indirect_vreg.gather [hbm4b:s19+s5], $0x80, v5, vm1, $0xb8;
	[tilespmem:$0x10800] =	vst v63  }
0x6f: {  	s24 =	simm.s32 $0x4800  }
0x70: {  	[tilespmem:s24], [sflag:$0x1] =	stream.indirect_vreg.gather [hbm4b:s19+s5], $0x80, v6, vm1, $0xb8;
	[tilespmem:$0x10800] =	vst v63  }
0x71: {  	s28 =	simm.s32 $0x4880  }
0x72: {  	[tilespmem:s28], [sflag:$0x1] =	stream.indirect_vreg.gather [hbm4b:s19+s5], $0x80, v7, vm1, $0xb8;
	[tilespmem:$0x10800] =	vst v63  }
0x73: {  	s24 =	simm.s32 $0x4900  }
0x74: {  	(v2sf) =	vpush v27, $0x1;
	[tilespmem:s24], [sflag:$0x1] =	stream.indirect_vreg.gather [hbm4b:s19+s5], $0x80, v8, vm1, $0xb8;
	[tilespmem:$0x10800] =	vst v63  }
0x75: {  	s28 =	simm.s32 $0x4980  }
0x76: {  	[tilespmem:s28], [sflag:$0x1] =	stream.indirect_vreg.gather [hbm4b:s19+s5], $0x80, v9, vm1, $0xb8;
	[tilespmem:$0x10800] =	vst v63  }
0x77: {  	s24 =	simm.s32 $0x4A00  }
0x78: {  	[tilespmem:s24], [sflag:$0x1] =	stream.indirect_vreg.gather [hbm4b:s19+s5], $0x80, v10, vm1, $0xb8;
	[tilespmem:$0x10800] =	vst v63  }
0x79: {  	s28 =	simm.s32 $0x4A80  }
0x7a: {  	[tilespmem:s28], [sflag:$0x1] =	stream.indirect_vreg.gather [hbm4b:s19+s5], $0x80, v11, vm1, $0xb8;
	[tilespmem:$0x10800] =	vst v63  }
0x7b: {  	s24 =	simm.s32 $0x4B00  }
0x7c: {  	[tilespmem:s24], [sflag:$0x1] =	stream.indirect_vreg.gather [hbm4b:s19+s5], $0x80, v13, vm1, $0xb8;
	[tilespmem:$0x10800] =	vst v63  }
0x7d: {  	s28 =	simm.s32 $0x4B80  }
0x7e: {  	[tilespmem:s28], [sflag:$0x1] =	stream.indirect_vreg.gather [hbm4b:s19+s5], $0x80, v14, vm1, $0xb8;
	[tilespmem:$0x10800] =	vst v63  }
0x7f: {  	s24 =	simm.s32 $0x4C00  }
0x80: {  	[tilespmem:s24], [sflag:$0x1] =	stream.indirect_vreg.gather [hbm4b:s19+s5], $0x80, v15, vm1, $0xb8;
	[tilespmem:$0x10800] =	vst v63  }
0x81: {  	s28 =	simm.s32 $0x4C80  }
0x82: {  	[tilespmem:s28], [sflag:$0x1] =	stream.indirect_vreg.gather [hbm4b:s19+s5], $0x80, v16, vm1, $0xb8;
	[tilespmem:$0x10800] =	vst v63  }
0x83: {  	s24 =	simm.s32 $0xD00;
	s19 =	spop (v2sf)  }
0x84: {  	[tilespmem:s24], [sflag:$0x1] =	stream.indirect_vreg.gather [hbm4b:s19+s5], $0x80, v0, vm1, $0xb8;
	[tilespmem:$0x10800] =	vst v63  }
0x85: {  	s28 =	simm.s32 $0xD80  }
0x86: {  	[tilespmem:s28], [sflag:$0x1] =	stream.indirect_vreg.gather [hbm4b:s19+s5], $0x80, v1, vm1, $0xb8;
	[tilespmem:$0x10800] =	vst v63  }
0x87: {  	s24 =	simm.s32 $0xE00  }
0x88: {  	[tilespmem:s24], [sflag:$0x1] =	stream.indirect_vreg.gather [hbm4b:s19+s5], $0x80, v2, vm1, $0xb8;
	[tilespmem:$0x10800] =	vst v63  }
0x89: {  	s28 =	simm.s32 $0xE80  }
0x8a: {  	[tilespmem:s28], [sflag:$0x1] =	stream.indirect_vreg.gather [hbm4b:s19+s5], $0x80, v3, vm1, $0xb8;
	[tilespmem:$0x10800] =	vst v63  }
0x8b: {  	s24 =	simm.s32 $0xF00  }
0x8c: {  	[tilespmem:s24], [sflag:$0x1] =	stream.indirect_vreg.gather [hbm4b:s19+s5], $0x80, v4, vm1, $0xb8;
	[tilespmem:$0x10800] =	vst v63  }
0x8d: {  	s28 =	simm.s32 $0xF80  }
0x8e: {  	[tilespmem:s28], [sflag:$0x1] =	stream.indirect_vreg.gather [hbm4b:s19+s5], $0x80, v5, vm1, $0xb8;
	[tilespmem:$0x10800] =	vst v63  }
0x8f: {  	s24 =	simm.s32 $0x1000  }
0x90: {  	[tilespmem:s24], [sflag:$0x1] =	stream.indirect_vreg.gather [hbm4b:s19+s5], $0x80, v6, vm1, $0xb8;
	[tilespmem:$0x10800] =	vst v63  }
0x91: {  	s28 =	simm.s32 $0x1080  }
0x92: {  	[tilespmem:s28], [sflag:$0x1] =	stream.indirect_vreg.gather [hbm4b:s19+s5], $0x80, v7, vm1, $0xb8;
	[tilespmem:$0x10800] =	vst v63  }
0x93: {  	s24 =	simm.s32 $0x1100  }
0x94: {  	(v2sf) =	vpush v26, $0x1;
	[tilespmem:s24], [sflag:$0x1] =	stream.indirect_vreg.gather [hbm4b:s19+s5], $0x80, v8, vm1, $0xb8;
	[tilespmem:$0x10800] =	vst v63  }
0x95: {  	s28 =	simm.s32 $0x1180  }
0x96: {  	[tilespmem:s28], [sflag:$0x1] =	stream.indirect_vreg.gather [hbm4b:s19+s5], $0x80, v9, vm1, $0xb8;
	[tilespmem:$0x10800] =	vst v63  }
0x97: {  	s24 =	simm.s32 $0x1200  }
0x98: {  	[tilespmem:s24], [sflag:$0x1] =	stream.indirect_vreg.gather [hbm4b:s19+s5], $0x80, v10, vm1, $0xb8;
	[tilespmem:$0x10800] =	vst v63  }
0x99: {  	s28 =	simm.s32 $0x1280  }
0x9a: {  	[tilespmem:s28], [sflag:$0x1] =	stream.indirect_vreg.gather [hbm4b:s19+s5], $0x80, v11, vm1, $0xb8;
	[tilespmem:$0x10800] =	vst v63  }
0x9b: {  	s24 =	simm.s32 $0x1300  }
0x9c: {  	[tilespmem:s24], [sflag:$0x1] =	stream.indirect_vreg.gather [hbm4b:s19+s5], $0x80, v13, vm1, $0xb8;
	[tilespmem:$0x10800] =	vst v63  }
0x9d: {  	s28 =	simm.s32 $0x1380  }
0x9e: {  	[tilespmem:s28], [sflag:$0x1] =	stream.indirect_vreg.gather [hbm4b:s19+s5], $0x80, v14, vm1, $0xb8;
	[tilespmem:$0x10800] =	vst v63  }
0x9f: {  	s24 =	simm.s32 $0x1400  }
0xa0: {  	[tilespmem:s24], [sflag:$0x1] =	stream.indirect_vreg.gather [hbm4b:s19+s5], $0x80, v15, vm1, $0xb8;
	[tilespmem:$0x10800] =	vst v63  }
0xa1: {  	s28 =	simm.s32 $0x1480  }
0xa2: {  	[tilespmem:s28], [sflag:$0x1] =	stream.indirect_vreg.gather [hbm4b:s19+s5], $0x80, v16, vm1, $0xb8;
	[tilespmem:$0x10800] =	vst v63  }
0xa3: {  	s24 =	simm.s32 $0x4D00;
	s19 =	spop (v2sf)  }
0xa4: {  	[tilespmem:s24], [sflag:$0x1] =	stream.indirect_vreg.gather [hbm4b:s19+s5], $0x80, v0, vm1, $0xb8;
	[tilespmem:$0x10800] =	vst v63  }
0xa5: {  	s28 =	simm.s32 $0x4D80  }
0xa6: {  	[tilespmem:s28], [sflag:$0x1] =	stream.indirect_vreg.gather [hbm4b:s19+s5], $0x80, v1, vm1, $0xb8;
	[tilespmem:$0x10800] =	vst v63  }
0xa7: {  	s24 =	simm.s32 $0x4E00  }
0xa8: {  	[tilespmem:s24], [sflag:$0x1] =	stream.indirect_vreg.gather [hbm4b:s19+s5], $0x80, v2, vm1, $0xb8;
	[tilespmem:$0x10800] =	vst v63  }
0xa9: {  	s28 =	simm.s32 $0x4E80  }
0xaa: {  	[tilespmem:s28], [sflag:$0x1] =	stream.indirect_vreg.gather [hbm4b:s19+s5], $0x80, v3, vm1, $0xb8;
	[tilespmem:$0x10800] =	vst v63  }
0xab: {  	s24 =	simm.s32 $0x4F00  }
0xac: {  	[tilespmem:s24], [sflag:$0x1] =	stream.indirect_vreg.gather [hbm4b:s19+s5], $0x80, v4, vm1, $0xb8;
	[tilespmem:$0x10800] =	vst v63  }
0xad: {  	s28 =	simm.s32 $0x4F80  }
0xae: {  	[tilespmem:s28], [sflag:$0x1] =	stream.indirect_vreg.gather [hbm4b:s19+s5], $0x80, v5, vm1, $0xb8;
	[tilespmem:$0x10800] =	vst v63  }
0xaf: {  	s24 =	simm.s32 $0x5000  }
0xb0: {  	[tilespmem:s24], [sflag:$0x1] =	stream.indirect_vreg.gather [hbm4b:s19+s5], $0x80, v6, vm1, $0xb8;
	[tilespmem:$0x10800] =	vst v63  }
0xb1: {  	s28 =	simm.s32 $0x5080  }
0xb2: {  	[tilespmem:s28], [sflag:$0x1] =	stream.indirect_vreg.gather [hbm4b:s19+s5], $0x80, v7, vm1, $0xb8;
	[tilespmem:$0x10800] =	vst v63  }
0xb3: {  	s24 =	simm.s32 $0x5100  }
0xb4: {  	(v2sf) =	vpush v27, $0x2;
	[tilespmem:s24], [sflag:$0x1] =	stream.indirect_vreg.gather [hbm4b:s19+s5], $0x80, v8, vm1, $0xb8;
	[tilespmem:$0x10800] =	vst v63  }
0xb5: {  	s28 =	simm.s32 $0x5180  }
0xb6: {  	[tilespmem:s28], [sflag:$0x1] =	stream.indirect_vreg.gather [hbm4b:s19+s5], $0x80, v9, vm1, $0xb8;
	[tilespmem:$0x10800] =	vst v63  }
0xb7: {  	s24 =	simm.s32 $0x5200  }
0xb8: {  	[tilespmem:s24], [sflag:$0x1] =	stream.indirect_vreg.gather [hbm4b:s19+s5], $0x80, v10, vm1, $0xb8;
	[tilespmem:$0x10800] =	vst v63  }
0xb9: {  	s28 =	simm.s32 $0x5280  }
0xba: {  	[tilespmem:s28], [sflag:$0x1] =	stream.indirect_vreg.gather [hbm4b:s19+s5], $0x80, v11, vm1, $0xb8;
	[tilespmem:$0x10800] =	vst v63  }
0xbb: {  	s24 =	simm.s32 $0x5300  }
0xbc: {  	[tilespmem:s24], [sflag:$0x1] =	stream.indirect_vreg.gather [hbm4b:s19+s5], $0x80, v13, vm1, $0xb8;
	[tilespmem:$0x10800] =	vst v63  }
0xbd: {  	s28 =	simm.s32 $0x5380  }
0xbe: {  	[tilespmem:s28], [sflag:$0x1] =	stream.indirect_vreg.gather [hbm4b:s19+s5], $0x80, v14, vm1, $0xb8;
	[tilespmem:$0x10800] =	vst v63  }
0xbf: {  	s24 =	simm.s32 $0x5400  }
0xc0: {  	[tilespmem:s24], [sflag:$0x1] =	stream.indirect_vreg.gather [hbm4b:s19+s5], $0x80, v15, vm1, $0xb8;
	[tilespmem:$0x10800] =	vst v63  }
0xc1: {  	s28 =	simm.s32 $0x5480  }
0xc2: {  	[tilespmem:s28], [sflag:$0x1] =	stream.indirect_vreg.gather [hbm4b:s19+s5], $0x80, v16, vm1, $0xb8;
	[tilespmem:$0x10800] =	vst v63  }
0xc3: {  	s24 =	simm.s32 $0x1500;
	s19 =	spop (v2sf)  }
0xc4: {  	[tilespmem:s24], [sflag:$0x1] =	stream.indirect_vreg.gather [hbm4b:s19+s5], $0x80, v0, vm1, $0xb8;
	[tilespmem:$0x10800] =	vst v63  }
0xc5: {  	s28 =	simm.s32 $0x1580  }
0xc6: {  	[tilespmem:s28], [sflag:$0x1] =	stream.indirect_vreg.gather [hbm4b:s19+s5], $0x80, v1, vm1, $0xb8;
	[tilespmem:$0x10800] =	vst v63  }
0xc7: {  	s24 =	simm.s32 $0x1600  }
0xc8: {  	[tilespmem:s24], [sflag:$0x1] =	stream.indirect_vreg.gather [hbm4b:s19+s5], $0x80, v2, vm1, $0xb8;
	[tilespmem:$0x10800] =	vst v63  }
0xc9: {  	s28 =	simm.s32 $0x1680  }
0xca: {  	[tilespmem:s28], [sflag:$0x1] =	stream.indirect_vreg.gather [hbm4b:s19+s5], $0x80, v3, vm1, $0xb8;
	[tilespmem:$0x10800] =	vst v63  }
0xcb: {  	s24 =	simm.s32 $0x1700  }
0xcc: {  	[tilespmem:s24], [sflag:$0x1] =	stream.indirect_vreg.gather [hbm4b:s19+s5], $0x80, v4, vm1, $0xb8;
	[tilespmem:$0x10800] =	vst v63  }
0xcd: {  	s28 =	simm.s32 $0x1780  }
0xce: {  	[tilespmem:s28], [sflag:$0x1] =	stream.indirect_vreg.gather [hbm4b:s19+s5], $0x80, v5, vm1, $0xb8;
	[tilespmem:$0x10800] =	vst v63  }
0xcf: {  	s24 =	simm.s32 $0x1800  }
0xd0: {  	[tilespmem:s24], [sflag:$0x1] =	stream.indirect_vreg.gather [hbm4b:s19+s5], $0x80, v6, vm1, $0xb8;
	[tilespmem:$0x10800] =	vst v63  }
0xd1: {  	s28 =	simm.s32 $0x1880  }
0xd2: {  	[tilespmem:s28], [sflag:$0x1] =	stream.indirect_vreg.gather [hbm4b:s19+s5], $0x80, v7, vm1, $0xb8;
	[tilespmem:$0x10800] =	vst v63  }
0xd3: {  	s24 =	simm.s32 $0x1900  }
0xd4: {  	(v2sf) =	vpush v26, $0x2;
	[tilespmem:s24], [sflag:$0x1] =	stream.indirect_vreg.gather [hbm4b:s19+s5], $0x80, v8, vm1, $0xb8;
	[tilespmem:$0x10800] =	vst v63  }
0xd5: {  	s28 =	simm.s32 $0x1980  }
0xd6: {  	[tilespmem:s28], [sflag:$0x1] =	stream.indirect_vreg.gather [hbm4b:s19+s5], $0x80, v9, vm1, $0xb8;
	[tilespmem:$0x10800] =	vst v63  }
0xd7: {  	s24 =	simm.s32 $0x1A00  }
0xd8: {  	[tilespmem:s24], [sflag:$0x1] =	stream.indirect_vreg.gather [hbm4b:s19+s5], $0x80, v10, vm1, $0xb8;
	[tilespmem:$0x10800] =	vst v63  }
0xd9: {  	s28 =	simm.s32 $0x1A80  }
0xda: {  	[tilespmem:s28], [sflag:$0x1] =	stream.indirect_vreg.gather [hbm4b:s19+s5], $0x80, v11, vm1, $0xb8;
	[tilespmem:$0x10800] =	vst v63  }
0xdb: {  	s24 =	simm.s32 $0x1B00  }
0xdc: {  	[tilespmem:s24], [sflag:$0x1] =	stream.indirect_vreg.gather [hbm4b:s19+s5], $0x80, v13, vm1, $0xb8;
	[tilespmem:$0x10800] =	vst v63  }
0xdd: {  	s28 =	simm.s32 $0x1B80  }
0xde: {  	[tilespmem:s28], [sflag:$0x1] =	stream.indirect_vreg.gather [hbm4b:s19+s5], $0x80, v14, vm1, $0xb8;
	[tilespmem:$0x10800] =	vst v63  }
0xdf: {  	s24 =	simm.s32 $0x1C00  }
0xe0: {  	[tilespmem:s24], [sflag:$0x1] =	stream.indirect_vreg.gather [hbm4b:s19+s5], $0x80, v15, vm1, $0xb8;
	[tilespmem:$0x10800] =	vst v63  }
0xe1: {  	s28 =	simm.s32 $0x1C80  }
0xe2: {  	[tilespmem:s28], [sflag:$0x1] =	stream.indirect_vreg.gather [hbm4b:s19+s5], $0x80, v16, vm1, $0xb8;
	[tilespmem:$0x10800] =	vst v63  }
0xe3: {  	s24 =	simm.s32 $0x5500;
	s19 =	spop (v2sf)  }
0xe4: {  	[tilespmem:s24], [sflag:$0x1] =	stream.indirect_vreg.gather [hbm4b:s19+s5], $0x80, v0, vm1, $0xb8;
	[tilespmem:$0x10800] =	vst v63  }
0xe5: {  	s28 =	simm.s32 $0x5580  }
0xe6: {  	[tilespmem:s28], [sflag:$0x1] =	stream.indirect_vreg.gather [hbm4b:s19+s5], $0x80, v1, vm1, $0xb8;
	[tilespmem:$0x10800] =	vst v63  }
0xe7: {  	s24 =	simm.s32 $0x5600  }
0xe8: {  	[tilespmem:s24], [sflag:$0x1] =	stream.indirect_vreg.gather [hbm4b:s19+s5], $0x80, v2, vm1, $0xb8;
	[tilespmem:$0x10800] =	vst v63  }
0xe9: {  	s28 =	simm.s32 $0x5680  }
0xea: {  	[tilespmem:s28], [sflag:$0x1] =	stream.indirect_vreg.gather [hbm4b:s19+s5], $0x80, v3, vm1, $0xb8;
	[tilespmem:$0x10800] =	vst v63  }
0xeb: {  	s24 =	simm.s32 $0x5700  }
0xec: {  	[tilespmem:s24], [sflag:$0x1] =	stream.indirect_vreg.gather [hbm4b:s19+s5], $0x80, v4, vm1, $0xb8;
	[tilespmem:$0x10800] =	vst v63  }
0xed: {  	s28 =	simm.s32 $0x5780  }
0xee: {  	[tilespmem:s28], [sflag:$0x1] =	stream.indirect_vreg.gather [hbm4b:s19+s5], $0x80, v5, vm1, $0xb8;
	[tilespmem:$0x10800] =	vst v63  }
0xef: {  	s24 =	simm.s32 $0x5800  }
0xf0: {  	[tilespmem:s24], [sflag:$0x1] =	stream.indirect_vreg.gather [hbm4b:s19+s5], $0x80, v6, vm1, $0xb8;
	[tilespmem:$0x10800] =	vst v63  }
0xf1: {  	s28 =	simm.s32 $0x5880  }
0xf2: {  	[tilespmem:s28], [sflag:$0x1] =	stream.indirect_vreg.gather [hbm4b:s19+s5], $0x80, v7, vm1, $0xb8;
	[tilespmem:$0x10800] =	vst v63  }
0xf3: {  	s24 =	simm.s32 $0x5900  }
0xf4: {  	(v2sf) =	vpush v27, $0x3;
	[tilespmem:s24], [sflag:$0x1] =	stream.indirect_vreg.gather [hbm4b:s19+s5], $0x80, v8, vm1, $0xb8;
	[tilespmem:$0x10800] =	vst v63  }
0xf5: {  	s28 =	simm.s32 $0x5980  }
0xf6: {  	[tilespmem:s28], [sflag:$0x1] =	stream.indirect_vreg.gather [hbm4b:s19+s5], $0x80, v9, vm1, $0xb8;
	[tilespmem:$0x10800] =	vst v63  }
0xf7: {  	s24 =	simm.s32 $0x5A00  }
0xf8: {  	[tilespmem:s24], [sflag:$0x1] =	stream.indirect_vreg.gather [hbm4b:s19+s5], $0x80, v10, vm1, $0xb8;
	[tilespmem:$0x10800] =	vst v63  }
0xf9: {  	s28 =	simm.s32 $0x5A80  }
0xfa: {  	[tilespmem:s28], [sflag:$0x1] =	stream.indirect_vreg.gather [hbm4b:s19+s5], $0x80, v11, vm1, $0xb8;
	[tilespmem:$0x10800] =	vst v63  }
0xfb: {  	s24 =	simm.s32 $0x5B00  }
0xfc: {  	[tilespmem:s24], [sflag:$0x1] =	stream.indirect_vreg.gather [hbm4b:s19+s5], $0x80, v13, vm1, $0xb8;
	[tilespmem:$0x10800] =	vst v63  }
0xfd: {  	s28 =	simm.s32 $0x5B80  }
0xfe: {  	[tilespmem:s28], [sflag:$0x1] =	stream.indirect_vreg.gather [hbm4b:s19+s5], $0x80, v14, vm1, $0xb8;
	[tilespmem:$0x10800] =	vst v63  }
0xff: {  	s24 =	simm.s32 $0x5C00  }
0x100: {  	[tilespmem:s24], [sflag:$0x1] =	stream.indirect_vreg.gather [hbm4b:s19+s5], $0x80, v15, vm1, $0xb8;
	[tilespmem:$0x10800] =	vst v63  }
0x101: {  	s28 =	simm.s32 $0x5C80  }
0x102: {  	[tilespmem:s28], [sflag:$0x1] =	stream.indirect_vreg.gather [hbm4b:s19+s5], $0x80, v16, vm1, $0xb8;
	[tilespmem:$0x10800] =	vst v63  }
0x103: {  	s24 =	simm.s32 $0x1D00;
	s19 =	spop (v2sf)  }
0x104: {  	[tilespmem:s24], [sflag:$0x1] =	stream.indirect_vreg.gather [hbm4b:s19+s5], $0x80, v0, vm1, $0xb8;
	[tilespmem:$0x10800] =	vst v63  }
0x105: {  	s28 =	simm.s32 $0x1D80  }
0x106: {  	[tilespmem:s28], [sflag:$0x1] =	stream.indirect_vreg.gather [hbm4b:s19+s5], $0x80, v1, vm1, $0xb8;
	[tilespmem:$0x10800] =	vst v63  }
0x107: {  	s24 =	simm.s32 $0x1E00  }
0x108: {  	[tilespmem:s24], [sflag:$0x1] =	stream.indirect_vreg.gather [hbm4b:s19+s5], $0x80, v2, vm1, $0xb8;
	[tilespmem:$0x10800] =	vst v63  }
0x109: {  	s28 =	simm.s32 $0x1E80  }
0x10a: {  	[tilespmem:s28], [sflag:$0x1] =	stream.indirect_vreg.gather [hbm4b:s19+s5], $0x80, v3, vm1, $0xb8;
	[tilespmem:$0x10800] =	vst v63  }
0x10b: {  	s24 =	simm.s32 $0x1F00  }
0x10c: {  	[tilespmem:s24], [sflag:$0x1] =	stream.indirect_vreg.gather [hbm4b:s19+s5], $0x80, v4, vm1, $0xb8;
	[tilespmem:$0x10800] =	vst v63  }
0x10d: {  	s28 =	simm.s32 $0x1F80  }
0x10e: {  	[tilespmem:s28], [sflag:$0x1] =	stream.indirect_vreg.gather [hbm4b:s19+s5], $0x80, v5, vm1, $0xb8;
	[tilespmem:$0x10800] =	vst v63  }
0x10f: {  	s24 =	simm.s32 $0x2000  }
0x110: {  	[tilespmem:s24], [sflag:$0x1] =	stream.indirect_vreg.gather [hbm4b:s19+s5], $0x80, v6, vm1, $0xb8;
	[tilespmem:$0x10800] =	vst v63  }
0x111: {  	s28 =	simm.s32 $0x2080  }
0x112: {  	[tilespmem:s28], [sflag:$0x1] =	stream.indirect_vreg.gather [hbm4b:s19+s5], $0x80, v7, vm1, $0xb8;
	[tilespmem:$0x10800] =	vst v63  }
0x113: {  	s24 =	simm.s32 $0x2100  }
0x114: {  	(v2sf) =	vpush v26, $0x3;
	[tilespmem:s24], [sflag:$0x1] =	stream.indirect_vreg.gather [hbm4b:s19+s5], $0x80, v8, vm1, $0xb8;
	[tilespmem:$0x10800] =	vst v63  }
0x115: {  	s28 =	simm.s32 $0x2180  }
0x116: {  	[tilespmem:s28], [sflag:$0x1] =	stream.indirect_vreg.gather [hbm4b:s19+s5], $0x80, v9, vm1, $0xb8;
	[tilespmem:$0x10800] =	vst v63  }
0x117: {  	s24 =	simm.s32 $0x2200  }
0x118: {  	[tilespmem:s24], [sflag:$0x1] =	stream.indirect_vreg.gather [hbm4b:s19+s5], $0x80, v10, vm1, $0xb8;
	[tilespmem:$0x10800] =	vst v63  }
0x119: {  	s28 =	simm.s32 $0x2280  }
0x11a: {  	[tilespmem:s28], [sflag:$0x1] =	stream.indirect_vreg.gather [hbm4b:s19+s5], $0x80, v11, vm1, $0xb8;
	[tilespmem:$0x10800] =	vst v63  }
0x11b: {  	s24 =	simm.s32 $0x2300  }
0x11c: {  	[tilespmem:s24], [sflag:$0x1] =	stream.indirect_vreg.gather [hbm4b:s19+s5], $0x80, v13, vm1, $0xb8;
	[tilespmem:$0x10800] =	vst v63  }
0x11d: {  	s28 =	simm.s32 $0x2380  }
0x11e: {  	[tilespmem:s28], [sflag:$0x1] =	stream.indirect_vreg.gather [hbm4b:s19+s5], $0x80, v14, vm1, $0xb8;
	[tilespmem:$0x10800] =	vst v63  }
0x11f: {  	s24 =	simm.s32 $0x2400  }
0x120: {  	[tilespmem:s24], [sflag:$0x1] =	stream.indirect_vreg.gather [hbm4b:s19+s5], $0x80, v15, vm1, $0xb8;
	[tilespmem:$0x10800] =	vst v63  }
0x121: {  	s28 =	simm.s32 $0x2480  }
0x122: {  	[tilespmem:s28], [sflag:$0x1] =	stream.indirect_vreg.gather [hbm4b:s19+s5], $0x80, v16, vm1, $0xb8;
	[tilespmem:$0x10800] =	vst v63  }
0x123: {  	s24 =	simm.s32 $0x5D00;
	s19 =	spop (v2sf)  }
0x124: {  	[tilespmem:s24], [sflag:$0x1] =	stream.indirect_vreg.gather [hbm4b:s19+s5], $0x80, v0, vm1, $0xb8;
	[tilespmem:$0x10800] =	vst v63  }
0x125: {  	s28 =	simm.s32 $0x5D80  }
0x126: {  	[tilespmem:s28], [sflag:$0x1] =	stream.indirect_vreg.gather [hbm4b:s19+s5], $0x80, v1, vm1, $0xb8;
	[tilespmem:$0x10800] =	vst v63  }
0x127: {  	s24 =	simm.s32 $0x5E00  }
0x128: {  	[tilespmem:s24], [sflag:$0x1] =	stream.indirect_vreg.gather [hbm4b:s19+s5], $0x80, v2, vm1, $0xb8;
	[tilespmem:$0x10800] =	vst v63  }
0x129: {  	s28 =	simm.s32 $0x5E80  }
0x12a: {  	[tilespmem:s28], [sflag:$0x1] =	stream.indirect_vreg.gather [hbm4b:s19+s5], $0x80, v3, vm1, $0xb8;
	[tilespmem:$0x10800] =	vst v63  }
0x12b: {  	s24 =	simm.s32 $0x5F00  }
0x12c: {  	[tilespmem:s24], [sflag:$0x1] =	stream.indirect_vreg.gather [hbm4b:s19+s5], $0x80, v4, vm1, $0xb8;
	[tilespmem:$0x10800] =	vst v63  }
0x12d: {  	s28 =	simm.s32 $0x5F80  }
0x12e: {  	[tilespmem:s28], [sflag:$0x1] =	stream.indirect_vreg.gather [hbm4b:s19+s5], $0x80, v5, vm1, $0xb8;
	[tilespmem:$0x10800] =	vst v63  }
0x12f: {  	s24 =	simm.s32 $0x6000  }
0x130: {  	[tilespmem:s24], [sflag:$0x1] =	stream.indirect_vreg.gather [hbm4b:s19+s5], $0x80, v6, vm1, $0xb8;
	[tilespmem:$0x10800] =	vst v63  }
0x131: {  	s28 =	simm.s32 $0x6080  }
0x132: {  	[tilespmem:s28], [sflag:$0x1] =	stream.indirect_vreg.gather [hbm4b:s19+s5], $0x80, v7, vm1, $0xb8;
	[tilespmem:$0x10800] =	vst v63  }
0x133: {  	s24 =	simm.s32 $0x6100  }
0x134: {  	(v2sf) =	vpush v27, $0x4;
	[tilespmem:s24], [sflag:$0x1] =	stream.indirect_vreg.gather [hbm4b:s19+s5], $0x80, v8, vm1, $0xb8;
	[tilespmem:$0x10800] =	vst v63  }
0x135: {  	s28 =	simm.s32 $0x6180  }
0x136: {  	[tilespmem:s28], [sflag:$0x1] =	stream.indirect_vreg.gather [hbm4b:s19+s5], $0x80, v9, vm1, $0xb8;
	[tilespmem:$0x10800] =	vst v63  }
0x137: {  	s24 =	simm.s32 $0x6200  }
0x138: {  	[tilespmem:s24], [sflag:$0x1] =	stream.indirect_vreg.gather [hbm4b:s19+s5], $0x80, v10, vm1, $0xb8;
	[tilespmem:$0x10800] =	vst v63  }
0x139: {  	s28 =	simm.s32 $0x6280  }
0x13a: {  	[tilespmem:s28], [sflag:$0x1] =	stream.indirect_vreg.gather [hbm4b:s19+s5], $0x80, v11, vm1, $0xb8;
	[tilespmem:$0x10800] =	vst v63  }
0x13b: {  	s24 =	simm.s32 $0x6300  }
0x13c: {  	[tilespmem:s24], [sflag:$0x1] =	stream.indirect_vreg.gather [hbm4b:s19+s5], $0x80, v13, vm1, $0xb8;
	[tilespmem:$0x10800] =	vst v63  }
0x13d: {  	s28 =	simm.s32 $0x6380  }
0x13e: {  	[tilespmem:s28], [sflag:$0x1] =	stream.indirect_vreg.gather [hbm4b:s19+s5], $0x80, v14, vm1, $0xb8;
	[tilespmem:$0x10800] =	vst v63  }
0x13f: {  	s24 =	simm.s32 $0x6400  }
0x140: {  	[tilespmem:s24], [sflag:$0x1] =	stream.indirect_vreg.gather [hbm4b:s19+s5], $0x80, v15, vm1, $0xb8;
	[tilespmem:$0x10800] =	vst v63  }
0x141: {  	s28 =	simm.s32 $0x6480  }
0x142: {  	[tilespmem:s28], [sflag:$0x1] =	stream.indirect_vreg.gather [hbm4b:s19+s5], $0x80, v16, vm1, $0xb8;
	[tilespmem:$0x10800] =	vst v63  }
0x143: {  	s24 =	simm.s32 $0x2500;
	s19 =	spop (v2sf)  }
0x144: {  	[tilespmem:s24], [sflag:$0x1] =	stream.indirect_vreg.gather [hbm4b:s19+s5], $0x80, v0, vm1, $0xb8;
	[tilespmem:$0x10800] =	vst v63  }
0x145: {  	s28 =	simm.s32 $0x2580  }
0x146: {  	[tilespmem:s28], [sflag:$0x1] =	stream.indirect_vreg.gather [hbm4b:s19+s5], $0x80, v1, vm1, $0xb8;
	[tilespmem:$0x10800] =	vst v63  }
0x147: {  	s24 =	simm.s32 $0x2600  }
0x148: {  	[tilespmem:s24], [sflag:$0x1] =	stream.indirect_vreg.gather [hbm4b:s19+s5], $0x80, v2, vm1, $0xb8;
	[tilespmem:$0x10800] =	vst v63  }
0x149: {  	s28 =	simm.s32 $0x2680  }
0x14a: {  	[tilespmem:s28], [sflag:$0x1] =	stream.indirect_vreg.gather [hbm4b:s19+s5], $0x80, v3, vm1, $0xb8;
	[tilespmem:$0x10800] =	vst v63  }
0x14b: {  	s24 =	simm.s32 $0x2700  }
0x14c: {  	[tilespmem:s24], [sflag:$0x1] =	stream.indirect_vreg.gather [hbm4b:s19+s5], $0x80, v4, vm1, $0xb8;
	[tilespmem:$0x10800] =	vst v63  }
0x14d: {  	s28 =	simm.s32 $0x2780  }
0x14e: {  	[tilespmem:s28], [sflag:$0x1] =	stream.indirect_vreg.gather [hbm4b:s19+s5], $0x80, v5, vm1, $0xb8;
	[tilespmem:$0x10800] =	vst v63  }
0x14f: {  	s24 =	simm.s32 $0x2800  }
0x150: {  	[tilespmem:s24], [sflag:$0x1] =	stream.indirect_vreg.gather [hbm4b:s19+s5], $0x80, v6, vm1, $0xb8;
	[tilespmem:$0x10800] =	vst v63  }
0x151: {  	s28 =	simm.s32 $0x2880  }
0x152: {  	[tilespmem:s28], [sflag:$0x1] =	stream.indirect_vreg.gather [hbm4b:s19+s5], $0x80, v7, vm1, $0xb8;
	[tilespmem:$0x10800] =	vst v63  }
0x153: {  	s24 =	simm.s32 $0x2900  }
0x154: {  	(v2sf) =	vpush v26, $0x4;
	[tilespmem:s24], [sflag:$0x1] =	stream.indirect_vreg.gather [hbm4b:s19+s5], $0x80, v8, vm1, $0xb8;
	[tilespmem:$0x10800] =	vst v63  }
0x155: {  	s28 =	simm.s32 $0x2980  }
0x156: {  	[tilespmem:s28], [sflag:$0x1] =	stream.indirect_vreg.gather [hbm4b:s19+s5], $0x80, v9, vm1, $0xb8;
	[tilespmem:$0x10800] =	vst v63  }
0x157: {  	s24 =	simm.s32 $0x2A00  }
0x158: {  	[tilespmem:s24], [sflag:$0x1] =	stream.indirect_vreg.gather [hbm4b:s19+s5], $0x80, v10, vm1, $0xb8;
	[tilespmem:$0x10800] =	vst v63  }
0x159: {  	s28 =	simm.s32 $0x2A80  }
0x15a: {  	[tilespmem:s28], [sflag:$0x1] =	stream.indirect_vreg.gather [hbm4b:s19+s5], $0x80, v11, vm1, $0xb8;
	[tilespmem:$0x10800] =	vst v63  }
0x15b: {  	s24 =	simm.s32 $0x2B00  }
0x15c: {  	[tilespmem:s24], [sflag:$0x1] =	stream.indirect_vreg.gather [hbm4b:s19+s5], $0x80, v13, vm1, $0xb8;
	[tilespmem:$0x10800] =	vst v63  }
0x15d: {  	s28 =	simm.s32 $0x2B80  }
0x15e: {  	[tilespmem:s28], [sflag:$0x1] =	stream.indirect_vreg.gather [hbm4b:s19+s5], $0x80, v14, vm1, $0xb8;
	[tilespmem:$0x10800] =	vst v63  }
0x15f: {  	s24 =	simm.s32 $0x2C00  }
0x160: {  	[tilespmem:s24], [sflag:$0x1] =	stream.indirect_vreg.gather [hbm4b:s19+s5], $0x80, v15, vm1, $0xb8;
	[tilespmem:$0x10800] =	vst v63  }
0x161: {  	s28 =	simm.s32 $0x2C80  }
0x162: {  	[tilespmem:s28], [sflag:$0x1] =	stream.indirect_vreg.gather [hbm4b:s19+s5], $0x80, v16, vm1, $0xb8;
	[tilespmem:$0x10800] =	vst v63  }
0x163: {  	s24 =	simm.s32 $0x6500;
	s19 =	spop (v2sf)  }
0x164: {  	[tilespmem:s24], [sflag:$0x1] =	stream.indirect_vreg.gather [hbm4b:s19+s5], $0x80, v0, vm1, $0xb8;
	[tilespmem:$0x10800] =	vst v63  }
0x165: {  	s28 =	simm.s32 $0x6580  }
0x166: {  	[tilespmem:s28], [sflag:$0x1] =	stream.indirect_vreg.gather [hbm4b:s19+s5], $0x80, v1, vm1, $0xb8;
	[tilespmem:$0x10800] =	vst v63  }
0x167: {  	s24 =	simm.s32 $0x6600  }
0x168: {  	[tilespmem:s24], [sflag:$0x1] =	stream.indirect_vreg.gather [hbm4b:s19+s5], $0x80, v2, vm1, $0xb8;
	[tilespmem:$0x10800] =	vst v63  }
0x169: {  	s28 =	simm.s32 $0x6680  }
0x16a: {  	[tilespmem:s28], [sflag:$0x1] =	stream.indirect_vreg.gather [hbm4b:s19+s5], $0x80, v3, vm1, $0xb8;
	[tilespmem:$0x10800] =	vst v63  }
0x16b: {  	s24 =	simm.s32 $0x6700  }
0x16c: {  	[tilespmem:s24], [sflag:$0x1] =	stream.indirect_vreg.gather [hbm4b:s19+s5], $0x80, v4, vm1, $0xb8;
	[tilespmem:$0x10800] =	vst v63  }
0x16d: {  	s28 =	simm.s32 $0x6780  }
0x16e: {  	[tilespmem:s28], [sflag:$0x1] =	stream.indirect_vreg.gather [hbm4b:s19+s5], $0x80, v5, vm1, $0xb8;
	[tilespmem:$0x10800] =	vst v63  }
0x16f: {  	s24 =	simm.s32 $0x6800  }
0x170: {  	[tilespmem:s24], [sflag:$0x1] =	stream.indirect_vreg.gather [hbm4b:s19+s5], $0x80, v6, vm1, $0xb8;
	[tilespmem:$0x10800] =	vst v63  }
0x171: {  	s28 =	simm.s32 $0x6880  }
0x172: {  	[tilespmem:s28], [sflag:$0x1] =	stream.indirect_vreg.gather [hbm4b:s19+s5], $0x80, v7, vm1, $0xb8;
	[tilespmem:$0x10800] =	vst v63  }
0x173: {  	s24 =	simm.s32 $0x6900  }
0x174: {  	(v2sf) =	vpush v27, $0x5;
	[tilespmem:s24], [sflag:$0x1] =	stream.indirect_vreg.gather [hbm4b:s19+s5], $0x80, v8, vm1, $0xb8;
	[tilespmem:$0x10800] =	vst v63  }
0x175: {  	s28 =	simm.s32 $0x6980  }
0x176: {  	[tilespmem:s28], [sflag:$0x1] =	stream.indirect_vreg.gather [hbm4b:s19+s5], $0x80, v9, vm1, $0xb8;
	[tilespmem:$0x10800] =	vst v63  }
0x177: {  	s24 =	simm.s32 $0x6A00  }
0x178: {  	[tilespmem:s24], [sflag:$0x1] =	stream.indirect_vreg.gather [hbm4b:s19+s5], $0x80, v10, vm1, $0xb8;
	[tilespmem:$0x10800] =	vst v63  }
0x179: {  	s28 =	simm.s32 $0x6A80  }
0x17a: {  	[tilespmem:s28], [sflag:$0x1] =	stream.indirect_vreg.gather [hbm4b:s19+s5], $0x80, v11, vm1, $0xb8;
	[tilespmem:$0x10800] =	vst v63  }
0x17b: {  	s24 =	simm.s32 $0x6B00  }
0x17c: {  	[tilespmem:s24], [sflag:$0x1] =	stream.indirect_vreg.gather [hbm4b:s19+s5], $0x80, v13, vm1, $0xb8;
	[tilespmem:$0x10800] =	vst v63  }
0x17d: {  	s28 =	simm.s32 $0x6B80  }
0x17e: {  	[tilespmem:s28], [sflag:$0x1] =	stream.indirect_vreg.gather [hbm4b:s19+s5], $0x80, v14, vm1, $0xb8;
	[tilespmem:$0x10800] =	vst v63  }
0x17f: {  	s24 =	simm.s32 $0x6C00  }
0x180: {  	[tilespmem:s24], [sflag:$0x1] =	stream.indirect_vreg.gather [hbm4b:s19+s5], $0x80, v15, vm1, $0xb8;
	[tilespmem:$0x10800] =	vst v63  }
0x181: {  	s28 =	simm.s32 $0x6C80  }
0x182: {  	[tilespmem:s28], [sflag:$0x1] =	stream.indirect_vreg.gather [hbm4b:s19+s5], $0x80, v16, vm1, $0xb8;
	[tilespmem:$0x10800] =	vst v63  }
0x183: {  	s24 =	simm.s32 $0x2D00;
	s19 =	spop (v2sf)  }
0x184: {  	[tilespmem:s24], [sflag:$0x1] =	stream.indirect_vreg.gather [hbm4b:s19+s5], $0x80, v0, vm1, $0xb8;
	[tilespmem:$0x10800] =	vst v63  }
0x185: {  	s28 =	simm.s32 $0x2D80  }
0x186: {  	[tilespmem:s28], [sflag:$0x1] =	stream.indirect_vreg.gather [hbm4b:s19+s5], $0x80, v1, vm1, $0xb8;
	[tilespmem:$0x10800] =	vst v63  }
0x187: {  	s24 =	simm.s32 $0x2E00  }
0x188: {  	[tilespmem:s24], [sflag:$0x1] =	stream.indirect_vreg.gather [hbm4b:s19+s5], $0x80, v2, vm1, $0xb8;
	[tilespmem:$0x10800] =	vst v63  }
0x189: {  	s28 =	simm.s32 $0x2E80  }
0x18a: {  	[tilespmem:s28], [sflag:$0x1] =	stream.indirect_vreg.gather [hbm4b:s19+s5], $0x80, v3, vm1, $0xb8;
	[tilespmem:$0x10800] =	vst v63  }
0x18b: {  	s24 =	simm.s32 $0x2F00  }
0x18c: {  	[tilespmem:s24], [sflag:$0x1] =	stream.indirect_vreg.gather [hbm4b:s19+s5], $0x80, v4, vm1, $0xb8;
	[tilespmem:$0x10800] =	vst v63  }
0x18d: {  	s28 =	simm.s32 $0x2F80  }
0x18e: {  	[tilespmem:s28], [sflag:$0x1] =	stream.indirect_vreg.gather [hbm4b:s19+s5], $0x80, v5, vm1, $0xb8;
	[tilespmem:$0x10800] =	vst v63  }
0x18f: {  	s24 =	simm.s32 $0x3000  }
0x190: {  	[tilespmem:s24], [sflag:$0x1] =	stream.indirect_vreg.gather [hbm4b:s19+s5], $0x80, v6, vm1, $0xb8;
	[tilespmem:$0x10800] =	vst v63  }
0x191: {  	s28 =	simm.s32 $0x3080  }
0x192: {  	[tilespmem:s28], [sflag:$0x1] =	stream.indirect_vreg.gather [hbm4b:s19+s5], $0x80, v7, vm1, $0xb8;
	[tilespmem:$0x10800] =	vst v63  }
0x193: {  	s24 =	simm.s32 $0x3100  }
0x194: {  	(v2sf) =	vpush v26, $0x5;
	[tilespmem:s24], [sflag:$0x1] =	stream.indirect_vreg.gather [hbm4b:s19+s5], $0x80, v8, vm1, $0xb8;
	[tilespmem:$0x10800] =	vst v63  }
0x195: {  	s28 =	simm.s32 $0x3180  }
0x196: {  	[tilespmem:s28], [sflag:$0x1] =	stream.indirect_vreg.gather [hbm4b:s19+s5], $0x80, v9, vm1, $0xb8;
	[tilespmem:$0x10800] =	vst v63  }
0x197: {  	s24 =	simm.s32 $0x3200  }
0x198: {  	[tilespmem:s24], [sflag:$0x1] =	stream.indirect_vreg.gather [hbm4b:s19+s5], $0x80, v10, vm1, $0xb8;
	[tilespmem:$0x10800] =	vst v63  }
0x199: {  	s28 =	simm.s32 $0x3280  }
0x19a: {  	[tilespmem:s28], [sflag:$0x1] =	stream.indirect_vreg.gather [hbm4b:s19+s5], $0x80, v11, vm1, $0xb8;
	[tilespmem:$0x10800] =	vst v63  }
0x19b: {  	s24 =	simm.s32 $0x3300  }
0x19c: {  	[tilespmem:s24], [sflag:$0x1] =	stream.indirect_vreg.gather [hbm4b:s19+s5], $0x80, v13, vm1, $0xb8;
	[tilespmem:$0x10800] =	vst v63  }
0x19d: {  	s28 =	simm.s32 $0x3380  }
0x19e: {  	[tilespmem:s28], [sflag:$0x1] =	stream.indirect_vreg.gather [hbm4b:s19+s5], $0x80, v14, vm1, $0xb8;
	[tilespmem:$0x10800] =	vst v63  }
0x19f: {  	s24 =	simm.s32 $0x3400  }
0x1a0: {  	[tilespmem:s24], [sflag:$0x1] =	stream.indirect_vreg.gather [hbm4b:s19+s5], $0x80, v15, vm1, $0xb8;
	[tilespmem:$0x10800] =	vst v63  }
0x1a1: {  	s28 =	simm.s32 $0x3480  }
0x1a2: {  	[tilespmem:s28], [sflag:$0x1] =	stream.indirect_vreg.gather [hbm4b:s19+s5], $0x80, v16, vm1, $0xb8;
	[tilespmem:$0x10800] =	vst v63  }
0x1a3: {  	s24 =	simm.s32 $0x6D00;
	s19 =	spop (v2sf)  }
0x1a4: {  	[tilespmem:s24], [sflag:$0x1] =	stream.indirect_vreg.gather [hbm4b:s19+s5], $0x80, v0, vm1, $0xb8;
	[tilespmem:$0x10800] =	vst v63  }
0x1a5: {  	s28 =	simm.s32 $0x6D80  }
0x1a6: {  	[tilespmem:s28], [sflag:$0x1] =	stream.indirect_vreg.gather [hbm4b:s19+s5], $0x80, v1, vm1, $0xb8;
	[tilespmem:$0x10800] =	vst v63  }
0x1a7: {  	s24 =	simm.s32 $0x6E00  }
0x1a8: {  	[tilespmem:s24], [sflag:$0x1] =	stream.indirect_vreg.gather [hbm4b:s19+s5], $0x80, v2, vm1, $0xb8;
	[tilespmem:$0x10800] =	vst v63  }
0x1a9: {  	s28 =	simm.s32 $0x6E80  }
0x1aa: {  	[tilespmem:s28], [sflag:$0x1] =	stream.indirect_vreg.gather [hbm4b:s19+s5], $0x80, v3, vm1, $0xb8;
	[tilespmem:$0x10800] =	vst v63  }
0x1ab: {  	s24 =	simm.s32 $0x6F00  }
0x1ac: {  	[tilespmem:s24], [sflag:$0x1] =	stream.indirect_vreg.gather [hbm4b:s19+s5], $0x80, v4, vm1, $0xb8;
	[tilespmem:$0x10800] =	vst v63  }
0x1ad: {  	s28 =	simm.s32 $0x6F80  }
0x1ae: {  	[tilespmem:s28], [sflag:$0x1] =	stream.indirect_vreg.gather [hbm4b:s19+s5], $0x80, v5, vm1, $0xb8;
	[tilespmem:$0x10800] =	vst v63  }
0x1af: {  	s24 =	simm.s32 $0x7000  }
0x1b0: {  	[tilespmem:s24], [sflag:$0x1] =	stream.indirect_vreg.gather [hbm4b:s19+s5], $0x80, v6, vm1, $0xb8;
	[tilespmem:$0x10800] =	vst v63  }
0x1b1: {  	s28 =	simm.s32 $0x7080  }
0x1b2: {  	[tilespmem:s28], [sflag:$0x1] =	stream.indirect_vreg.gather [hbm4b:s19+s5], $0x80, v7, vm1, $0xb8;
	[tilespmem:$0x10800] =	vst v63  }
0x1b3: {  	s24 =	simm.s32 $0x7100  }
0x1b4: {  	(v2sf) =	vpush v27, $0x6;
	[tilespmem:s24], [sflag:$0x1] =	stream.indirect_vreg.gather [hbm4b:s19+s5], $0x80, v8, vm1, $0xb8;
	[tilespmem:$0x10800] =	vst v63  }
0x1b5: {  	s28 =	simm.s32 $0x7180  }
0x1b6: {  	[tilespmem:s28], [sflag:$0x1] =	stream.indirect_vreg.gather [hbm4b:s19+s5], $0x80, v9, vm1, $0xb8;
	[tilespmem:$0x10800] =	vst v63  }
0x1b7: {  	s24 =	simm.s32 $0x7200  }
0x1b8: {  	[tilespmem:s24], [sflag:$0x1] =	stream.indirect_vreg.gather [hbm4b:s19+s5], $0x80, v10, vm1, $0xb8;
	[tilespmem:$0x10800] =	vst v63  }
0x1b9: {  	s28 =	simm.s32 $0x7280  }
0x1ba: {  	[tilespmem:s28], [sflag:$0x1] =	stream.indirect_vreg.gather [hbm4b:s19+s5], $0x80, v11, vm1, $0xb8;
	[tilespmem:$0x10800] =	vst v63  }
0x1bb: {  	s24 =	simm.s32 $0x7300  }
0x1bc: {  	[tilespmem:s24], [sflag:$0x1] =	stream.indirect_vreg.gather [hbm4b:s19+s5], $0x80, v13, vm1, $0xb8;
	[tilespmem:$0x10800] =	vst v63  }
0x1bd: {  	s28 =	simm.s32 $0x7380  }
0x1be: {  	[tilespmem:s28], [sflag:$0x1] =	stream.indirect_vreg.gather [hbm4b:s19+s5], $0x80, v14, vm1, $0xb8;
	[tilespmem:$0x10800] =	vst v63  }
0x1bf: {  	s24 =	simm.s32 $0x7400  }
0x1c0: {  	[tilespmem:s24], [sflag:$0x1] =	stream.indirect_vreg.gather [hbm4b:s19+s5], $0x80, v15, vm1, $0xb8;
	[tilespmem:$0x10800] =	vst v63  }
0x1c1: {  	s28 =	simm.s32 $0x7480  }
0x1c2: {  	[tilespmem:s28], [sflag:$0x1] =	stream.indirect_vreg.gather [hbm4b:s19+s5], $0x80, v16, vm1, $0xb8;
	[tilespmem:$0x10800] =	vst v63  }
0x1c3: {  	s24 =	simm.s32 $0x3500;
	s19 =	spop (v2sf)  }
0x1c4: {  	[tilespmem:s24], [sflag:$0x1] =	stream.indirect_vreg.gather [hbm4b:s19+s5], $0x80, v0, vm1, $0xb8;
	[tilespmem:$0x10800] =	vst v63  }
0x1c5: {  	s28 =	simm.s32 $0x3580  }
0x1c6: {  	[tilespmem:s28], [sflag:$0x1] =	stream.indirect_vreg.gather [hbm4b:s19+s5], $0x80, v1, vm1, $0xb8;
	[tilespmem:$0x10800] =	vst v63  }
0x1c7: {  	s24 =	simm.s32 $0x3600  }
0x1c8: {  	[tilespmem:s24], [sflag:$0x1] =	stream.indirect_vreg.gather [hbm4b:s19+s5], $0x80, v2, vm1, $0xb8;
	[tilespmem:$0x10800] =	vst v63  }
0x1c9: {  	s28 =	simm.s32 $0x3680  }
0x1ca: {  	[tilespmem:s28], [sflag:$0x1] =	stream.indirect_vreg.gather [hbm4b:s19+s5], $0x80, v3, vm1, $0xb8;
	[tilespmem:$0x10800] =	vst v63  }
0x1cb: {  	s24 =	simm.s32 $0x3700  }
0x1cc: {  	[tilespmem:s24], [sflag:$0x1] =	stream.indirect_vreg.gather [hbm4b:s19+s5], $0x80, v4, vm1, $0xb8;
	[tilespmem:$0x10800] =	vst v63  }
0x1cd: {  	s28 =	simm.s32 $0x3780  }
0x1ce: {  	[tilespmem:s28], [sflag:$0x1] =	stream.indirect_vreg.gather [hbm4b:s19+s5], $0x80, v5, vm1, $0xb8;
	[tilespmem:$0x10800] =	vst v63  }
0x1cf: {  	s24 =	simm.s32 $0x3800  }
0x1d0: {  	[tilespmem:s24], [sflag:$0x1] =	stream.indirect_vreg.gather [hbm4b:s19+s5], $0x80, v6, vm1, $0xb8;
	[tilespmem:$0x10800] =	vst v63  }
0x1d1: {  	s28 =	simm.s32 $0x3880  }
0x1d2: {  	[tilespmem:s28], [sflag:$0x1] =	stream.indirect_vreg.gather [hbm4b:s19+s5], $0x80, v7, vm1, $0xb8;
	[tilespmem:$0x10800] =	vst v63  }
0x1d3: {  	s24 =	simm.s32 $0x3900  }
0x1d4: {  	(v2sf) =	vpush v26, $0x6;
	[tilespmem:s24], [sflag:$0x1] =	stream.indirect_vreg.gather [hbm4b:s19+s5], $0x80, v8, vm1, $0xb8;
	[tilespmem:$0x10800] =	vst v63  }
0x1d5: {  	s28 =	simm.s32 $0x3980  }
0x1d6: {  	[tilespmem:s28], [sflag:$0x1] =	stream.indirect_vreg.gather [hbm4b:s19+s5], $0x80, v9, vm1, $0xb8;
	[tilespmem:$0x10800] =	vst v63  }
0x1d7: {  	s24 =	simm.s32 $0x3A00  }
0x1d8: {  	[tilespmem:s24], [sflag:$0x1] =	stream.indirect_vreg.gather [hbm4b:s19+s5], $0x80, v10, vm1, $0xb8;
	[tilespmem:$0x10800] =	vst v63  }
0x1d9: {  	s28 =	simm.s32 $0x3A80  }
0x1da: {  	[tilespmem:s28], [sflag:$0x1] =	stream.indirect_vreg.gather [hbm4b:s19+s5], $0x80, v11, vm1, $0xb8;
	[tilespmem:$0x10800] =	vst v63  }
0x1db: {  	s24 =	simm.s32 $0x3B00  }
0x1dc: {  	[tilespmem:s24], [sflag:$0x1] =	stream.indirect_vreg.gather [hbm4b:s19+s5], $0x80, v13, vm1, $0xb8;
	[tilespmem:$0x10800] =	vst v63  }
0x1dd: {  	s28 =	simm.s32 $0x3B80  }
0x1de: {  	[tilespmem:s28], [sflag:$0x1] =	stream.indirect_vreg.gather [hbm4b:s19+s5], $0x80, v14, vm1, $0xb8;
	[tilespmem:$0x10800] =	vst v63  }
0x1df: {  	s24 =	simm.s32 $0x3C00  }
0x1e0: {  	[tilespmem:s24], [sflag:$0x1] =	stream.indirect_vreg.gather [hbm4b:s19+s5], $0x80, v15, vm1, $0xb8;
	[tilespmem:$0x10800] =	vst v63  }
0x1e1: {  	s28 =	simm.s32 $0x3C80  }
0x1e2: {  	[tilespmem:s28], [sflag:$0x1] =	stream.indirect_vreg.gather [hbm4b:s19+s5], $0x80, v16, vm1, $0xb8;
	[tilespmem:$0x10800] =	vst v63  }
0x1e3: {  	s24 =	simm.s32 $0x7500;
	s19 =	spop (v2sf)  }
0x1e4: {  	[tilespmem:s24], [sflag:$0x1] =	stream.indirect_vreg.gather [hbm4b:s19+s5], $0x80, v0, vm1, $0xb8;
	[tilespmem:$0x10800] =	vst v63  }
0x1e5: {  	s28 =	simm.s32 $0x7580  }
0x1e6: {  	[tilespmem:s28], [sflag:$0x1] =	stream.indirect_vreg.gather [hbm4b:s19+s5], $0x80, v1, vm1, $0xb8;
	[tilespmem:$0x10800] =	vst v63  }
0x1e7: {  	s24 =	simm.s32 $0x7600  }
0x1e8: {  	[tilespmem:s24], [sflag:$0x1] =	stream.indirect_vreg.gather [hbm4b:s19+s5], $0x80, v2, vm1, $0xb8;
	[tilespmem:$0x10800] =	vst v63  }
0x1e9: {  	s28 =	simm.s32 $0x7680  }
0x1ea: {  	[tilespmem:s28], [sflag:$0x1] =	stream.indirect_vreg.gather [hbm4b:s19+s5], $0x80, v3, vm1, $0xb8;
	[tilespmem:$0x10800] =	vst v63  }
0x1eb: {  	s24 =	simm.s32 $0x7700  }
0x1ec: {  	[tilespmem:s24], [sflag:$0x1] =	stream.indirect_vreg.gather [hbm4b:s19+s5], $0x80, v4, vm1, $0xb8;
	[tilespmem:$0x10800] =	vst v63  }
0x1ed: {  	s28 =	simm.s32 $0x7780  }
0x1ee: {  	[tilespmem:s28], [sflag:$0x1] =	stream.indirect_vreg.gather [hbm4b:s19+s5], $0x80, v5, vm1, $0xb8;
	[tilespmem:$0x10800] =	vst v63  }
0x1ef: {  	s24 =	simm.s32 $0x7800  }
0x1f0: {  	[tilespmem:s24], [sflag:$0x1] =	stream.indirect_vreg.gather [hbm4b:s19+s5], $0x80, v6, vm1, $0xb8;
	[tilespmem:$0x10800] =	vst v63  }
0x1f1: {  	s28 =	simm.s32 $0x7880  }
0x1f2: {  	[tilespmem:s28], [sflag:$0x1] =	stream.indirect_vreg.gather [hbm4b:s19+s5], $0x80, v7, vm1, $0xb8;
	[tilespmem:$0x10800] =	vst v63  }
0x1f3: {  	s24 =	simm.s32 $0x7900  }
0x1f4: {  	(v2sf) =	vpush v27, $0x7;
	[tilespmem:s24], [sflag:$0x1] =	stream.indirect_vreg.gather [hbm4b:s19+s5], $0x80, v8, vm1, $0xb8;
	[tilespmem:$0x10800] =	vst v63  }
0x1f5: {  	s28 =	simm.s32 $0x7980  }
0x1f6: {  	[tilespmem:s28], [sflag:$0x1] =	stream.indirect_vreg.gather [hbm4b:s19+s5], $0x80, v9, vm1, $0xb8;
	[tilespmem:$0x10800] =	vst v63  }
0x1f7: {  	s24 =	simm.s32 $0x7A00  }
0x1f8: {  	[tilespmem:s24], [sflag:$0x1] =	stream.indirect_vreg.gather [hbm4b:s19+s5], $0x80, v10, vm1, $0xb8;
	[tilespmem:$0x10800] =	vst v63  }
0x1f9: {  	s28 =	simm.s32 $0x7A80  }
0x1fa: {  	[tilespmem:s28], [sflag:$0x1] =	stream.indirect_vreg.gather [hbm4b:s19+s5], $0x80, v11, vm1, $0xb8;
	[tilespmem:$0x10800] =	vst v63  }
0x1fb: {  	s24 =	simm.s32 $0x7B00  }
0x1fc: {  	[tilespmem:s24], [sflag:$0x1] =	stream.indirect_vreg.gather [hbm4b:s19+s5], $0x80, v13, vm1, $0xb8;
	[tilespmem:$0x10800] =	vst v63  }
0x1fd: {  	s28 =	simm.s32 $0x7B80  }
0x1fe: {  	[tilespmem:s28], [sflag:$0x1] =	stream.indirect_vreg.gather [hbm4b:s19+s5], $0x80, v14, vm1, $0xb8;
	[tilespmem:$0x10800] =	vst v63  }
0x1ff: {  	s24 =	simm.s32 $0x7C00  }
0x200: {  	[tilespmem:s24], [sflag:$0x1] =	stream.indirect_vreg.gather [hbm4b:s19+s5], $0x80, v15, vm1, $0xb8;
	[tilespmem:$0x10800] =	vst v63  }
0x201: {  	s28 =	simm.s32 $0x7C80  }
0x202: {  	[tilespmem:s28], [sflag:$0x1] =	stream.indirect_vreg.gather [hbm4b:s19+s5], $0x80, v16, vm1, $0xb8;
	[tilespmem:$0x10800] =	vst v63  }
0x203: {  	s24 =	simm.s32 $0x3D00;
	s19 =	spop (v2sf)  }
0x204: {  	[tilespmem:s24], [sflag:$0x1] =	stream.indirect_vreg.gather [hbm4b:s19+s5], $0x80, v0, vm1, $0xb8;
	[tilespmem:$0x10800] =	vst v63  }
0x205: {  	s28 =	simm.s32 $0x3D80  }
0x206: {  	[tilespmem:s28], [sflag:$0x1] =	stream.indirect_vreg.gather [hbm4b:s19+s5], $0x80, v1, vm1, $0xb8;
	[tilespmem:$0x10800] =	vst v63  }
0x207: {  	s24 =	simm.s32 $0x3E00  }
0x208: {  	[tilespmem:s24], [sflag:$0x1] =	stream.indirect_vreg.gather [hbm4b:s19+s5], $0x80, v2, vm1, $0xb8;
	[tilespmem:$0x10800] =	vst v63  }
0x209: {  	s28 =	simm.s32 $0x3E80  }
0x20a: {  	[tilespmem:s28], [sflag:$0x1] =	stream.indirect_vreg.gather [hbm4b:s19+s5], $0x80, v3, vm1, $0xb8;
	[tilespmem:$0x10800] =	vst v63  }
0x20b: {  	s24 =	simm.s32 $0x3F00  }
0x20c: {  	[tilespmem:s24], [sflag:$0x1] =	stream.indirect_vreg.gather [hbm4b:s19+s5], $0x80, v4, vm1, $0xb8;
	[tilespmem:$0x10800] =	vst v63  }
0x20d: {  	s28 =	simm.s32 $0x3F80  }
0x20e: {  	[tilespmem:s28], [sflag:$0x1] =	stream.indirect_vreg.gather [hbm4b:s19+s5], $0x80, v5, vm1, $0xb8;
	[tilespmem:$0x10800] =	vst v63  }
0x20f: {  	s24 =	simm.s32 $0x4000  }
0x210: {  	[tilespmem:s24], [sflag:$0x1] =	stream.indirect_vreg.gather [hbm4b:s19+s5], $0x80, v6, vm1, $0xb8;
	[tilespmem:$0x10800] =	vst v63  }
0x211: {  	s28 =	simm.s32 $0x4080  }
0x212: {  	[tilespmem:s28], [sflag:$0x1] =	stream.indirect_vreg.gather [hbm4b:s19+s5], $0x80, v7, vm1, $0xb8;
	[tilespmem:$0x10800] =	vst v63  }
0x213: {  	s24 =	simm.s32 $0x4100  }
0x214: {  	(v2sf) =	vpush v26, $0x7;
	[tilespmem:s24], [sflag:$0x1] =	stream.indirect_vreg.gather [hbm4b:s19+s5], $0x80, v8, vm1, $0xb8;
	[tilespmem:$0x10800] =	vst v63  }
0x215: {  	s28 =	simm.s32 $0x4180  }
0x216: {  	[tilespmem:s28], [sflag:$0x1] =	stream.indirect_vreg.gather [hbm4b:s19+s5], $0x80, v9, vm1, $0xb8;
	[tilespmem:$0x10800] =	vst v63  }
0x217: {  	s24 =	simm.s32 $0x4200  }
0x218: {  	[tilespmem:s24], [sflag:$0x1] =	stream.indirect_vreg.gather [hbm4b:s19+s5], $0x80, v10, vm1, $0xb8;
	[tilespmem:$0x10800] =	vst v63  }
0x219: {  	s28 =	simm.s32 $0x4280  }
0x21a: {  	[tilespmem:s28], [sflag:$0x1] =	stream.indirect_vreg.gather [hbm4b:s19+s5], $0x80, v11, vm1, $0xb8;
	[tilespmem:$0x10800] =	vst v63  }
0x21b: {  	s24 =	simm.s32 $0x4300  }
0x21c: {  	[tilespmem:s24], [sflag:$0x1] =	stream.indirect_vreg.gather [hbm4b:s19+s5], $0x80, v13, vm1, $0xb8;
	[tilespmem:$0x10800] =	vst v63  }
0x21d: {  	s28 =	simm.s32 $0x4380  }
0x21e: {  	[tilespmem:s28], [sflag:$0x1] =	stream.indirect_vreg.gather [hbm4b:s19+s5], $0x80, v14, vm1, $0xb8;
	[tilespmem:$0x10800] =	vst v63  }
0x21f: {  	s24 =	simm.s32 $0x4400  }
0x220: {  	[tilespmem:s24], [sflag:$0x1] =	stream.indirect_vreg.gather [hbm4b:s19+s5], $0x80, v15, vm1, $0xb8;
	[tilespmem:$0x10800] =	vst v63  }
0x221: {  	s28 =	simm.s32 $0x4480  }
0x222: {  	[tilespmem:s28], [sflag:$0x1] =	stream.indirect_vreg.gather [hbm4b:s19+s5], $0x80, v16, vm1, $0xb8;
	[tilespmem:$0x10800] =	vst v63  }
0x223: {  	s24 =	simm.s32 $0x7D00;
	s19 =	spop (v2sf)  }
0x224: {  	[tilespmem:s24], [sflag:$0x1] =	stream.indirect_vreg.gather [hbm4b:s19+s5], $0x80, v0, vm1, $0xb8;
	[tilespmem:$0x10800] =	vst v63  }
0x225: {  	s28 =	simm.s32 $0x7D80  }
0x226: {  	[tilespmem:s28], [sflag:$0x1] =	stream.indirect_vreg.gather [hbm4b:s19+s5], $0x80, v1, vm1, $0xb8;
	[tilespmem:$0x10800] =	vst v63  }
0x227: {  	s24 =	simm.s32 $0x7E00  }
0x228: {  	[tilespmem:s24], [sflag:$0x1] =	stream.indirect_vreg.gather [hbm4b:s19+s5], $0x80, v2, vm1, $0xb8;
	[tilespmem:$0x10800] =	vst v63  }
0x229: {  	s28 =	simm.s32 $0x7E80  }
0x22a: {  	[tilespmem:s28], [sflag:$0x1] =	stream.indirect_vreg.gather [hbm4b:s19+s5], $0x80, v3, vm1, $0xb8;
	[tilespmem:$0x10800] =	vst v63  }
0x22b: {  	s24 =	simm.s32 $0x7F00  }
0x22c: {  	[tilespmem:s24], [sflag:$0x1] =	stream.indirect_vreg.gather [hbm4b:s19+s5], $0x80, v4, vm1, $0xb8;
	[tilespmem:$0x10800] =	vst v63  }
0x22d: {  	s28 =	simm.s32 $0x7F80  }
0x22e: {  	[tilespmem:s28], [sflag:$0x1] =	stream.indirect_vreg.gather [hbm4b:s19+s5], $0x80, v5, vm1, $0xb8;
	[tilespmem:$0x10800] =	vst v63  }
0x22f: {  	s24 =	simm.s32 $0x8000  }
0x230: {  	[tilespmem:s24], [sflag:$0x1] =	stream.indirect_vreg.gather [hbm4b:s19+s5], $0x80, v6, vm1, $0xb8;
	[tilespmem:$0x10800] =	vst v63  }
0x231: {  	s28 =	simm.s32 $0x8080  }
0x232: {  	[tilespmem:s28], [sflag:$0x1] =	stream.indirect_vreg.gather [hbm4b:s19+s5], $0x80, v7, vm1, $0xb8;
	[tilespmem:$0x10800] =	vst v63  }
0x233: {  	s24 =	simm.s32 $0x8100  }
0x234: {  	[tilespmem:s24], [sflag:$0x1] =	stream.indirect_vreg.gather [hbm4b:s19+s5], $0x80, v8, vm1, $0xb8;
	[tilespmem:$0x10800] =	vst v63  }
0x235: {  	s28 =	simm.s32 $0x8180  }
0x236: {  	[tilespmem:s28], [sflag:$0x1] =	stream.indirect_vreg.gather [hbm4b:s19+s5], $0x80, v9, vm1, $0xb8;
	[tilespmem:$0x10800] =	vst v63  }
0x237: {  	s24 =	simm.s32 $0x8200  }
0x238: {  	[tilespmem:s24], [sflag:$0x1] =	stream.indirect_vreg.gather [hbm4b:s19+s5], $0x80, v10, vm1, $0xb8;
	[tilespmem:$0x10800] =	vst v63  }
0x239: {  	s28 =	simm.s32 $0x8280  }
0x23a: {  	[tilespmem:s28], [sflag:$0x1] =	stream.indirect_vreg.gather [hbm4b:s19+s5], $0x80, v11, vm1, $0xb8;
	[tilespmem:$0x10800] =	vst v63  }
0x23b: {  	s24 =	simm.s32 $0x8300  }
0x23c: {  	[tilespmem:s24], [sflag:$0x1] =	stream.indirect_vreg.gather [hbm4b:s19+s5], $0x80, v13, vm1, $0xb8;
	[tilespmem:$0x10800] =	vst v63  }
0x23d: {  	s28 =	simm.s32 $0x8380  }
0x23e: {  	[tilespmem:s28], [sflag:$0x1] =	stream.indirect_vreg.gather [hbm4b:s19+s5], $0x80, v14, vm1, $0xb8;
	[tilespmem:$0x10800] =	vst v63  }
.Ltmp2:
0x23f: {  	s24 =	simm.s32 $0x8400;
	(pc) =	sbr.rel .LBB2_2-.Ltmp2, $4  }
0x240: {  	[tilespmem:s24], [sflag:$0x1] =	stream.indirect_vreg.gather [hbm4b:s19+s5], $0x80, v15, vm1, $0xb8;
	[tilespmem:$0x10800] =	vst v63  }
0x241: {  	s28 =	simm.s32 $0x8480  }
0x242: {  	[tilespmem:s28], [sflag:$0x1] =	stream.indirect_vreg.gather [hbm4b:s19+s5], $0x80, v16, vm1, $0xb8;
	[tilespmem:$0x10800] =	vst v63  }
0x243: {  	s19 =	simm.s32 $0x0  }
.LBB2_4:
0x244: {  	_ =	swait.ge [sflag:s18], $0x800  }
0x245: {  	[sflag:s18] =	ssyncset.done $0x0  }
0x246: {  	[sflag:s18] =	ssyncadd.s32 $0xFFFFF800  }
0x247: {  	_ =	swait.ge [sflag:s18], $0x800  }
0x248: {  	[sflag:s18] =	ssyncset.done $0x0  }
0x249: {  	[sflag:s18] =	ssyncadd.s32 $0xFFFFF800  }
0x24a: {  	_ =	swait.ge [sflag:s18], $0x800  }
0x24b: {  	[sflag:s18] =	ssyncset.done $0x0  }
0x24c: {  	[sflag:s18] =	ssyncadd.s32 $0xFFFFF800  }
0x24d: {  	_ =	swait.ge [sflag:s18], $0x800  }
0x24e: {  	[sflag:s18] =	ssyncset.done $0x0  }
0x24f: {  	[sflag:s18] =	ssyncadd.s32 $0xFFFFF800  }
0x250: {  	_ =	swait.ge [sflag:s18], $0x800  }
0x251: {  	[sflag:s18] =	ssyncset.done $0x0  }
0x252: {  	[sflag:s18] =	ssyncadd.s32 $0xFFFFF800  }
0x253: {  	_ =	swait.ge [sflag:s18], $0x800  }
0x254: {  	[sflag:s18] =	ssyncset.done $0x0  }
0x255: {  	[sflag:s18] =	ssyncadd.s32 $0xFFFFF800  }
0x256: {  	_ =	swait.ge [sflag:s18], $0x800  }
0x257: {  	[sflag:s18] =	ssyncset.done $0x0  }
0x258: {  	[sflag:s18] =	ssyncadd.s32 $0xFFFFF800  }
0x259: {  	_ =	swait.ge [sflag:s18], $0x800  }
0x25a: {  	[sflag:s18] =	ssyncset.done $0x0  }
0x25b: {  	[sflag:s18] =	ssyncadd.s32 $0xFFFFF800  }
0x25c: {  	_ =	swait.ge [sflag:s18], $0x800  }
0x25d: {  	[sflag:s18] =	ssyncset.done $0x0  }
0x25e: {  	[sflag:s18] =	ssyncadd.s32 $0xFFFFF800  }
0x25f: {  	_ =	swait.ge [sflag:s18], $0x800  }
0x260: {  	[sflag:s18] =	ssyncset.done $0x0  }
0x261: {  	[sflag:s18] =	ssyncadd.s32 $0xFFFFF800  }
0x262: {  	_ =	swait.ge [sflag:s18], $0x800  }
0x263: {  	[sflag:s18] =	ssyncset.done $0x0  }
0x264: {  	[sflag:s18] =	ssyncadd.s32 $0xFFFFF800  }
0x265: {  	_ =	swait.ge [sflag:s18], $0x800  }
0x266: {  	[sflag:s18] =	ssyncset.done $0x0  }
0x267: {  	[sflag:s18] =	ssyncadd.s32 $0xFFFFF800  }
0x268: {  	_ =	swait.ge [sflag:s18], $0x800  }
0x269: {  	[sflag:s18] =	ssyncset.done $0x0  }
0x26a: {  	[sflag:s18] =	ssyncadd.s32 $0xFFFFF800  }
0x26b: {  	_ =	swait.ge [sflag:s18], $0x800  }
0x26c: {  	[sflag:s18] =	ssyncset.done $0x0  }
0x26d: {  	[sflag:s18] =	ssyncadd.s32 $0xFFFFF800  }
0x26e: {  	_ =	swait.ge [sflag:s18], $0x800  }
0x26f: {  	[sflag:s18] =	ssyncset.done $0x0  }
0x270: {  	[sflag:s18] =	ssyncadd.s32 $0xFFFFF800  }
0x271: {  	_ =	swait.ge [sflag:s18], $0x800  }
0x272: {  	[sflag:s18] =	ssyncset.done $0x0  }
0x273: {  	[sflag:s18] =	ssyncadd.s32 $0xFFFFF800  }
0x274: {  	v34 =	vld [tilespmem:s20+$0x8]  }
0x275: {  	v35 =	vld [tilespmem:s20+$0x288];
	_ =	sdelay $0x3  }
0x276: {  	v34 =	vand.u32 $0x7F, v34  }
0x277: {  	v35 =	vand.u32 $0x7F, v35;
	v36 =	vbroadcast v34, $0x0  }
0x278: {  	v37 =	vbroadcast v35, $0x0  }
0x279: {  	v38 =	vbroadcast v34, $0x1;
	v36 =	vor.u32 v12, v36  }
0x27a: {  	v39 =	vbroadcast v35, $0x1;
	v37 =	vor.u32 v12, v37  }
0x27b: {  	v40 =	vbroadcast v34, $0x2;
	v38 =	vor.u32 v17, v38  }
0x27c: {  	v41 =	vbroadcast v35, $0x2;
	v39 =	vor.u32 v17, v39  }
0x27d: {  	v42 =	vbroadcast v34, $0x3;
	v40 =	vor.u32 v18, v40  }
0x27e: {  	v43 =	vbroadcast v35, $0x3;
	v41 =	vor.u32 v18, v41;
	v36 =	vld.idx.msk [tilespmem:v36+s21+$0x0], $0xffff  }
0x27f: {  	v44 =	vbroadcast v34, $0x4;
	v42 =	vor.u32 v19, v42;
	v37 =	vld.idx.msk [tilespmem:v37+s4+$0x0], $0xffff  }
0x280: {  	v45 =	vbroadcast v35, $0x4;
	v43 =	vor.u32 v19, v43;
	v38 =	vld.idx.msk [tilespmem:v38+s21+$0x0], $0xffff  }
0x281: {  	v46 =	vbroadcast v34, $0x5;
	v44 =	vor.u32 v20, v44;
	v39 =	vld.idx.msk [tilespmem:v39+s4+$0x0], $0xffff  }
0x282: {  	v47 =	vbroadcast v35, $0x5;
	v45 =	vor.u32 v20, v45;
	v40 =	vld.idx.msk [tilespmem:v40+s21+$0x0], $0xffff  }
0x283: {  	v48 =	vbroadcast v34, $0x6;
	v46 =	vor.u32 v21, v46;
	v41 =	vld.idx.msk [tilespmem:v41+s4+$0x0], $0xffff  }
0x284: {  	v49 =	vbroadcast v35, $0x6;
	v47 =	vor.u32 v21, v47;
	v42 =	vld.idx.msk [tilespmem:v42+s21+$0x0], $0xffff  }
0x285: {  	v48 =	vor.u32 v22, v48;
	v43 =	vld.idx.msk [tilespmem:v43+s4+$0x0], $0xffff  }
0x286: {  	v34 =	vbroadcast v34, $0x7;
	v49 =	vor.u32 v22, v49;
	v44 =	vld.idx.msk [tilespmem:v44+s21+$0x0], $0xffff  }
0x287: {  	v35 =	vbroadcast v35, $0x7;
	v45 =	vld.idx.msk [tilespmem:v45+s4+$0x0], $0xffff  }
0x288: {  	v34 =	vor.u32 v23, v34;
	v46 =	vld.idx.msk [tilespmem:v46+s21+$0x0], $0xffff  }
0x289: {  	v35 =	vor.u32 v23, v35;
	v47 =	vld.idx.msk [tilespmem:v47+s4+$0x0], $0xffff;
	v36 =	vmul.f32 v37, v36  }
0x28a: {  	v62 =	vld.idx.msk [tilespmem:v48+s21+$0x0], $0xffff;
	v38 =	vmul.f32 v39, v38  }
0x28b: {  	v63 =	vld.idx.msk [tilespmem:v49+s4+$0x0], $0xffff;
	v40 =	vmul.f32 v41, v40;
	v36 =	vmul.f32 v36, v24  }
0x28c: {  	v48 =	vmul.f32 v43, v42;
	v38 =	vmul.f32 v38, v24  }
0x28d: {  	v34 =	vld.idx.msk [tilespmem:v34+s21+$0x0], $0xffff;
	v49 =	vmul.f32 v45, v44;
	v40 =	vmul.f32 v40, v24;
	(xrf2) =	vadd.scan.msk.f32 $0xffff, v36  }
0x28e: {  	v35 =	vld.idx.msk [tilespmem:v35+s4+$0x0], $0xffff;
	v50 =	vmul.f32 v47, v46;
	v41 =	vmul.f32 v48, v24;
	(xrf2) =	vadd.scan.msk.f32 $0xffff, v38  }
0x28f: {  	v36 =	vmul.f32 v49, v24;
	(xrf2) =	vadd.scan.msk.f32 $0xffff, v40  }
0x290: {  	v37 =	vmul.f32 v63, v62;
	v38 =	vmul.f32 v50, v24;
	(xrf2) =	vadd.scan.msk.f32 $0xffff, v41  }
0x291: {  	v33 =	vbroadcast v33, $0xF;
	v32 =	vbroadcast v32, $0xF;
	(xrf2) =	vadd.scan.msk.f32 $0xffff, v36  }
0x292: {  	v31 =	vbroadcast v31, $0xF;
	v51 =	vmul.f32 v37, v24;
	(xrf2) =	vadd.scan.msk.f32 $0xffff, v38  }
0x293: {  	v30 =	vbroadcast v30, $0xF;
	v32 =	vsel vm1, v33, v32;
	v34 =	vmul.f32 v35, v34  }
0x294: {  	v29 =	vbroadcast v29, $0xF;
	v31 =	vsel vm2, v32, v31;
	(xrf2) =	vadd.scan.msk.f32 $0xffff, v51  }
0x295: {  	v28 =	vbroadcast v28, $0xF;
	v30 =	vsel vm3, v31, v30;
	v52 =	vmul.f32 v34, v24  }
0x296: {  	v27 =	vbroadcast v27, $0xF;
	v29 =	vsel vm4, v30, v29  }
0x297: {  	v26 =	vbroadcast v26, $0xF;
	v28 =	vsel vm5, v29, v28;
	(xrf2) =	vadd.scan.msk.f32 $0xffff, v52;
	v53, _, _ =	vpop (xrf2)  }
0x298: {  	v27 =	vsel vm6, v28, v27;
	v54, _, _ =	vpop (xrf2);
	v55 =	vbroadcast v53, $0xF  }
0x299: {  	v26 =	vsel vm7, v27, v26;
	v56, _, _ =	vpop (xrf2);
	v27 =	vbroadcast v54, $0xF  }
0x29a: {  	v57, _, _ =	vpop (xrf2);
	v26 =	vsel vm0, v55, v26;
	v58 =	vbroadcast v56, $0xF  }
0x29b: {  	v59, _, _ =	vpop (xrf2);
	v26 =	vsel vm8, v26, v27;
	v27 =	vbroadcast v57, $0xF  }
0x29c: {  	v60, _, _ =	vpop (xrf2);
	v26 =	vsel vm9, v26, v58  }
0x29d: {  	v61 =	vbroadcast v59, $0xF;
	v26 =	vsel vm10, v26, v27;
	v27 =	vbroadcast v60, $0xF  }
0x29e: {  	v62, _, _ =	vpop (xrf2)  }
0x29f: {  	v26 =	vsel vm11, v26, v61;
	v63 =	vbroadcast v62, $0xF  }
0x2a0: {  	v26 =	vsel vm12, v26, v27  }
0x2a1: {  	v26 =	vsel vm13, v26, v63;
	v27, _, _ =	vpop (xrf2)  }
0x2a2: {  	v26 =	vsel vm14, v26, v27  }
0x2a3: {  	v26 =	vadd.f32 v26, v25;
	_ =	sdelay $0x1  }
0x2a4: {  	v26 =	vsub.f32 $0.0e+00, v26;
	_ =	sdelay $0x1  }
0x2a5: {  	v26 =	vmul.f32 $1.442695020e+00, v26;
	_ =	sdelay $0x1  }
0x2a6: {  	(erf) = vpow2.f32 v26;
	_ =	sdelay $0x8  }
0x2a7: {  	v26 =	vpop (erf)  }
0x2a8: {  	v26 =	vadd.f32 $1.000000000e+00, v26;
	_ =	sdelay $0x1  }
0x2a9: {  	(erf) = vrcp.f32 v26;
	_ =	sdelay $0x3  }
0x2aa: {  	s19 =	sadd.s32 $0x40, s19  }
0x2ab: {  	p0 =	sne.s32 s19, $0x800  }
.Ltmp3:
0x2ac: {  	_ = 	snop;
	(pc) =	sbr.rel @!p0 .LBB2_5-.Ltmp3, $3  }
0x2ad: {  	_ =	sdelay $0x1  }
0x2ae: {  	v26 =	vpop (erf)  }
0x2af: {  	[tilespmem:s20+$0x10600] =	vst v26  }
.LBB2_2:
0x2b0: {  	s20 =	sshra.s32 s19, $0x2  }
0x2b1: {  	v26 =	vld [tilespmem:s20+$0x8];
	_ =	sdelay $0x4  }
0x2b2: {  	v26 =	vand.u32 $0xFFFFFF80, v26  }
0x2b3: {  	v27 =	vadd.s32 s1, v26  }
0x2b4: {  	(v2sf) =	vpush v27, $0x0;
	_ =	sdelay $0xe  }
0x2b5: {  	s24 =	spop (v2sf)  }
0x2b6: {  	v26 =	vld [tilespmem:s20+$0x288];
	[tilespmem:s21], [sflag:$0x2] =	stream.indirect_vreg.gather [hbm4b:s24+s5], $0x80, v0, vm1, $0xb8  }
0x2b7: {  	s28 =	simm.s32 $0x8580  }
0x2b8: {  	[tilespmem:s28], [sflag:$0x2] =	stream.indirect_vreg.gather [hbm4b:s24+s5], $0x80, v1, vm1, $0xb8;
	[tilespmem:$0x10800] =	vst v63  }
0x2b9: {  	s28 =	simm.s32 $0x8600  }
0x2ba: {  	[tilespmem:s28], [sflag:$0x2] =	stream.indirect_vreg.gather [hbm4b:s24+s5], $0x80, v2, vm1, $0xb8;
	[tilespmem:$0x10800] =	vst v63  }
0x2bb: {  	s28 =	simm.s32 $0x8680  }
0x2bc: {  	[tilespmem:s28], [sflag:$0x2] =	stream.indirect_vreg.gather [hbm4b:s24+s5], $0x80, v3, vm1, $0xb8;
	[tilespmem:$0x10800] =	vst v63  }
0x2bd: {  	s28 =	simm.s32 $0x8700  }
0x2be: {  	[tilespmem:s28], [sflag:$0x2] =	stream.indirect_vreg.gather [hbm4b:s24+s5], $0x80, v4, vm1, $0xb8;
	[tilespmem:$0x10800] =	vst v63  }
0x2bf: {  	s28 =	simm.s32 $0x8780  }
0x2c0: {  	[tilespmem:s28], [sflag:$0x2] =	stream.indirect_vreg.gather [hbm4b:s24+s5], $0x80, v5, vm1, $0xb8;
	[tilespmem:$0x10800] =	vst v63  }
0x2c1: {  	s28 =	simm.s32 $0x8800  }
0x2c2: {  	[tilespmem:s28], [sflag:$0x2] =	stream.indirect_vreg.gather [hbm4b:s24+s5], $0x80, v6, vm1, $0xb8;
	[tilespmem:$0x10800] =	vst v63  }
0x2c3: {  	s28 =	simm.s32 $0x8880  }
0x2c4: {  	v26 =	vand.u32 $0xFFFFFF80, v26;
	[tilespmem:s28], [sflag:$0x2] =	stream.indirect_vreg.gather [hbm4b:s24+s5], $0x80, v7, vm1, $0xb8;
	[tilespmem:$0x10800] =	vst v63  }
0x2c5: {  	v26 =	vadd.s32 s2, v26;
	s28 =	simm.s32 $0x8900  }
0x2c6: {  	(v2sf) =	vpush v26, $0x0;
	[tilespmem:s28], [sflag:$0x2] =	stream.indirect_vreg.gather [hbm4b:s24+s5], $0x80, v8, vm1, $0xb8;
	[tilespmem:$0x10800] =	vst v63  }
0x2c7: {  	s28 =	simm.s32 $0x8980  }
0x2c8: {  	[tilespmem:s28], [sflag:$0x2] =	stream.indirect_vreg.gather [hbm4b:s24+s5], $0x80, v9, vm1, $0xb8;
	[tilespmem:$0x10800] =	vst v63  }
0x2c9: {  	s28 =	simm.s32 $0x8A00  }
0x2ca: {  	[tilespmem:s28], [sflag:$0x2] =	stream.indirect_vreg.gather [hbm4b:s24+s5], $0x80, v10, vm1, $0xb8;
	[tilespmem:$0x10800] =	vst v63  }
0x2cb: {  	s28 =	simm.s32 $0x8A80  }
0x2cc: {  	[tilespmem:s28], [sflag:$0x2] =	stream.indirect_vreg.gather [hbm4b:s24+s5], $0x80, v11, vm1, $0xb8;
	[tilespmem:$0x10800] =	vst v63  }
0x2cd: {  	s28 =	simm.s32 $0x8B00  }
0x2ce: {  	[tilespmem:s28], [sflag:$0x2] =	stream.indirect_vreg.gather [hbm4b:s24+s5], $0x80, v13, vm1, $0xb8;
	[tilespmem:$0x10800] =	vst v63  }
0x2cf: {  	s28 =	simm.s32 $0x8B80  }
0x2d0: {  	[tilespmem:s28], [sflag:$0x2] =	stream.indirect_vreg.gather [hbm4b:s24+s5], $0x80, v14, vm1, $0xb8;
	[tilespmem:$0x10800] =	vst v63  }
0x2d1: {  	s28 =	simm.s32 $0x8C00  }
0x2d2: {  	[tilespmem:s28], [sflag:$0x2] =	stream.indirect_vreg.gather [hbm4b:s24+s5], $0x80, v15, vm1, $0xb8;
	[tilespmem:$0x10800] =	vst v63  }
0x2d3: {  	s28 =	simm.s32 $0x8C80  }
0x2d4: {  	[tilespmem:s28], [sflag:$0x2] =	stream.indirect_vreg.gather [hbm4b:s24+s5], $0x80, v16, vm1, $0xb8;
	[tilespmem:$0x10800] =	vst v63  }
0x2d5: {  	s24 =	spop (v2sf)  }
0x2d6: {  	[tilespmem:s4], [sflag:$0x2] =	stream.indirect_vreg.gather [hbm4b:s24+s5], $0x80, v0, vm1, $0xb8;
	[tilespmem:$0x10800] =	vst v63  }
0x2d7: {  	s28 =	simm.s32 $0xC580  }
0x2d8: {  	[tilespmem:s28], [sflag:$0x2] =	stream.indirect_vreg.gather [hbm4b:s24+s5], $0x80, v1, vm1, $0xb8;
	[tilespmem:$0x10800] =	vst v63  }
0x2d9: {  	s28 =	simm.s32 $0xC600  }
0x2da: {  	[tilespmem:s28], [sflag:$0x2] =	stream.indirect_vreg.gather [hbm4b:s24+s5], $0x80, v2, vm1, $0xb8;
	[tilespmem:$0x10800] =	vst v63  }
0x2db: {  	_ = 	snop  }
0x2dc: {  	[tilespmem:s25], [sflag:$0x2] =	stream.indirect_vreg.gather [hbm4b:s24+s5], $0x80, v3, vm1, $0xb8;
	[tilespmem:$0x10800] =	vst v63  }
0x2dd: {  	s28 =	simm.s32 $0xC700  }
0x2de: {  	[tilespmem:s28], [sflag:$0x2] =	stream.indirect_vreg.gather [hbm4b:s24+s5], $0x80, v4, vm1, $0xb8;
	[tilespmem:$0x10800] =	vst v63  }
0x2df: {  	s28 =	simm.s32 $0xC780  }
0x2e0: {  	[tilespmem:s28], [sflag:$0x2] =	stream.indirect_vreg.gather [hbm4b:s24+s5], $0x80, v5, vm1, $0xb8;
	[tilespmem:$0x10800] =	vst v63  }
0x2e1: {  	s28 =	simm.s32 $0xC800  }
0x2e2: {  	[tilespmem:s28], [sflag:$0x2] =	stream.indirect_vreg.gather [hbm4b:s24+s5], $0x80, v6, vm1, $0xb8;
	[tilespmem:$0x10800] =	vst v63  }
0x2e3: {  	s28 =	simm.s32 $0xC880  }
0x2e4: {  	[tilespmem:s28], [sflag:$0x2] =	stream.indirect_vreg.gather [hbm4b:s24+s5], $0x80, v7, vm1, $0xb8;
	[tilespmem:$0x10800] =	vst v63  }
0x2e5: {  	s28 =	simm.s32 $0xC900  }
0x2e6: {  	(v2sf) =	vpush v27, $0x1;
	[tilespmem:s28], [sflag:$0x2] =	stream.indirect_vreg.gather [hbm4b:s24+s5], $0x80, v8, vm1, $0xb8;
	[tilespmem:$0x10800] =	vst v63  }
0x2e7: {  	s28 =	simm.s32 $0xC980  }
0x2e8: {  	[tilespmem:s28], [sflag:$0x2] =	stream.indirect_vreg.gather [hbm4b:s24+s5], $0x80, v9, vm1, $0xb8;
	[tilespmem:$0x10800] =	vst v63  }
0x2e9: {  	s28 =	simm.s32 $0xCA00  }
0x2ea: {  	[tilespmem:s28], [sflag:$0x2] =	stream.indirect_vreg.gather [hbm4b:s24+s5], $0x80, v10, vm1, $0xb8;
	[tilespmem:$0x10800] =	vst v63  }
0x2eb: {  	s28 =	simm.s32 $0xCA80  }
0x2ec: {  	[tilespmem:s28], [sflag:$0x2] =	stream.indirect_vreg.gather [hbm4b:s24+s5], $0x80, v11, vm1, $0xb8;
	[tilespmem:$0x10800] =	vst v63  }
0x2ed: {  	s28 =	simm.s32 $0xCB00  }
0x2ee: {  	[tilespmem:s28], [sflag:$0x2] =	stream.indirect_vreg.gather [hbm4b:s24+s5], $0x80, v13, vm1, $0xb8;
	[tilespmem:$0x10800] =	vst v63  }
0x2ef: {  	s28 =	simm.s32 $0xCB80  }
0x2f0: {  	[tilespmem:s28], [sflag:$0x2] =	stream.indirect_vreg.gather [hbm4b:s24+s5], $0x80, v14, vm1, $0xb8;
	[tilespmem:$0x10800] =	vst v63  }
0x2f1: {  	s28 =	simm.s32 $0xCC00  }
0x2f2: {  	[tilespmem:s28], [sflag:$0x2] =	stream.indirect_vreg.gather [hbm4b:s24+s5], $0x80, v15, vm1, $0xb8;
	[tilespmem:$0x10800] =	vst v63  }
0x2f3: {  	s28 =	simm.s32 $0xCC80  }
0x2f4: {  	[tilespmem:s28], [sflag:$0x2] =	stream.indirect_vreg.gather [hbm4b:s24+s5], $0x80, v16, vm1, $0xb8;
	[tilespmem:$0x10800] =	vst v63  }
0x2f5: {  	s24 =	spop (v2sf);
	s28 =	simm.s32 $0x8D00  }
0x2f6: {  	[tilespmem:s28], [sflag:$0x2] =	stream.indirect_vreg.gather [hbm4b:s24+s5], $0x80, v0, vm1, $0xb8;
	[tilespmem:$0x10800] =	vst v63  }
0x2f7: {  	s28 =	simm.s32 $0x8D80  }
0x2f8: {  	[tilespmem:s28], [sflag:$0x2] =	stream.indirect_vreg.gather [hbm4b:s24+s5], $0x80, v1, vm1, $0xb8;
	[tilespmem:$0x10800] =	vst v63  }
0x2f9: {  	s28 =	simm.s32 $0x8E00  }
0x2fa: {  	[tilespmem:s28], [sflag:$0x2] =	stream.indirect_vreg.gather [hbm4b:s24+s5], $0x80, v2, vm1, $0xb8;
	[tilespmem:$0x10800] =	vst v63  }
0x2fb: {  	s28 =	simm.s32 $0x8E80  }
0x2fc: {  	[tilespmem:s28], [sflag:$0x2] =	stream.indirect_vreg.gather [hbm4b:s24+s5], $0x80, v3, vm1, $0xb8;
	[tilespmem:$0x10800] =	vst v63  }
0x2fd: {  	s28 =	simm.s32 $0x8F00  }
0x2fe: {  	[tilespmem:s28], [sflag:$0x2] =	stream.indirect_vreg.gather [hbm4b:s24+s5], $0x80, v4, vm1, $0xb8;
	[tilespmem:$0x10800] =	vst v63  }
0x2ff: {  	s28 =	simm.s32 $0x8F80  }
0x300: {  	[tilespmem:s28], [sflag:$0x2] =	stream.indirect_vreg.gather [hbm4b:s24+s5], $0x80, v5, vm1, $0xb8;
	[tilespmem:$0x10800] =	vst v63  }
0x301: {  	s28 =	simm.s32 $0x9000  }
0x302: {  	[tilespmem:s28], [sflag:$0x2] =	stream.indirect_vreg.gather [hbm4b:s24+s5], $0x80, v6, vm1, $0xb8;
	[tilespmem:$0x10800] =	vst v63  }
0x303: {  	s28 =	simm.s32 $0x9080  }
0x304: {  	[tilespmem:s28], [sflag:$0x2] =	stream.indirect_vreg.gather [hbm4b:s24+s5], $0x80, v7, vm1, $0xb8;
	[tilespmem:$0x10800] =	vst v63  }
0x305: {  	s28 =	simm.s32 $0x9100  }
0x306: {  	(v2sf) =	vpush v26, $0x1;
	[tilespmem:s28], [sflag:$0x2] =	stream.indirect_vreg.gather [hbm4b:s24+s5], $0x80, v8, vm1, $0xb8;
	[tilespmem:$0x10800] =	vst v63  }
0x307: {  	s28 =	simm.s32 $0x9180  }
0x308: {  	[tilespmem:s28], [sflag:$0x2] =	stream.indirect_vreg.gather [hbm4b:s24+s5], $0x80, v9, vm1, $0xb8;
	[tilespmem:$0x10800] =	vst v63  }
0x309: {  	s28 =	simm.s32 $0x9200  }
0x30a: {  	[tilespmem:s28], [sflag:$0x2] =	stream.indirect_vreg.gather [hbm4b:s24+s5], $0x80, v10, vm1, $0xb8;
	[tilespmem:$0x10800] =	vst v63  }
0x30b: {  	s28 =	simm.s32 $0x9280  }
0x30c: {  	[tilespmem:s28], [sflag:$0x2] =	stream.indirect_vreg.gather [hbm4b:s24+s5], $0x80, v11, vm1, $0xb8;
	[tilespmem:$0x10800] =	vst v63  }
0x30d: {  	s28 =	simm.s32 $0x9300  }
0x30e: {  	[tilespmem:s28], [sflag:$0x2] =	stream.indirect_vreg.gather [hbm4b:s24+s5], $0x80, v13, vm1, $0xb8;
	[tilespmem:$0x10800] =	vst v63  }
0x30f: {  	s28 =	simm.s32 $0x9380  }
0x310: {  	[tilespmem:s28], [sflag:$0x2] =	stream.indirect_vreg.gather [hbm4b:s24+s5], $0x80, v14, vm1, $0xb8;
	[tilespmem:$0x10800] =	vst v63  }
0x311: {  	s28 =	simm.s32 $0x9400  }
0x312: {  	[tilespmem:s28], [sflag:$0x2] =	stream.indirect_vreg.gather [hbm4b:s24+s5], $0x80, v15, vm1, $0xb8;
	[tilespmem:$0x10800] =	vst v63  }
0x313: {  	s28 =	simm.s32 $0x9480  }
0x314: {  	[tilespmem:s28], [sflag:$0x2] =	stream.indirect_vreg.gather [hbm4b:s24+s5], $0x80, v16, vm1, $0xb8;
	[tilespmem:$0x10800] =	vst v63  }
0x315: {  	s24 =	spop (v2sf);
	s28 =	simm.s32 $0xCD00  }
0x316: {  	[tilespmem:s28], [sflag:$0x2] =	stream.indirect_vreg.gather [hbm4b:s24+s5], $0x80, v0, vm1, $0xb8;
	[tilespmem:$0x10800] =	vst v63  }
0x317: {  	s28 =	simm.s32 $0xCD80  }
0x318: {  	[tilespmem:s28], [sflag:$0x2] =	stream.indirect_vreg.gather [hbm4b:s24+s5], $0x80, v1, vm1, $0xb8;
	[tilespmem:$0x10800] =	vst v63  }
0x319: {  	s28 =	simm.s32 $0xCE00  }
0x31a: {  	[tilespmem:s28], [sflag:$0x2] =	stream.indirect_vreg.gather [hbm4b:s24+s5], $0x80, v2, vm1, $0xb8;
	[tilespmem:$0x10800] =	vst v63  }
0x31b: {  	s28 =	simm.s32 $0xCE80  }
0x31c: {  	[tilespmem:s28], [sflag:$0x2] =	stream.indirect_vreg.gather [hbm4b:s24+s5], $0x80, v3, vm1, $0xb8;
	[tilespmem:$0x10800] =	vst v63  }
0x31d: {  	s28 =	simm.s32 $0xCF00  }
0x31e: {  	[tilespmem:s28], [sflag:$0x2] =	stream.indirect_vreg.gather [hbm4b:s24+s5], $0x80, v4, vm1, $0xb8;
	[tilespmem:$0x10800] =	vst v63  }
0x31f: {  	s28 =	simm.s32 $0xCF80  }
0x320: {  	[tilespmem:s28], [sflag:$0x2] =	stream.indirect_vreg.gather [hbm4b:s24+s5], $0x80, v5, vm1, $0xb8;
	[tilespmem:$0x10800] =	vst v63  }
0x321: {  	s28 =	simm.s32 $0xD000  }
0x322: {  	[tilespmem:s28], [sflag:$0x2] =	stream.indirect_vreg.gather [hbm4b:s24+s5], $0x80, v6, vm1, $0xb8;
	[tilespmem:$0x10800] =	vst v63  }
0x323: {  	s28 =	simm.s32 $0xD080  }
0x324: {  	[tilespmem:s28], [sflag:$0x2] =	stream.indirect_vreg.gather [hbm4b:s24+s5], $0x80, v7, vm1, $0xb8;
	[tilespmem:$0x10800] =	vst v63  }
0x325: {  	s28 =	simm.s32 $0xD100  }
0x326: {  	(v2sf) =	vpush v27, $0x2;
	[tilespmem:s28], [sflag:$0x2] =	stream.indirect_vreg.gather [hbm4b:s24+s5], $0x80, v8, vm1, $0xb8;
	[tilespmem:$0x10800] =	vst v63  }
0x327: {  	s28 =	simm.s32 $0xD180  }
0x328: {  	[tilespmem:s28], [sflag:$0x2] =	stream.indirect_vreg.gather [hbm4b:s24+s5], $0x80, v9, vm1, $0xb8;
	[tilespmem:$0x10800] =	vst v63  }
0x329: {  	s28 =	simm.s32 $0xD200  }
0x32a: {  	[tilespmem:s28], [sflag:$0x2] =	stream.indirect_vreg.gather [hbm4b:s24+s5], $0x80, v10, vm1, $0xb8;
	[tilespmem:$0x10800] =	vst v63  }
0x32b: {  	s28 =	simm.s32 $0xD280  }
0x32c: {  	[tilespmem:s28], [sflag:$0x2] =	stream.indirect_vreg.gather [hbm4b:s24+s5], $0x80, v11, vm1, $0xb8;
	[tilespmem:$0x10800] =	vst v63  }
0x32d: {  	s28 =	simm.s32 $0xD300  }
0x32e: {  	[tilespmem:s28], [sflag:$0x2] =	stream.indirect_vreg.gather [hbm4b:s24+s5], $0x80, v13, vm1, $0xb8;
	[tilespmem:$0x10800] =	vst v63  }
0x32f: {  	s28 =	simm.s32 $0xD380  }
0x330: {  	[tilespmem:s28], [sflag:$0x2] =	stream.indirect_vreg.gather [hbm4b:s24+s5], $0x80, v14, vm1, $0xb8;
	[tilespmem:$0x10800] =	vst v63  }
0x331: {  	s28 =	simm.s32 $0xD400  }
0x332: {  	[tilespmem:s28], [sflag:$0x2] =	stream.indirect_vreg.gather [hbm4b:s24+s5], $0x80, v15, vm1, $0xb8;
	[tilespmem:$0x10800] =	vst v63  }
0x333: {  	s28 =	simm.s32 $0xD480  }
0x334: {  	[tilespmem:s28], [sflag:$0x2] =	stream.indirect_vreg.gather [hbm4b:s24+s5], $0x80, v16, vm1, $0xb8;
	[tilespmem:$0x10800] =	vst v63  }
0x335: {  	s24 =	spop (v2sf);
	s28 =	simm.s32 $0x9500  }
0x336: {  	[tilespmem:s28], [sflag:$0x2] =	stream.indirect_vreg.gather [hbm4b:s24+s5], $0x80, v0, vm1, $0xb8;
	[tilespmem:$0x10800] =	vst v63  }
0x337: {  	s28 =	simm.s32 $0x9580  }
0x338: {  	[tilespmem:s28], [sflag:$0x2] =	stream.indirect_vreg.gather [hbm4b:s24+s5], $0x80, v1, vm1, $0xb8;
	[tilespmem:$0x10800] =	vst v63  }
0x339: {  	s28 =	simm.s32 $0x9600  }
0x33a: {  	[tilespmem:s28], [sflag:$0x2] =	stream.indirect_vreg.gather [hbm4b:s24+s5], $0x80, v2, vm1, $0xb8;
	[tilespmem:$0x10800] =	vst v63  }
0x33b: {  	s28 =	simm.s32 $0x9680  }
0x33c: {  	[tilespmem:s28], [sflag:$0x2] =	stream.indirect_vreg.gather [hbm4b:s24+s5], $0x80, v3, vm1, $0xb8;
	[tilespmem:$0x10800] =	vst v63  }
0x33d: {  	s28 =	simm.s32 $0x9700  }
0x33e: {  	[tilespmem:s28], [sflag:$0x2] =	stream.indirect_vreg.gather [hbm4b:s24+s5], $0x80, v4, vm1, $0xb8;
	[tilespmem:$0x10800] =	vst v63  }
0x33f: {  	s28 =	simm.s32 $0x9780  }
0x340: {  	[tilespmem:s28], [sflag:$0x2] =	stream.indirect_vreg.gather [hbm4b:s24+s5], $0x80, v5, vm1, $0xb8;
	[tilespmem:$0x10800] =	vst v63  }
0x341: {  	s28 =	simm.s32 $0x9800  }
0x342: {  	[tilespmem:s28], [sflag:$0x2] =	stream.indirect_vreg.gather [hbm4b:s24+s5], $0x80, v6, vm1, $0xb8;
	[tilespmem:$0x10800] =	vst v63  }
0x343: {  	s28 =	simm.s32 $0x9880  }
0x344: {  	[tilespmem:s28], [sflag:$0x2] =	stream.indirect_vreg.gather [hbm4b:s24+s5], $0x80, v7, vm1, $0xb8;
	[tilespmem:$0x10800] =	vst v63  }
0x345: {  	s28 =	simm.s32 $0x9900  }
0x346: {  	(v2sf) =	vpush v26, $0x2;
	[tilespmem:s28], [sflag:$0x2] =	stream.indirect_vreg.gather [hbm4b:s24+s5], $0x80, v8, vm1, $0xb8;
	[tilespmem:$0x10800] =	vst v63  }
0x347: {  	s28 =	simm.s32 $0x9980  }
0x348: {  	[tilespmem:s28], [sflag:$0x2] =	stream.indirect_vreg.gather [hbm4b:s24+s5], $0x80, v9, vm1, $0xb8;
	[tilespmem:$0x10800] =	vst v63  }
0x349: {  	s28 =	simm.s32 $0x9A00  }
0x34a: {  	[tilespmem:s28], [sflag:$0x2] =	stream.indirect_vreg.gather [hbm4b:s24+s5], $0x80, v10, vm1, $0xb8;
	[tilespmem:$0x10800] =	vst v63  }
0x34b: {  	s28 =	simm.s32 $0x9A80  }
0x34c: {  	[tilespmem:s28], [sflag:$0x2] =	stream.indirect_vreg.gather [hbm4b:s24+s5], $0x80, v11, vm1, $0xb8;
	[tilespmem:$0x10800] =	vst v63  }
0x34d: {  	s28 =	simm.s32 $0x9B00  }
0x34e: {  	[tilespmem:s28], [sflag:$0x2] =	stream.indirect_vreg.gather [hbm4b:s24+s5], $0x80, v13, vm1, $0xb8;
	[tilespmem:$0x10800] =	vst v63  }
0x34f: {  	s28 =	simm.s32 $0x9B80  }
0x350: {  	[tilespmem:s28], [sflag:$0x2] =	stream.indirect_vreg.gather [hbm4b:s24+s5], $0x80, v14, vm1, $0xb8;
	[tilespmem:$0x10800] =	vst v63  }
0x351: {  	s28 =	simm.s32 $0x9C00  }
0x352: {  	[tilespmem:s28], [sflag:$0x2] =	stream.indirect_vreg.gather [hbm4b:s24+s5], $0x80, v15, vm1, $0xb8;
	[tilespmem:$0x10800] =	vst v63  }
0x353: {  	s28 =	simm.s32 $0x9C80  }
0x354: {  	[tilespmem:s28], [sflag:$0x2] =	stream.indirect_vreg.gather [hbm4b:s24+s5], $0x80, v16, vm1, $0xb8;
	[tilespmem:$0x10800] =	vst v63  }
0x355: {  	s24 =	spop (v2sf);
	s28 =	simm.s32 $0xD500  }
0x356: {  	[tilespmem:s28], [sflag:$0x2] =	stream.indirect_vreg.gather [hbm4b:s24+s5], $0x80, v0, vm1, $0xb8;
	[tilespmem:$0x10800] =	vst v63  }
0x357: {  	s28 =	simm.s32 $0xD580  }
0x358: {  	[tilespmem:s28], [sflag:$0x2] =	stream.indirect_vreg.gather [hbm4b:s24+s5], $0x80, v1, vm1, $0xb8;
	[tilespmem:$0x10800] =	vst v63  }
0x359: {  	s28 =	simm.s32 $0xD600  }
0x35a: {  	[tilespmem:s28], [sflag:$0x2] =	stream.indirect_vreg.gather [hbm4b:s24+s5], $0x80, v2, vm1, $0xb8;
	[tilespmem:$0x10800] =	vst v63  }
0x35b: {  	s28 =	simm.s32 $0xD680  }
0x35c: {  	[tilespmem:s28], [sflag:$0x2] =	stream.indirect_vreg.gather [hbm4b:s24+s5], $0x80, v3, vm1, $0xb8;
	[tilespmem:$0x10800] =	vst v63  }
0x35d: {  	s28 =	simm.s32 $0xD700  }
0x35e: {  	[tilespmem:s28], [sflag:$0x2] =	stream.indirect_vreg.gather [hbm4b:s24+s5], $0x80, v4, vm1, $0xb8;
	[tilespmem:$0x10800] =	vst v63  }
0x35f: {  	s28 =	simm.s32 $0xD780  }
0x360: {  	[tilespmem:s28], [sflag:$0x2] =	stream.indirect_vreg.gather [hbm4b:s24+s5], $0x80, v5, vm1, $0xb8;
	[tilespmem:$0x10800] =	vst v63  }
0x361: {  	s28 =	simm.s32 $0xD800  }
0x362: {  	[tilespmem:s28], [sflag:$0x2] =	stream.indirect_vreg.gather [hbm4b:s24+s5], $0x80, v6, vm1, $0xb8;
	[tilespmem:$0x10800] =	vst v63  }
0x363: {  	s28 =	simm.s32 $0xD880  }
0x364: {  	[tilespmem:s28], [sflag:$0x2] =	stream.indirect_vreg.gather [hbm4b:s24+s5], $0x80, v7, vm1, $0xb8;
	[tilespmem:$0x10800] =	vst v63  }
0x365: {  	s28 =	simm.s32 $0xD900  }
0x366: {  	(v2sf) =	vpush v27, $0x3;
	[tilespmem:s28], [sflag:$0x2] =	stream.indirect_vreg.gather [hbm4b:s24+s5], $0x80, v8, vm1, $0xb8;
	[tilespmem:$0x10800] =	vst v63  }
0x367: {  	s28 =	simm.s32 $0xD980  }
0x368: {  	[tilespmem:s28], [sflag:$0x2] =	stream.indirect_vreg.gather [hbm4b:s24+s5], $0x80, v9, vm1, $0xb8;
	[tilespmem:$0x10800] =	vst v63  }
0x369: {  	s28 =	simm.s32 $0xDA00  }
0x36a: {  	[tilespmem:s28], [sflag:$0x2] =	stream.indirect_vreg.gather [hbm4b:s24+s5], $0x80, v10, vm1, $0xb8;
	[tilespmem:$0x10800] =	vst v63  }
0x36b: {  	s28 =	simm.s32 $0xDA80  }
0x36c: {  	[tilespmem:s28], [sflag:$0x2] =	stream.indirect_vreg.gather [hbm4b:s24+s5], $0x80, v11, vm1, $0xb8;
	[tilespmem:$0x10800] =	vst v63  }
0x36d: {  	s28 =	simm.s32 $0xDB00  }
0x36e: {  	[tilespmem:s28], [sflag:$0x2] =	stream.indirect_vreg.gather [hbm4b:s24+s5], $0x80, v13, vm1, $0xb8;
	[tilespmem:$0x10800] =	vst v63  }
0x36f: {  	s28 =	simm.s32 $0xDB80  }
0x370: {  	[tilespmem:s28], [sflag:$0x2] =	stream.indirect_vreg.gather [hbm4b:s24+s5], $0x80, v14, vm1, $0xb8;
	[tilespmem:$0x10800] =	vst v63  }
0x371: {  	s28 =	simm.s32 $0xDC00  }
0x372: {  	[tilespmem:s28], [sflag:$0x2] =	stream.indirect_vreg.gather [hbm4b:s24+s5], $0x80, v15, vm1, $0xb8;
	[tilespmem:$0x10800] =	vst v63  }
0x373: {  	s28 =	simm.s32 $0xDC80  }
0x374: {  	[tilespmem:s28], [sflag:$0x2] =	stream.indirect_vreg.gather [hbm4b:s24+s5], $0x80, v16, vm1, $0xb8;
	[tilespmem:$0x10800] =	vst v63  }
0x375: {  	s24 =	spop (v2sf);
	s28 =	simm.s32 $0x9D00  }
0x376: {  	[tilespmem:s28], [sflag:$0x2] =	stream.indirect_vreg.gather [hbm4b:s24+s5], $0x80, v0, vm1, $0xb8;
	[tilespmem:$0x10800] =	vst v63  }
0x377: {  	s28 =	simm.s32 $0x9D80  }
0x378: {  	[tilespmem:s28], [sflag:$0x2] =	stream.indirect_vreg.gather [hbm4b:s24+s5], $0x80, v1, vm1, $0xb8;
	[tilespmem:$0x10800] =	vst v63  }
0x379: {  	s28 =	simm.s32 $0x9E00  }
0x37a: {  	[tilespmem:s28], [sflag:$0x2] =	stream.indirect_vreg.gather [hbm4b:s24+s5], $0x80, v2, vm1, $0xb8;
	[tilespmem:$0x10800] =	vst v63  }
0x37b: {  	s28 =	simm.s32 $0x9E80  }
0x37c: {  	[tilespmem:s28], [sflag:$0x2] =	stream.indirect_vreg.gather [hbm4b:s24+s5], $0x80, v3, vm1, $0xb8;
	[tilespmem:$0x10800] =	vst v63  }
0x37d: {  	s28 =	simm.s32 $0x9F00  }
0x37e: {  	[tilespmem:s28], [sflag:$0x2] =	stream.indirect_vreg.gather [hbm4b:s24+s5], $0x80, v4, vm1, $0xb8;
	[tilespmem:$0x10800] =	vst v63  }
0x37f: {  	s28 =	simm.s32 $0x9F80  }
0x380: {  	[tilespmem:s28], [sflag:$0x2] =	stream.indirect_vreg.gather [hbm4b:s24+s5], $0x80, v5, vm1, $0xb8;
	[tilespmem:$0x10800] =	vst v63  }
0x381: {  	s28 =	simm.s32 $0xA000  }
0x382: {  	[tilespmem:s28], [sflag:$0x2] =	stream.indirect_vreg.gather [hbm4b:s24+s5], $0x80, v6, vm1, $0xb8;
	[tilespmem:$0x10800] =	vst v63  }
0x383: {  	s28 =	simm.s32 $0xA080  }
0x384: {  	[tilespmem:s28], [sflag:$0x2] =	stream.indirect_vreg.gather [hbm4b:s24+s5], $0x80, v7, vm1, $0xb8;
	[tilespmem:$0x10800] =	vst v63  }
0x385: {  	s28 =	simm.s32 $0xA100  }
0x386: {  	(v2sf) =	vpush v26, $0x3;
	[tilespmem:s28], [sflag:$0x2] =	stream.indirect_vreg.gather [hbm4b:s24+s5], $0x80, v8, vm1, $0xb8;
	[tilespmem:$0x10800] =	vst v63  }
0x387: {  	s28 =	simm.s32 $0xA180  }
0x388: {  	[tilespmem:s28], [sflag:$0x2] =	stream.indirect_vreg.gather [hbm4b:s24+s5], $0x80, v9, vm1, $0xb8;
	[tilespmem:$0x10800] =	vst v63  }
0x389: {  	s28 =	simm.s32 $0xA200  }
0x38a: {  	[tilespmem:s28], [sflag:$0x2] =	stream.indirect_vreg.gather [hbm4b:s24+s5], $0x80, v10, vm1, $0xb8;
	[tilespmem:$0x10800] =	vst v63  }
0x38b: {  	s28 =	simm.s32 $0xA280  }
0x38c: {  	[tilespmem:s28], [sflag:$0x2] =	stream.indirect_vreg.gather [hbm4b:s24+s5], $0x80, v11, vm1, $0xb8;
	[tilespmem:$0x10800] =	vst v63  }
0x38d: {  	s28 =	simm.s32 $0xA300  }
0x38e: {  	[tilespmem:s28], [sflag:$0x2] =	stream.indirect_vreg.gather [hbm4b:s24+s5], $0x80, v13, vm1, $0xb8;
	[tilespmem:$0x10800] =	vst v63  }
0x38f: {  	s28 =	simm.s32 $0xA380  }
0x390: {  	[tilespmem:s28], [sflag:$0x2] =	stream.indirect_vreg.gather [hbm4b:s24+s5], $0x80, v14, vm1, $0xb8;
	[tilespmem:$0x10800] =	vst v63  }
0x391: {  	s28 =	simm.s32 $0xA400  }
0x392: {  	[tilespmem:s28], [sflag:$0x2] =	stream.indirect_vreg.gather [hbm4b:s24+s5], $0x80, v15, vm1, $0xb8;
	[tilespmem:$0x10800] =	vst v63  }
0x393: {  	s28 =	simm.s32 $0xA480  }
0x394: {  	[tilespmem:s28], [sflag:$0x2] =	stream.indirect_vreg.gather [hbm4b:s24+s5], $0x80, v16, vm1, $0xb8;
	[tilespmem:$0x10800] =	vst v63  }
0x395: {  	s24 =	spop (v2sf);
	s28 =	simm.s32 $0xDD00  }
0x396: {  	[tilespmem:s28], [sflag:$0x2] =	stream.indirect_vreg.gather [hbm4b:s24+s5], $0x80, v0, vm1, $0xb8;
	[tilespmem:$0x10800] =	vst v63  }
0x397: {  	s28 =	simm.s32 $0xDD80  }
0x398: {  	[tilespmem:s28], [sflag:$0x2] =	stream.indirect_vreg.gather [hbm4b:s24+s5], $0x80, v1, vm1, $0xb8;
	[tilespmem:$0x10800] =	vst v63  }
0x399: {  	s28 =	simm.s32 $0xDE00  }
0x39a: {  	[tilespmem:s28], [sflag:$0x2] =	stream.indirect_vreg.gather [hbm4b:s24+s5], $0x80, v2, vm1, $0xb8;
	[tilespmem:$0x10800] =	vst v63  }
0x39b: {  	s28 =	simm.s32 $0xDE80  }
0x39c: {  	[tilespmem:s28], [sflag:$0x2] =	stream.indirect_vreg.gather [hbm4b:s24+s5], $0x80, v3, vm1, $0xb8;
	[tilespmem:$0x10800] =	vst v63  }
0x39d: {  	s28 =	simm.s32 $0xDF00  }
0x39e: {  	[tilespmem:s28], [sflag:$0x2] =	stream.indirect_vreg.gather [hbm4b:s24+s5], $0x80, v4, vm1, $0xb8;
	[tilespmem:$0x10800] =	vst v63  }
0x39f: {  	s28 =	simm.s32 $0xDF80  }
0x3a0: {  	[tilespmem:s28], [sflag:$0x2] =	stream.indirect_vreg.gather [hbm4b:s24+s5], $0x80, v5, vm1, $0xb8;
	[tilespmem:$0x10800] =	vst v63  }
0x3a1: {  	s28 =	simm.s32 $0xE000  }
0x3a2: {  	[tilespmem:s28], [sflag:$0x2] =	stream.indirect_vreg.gather [hbm4b:s24+s5], $0x80, v6, vm1, $0xb8;
	[tilespmem:$0x10800] =	vst v63  }
0x3a3: {  	s28 =	simm.s32 $0xE080  }
0x3a4: {  	[tilespmem:s28], [sflag:$0x2] =	stream.indirect_vreg.gather [hbm4b:s24+s5], $0x80, v7, vm1, $0xb8;
	[tilespmem:$0x10800] =	vst v63  }
0x3a5: {  	s28 =	simm.s32 $0xE100  }
0x3a6: {  	(v2sf) =	vpush v27, $0x4;
	[tilespmem:s28], [sflag:$0x2] =	stream.indirect_vreg.gather [hbm4b:s24+s5], $0x80, v8, vm1, $0xb8;
	[tilespmem:$0x10800] =	vst v63  }
0x3a7: {  	s28 =	simm.s32 $0xE180  }
0x3a8: {  	[tilespmem:s28], [sflag:$0x2] =	stream.indirect_vreg.gather [hbm4b:s24+s5], $0x80, v9, vm1, $0xb8;
	[tilespmem:$0x10800] =	vst v63  }
0x3a9: {  	s28 =	simm.s32 $0xE200  }
0x3aa: {  	[tilespmem:s28], [sflag:$0x2] =	stream.indirect_vreg.gather [hbm4b:s24+s5], $0x80, v10, vm1, $0xb8;
	[tilespmem:$0x10800] =	vst v63  }
0x3ab: {  	s28 =	simm.s32 $0xE280  }
0x3ac: {  	[tilespmem:s28], [sflag:$0x2] =	stream.indirect_vreg.gather [hbm4b:s24+s5], $0x80, v11, vm1, $0xb8;
	[tilespmem:$0x10800] =	vst v63  }
0x3ad: {  	s28 =	simm.s32 $0xE300  }
0x3ae: {  	[tilespmem:s28], [sflag:$0x2] =	stream.indirect_vreg.gather [hbm4b:s24+s5], $0x80, v13, vm1, $0xb8;
	[tilespmem:$0x10800] =	vst v63  }
0x3af: {  	s28 =	simm.s32 $0xE380  }
0x3b0: {  	[tilespmem:s28], [sflag:$0x2] =	stream.indirect_vreg.gather [hbm4b:s24+s5], $0x80, v14, vm1, $0xb8;
	[tilespmem:$0x10800] =	vst v63  }
0x3b1: {  	s28 =	simm.s32 $0xE400  }
0x3b2: {  	[tilespmem:s28], [sflag:$0x2] =	stream.indirect_vreg.gather [hbm4b:s24+s5], $0x80, v15, vm1, $0xb8;
	[tilespmem:$0x10800] =	vst v63  }
0x3b3: {  	s28 =	simm.s32 $0xE480  }
0x3b4: {  	[tilespmem:s28], [sflag:$0x2] =	stream.indirect_vreg.gather [hbm4b:s24+s5], $0x80, v16, vm1, $0xb8;
	[tilespmem:$0x10800] =	vst v63  }
0x3b5: {  	s24 =	spop (v2sf);
	s28 =	simm.s32 $0xA500  }
0x3b6: {  	[tilespmem:s28], [sflag:$0x2] =	stream.indirect_vreg.gather [hbm4b:s24+s5], $0x80, v0, vm1, $0xb8;
	[tilespmem:$0x10800] =	vst v63  }
0x3b7: {  	s28 =	simm.s32 $0xA580  }
0x3b8: {  	[tilespmem:s28], [sflag:$0x2] =	stream.indirect_vreg.gather [hbm4b:s24+s5], $0x80, v1, vm1, $0xb8;
	[tilespmem:$0x10800] =	vst v63  }
0x3b9: {  	s28 =	simm.s32 $0xA600  }
0x3ba: {  	[tilespmem:s28], [sflag:$0x2] =	stream.indirect_vreg.gather [hbm4b:s24+s5], $0x80, v2, vm1, $0xb8;
	[tilespmem:$0x10800] =	vst v63  }
0x3bb: {  	s28 =	simm.s32 $0xA680  }
0x3bc: {  	[tilespmem:s28], [sflag:$0x2] =	stream.indirect_vreg.gather [hbm4b:s24+s5], $0x80, v3, vm1, $0xb8;
	[tilespmem:$0x10800] =	vst v63  }
0x3bd: {  	s28 =	simm.s32 $0xA700  }
0x3be: {  	[tilespmem:s28], [sflag:$0x2] =	stream.indirect_vreg.gather [hbm4b:s24+s5], $0x80, v4, vm1, $0xb8;
	[tilespmem:$0x10800] =	vst v63  }
0x3bf: {  	s28 =	simm.s32 $0xA780  }
0x3c0: {  	[tilespmem:s28], [sflag:$0x2] =	stream.indirect_vreg.gather [hbm4b:s24+s5], $0x80, v5, vm1, $0xb8;
	[tilespmem:$0x10800] =	vst v63  }
0x3c1: {  	s28 =	simm.s32 $0xA800  }
0x3c2: {  	[tilespmem:s28], [sflag:$0x2] =	stream.indirect_vreg.gather [hbm4b:s24+s5], $0x80, v6, vm1, $0xb8;
	[tilespmem:$0x10800] =	vst v63  }
0x3c3: {  	s28 =	simm.s32 $0xA880  }
0x3c4: {  	[tilespmem:s28], [sflag:$0x2] =	stream.indirect_vreg.gather [hbm4b:s24+s5], $0x80, v7, vm1, $0xb8;
	[tilespmem:$0x10800] =	vst v63  }
0x3c5: {  	s28 =	simm.s32 $0xA900  }
0x3c6: {  	(v2sf) =	vpush v26, $0x4;
	[tilespmem:s28], [sflag:$0x2] =	stream.indirect_vreg.gather [hbm4b:s24+s5], $0x80, v8, vm1, $0xb8;
	[tilespmem:$0x10800] =	vst v63  }
0x3c7: {  	s28 =	simm.s32 $0xA980  }
0x3c8: {  	[tilespmem:s28], [sflag:$0x2] =	stream.indirect_vreg.gather [hbm4b:s24+s5], $0x80, v9, vm1, $0xb8;
	[tilespmem:$0x10800] =	vst v63  }
0x3c9: {  	s28 =	simm.s32 $0xAA00  }
0x3ca: {  	[tilespmem:s28], [sflag:$0x2] =	stream.indirect_vreg.gather [hbm4b:s24+s5], $0x80, v10, vm1, $0xb8;
	[tilespmem:$0x10800] =	vst v63  }
0x3cb: {  	s28 =	simm.s32 $0xAA80  }
0x3cc: {  	[tilespmem:s28], [sflag:$0x2] =	stream.indirect_vreg.gather [hbm4b:s24+s5], $0x80, v11, vm1, $0xb8;
	[tilespmem:$0x10800] =	vst v63  }
0x3cd: {  	s28 =	simm.s32 $0xAB00  }
0x3ce: {  	[tilespmem:s28], [sflag:$0x2] =	stream.indirect_vreg.gather [hbm4b:s24+s5], $0x80, v13, vm1, $0xb8;
	[tilespmem:$0x10800] =	vst v63  }
0x3cf: {  	s28 =	simm.s32 $0xAB80  }
0x3d0: {  	[tilespmem:s28], [sflag:$0x2] =	stream.indirect_vreg.gather [hbm4b:s24+s5], $0x80, v14, vm1, $0xb8;
	[tilespmem:$0x10800] =	vst v63  }
0x3d1: {  	s28 =	simm.s32 $0xAC00  }
0x3d2: {  	[tilespmem:s28], [sflag:$0x2] =	stream.indirect_vreg.gather [hbm4b:s24+s5], $0x80, v15, vm1, $0xb8;
	[tilespmem:$0x10800] =	vst v63  }
0x3d3: {  	s28 =	simm.s32 $0xAC80  }
0x3d4: {  	[tilespmem:s28], [sflag:$0x2] =	stream.indirect_vreg.gather [hbm4b:s24+s5], $0x80, v16, vm1, $0xb8;
	[tilespmem:$0x10800] =	vst v63  }
0x3d5: {  	s24 =	spop (v2sf);
	s28 =	simm.s32 $0xE500  }
0x3d6: {  	[tilespmem:s28], [sflag:$0x2] =	stream.indirect_vreg.gather [hbm4b:s24+s5], $0x80, v0, vm1, $0xb8;
	[tilespmem:$0x10800] =	vst v63  }
0x3d7: {  	s28 =	simm.s32 $0xE580  }
0x3d8: {  	[tilespmem:s28], [sflag:$0x2] =	stream.indirect_vreg.gather [hbm4b:s24+s5], $0x80, v1, vm1, $0xb8;
	[tilespmem:$0x10800] =	vst v63  }
0x3d9: {  	s28 =	simm.s32 $0xE600  }
0x3da: {  	[tilespmem:s28], [sflag:$0x2] =	stream.indirect_vreg.gather [hbm4b:s24+s5], $0x80, v2, vm1, $0xb8;
	[tilespmem:$0x10800] =	vst v63  }
0x3db: {  	s28 =	simm.s32 $0xE680  }
0x3dc: {  	[tilespmem:s28], [sflag:$0x2] =	stream.indirect_vreg.gather [hbm4b:s24+s5], $0x80, v3, vm1, $0xb8;
	[tilespmem:$0x10800] =	vst v63  }
0x3dd: {  	s28 =	simm.s32 $0xE700  }
0x3de: {  	[tilespmem:s28], [sflag:$0x2] =	stream.indirect_vreg.gather [hbm4b:s24+s5], $0x80, v4, vm1, $0xb8;
	[tilespmem:$0x10800] =	vst v63  }
0x3df: {  	s28 =	simm.s32 $0xE780  }
0x3e0: {  	[tilespmem:s28], [sflag:$0x2] =	stream.indirect_vreg.gather [hbm4b:s24+s5], $0x80, v5, vm1, $0xb8;
	[tilespmem:$0x10800] =	vst v63  }
0x3e1: {  	s28 =	simm.s32 $0xE800  }
0x3e2: {  	[tilespmem:s28], [sflag:$0x2] =	stream.indirect_vreg.gather [hbm4b:s24+s5], $0x80, v6, vm1, $0xb8;
	[tilespmem:$0x10800] =	vst v63  }
0x3e3: {  	s28 =	simm.s32 $0xE880  }
0x3e4: {  	[tilespmem:s28], [sflag:$0x2] =	stream.indirect_vreg.gather [hbm4b:s24+s5], $0x80, v7, vm1, $0xb8;
	[tilespmem:$0x10800] =	vst v63  }
0x3e5: {  	s28 =	simm.s32 $0xE900  }
0x3e6: {  	(v2sf) =	vpush v27, $0x5;
	[tilespmem:s28], [sflag:$0x2] =	stream.indirect_vreg.gather [hbm4b:s24+s5], $0x80, v8, vm1, $0xb8;
	[tilespmem:$0x10800] =	vst v63  }
0x3e7: {  	s28 =	simm.s32 $0xE980  }
0x3e8: {  	[tilespmem:s28], [sflag:$0x2] =	stream.indirect_vreg.gather [hbm4b:s24+s5], $0x80, v9, vm1, $0xb8;
	[tilespmem:$0x10800] =	vst v63  }
0x3e9: {  	s28 =	simm.s32 $0xEA00  }
0x3ea: {  	[tilespmem:s28], [sflag:$0x2] =	stream.indirect_vreg.gather [hbm4b:s24+s5], $0x80, v10, vm1, $0xb8;
	[tilespmem:$0x10800] =	vst v63  }
0x3eb: {  	s28 =	simm.s32 $0xEA80  }
0x3ec: {  	[tilespmem:s28], [sflag:$0x2] =	stream.indirect_vreg.gather [hbm4b:s24+s5], $0x80, v11, vm1, $0xb8;
	[tilespmem:$0x10800] =	vst v63  }
0x3ed: {  	s28 =	simm.s32 $0xEB00  }
0x3ee: {  	[tilespmem:s28], [sflag:$0x2] =	stream.indirect_vreg.gather [hbm4b:s24+s5], $0x80, v13, vm1, $0xb8;
	[tilespmem:$0x10800] =	vst v63  }
0x3ef: {  	s28 =	simm.s32 $0xEB80  }
0x3f0: {  	[tilespmem:s28], [sflag:$0x2] =	stream.indirect_vreg.gather [hbm4b:s24+s5], $0x80, v14, vm1, $0xb8;
	[tilespmem:$0x10800] =	vst v63  }
0x3f1: {  	s28 =	simm.s32 $0xEC00  }
0x3f2: {  	[tilespmem:s28], [sflag:$0x2] =	stream.indirect_vreg.gather [hbm4b:s24+s5], $0x80, v15, vm1, $0xb8;
	[tilespmem:$0x10800] =	vst v63  }
0x3f3: {  	s28 =	simm.s32 $0xEC80  }
0x3f4: {  	[tilespmem:s28], [sflag:$0x2] =	stream.indirect_vreg.gather [hbm4b:s24+s5], $0x80, v16, vm1, $0xb8;
	[tilespmem:$0x10800] =	vst v63  }
0x3f5: {  	s24 =	spop (v2sf);
	s28 =	simm.s32 $0xAD00  }
0x3f6: {  	[tilespmem:s28], [sflag:$0x2] =	stream.indirect_vreg.gather [hbm4b:s24+s5], $0x80, v0, vm1, $0xb8;
	[tilespmem:$0x10800] =	vst v63  }
0x3f7: {  	s28 =	simm.s32 $0xAD80  }
0x3f8: {  	[tilespmem:s28], [sflag:$0x2] =	stream.indirect_vreg.gather [hbm4b:s24+s5], $0x80, v1, vm1, $0xb8;
	[tilespmem:$0x10800] =	vst v63  }
0x3f9: {  	s28 =	simm.s32 $0xAE00  }
0x3fa: {  	[tilespmem:s28], [sflag:$0x2] =	stream.indirect_vreg.gather [hbm4b:s24+s5], $0x80, v2, vm1, $0xb8;
	[tilespmem:$0x10800] =	vst v63  }
0x3fb: {  	s28 =	simm.s32 $0xAE80  }
0x3fc: {  	[tilespmem:s28], [sflag:$0x2] =	stream.indirect_vreg.gather [hbm4b:s24+s5], $0x80, v3, vm1, $0xb8;
	[tilespmem:$0x10800] =	vst v63  }
0x3fd: {  	s28 =	simm.s32 $0xAF00  }
0x3fe: {  	[tilespmem:s28], [sflag:$0x2] =	stream.indirect_vreg.gather [hbm4b:s24+s5], $0x80, v4, vm1, $0xb8;
	[tilespmem:$0x10800] =	vst v63  }
0x3ff: {  	s28 =	simm.s32 $0xAF80  }
0x400: {  	[tilespmem:s28], [sflag:$0x2] =	stream.indirect_vreg.gather [hbm4b:s24+s5], $0x80, v5, vm1, $0xb8;
	[tilespmem:$0x10800] =	vst v63  }
0x401: {  	s28 =	simm.s32 $0xB000  }
0x402: {  	[tilespmem:s28], [sflag:$0x2] =	stream.indirect_vreg.gather [hbm4b:s24+s5], $0x80, v6, vm1, $0xb8;
	[tilespmem:$0x10800] =	vst v63  }
0x403: {  	s28 =	simm.s32 $0xB080  }
0x404: {  	[tilespmem:s28], [sflag:$0x2] =	stream.indirect_vreg.gather [hbm4b:s24+s5], $0x80, v7, vm1, $0xb8;
	[tilespmem:$0x10800] =	vst v63  }
0x405: {  	s28 =	simm.s32 $0xB100  }
0x406: {  	(v2sf) =	vpush v26, $0x5;
	[tilespmem:s28], [sflag:$0x2] =	stream.indirect_vreg.gather [hbm4b:s24+s5], $0x80, v8, vm1, $0xb8;
	[tilespmem:$0x10800] =	vst v63  }
0x407: {  	s28 =	simm.s32 $0xB180  }
0x408: {  	[tilespmem:s28], [sflag:$0x2] =	stream.indirect_vreg.gather [hbm4b:s24+s5], $0x80, v9, vm1, $0xb8;
	[tilespmem:$0x10800] =	vst v63  }
0x409: {  	s28 =	simm.s32 $0xB200  }
0x40a: {  	[tilespmem:s28], [sflag:$0x2] =	stream.indirect_vreg.gather [hbm4b:s24+s5], $0x80, v10, vm1, $0xb8;
	[tilespmem:$0x10800] =	vst v63  }
0x40b: {  	s28 =	simm.s32 $0xB280  }
0x40c: {  	[tilespmem:s28], [sflag:$0x2] =	stream.indirect_vreg.gather [hbm4b:s24+s5], $0x80, v11, vm1, $0xb8;
	[tilespmem:$0x10800] =	vst v63  }
0x40d: {  	s28 =	simm.s32 $0xB300  }
0x40e: {  	[tilespmem:s28], [sflag:$0x2] =	stream.indirect_vreg.gather [hbm4b:s24+s5], $0x80, v13, vm1, $0xb8;
	[tilespmem:$0x10800] =	vst v63  }
0x40f: {  	s28 =	simm.s32 $0xB380  }
0x410: {  	[tilespmem:s28], [sflag:$0x2] =	stream.indirect_vreg.gather [hbm4b:s24+s5], $0x80, v14, vm1, $0xb8;
	[tilespmem:$0x10800] =	vst v63  }
0x411: {  	s28 =	simm.s32 $0xB400  }
0x412: {  	[tilespmem:s28], [sflag:$0x2] =	stream.indirect_vreg.gather [hbm4b:s24+s5], $0x80, v15, vm1, $0xb8;
	[tilespmem:$0x10800] =	vst v63  }
0x413: {  	s28 =	simm.s32 $0xB480  }
0x414: {  	[tilespmem:s28], [sflag:$0x2] =	stream.indirect_vreg.gather [hbm4b:s24+s5], $0x80, v16, vm1, $0xb8;
	[tilespmem:$0x10800] =	vst v63  }
0x415: {  	s24 =	spop (v2sf);
	s28 =	simm.s32 $0xED00  }
0x416: {  	[tilespmem:s28], [sflag:$0x2] =	stream.indirect_vreg.gather [hbm4b:s24+s5], $0x80, v0, vm1, $0xb8;
	[tilespmem:$0x10800] =	vst v63  }
0x417: {  	s28 =	simm.s32 $0xED80  }
0x418: {  	[tilespmem:s28], [sflag:$0x2] =	stream.indirect_vreg.gather [hbm4b:s24+s5], $0x80, v1, vm1, $0xb8;
	[tilespmem:$0x10800] =	vst v63  }
0x419: {  	s28 =	simm.s32 $0xEE00  }
0x41a: {  	[tilespmem:s28], [sflag:$0x2] =	stream.indirect_vreg.gather [hbm4b:s24+s5], $0x80, v2, vm1, $0xb8;
	[tilespmem:$0x10800] =	vst v63  }
0x41b: {  	s28 =	simm.s32 $0xEE80  }
0x41c: {  	[tilespmem:s28], [sflag:$0x2] =	stream.indirect_vreg.gather [hbm4b:s24+s5], $0x80, v3, vm1, $0xb8;
	[tilespmem:$0x10800] =	vst v63  }
0x41d: {  	s28 =	simm.s32 $0xEF00  }
0x41e: {  	[tilespmem:s28], [sflag:$0x2] =	stream.indirect_vreg.gather [hbm4b:s24+s5], $0x80, v4, vm1, $0xb8;
	[tilespmem:$0x10800] =	vst v63  }
0x41f: {  	s28 =	simm.s32 $0xEF80  }
0x420: {  	[tilespmem:s28], [sflag:$0x2] =	stream.indirect_vreg.gather [hbm4b:s24+s5], $0x80, v5, vm1, $0xb8;
	[tilespmem:$0x10800] =	vst v63  }
0x421: {  	s28 =	simm.s32 $0xF000  }
0x422: {  	[tilespmem:s28], [sflag:$0x2] =	stream.indirect_vreg.gather [hbm4b:s24+s5], $0x80, v6, vm1, $0xb8;
	[tilespmem:$0x10800] =	vst v63  }
0x423: {  	s28 =	simm.s32 $0xF080  }
0x424: {  	[tilespmem:s28], [sflag:$0x2] =	stream.indirect_vreg.gather [hbm4b:s24+s5], $0x80, v7, vm1, $0xb8;
	[tilespmem:$0x10800] =	vst v63  }
0x425: {  	s28 =	simm.s32 $0xF100  }
0x426: {  	(v2sf) =	vpush v27, $0x6;
	[tilespmem:s28], [sflag:$0x2] =	stream.indirect_vreg.gather [hbm4b:s24+s5], $0x80, v8, vm1, $0xb8;
	[tilespmem:$0x10800] =	vst v63  }
0x427: {  	s28 =	simm.s32 $0xF180  }
0x428: {  	[tilespmem:s28], [sflag:$0x2] =	stream.indirect_vreg.gather [hbm4b:s24+s5], $0x80, v9, vm1, $0xb8;
	[tilespmem:$0x10800] =	vst v63  }
0x429: {  	s28 =	simm.s32 $0xF200  }
0x42a: {  	[tilespmem:s28], [sflag:$0x2] =	stream.indirect_vreg.gather [hbm4b:s24+s5], $0x80, v10, vm1, $0xb8;
	[tilespmem:$0x10800] =	vst v63  }
0x42b: {  	s28 =	simm.s32 $0xF280  }
0x42c: {  	[tilespmem:s28], [sflag:$0x2] =	stream.indirect_vreg.gather [hbm4b:s24+s5], $0x80, v11, vm1, $0xb8;
	[tilespmem:$0x10800] =	vst v63  }
0x42d: {  	s28 =	simm.s32 $0xF300  }
0x42e: {  	[tilespmem:s28], [sflag:$0x2] =	stream.indirect_vreg.gather [hbm4b:s24+s5], $0x80, v13, vm1, $0xb8;
	[tilespmem:$0x10800] =	vst v63  }
0x42f: {  	s28 =	simm.s32 $0xF380  }
0x430: {  	[tilespmem:s28], [sflag:$0x2] =	stream.indirect_vreg.gather [hbm4b:s24+s5], $0x80, v14, vm1, $0xb8;
	[tilespmem:$0x10800] =	vst v63  }
0x431: {  	s28 =	simm.s32 $0xF400  }
0x432: {  	[tilespmem:s28], [sflag:$0x2] =	stream.indirect_vreg.gather [hbm4b:s24+s5], $0x80, v15, vm1, $0xb8;
	[tilespmem:$0x10800] =	vst v63  }
0x433: {  	s28 =	simm.s32 $0xF480  }
0x434: {  	[tilespmem:s28], [sflag:$0x2] =	stream.indirect_vreg.gather [hbm4b:s24+s5], $0x80, v16, vm1, $0xb8;
	[tilespmem:$0x10800] =	vst v63  }
0x435: {  	s24 =	spop (v2sf);
	s28 =	simm.s32 $0xB500  }
0x436: {  	[tilespmem:s28], [sflag:$0x2] =	stream.indirect_vreg.gather [hbm4b:s24+s5], $0x80, v0, vm1, $0xb8;
	[tilespmem:$0x10800] =	vst v63  }
0x437: {  	s28 =	simm.s32 $0xB580  }
0x438: {  	[tilespmem:s28], [sflag:$0x2] =	stream.indirect_vreg.gather [hbm4b:s24+s5], $0x80, v1, vm1, $0xb8;
	[tilespmem:$0x10800] =	vst v63  }
0x439: {  	s28 =	simm.s32 $0xB600  }
0x43a: {  	[tilespmem:s28], [sflag:$0x2] =	stream.indirect_vreg.gather [hbm4b:s24+s5], $0x80, v2, vm1, $0xb8;
	[tilespmem:$0x10800] =	vst v63  }
0x43b: {  	s28 =	simm.s32 $0xB680  }
0x43c: {  	[tilespmem:s28], [sflag:$0x2] =	stream.indirect_vreg.gather [hbm4b:s24+s5], $0x80, v3, vm1, $0xb8;
	[tilespmem:$0x10800] =	vst v63  }
0x43d: {  	s28 =	simm.s32 $0xB700  }
0x43e: {  	[tilespmem:s28], [sflag:$0x2] =	stream.indirect_vreg.gather [hbm4b:s24+s5], $0x80, v4, vm1, $0xb8;
	[tilespmem:$0x10800] =	vst v63  }
0x43f: {  	s28 =	simm.s32 $0xB780  }
0x440: {  	[tilespmem:s28], [sflag:$0x2] =	stream.indirect_vreg.gather [hbm4b:s24+s5], $0x80, v5, vm1, $0xb8;
	[tilespmem:$0x10800] =	vst v63  }
0x441: {  	s28 =	simm.s32 $0xB800  }
0x442: {  	[tilespmem:s28], [sflag:$0x2] =	stream.indirect_vreg.gather [hbm4b:s24+s5], $0x80, v6, vm1, $0xb8;
	[tilespmem:$0x10800] =	vst v63  }
0x443: {  	s28 =	simm.s32 $0xB880  }
0x444: {  	[tilespmem:s28], [sflag:$0x2] =	stream.indirect_vreg.gather [hbm4b:s24+s5], $0x80, v7, vm1, $0xb8;
	[tilespmem:$0x10800] =	vst v63  }
0x445: {  	s28 =	simm.s32 $0xB900  }
0x446: {  	(v2sf) =	vpush v26, $0x6;
	[tilespmem:s28], [sflag:$0x2] =	stream.indirect_vreg.gather [hbm4b:s24+s5], $0x80, v8, vm1, $0xb8;
	[tilespmem:$0x10800] =	vst v63  }
0x447: {  	s28 =	simm.s32 $0xB980  }
0x448: {  	[tilespmem:s28], [sflag:$0x2] =	stream.indirect_vreg.gather [hbm4b:s24+s5], $0x80, v9, vm1, $0xb8;
	[tilespmem:$0x10800] =	vst v63  }
0x449: {  	s28 =	simm.s32 $0xBA00  }
0x44a: {  	[tilespmem:s28], [sflag:$0x2] =	stream.indirect_vreg.gather [hbm4b:s24+s5], $0x80, v10, vm1, $0xb8;
	[tilespmem:$0x10800] =	vst v63  }
0x44b: {  	s28 =	simm.s32 $0xBA80  }
0x44c: {  	[tilespmem:s28], [sflag:$0x2] =	stream.indirect_vreg.gather [hbm4b:s24+s5], $0x80, v11, vm1, $0xb8;
	[tilespmem:$0x10800] =	vst v63  }
0x44d: {  	s28 =	simm.s32 $0xBB00  }
0x44e: {  	[tilespmem:s28], [sflag:$0x2] =	stream.indirect_vreg.gather [hbm4b:s24+s5], $0x80, v13, vm1, $0xb8;
	[tilespmem:$0x10800] =	vst v63  }
0x44f: {  	s28 =	simm.s32 $0xBB80  }
0x450: {  	[tilespmem:s28], [sflag:$0x2] =	stream.indirect_vreg.gather [hbm4b:s24+s5], $0x80, v14, vm1, $0xb8;
	[tilespmem:$0x10800] =	vst v63  }
0x451: {  	s28 =	simm.s32 $0xBC00  }
0x452: {  	[tilespmem:s28], [sflag:$0x2] =	stream.indirect_vreg.gather [hbm4b:s24+s5], $0x80, v15, vm1, $0xb8;
	[tilespmem:$0x10800] =	vst v63  }
0x453: {  	s28 =	simm.s32 $0xBC80  }
0x454: {  	[tilespmem:s28], [sflag:$0x2] =	stream.indirect_vreg.gather [hbm4b:s24+s5], $0x80, v16, vm1, $0xb8;
	[tilespmem:$0x10800] =	vst v63  }
0x455: {  	s24 =	spop (v2sf);
	s28 =	simm.s32 $0xF500  }
0x456: {  	[tilespmem:s28], [sflag:$0x2] =	stream.indirect_vreg.gather [hbm4b:s24+s5], $0x80, v0, vm1, $0xb8;
	[tilespmem:$0x10800] =	vst v63  }
0x457: {  	s28 =	simm.s32 $0xF580  }
0x458: {  	[tilespmem:s28], [sflag:$0x2] =	stream.indirect_vreg.gather [hbm4b:s24+s5], $0x80, v1, vm1, $0xb8;
	[tilespmem:$0x10800] =	vst v63  }
0x459: {  	s28 =	simm.s32 $0xF600  }
0x45a: {  	[tilespmem:s28], [sflag:$0x2] =	stream.indirect_vreg.gather [hbm4b:s24+s5], $0x80, v2, vm1, $0xb8;
	[tilespmem:$0x10800] =	vst v63  }
0x45b: {  	s28 =	simm.s32 $0xF680  }
0x45c: {  	[tilespmem:s28], [sflag:$0x2] =	stream.indirect_vreg.gather [hbm4b:s24+s5], $0x80, v3, vm1, $0xb8;
	[tilespmem:$0x10800] =	vst v63  }
0x45d: {  	s28 =	simm.s32 $0xF700  }
0x45e: {  	[tilespmem:s28], [sflag:$0x2] =	stream.indirect_vreg.gather [hbm4b:s24+s5], $0x80, v4, vm1, $0xb8;
	[tilespmem:$0x10800] =	vst v63  }
0x45f: {  	s28 =	simm.s32 $0xF780  }
0x460: {  	[tilespmem:s28], [sflag:$0x2] =	stream.indirect_vreg.gather [hbm4b:s24+s5], $0x80, v5, vm1, $0xb8;
	[tilespmem:$0x10800] =	vst v63  }
0x461: {  	s28 =	simm.s32 $0xF800  }
0x462: {  	[tilespmem:s28], [sflag:$0x2] =	stream.indirect_vreg.gather [hbm4b:s24+s5], $0x80, v6, vm1, $0xb8;
	[tilespmem:$0x10800] =	vst v63  }
0x463: {  	s28 =	simm.s32 $0xF880  }
0x464: {  	[tilespmem:s28], [sflag:$0x2] =	stream.indirect_vreg.gather [hbm4b:s24+s5], $0x80, v7, vm1, $0xb8;
	[tilespmem:$0x10800] =	vst v63  }
0x465: {  	s28 =	simm.s32 $0xF900  }
0x466: {  	(v2sf) =	vpush v27, $0x7;
	[tilespmem:s28], [sflag:$0x2] =	stream.indirect_vreg.gather [hbm4b:s24+s5], $0x80, v8, vm1, $0xb8;
	[tilespmem:$0x10800] =	vst v63  }
0x467: {  	s28 =	simm.s32 $0xF980  }
0x468: {  	[tilespmem:s28], [sflag:$0x2] =	stream.indirect_vreg.gather [hbm4b:s24+s5], $0x80, v9, vm1, $0xb8;
	[tilespmem:$0x10800] =	vst v63  }
0x469: {  	s28 =	simm.s32 $0xFA00  }
0x46a: {  	[tilespmem:s28], [sflag:$0x2] =	stream.indirect_vreg.gather [hbm4b:s24+s5], $0x80, v10, vm1, $0xb8;
	[tilespmem:$0x10800] =	vst v63  }
0x46b: {  	s28 =	simm.s32 $0xFA80  }
0x46c: {  	[tilespmem:s28], [sflag:$0x2] =	stream.indirect_vreg.gather [hbm4b:s24+s5], $0x80, v11, vm1, $0xb8;
	[tilespmem:$0x10800] =	vst v63  }
0x46d: {  	s28 =	simm.s32 $0xFB00  }
0x46e: {  	[tilespmem:s28], [sflag:$0x2] =	stream.indirect_vreg.gather [hbm4b:s24+s5], $0x80, v13, vm1, $0xb8;
	[tilespmem:$0x10800] =	vst v63  }
0x46f: {  	s28 =	simm.s32 $0xFB80  }
0x470: {  	[tilespmem:s28], [sflag:$0x2] =	stream.indirect_vreg.gather [hbm4b:s24+s5], $0x80, v14, vm1, $0xb8;
	[tilespmem:$0x10800] =	vst v63  }
0x471: {  	s28 =	simm.s32 $0xFC00  }
0x472: {  	[tilespmem:s28], [sflag:$0x2] =	stream.indirect_vreg.gather [hbm4b:s24+s5], $0x80, v15, vm1, $0xb8;
	[tilespmem:$0x10800] =	vst v63  }
0x473: {  	s28 =	simm.s32 $0xFC80  }
0x474: {  	[tilespmem:s28], [sflag:$0x2] =	stream.indirect_vreg.gather [hbm4b:s24+s5], $0x80, v16, vm1, $0xb8;
	[tilespmem:$0x10800] =	vst v63  }
0x475: {  	s24 =	spop (v2sf);
	s28 =	simm.s32 $0xBD00  }
0x476: {  	[tilespmem:s28], [sflag:$0x2] =	stream.indirect_vreg.gather [hbm4b:s24+s5], $0x80, v0, vm1, $0xb8;
	[tilespmem:$0x10800] =	vst v63  }
0x477: {  	s28 =	simm.s32 $0xBD80  }
0x478: {  	[tilespmem:s28], [sflag:$0x2] =	stream.indirect_vreg.gather [hbm4b:s24+s5], $0x80, v1, vm1, $0xb8;
	[tilespmem:$0x10800] =	vst v63  }
0x479: {  	s28 =	simm.s32 $0xBE00  }
0x47a: {  	[tilespmem:s28], [sflag:$0x2] =	stream.indirect_vreg.gather [hbm4b:s24+s5], $0x80, v2, vm1, $0xb8;
	[tilespmem:$0x10800] =	vst v63  }
0x47b: {  	s28 =	simm.s32 $0xBE80  }
0x47c: {  	[tilespmem:s28], [sflag:$0x2] =	stream.indirect_vreg.gather [hbm4b:s24+s5], $0x80, v3, vm1, $0xb8;
	[tilespmem:$0x10800] =	vst v63  }
0x47d: {  	s28 =	simm.s32 $0xBF00  }
0x47e: {  	[tilespmem:s28], [sflag:$0x2] =	stream.indirect_vreg.gather [hbm4b:s24+s5], $0x80, v4, vm1, $0xb8;
	[tilespmem:$0x10800] =	vst v63  }
0x47f: {  	s28 =	simm.s32 $0xBF80  }
0x480: {  	[tilespmem:s28], [sflag:$0x2] =	stream.indirect_vreg.gather [hbm4b:s24+s5], $0x80, v5, vm1, $0xb8;
	[tilespmem:$0x10800] =	vst v63  }
0x481: {  	s28 =	simm.s32 $0xC000  }
0x482: {  	[tilespmem:s28], [sflag:$0x2] =	stream.indirect_vreg.gather [hbm4b:s24+s5], $0x80, v6, vm1, $0xb8;
	[tilespmem:$0x10800] =	vst v63  }
0x483: {  	s28 =	simm.s32 $0xC080  }
0x484: {  	[tilespmem:s28], [sflag:$0x2] =	stream.indirect_vreg.gather [hbm4b:s24+s5], $0x80, v7, vm1, $0xb8;
	[tilespmem:$0x10800] =	vst v63  }
0x485: {  	s28 =	simm.s32 $0xC100  }
0x486: {  	(v2sf) =	vpush v26, $0x7;
	[tilespmem:s28], [sflag:$0x2] =	stream.indirect_vreg.gather [hbm4b:s24+s5], $0x80, v8, vm1, $0xb8;
	[tilespmem:$0x10800] =	vst v63  }
0x487: {  	s28 =	simm.s32 $0xC180  }
0x488: {  	[tilespmem:s28], [sflag:$0x2] =	stream.indirect_vreg.gather [hbm4b:s24+s5], $0x80, v9, vm1, $0xb8;
	[tilespmem:$0x10800] =	vst v63  }
0x489: {  	s28 =	simm.s32 $0xC200  }
0x48a: {  	[tilespmem:s28], [sflag:$0x2] =	stream.indirect_vreg.gather [hbm4b:s24+s5], $0x80, v10, vm1, $0xb8;
	[tilespmem:$0x10800] =	vst v63  }
0x48b: {  	s28 =	simm.s32 $0xC280  }
0x48c: {  	[tilespmem:s28], [sflag:$0x2] =	stream.indirect_vreg.gather [hbm4b:s24+s5], $0x80, v11, vm1, $0xb8;
	[tilespmem:$0x10800] =	vst v63  }
0x48d: {  	s28 =	simm.s32 $0xC300  }
0x48e: {  	[tilespmem:s28], [sflag:$0x2] =	stream.indirect_vreg.gather [hbm4b:s24+s5], $0x80, v13, vm1, $0xb8;
	[tilespmem:$0x10800] =	vst v63  }
0x48f: {  	s28 =	simm.s32 $0xC380  }
0x490: {  	[tilespmem:s28], [sflag:$0x2] =	stream.indirect_vreg.gather [hbm4b:s24+s5], $0x80, v14, vm1, $0xb8;
	[tilespmem:$0x10800] =	vst v63  }
0x491: {  	_ = 	snop  }
0x492: {  	[tilespmem:s8], [sflag:$0x2] =	stream.indirect_vreg.gather [hbm4b:s24+s5], $0x80, v15, vm1, $0xb8;
	[tilespmem:$0x10800] =	vst v63  }
0x493: {  	_ = 	snop  }
0x494: {  	[tilespmem:s11], [sflag:$0x2] =	stream.indirect_vreg.gather [hbm4b:s24+s5], $0x80, v16, vm1, $0xb8;
	[tilespmem:$0x10800] =	vst v63  }
0x495: {  	s24 =	spop (v2sf)  }
0x496: {  	[tilespmem:s16], [sflag:$0x2] =	stream.indirect_vreg.gather [hbm4b:s24+s5], $0x80, v0, vm1, $0xb8;
	[tilespmem:$0x10800] =	vst v63  }
0x497: {  	_ = 	snop  }
0x498: {  	[tilespmem:s17], [sflag:$0x2] =	stream.indirect_vreg.gather [hbm4b:s24+s5], $0x80, v1, vm1, $0xb8;
	[tilespmem:$0x10800] =	vst v63  }
0x499: {  	_ = 	snop  }
0x49a: {  	[tilespmem:s10], [sflag:$0x2] =	stream.indirect_vreg.gather [hbm4b:s24+s5], $0x80, v2, vm1, $0xb8;
	[tilespmem:$0x10800] =	vst v63  }
0x49b: {  	_ = 	snop  }
0x49c: {  	[tilespmem:s9], [sflag:$0x2] =	stream.indirect_vreg.gather [hbm4b:s24+s5], $0x80, v3, vm1, $0xb8;
	[tilespmem:$0x10800] =	vst v63  }
0x49d: {  	_ = 	snop  }
0x49e: {  	[tilespmem:s14], [sflag:$0x2] =	stream.indirect_vreg.gather [hbm4b:s24+s5], $0x80, v4, vm1, $0xb8;
	[tilespmem:$0x10800] =	vst v63  }
0x49f: {  	_ = 	snop  }
0x4a0: {  	[tilespmem:s7], [sflag:$0x2] =	stream.indirect_vreg.gather [hbm4b:s24+s5], $0x80, v5, vm1, $0xb8;
	[tilespmem:$0x10800] =	vst v63  }
0x4a1: {  	_ = 	snop  }
0x4a2: {  	[tilespmem:s6], [sflag:$0x2] =	stream.indirect_vreg.gather [hbm4b:s24+s5], $0x80, v6, vm1, $0xb8;
	[tilespmem:$0x10800] =	vst v63  }
0x4a3: {  	_ = 	snop  }
0x4a4: {  	[tilespmem:s3], [sflag:$0x2] =	stream.indirect_vreg.gather [hbm4b:s24+s5], $0x80, v7, vm1, $0xb8;
	[tilespmem:$0x10800] =	vst v63  }
0x4a5: {  	_ = 	snop  }
0x4a6: {  	[tilespmem:s13], [sflag:$0x2] =	stream.indirect_vreg.gather [hbm4b:s24+s5], $0x80, v8, vm1, $0xb8;
	[tilespmem:$0x10800] =	vst v63  }
0x4a7: {  	_ = 	snop  }
0x4a8: {  	[tilespmem:s12], [sflag:$0x2] =	stream.indirect_vreg.gather [hbm4b:s24+s5], $0x80, v9, vm1, $0xb8;
	[tilespmem:$0x10800] =	vst v63  }
0x4a9: {  	_ = 	snop  }
0x4aa: {  	[tilespmem:s29], [sflag:$0x2] =	stream.indirect_vreg.gather [hbm4b:s24+s5], $0x80, v10, vm1, $0xb8;
	[tilespmem:$0x10800] =	vst v63  }
0x4ab: {  	_ = 	snop  }
0x4ac: {  	[tilespmem:s31], [sflag:$0x2] =	stream.indirect_vreg.gather [hbm4b:s24+s5], $0x80, v11, vm1, $0xb8;
	[tilespmem:$0x10800] =	vst v63  }
0x4ad: {  	_ = 	snop  }
0x4ae: {  	[tilespmem:s30], [sflag:$0x2] =	stream.indirect_vreg.gather [hbm4b:s24+s5], $0x80, v13, vm1, $0xb8;
	[tilespmem:$0x10800] =	vst v63  }
0x4af: {  	s28 =	simm.s32 $0x10380  }
0x4b0: {  	[tilespmem:s28], [sflag:$0x2] =	stream.indirect_vreg.gather [hbm4b:s24+s5], $0x80, v14, vm1, $0xb8;
	[tilespmem:$0x10800] =	vst v63  }
0x4b1: {  	_ = 	snop  }
0x4b2: {  	[tilespmem:s23], [sflag:$0x2] =	stream.indirect_vreg.gather [hbm4b:s24+s5], $0x80, v15, vm1, $0xb8;
	[tilespmem:$0x10800] =	vst v63  }
0x4b3: {  	_ = 	snop  }
0x4b4: {  	[tilespmem:s22], [sflag:$0x2] =	stream.indirect_vreg.gather [hbm4b:s24+s5], $0x80, v16, vm1, $0xb8;
	[tilespmem:$0x10800] =	vst v63  }
0x4b5: {  	_ =	swait.ge [sflag:s26], $0x800  }
0x4b6: {  	[sflag:s26] =	ssyncset.done $0x0  }
0x4b7: {  	[sflag:s26] =	ssyncadd.s32 $0xFFFFF800  }
0x4b8: {  	_ =	swait.ge [sflag:s26], $0x800  }
0x4b9: {  	[sflag:s26] =	ssyncset.done $0x0  }
0x4ba: {  	[sflag:s26] =	ssyncadd.s32 $0xFFFFF800  }
0x4bb: {  	_ =	swait.ge [sflag:s26], $0x800  }
0x4bc: {  	[sflag:s26] =	ssyncset.done $0x0  }
0x4bd: {  	[sflag:s26] =	ssyncadd.s32 $0xFFFFF800  }
0x4be: {  	_ =	swait.ge [sflag:s26], $0x800  }
0x4bf: {  	[sflag:s26] =	ssyncset.done $0x0  }
0x4c0: {  	[sflag:s26] =	ssyncadd.s32 $0xFFFFF800  }
0x4c1: {  	_ =	swait.ge [sflag:s26], $0x800  }
0x4c2: {  	[sflag:s26] =	ssyncset.done $0x0  }
0x4c3: {  	[sflag:s26] =	ssyncadd.s32 $0xFFFFF800  }
0x4c4: {  	_ =	swait.ge [sflag:s26], $0x800  }
0x4c5: {  	[sflag:s26] =	ssyncset.done $0x0  }
0x4c6: {  	[sflag:s26] =	ssyncadd.s32 $0xFFFFF800  }
0x4c7: {  	_ =	swait.ge [sflag:s26], $0x800  }
0x4c8: {  	[sflag:s26] =	ssyncset.done $0x0  }
0x4c9: {  	[sflag:s26] =	ssyncadd.s32 $0xFFFFF800  }
0x4ca: {  	_ =	swait.ge [sflag:s26], $0x800  }
0x4cb: {  	[sflag:s26] =	ssyncset.done $0x0  }
0x4cc: {  	[sflag:s26] =	ssyncadd.s32 $0xFFFFF800  }
0x4cd: {  	_ =	swait.ge [sflag:s26], $0x800  }
0x4ce: {  	[sflag:s26] =	ssyncset.done $0x0  }
0x4cf: {  	[sflag:s26] =	ssyncadd.s32 $0xFFFFF800  }
0x4d0: {  	_ =	swait.ge [sflag:s26], $0x800  }
0x4d1: {  	[sflag:s26] =	ssyncset.done $0x0  }
0x4d2: {  	[sflag:s26] =	ssyncadd.s32 $0xFFFFF800  }
0x4d3: {  	_ =	swait.ge [sflag:s26], $0x800  }
0x4d4: {  	[sflag:s26] =	ssyncset.done $0x0  }
0x4d5: {  	[sflag:s26] =	ssyncadd.s32 $0xFFFFF800  }
0x4d6: {  	_ =	swait.ge [sflag:s26], $0x800  }
0x4d7: {  	[sflag:s26] =	ssyncset.done $0x0  }
0x4d8: {  	[sflag:s26] =	ssyncadd.s32 $0xFFFFF800  }
0x4d9: {  	_ =	swait.ge [sflag:s26], $0x800  }
0x4da: {  	[sflag:s26] =	ssyncset.done $0x0  }
0x4db: {  	[sflag:s26] =	ssyncadd.s32 $0xFFFFF800  }
0x4dc: {  	_ =	swait.ge [sflag:s26], $0x800  }
0x4dd: {  	[sflag:s26] =	ssyncset.done $0x0  }
0x4de: {  	[sflag:s26] =	ssyncadd.s32 $0xFFFFF800  }
0x4df: {  	_ =	swait.ge [sflag:s26], $0x800  }
0x4e0: {  	[sflag:s26] =	ssyncset.done $0x0  }
0x4e1: {  	[sflag:s26] =	ssyncadd.s32 $0xFFFFF800  }
0x4e2: {  	_ =	swait.ge [sflag:s26], $0x800  }
0x4e3: {  	[sflag:s26] =	ssyncset.done $0x0  }
0x4e4: {  	[sflag:s26] =	ssyncadd.s32 $0xFFFFF800  }
0x4e5: {  	v26 =	vld [tilespmem:s20+$0x0]  }
0x4e6: {  	v27 =	vld [tilespmem:s20+$0x280];
	_ =	sdelay $0x3  }
0x4e7: {  	v26 =	vand.u32 $0x7F, v26  }
0x4e8: {  	v27 =	vand.u32 $0x7F, v27;
	v28 =	vbroadcast v26, $0x0  }
0x4e9: {  	v29 =	vbroadcast v27, $0x0  }
0x4ea: {  	v30 =	vbroadcast v26, $0x1;
	v28 =	vor.u32 v12, v28  }
0x4eb: {  	v31 =	vbroadcast v27, $0x1;
	v29 =	vor.u32 v12, v29  }
0x4ec: {  	v32 =	vbroadcast v26, $0x2;
	v30 =	vor.u32 v17, v30  }
0x4ed: {  	v33 =	vbroadcast v27, $0x2;
	v31 =	vor.u32 v17, v31  }
0x4ee: {  	v34 =	vbroadcast v26, $0x3;
	v32 =	vor.u32 v18, v32  }
0x4ef: {  	v35 =	vbroadcast v27, $0x3;
	v33 =	vor.u32 v18, v33;
	v28 =	vld.idx.msk [tilespmem:v28+s15+$0x0], $0xffff  }
0x4f0: {  	v36 =	vbroadcast v26, $0x4;
	v34 =	vor.u32 v19, v34;
	v29 =	vld.idx.msk [tilespmem:v29+s0+$0x0], $0xffff  }
0x4f1: {  	v37 =	vbroadcast v27, $0x4;
	v35 =	vor.u32 v19, v35;
	v30 =	vld.idx.msk [tilespmem:v30+s15+$0x0], $0xffff  }
0x4f2: {  	v38 =	vbroadcast v26, $0x5;
	v36 =	vor.u32 v20, v36;
	v31 =	vld.idx.msk [tilespmem:v31+s0+$0x0], $0xffff  }
0x4f3: {  	v39 =	vbroadcast v27, $0x5;
	v37 =	vor.u32 v20, v37;
	v32 =	vld.idx.msk [tilespmem:v32+s15+$0x0], $0xffff  }
0x4f4: {  	v40 =	vbroadcast v26, $0x6;
	v38 =	vor.u32 v21, v38;
	v33 =	vld.idx.msk [tilespmem:v33+s0+$0x0], $0xffff  }
0x4f5: {  	v26 =	vbroadcast v26, $0x7;
	v39 =	vor.u32 v21, v39;
	v34 =	vld.idx.msk [tilespmem:v34+s15+$0x0], $0xffff  }
0x4f6: {  	v41 =	vbroadcast v27, $0x6;
	v40 =	vor.u32 v22, v40;
	v35 =	vld.idx.msk [tilespmem:v35+s0+$0x0], $0xffff  }
0x4f7: {  	v27 =	vbroadcast v27, $0x7;
	v26 =	vor.u32 v23, v26;
	v36 =	vld.idx.msk [tilespmem:v36+s15+$0x0], $0xffff  }
0x4f8: {  	v41 =	vor.u32 v22, v41;
	v37 =	vld.idx.msk [tilespmem:v37+s0+$0x0], $0xffff  }
0x4f9: {  	v27 =	vor.u32 v23, v27;
	v38 =	vld.idx.msk [tilespmem:v38+s15+$0x0], $0xffff  }
0x4fa: {  	v39 =	vld.idx.msk [tilespmem:v39+s0+$0x0], $0xffff  }
0x4fb: {  	v40 =	vld.idx.msk [tilespmem:v40+s15+$0x0], $0xffff  }
0x4fc: {  	v26 =	vld.idx.msk [tilespmem:v26+s15+$0x0], $0xffff;
	v28 =	vmul.f32 v29, v28  }
0x4fd: {  	v29 =	vld.idx.msk [tilespmem:v41+s0+$0x0], $0xffff;
	v30 =	vmul.f32 v31, v30  }
0x4fe: {  	v27 =	vld.idx.msk [tilespmem:v27+s0+$0x0], $0xffff;
	v31 =	vmul.f32 v33, v32;
	v28 =	vmul.f32 v28, v24  }
0x4ff: {  	v62 =	vmul.f32 v35, v34;
	v30 =	vmul.f32 v30, v24  }
0x500: {  	v31 =	vmul.f32 v31, v24;
	(xrf2) =	vadd.scan.msk.f32 $0xffff, v28;
	v28 =	vmul.f32 v37, v36  }
0x501: {  	v63 =	vmul.f32 v39, v38;
	(xrf2) =	vadd.scan.msk.f32 $0xffff, v30;
	v30 =	vmul.f32 v62, v24  }
0x502: {  	v29 =	vmul.f32 v29, v40;
	(xrf2) =	vadd.scan.msk.f32 $0xffff, v31;
	v28 =	vmul.f32 v28, v24  }
0x503: {  	v26 =	vmul.f32 v27, v26;
	(xrf2) =	vadd.scan.msk.f32 $0xffff, v30;
	v30 =	vmul.f32 v63, v24  }
0x504: {  	v27 =	vmul.f32 v29, v24;
	(xrf2) =	vadd.scan.msk.f32 $0xffff, v28  }
0x505: {  	v26 =	vmul.f32 v26, v24;
	(xrf2) =	vadd.scan.msk.f32 $0xffff, v30  }
0x506: {  	(xrf2) =	vadd.scan.msk.f32 $0xffff, v27  }
0x507: {  	(xrf2) =	vadd.scan.msk.f32 $0xffff, v26;
	_ =	sdelay $0x2  }
0x508: {  	v33, _, _ =	vpop (xrf2)  }
0x509: {  	v32, _, _ =	vpop (xrf2)  }
0x50a: {  	p0 =	seq.s32 s19, $0x7C0;
	v31, _, _ =	vpop (xrf2)  }
.Ltmp4:
0x50b: {  	v30, _, _ =	vpop (xrf2);
	(pc) =	sbr.rel @p0 .LBB2_4-.Ltmp4, $4  }
0x50c: {  	v29, _, _ =	vpop (xrf2)  }
0x50d: {  	v28, _, _ =	vpop (xrf2)  }
0x50e: {  	v27, _, _ =	vpop (xrf2)  }
0x50f: {  	v26, _, _ =	vpop (xrf2)  }
0x510: {  	v34 =	vld [tilespmem:s20+$0x10];
	_ =	sdelay $0x4  }
0x511: {  	v34 =	vand.u32 $0xFFFFFF80, v34  }
0x512: {  	v35 =	vadd.s32 s1, v34  }
0x513: {  	(v2sf) =	vpush v35, $0x0;
	_ =	sdelay $0xe  }
0x514: {  	s24 =	spop (v2sf)  }
0x515: {  	v63 =	vld [tilespmem:s20+$0x290];
	[tilespmem:s15], [sflag:$0x1] =	stream.indirect_vreg.gather [hbm4b:s24+s5], $0x80, v0, vm1, $0xb8  }
0x516: {  	s25 =	simm.s32 $0x580  }
0x517: {  	[tilespmem:s25], [sflag:$0x1] =	stream.indirect_vreg.gather [hbm4b:s24+s5], $0x80, v1, vm1, $0xb8;
	[tilespmem:$0x10800] =	vst v63  }
0x518: {  	s28 =	simm.s32 $0x600  }
0x519: {  	[tilespmem:s28], [sflag:$0x1] =	stream.indirect_vreg.gather [hbm4b:s24+s5], $0x80, v2, vm1, $0xb8;
	[tilespmem:$0x10800] =	vst v63  }
0x51a: {  	s28 =	simm.s32 $0x680  }
0x51b: {  	[tilespmem:s28], [sflag:$0x1] =	stream.indirect_vreg.gather [hbm4b:s24+s5], $0x80, v3, vm1, $0xb8;
	[tilespmem:$0x10800] =	vst v63  }
0x51c: {  	s28 =	simm.s32 $0x700  }
0x51d: {  	[tilespmem:s28], [sflag:$0x1] =	stream.indirect_vreg.gather [hbm4b:s24+s5], $0x80, v4, vm1, $0xb8;
	[tilespmem:$0x10800] =	vst v63  }
0x51e: {  	s28 =	simm.s32 $0x780  }
0x51f: {  	[tilespmem:s28], [sflag:$0x1] =	stream.indirect_vreg.gather [hbm4b:s24+s5], $0x80, v5, vm1, $0xb8;
	[tilespmem:$0x10800] =	vst v63  }
0x520: {  	s28 =	simm.s32 $0x800  }
0x521: {  	[tilespmem:s28], [sflag:$0x1] =	stream.indirect_vreg.gather [hbm4b:s24+s5], $0x80, v6, vm1, $0xb8;
	[tilespmem:$0x10800] =	vst v63  }
0x522: {  	s28 =	simm.s32 $0x880  }
0x523: {  	v34 =	vand.u32 $0xFFFFFF80, v63;
	[tilespmem:s28], [sflag:$0x1] =	stream.indirect_vreg.gather [hbm4b:s24+s5], $0x80, v7, vm1, $0xb8;
	[tilespmem:$0x10800] =	vst v63  }
0x524: {  	v34 =	vadd.s32 s2, v34;
	s28 =	simm.s32 $0x900  }
0x525: {  	(v2sf) =	vpush v34, $0x0;
	[tilespmem:s28], [sflag:$0x1] =	stream.indirect_vreg.gather [hbm4b:s24+s5], $0x80, v8, vm1, $0xb8;
	[tilespmem:$0x10800] =	vst v63  }
0x526: {  	s28 =	simm.s32 $0x980  }
0x527: {  	[tilespmem:s28], [sflag:$0x1] =	stream.indirect_vreg.gather [hbm4b:s24+s5], $0x80, v9, vm1, $0xb8;
	[tilespmem:$0x10800] =	vst v63  }
0x528: {  	s28 =	simm.s32 $0xA00  }
0x529: {  	[tilespmem:s28], [sflag:$0x1] =	stream.indirect_vreg.gather [hbm4b:s24+s5], $0x80, v10, vm1, $0xb8;
	[tilespmem:$0x10800] =	vst v63  }
0x52a: {  	s28 =	simm.s32 $0xA80  }
0x52b: {  	[tilespmem:s28], [sflag:$0x1] =	stream.indirect_vreg.gather [hbm4b:s24+s5], $0x80, v11, vm1, $0xb8;
	[tilespmem:$0x10800] =	vst v63  }
0x52c: {  	s28 =	simm.s32 $0xB00  }
0x52d: {  	[tilespmem:s28], [sflag:$0x1] =	stream.indirect_vreg.gather [hbm4b:s24+s5], $0x80, v13, vm1, $0xb8;
	[tilespmem:$0x10800] =	vst v63  }
0x52e: {  	s28 =	simm.s32 $0xB80  }
0x52f: {  	[tilespmem:s28], [sflag:$0x1] =	stream.indirect_vreg.gather [hbm4b:s24+s5], $0x80, v14, vm1, $0xb8;
	[tilespmem:$0x10800] =	vst v63  }
0x530: {  	s28 =	simm.s32 $0xC00  }
0x531: {  	[tilespmem:s28], [sflag:$0x1] =	stream.indirect_vreg.gather [hbm4b:s24+s5], $0x80, v15, vm1, $0xb8;
	[tilespmem:$0x10800] =	vst v63  }
0x532: {  	s28 =	simm.s32 $0xC80  }
0x533: {  	[tilespmem:s28], [sflag:$0x1] =	stream.indirect_vreg.gather [hbm4b:s24+s5], $0x80, v16, vm1, $0xb8;
	[tilespmem:$0x10800] =	vst v63  }
0x534: {  	s24 =	spop (v2sf)  }
0x535: {  	[tilespmem:s0], [sflag:$0x1] =	stream.indirect_vreg.gather [hbm4b:s24+s5], $0x80, v0, vm1, $0xb8;
	[tilespmem:$0x10800] =	vst v63  }
0x536: {  	s28 =	simm.s32 $0x4580  }
0x537: {  	[tilespmem:s28], [sflag:$0x1] =	stream.indirect_vreg.gather [hbm4b:s24+s5], $0x80, v1, vm1, $0xb8;
	[tilespmem:$0x10800] =	vst v63  }
0x538: {  	s28 =	simm.s32 $0x4600  }
0x539: {  	[tilespmem:s28], [sflag:$0x1] =	stream.indirect_vreg.gather [hbm4b:s24+s5], $0x80, v2, vm1, $0xb8;
	[tilespmem:$0x10800] =	vst v63  }
0x53a: {  	s28 =	simm.s32 $0x4680  }
0x53b: {  	[tilespmem:s28], [sflag:$0x1] =	stream.indirect_vreg.gather [hbm4b:s24+s5], $0x80, v3, vm1, $0xb8;
	[tilespmem:$0x10800] =	vst v63  }
0x53c: {  	s28 =	simm.s32 $0x4700  }
0x53d: {  	[tilespmem:s28], [sflag:$0x1] =	stream.indirect_vreg.gather [hbm4b:s24+s5], $0x80, v4, vm1, $0xb8;
	[tilespmem:$0x10800] =	vst v63  }
0x53e: {  	s28 =	simm.s32 $0x4780  }
0x53f: {  	[tilespmem:s28], [sflag:$0x1] =	stream.indirect_vreg.gather [hbm4b:s24+s5], $0x80, v5, vm1, $0xb8;
	[tilespmem:$0x10800] =	vst v63  }
0x540: {  	s28 =	simm.s32 $0x4800  }
0x541: {  	[tilespmem:s28], [sflag:$0x1] =	stream.indirect_vreg.gather [hbm4b:s24+s5], $0x80, v6, vm1, $0xb8;
	[tilespmem:$0x10800] =	vst v63  }
0x542: {  	s28 =	simm.s32 $0x4880  }
0x543: {  	[tilespmem:s28], [sflag:$0x1] =	stream.indirect_vreg.gather [hbm4b:s24+s5], $0x80, v7, vm1, $0xb8;
	[tilespmem:$0x10800] =	vst v63  }
0x544: {  	s28 =	simm.s32 $0x4900  }
0x545: {  	(v2sf) =	vpush v35, $0x1;
	[tilespmem:s28], [sflag:$0x1] =	stream.indirect_vreg.gather [hbm4b:s24+s5], $0x80, v8, vm1, $0xb8;
	[tilespmem:$0x10800] =	vst v63  }
0x546: {  	s28 =	simm.s32 $0x4980  }
0x547: {  	[tilespmem:s28], [sflag:$0x1] =	stream.indirect_vreg.gather [hbm4b:s24+s5], $0x80, v9, vm1, $0xb8;
	[tilespmem:$0x10800] =	vst v63  }
0x548: {  	s28 =	simm.s32 $0x4A00  }
0x549: {  	[tilespmem:s28], [sflag:$0x1] =	stream.indirect_vreg.gather [hbm4b:s24+s5], $0x80, v10, vm1, $0xb8;
	[tilespmem:$0x10800] =	vst v63  }
0x54a: {  	s28 =	simm.s32 $0x4A80  }
0x54b: {  	[tilespmem:s28], [sflag:$0x1] =	stream.indirect_vreg.gather [hbm4b:s24+s5], $0x80, v11, vm1, $0xb8;
	[tilespmem:$0x10800] =	vst v63  }
0x54c: {  	s28 =	simm.s32 $0x4B00  }
0x54d: {  	[tilespmem:s28], [sflag:$0x1] =	stream.indirect_vreg.gather [hbm4b:s24+s5], $0x80, v13, vm1, $0xb8;
	[tilespmem:$0x10800] =	vst v63  }
0x54e: {  	s28 =	simm.s32 $0x4B80  }
0x54f: {  	[tilespmem:s28], [sflag:$0x1] =	stream.indirect_vreg.gather [hbm4b:s24+s5], $0x80, v14, vm1, $0xb8;
	[tilespmem:$0x10800] =	vst v63  }
0x550: {  	s28 =	simm.s32 $0x4C00  }
0x551: {  	[tilespmem:s28], [sflag:$0x1] =	stream.indirect_vreg.gather [hbm4b:s24+s5], $0x80, v15, vm1, $0xb8;
	[tilespmem:$0x10800] =	vst v63  }
0x552: {  	s28 =	simm.s32 $0x4C80  }
0x553: {  	[tilespmem:s28], [sflag:$0x1] =	stream.indirect_vreg.gather [hbm4b:s24+s5], $0x80, v16, vm1, $0xb8;
	[tilespmem:$0x10800] =	vst v63  }
0x554: {  	s24 =	spop (v2sf);
	s28 =	simm.s32 $0xD00  }
0x555: {  	[tilespmem:s28], [sflag:$0x1] =	stream.indirect_vreg.gather [hbm4b:s24+s5], $0x80, v0, vm1, $0xb8;
	[tilespmem:$0x10800] =	vst v63  }
0x556: {  	s28 =	simm.s32 $0xD80  }
0x557: {  	[tilespmem:s28], [sflag:$0x1] =	stream.indirect_vreg.gather [hbm4b:s24+s5], $0x80, v1, vm1, $0xb8;
	[tilespmem:$0x10800] =	vst v63  }
0x558: {  	s28 =	simm.s32 $0xE00  }
0x559: {  	[tilespmem:s28], [sflag:$0x1] =	stream.indirect_vreg.gather [hbm4b:s24+s5], $0x80, v2, vm1, $0xb8;
	[tilespmem:$0x10800] =	vst v63  }
0x55a: {  	s28 =	simm.s32 $0xE80  }
0x55b: {  	[tilespmem:s28], [sflag:$0x1] =	stream.indirect_vreg.gather [hbm4b:s24+s5], $0x80, v3, vm1, $0xb8;
	[tilespmem:$0x10800] =	vst v63  }
0x55c: {  	s28 =	simm.s32 $0xF00  }
0x55d: {  	[tilespmem:s28], [sflag:$0x1] =	stream.indirect_vreg.gather [hbm4b:s24+s5], $0x80, v4, vm1, $0xb8;
	[tilespmem:$0x10800] =	vst v63  }
0x55e: {  	s28 =	simm.s32 $0xF80  }
0x55f: {  	[tilespmem:s28], [sflag:$0x1] =	stream.indirect_vreg.gather [hbm4b:s24+s5], $0x80, v5, vm1, $0xb8;
	[tilespmem:$0x10800] =	vst v63  }
0x560: {  	s28 =	simm.s32 $0x1000  }
0x561: {  	[tilespmem:s28], [sflag:$0x1] =	stream.indirect_vreg.gather [hbm4b:s24+s5], $0x80, v6, vm1, $0xb8;
	[tilespmem:$0x10800] =	vst v63  }
0x562: {  	s28 =	simm.s32 $0x1080  }
0x563: {  	[tilespmem:s28], [sflag:$0x1] =	stream.indirect_vreg.gather [hbm4b:s24+s5], $0x80, v7, vm1, $0xb8;
	[tilespmem:$0x10800] =	vst v63  }
0x564: {  	s28 =	simm.s32 $0x1100  }
0x565: {  	(v2sf) =	vpush v34, $0x1;
	[tilespmem:s28], [sflag:$0x1] =	stream.indirect_vreg.gather [hbm4b:s24+s5], $0x80, v8, vm1, $0xb8;
	[tilespmem:$0x10800] =	vst v63  }
0x566: {  	s28 =	simm.s32 $0x1180  }
0x567: {  	[tilespmem:s28], [sflag:$0x1] =	stream.indirect_vreg.gather [hbm4b:s24+s5], $0x80, v9, vm1, $0xb8;
	[tilespmem:$0x10800] =	vst v63  }
0x568: {  	s28 =	simm.s32 $0x1200  }
0x569: {  	[tilespmem:s28], [sflag:$0x1] =	stream.indirect_vreg.gather [hbm4b:s24+s5], $0x80, v10, vm1, $0xb8;
	[tilespmem:$0x10800] =	vst v63  }
0x56a: {  	s28 =	simm.s32 $0x1280  }
0x56b: {  	[tilespmem:s28], [sflag:$0x1] =	stream.indirect_vreg.gather [hbm4b:s24+s5], $0x80, v11, vm1, $0xb8;
	[tilespmem:$0x10800] =	vst v63  }
0x56c: {  	s28 =	simm.s32 $0x1300  }
0x56d: {  	[tilespmem:s28], [sflag:$0x1] =	stream.indirect_vreg.gather [hbm4b:s24+s5], $0x80, v13, vm1, $0xb8;
	[tilespmem:$0x10800] =	vst v63  }
0x56e: {  	s28 =	simm.s32 $0x1380  }
0x56f: {  	[tilespmem:s28], [sflag:$0x1] =	stream.indirect_vreg.gather [hbm4b:s24+s5], $0x80, v14, vm1, $0xb8;
	[tilespmem:$0x10800] =	vst v63  }
0x570: {  	s28 =	simm.s32 $0x1400  }
0x571: {  	[tilespmem:s28], [sflag:$0x1] =	stream.indirect_vreg.gather [hbm4b:s24+s5], $0x80, v15, vm1, $0xb8;
	[tilespmem:$0x10800] =	vst v63  }
0x572: {  	s28 =	simm.s32 $0x1480  }
0x573: {  	[tilespmem:s28], [sflag:$0x1] =	stream.indirect_vreg.gather [hbm4b:s24+s5], $0x80, v16, vm1, $0xb8;
	[tilespmem:$0x10800] =	vst v63  }
0x574: {  	s24 =	spop (v2sf);
	s28 =	simm.s32 $0x4D00  }
0x575: {  	[tilespmem:s28], [sflag:$0x1] =	stream.indirect_vreg.gather [hbm4b:s24+s5], $0x80, v0, vm1, $0xb8;
	[tilespmem:$0x10800] =	vst v63  }
0x576: {  	s28 =	simm.s32 $0x4D80  }
0x577: {  	[tilespmem:s28], [sflag:$0x1] =	stream.indirect_vreg.gather [hbm4b:s24+s5], $0x80, v1, vm1, $0xb8;
	[tilespmem:$0x10800] =	vst v63  }
0x578: {  	s28 =	simm.s32 $0x4E00  }
0x579: {  	[tilespmem:s28], [sflag:$0x1] =	stream.indirect_vreg.gather [hbm4b:s24+s5], $0x80, v2, vm1, $0xb8;
	[tilespmem:$0x10800] =	vst v63  }
0x57a: {  	s28 =	simm.s32 $0x4E80  }
0x57b: {  	[tilespmem:s28], [sflag:$0x1] =	stream.indirect_vreg.gather [hbm4b:s24+s5], $0x80, v3, vm1, $0xb8;
	[tilespmem:$0x10800] =	vst v63  }
0x57c: {  	s28 =	simm.s32 $0x4F00  }
0x57d: {  	[tilespmem:s28], [sflag:$0x1] =	stream.indirect_vreg.gather [hbm4b:s24+s5], $0x80, v4, vm1, $0xb8;
	[tilespmem:$0x10800] =	vst v63  }
0x57e: {  	s28 =	simm.s32 $0x4F80  }
0x57f: {  	[tilespmem:s28], [sflag:$0x1] =	stream.indirect_vreg.gather [hbm4b:s24+s5], $0x80, v5, vm1, $0xb8;
	[tilespmem:$0x10800] =	vst v63  }
0x580: {  	s28 =	simm.s32 $0x5000  }
0x581: {  	[tilespmem:s28], [sflag:$0x1] =	stream.indirect_vreg.gather [hbm4b:s24+s5], $0x80, v6, vm1, $0xb8;
	[tilespmem:$0x10800] =	vst v63  }
0x582: {  	s28 =	simm.s32 $0x5080  }
0x583: {  	[tilespmem:s28], [sflag:$0x1] =	stream.indirect_vreg.gather [hbm4b:s24+s5], $0x80, v7, vm1, $0xb8;
	[tilespmem:$0x10800] =	vst v63  }
0x584: {  	s28 =	simm.s32 $0x5100  }
0x585: {  	(v2sf) =	vpush v35, $0x2;
	[tilespmem:s28], [sflag:$0x1] =	stream.indirect_vreg.gather [hbm4b:s24+s5], $0x80, v8, vm1, $0xb8;
	[tilespmem:$0x10800] =	vst v63  }
0x586: {  	s28 =	simm.s32 $0x5180  }
0x587: {  	[tilespmem:s28], [sflag:$0x1] =	stream.indirect_vreg.gather [hbm4b:s24+s5], $0x80, v9, vm1, $0xb8;
	[tilespmem:$0x10800] =	vst v63  }
0x588: {  	s28 =	simm.s32 $0x5200  }
0x589: {  	[tilespmem:s28], [sflag:$0x1] =	stream.indirect_vreg.gather [hbm4b:s24+s5], $0x80, v10, vm1, $0xb8;
	[tilespmem:$0x10800] =	vst v63  }
0x58a: {  	s28 =	simm.s32 $0x5280  }
0x58b: {  	[tilespmem:s28], [sflag:$0x1] =	stream.indirect_vreg.gather [hbm4b:s24+s5], $0x80, v11, vm1, $0xb8;
	[tilespmem:$0x10800] =	vst v63  }
0x58c: {  	s28 =	simm.s32 $0x5300  }
0x58d: {  	[tilespmem:s28], [sflag:$0x1] =	stream.indirect_vreg.gather [hbm4b:s24+s5], $0x80, v13, vm1, $0xb8;
	[tilespmem:$0x10800] =	vst v63  }
0x58e: {  	s28 =	simm.s32 $0x5380  }
0x58f: {  	[tilespmem:s28], [sflag:$0x1] =	stream.indirect_vreg.gather [hbm4b:s24+s5], $0x80, v14, vm1, $0xb8;
	[tilespmem:$0x10800] =	vst v63  }
0x590: {  	s28 =	simm.s32 $0x5400  }
0x591: {  	[tilespmem:s28], [sflag:$0x1] =	stream.indirect_vreg.gather [hbm4b:s24+s5], $0x80, v15, vm1, $0xb8;
	[tilespmem:$0x10800] =	vst v63  }
0x592: {  	s28 =	simm.s32 $0x5480  }
0x593: {  	[tilespmem:s28], [sflag:$0x1] =	stream.indirect_vreg.gather [hbm4b:s24+s5], $0x80, v16, vm1, $0xb8;
	[tilespmem:$0x10800] =	vst v63  }
0x594: {  	s24 =	spop (v2sf);
	s28 =	simm.s32 $0x1500  }
0x595: {  	[tilespmem:s28], [sflag:$0x1] =	stream.indirect_vreg.gather [hbm4b:s24+s5], $0x80, v0, vm1, $0xb8;
	[tilespmem:$0x10800] =	vst v63  }
0x596: {  	s28 =	simm.s32 $0x1580  }
0x597: {  	[tilespmem:s28], [sflag:$0x1] =	stream.indirect_vreg.gather [hbm4b:s24+s5], $0x80, v1, vm1, $0xb8;
	[tilespmem:$0x10800] =	vst v63  }
0x598: {  	s28 =	simm.s32 $0x1600  }
0x599: {  	[tilespmem:s28], [sflag:$0x1] =	stream.indirect_vreg.gather [hbm4b:s24+s5], $0x80, v2, vm1, $0xb8;
	[tilespmem:$0x10800] =	vst v63  }
0x59a: {  	s28 =	simm.s32 $0x1680  }
0x59b: {  	[tilespmem:s28], [sflag:$0x1] =	stream.indirect_vreg.gather [hbm4b:s24+s5], $0x80, v3, vm1, $0xb8;
	[tilespmem:$0x10800] =	vst v63  }
0x59c: {  	s28 =	simm.s32 $0x1700  }
0x59d: {  	[tilespmem:s28], [sflag:$0x1] =	stream.indirect_vreg.gather [hbm4b:s24+s5], $0x80, v4, vm1, $0xb8;
	[tilespmem:$0x10800] =	vst v63  }
0x59e: {  	s28 =	simm.s32 $0x1780  }
0x59f: {  	[tilespmem:s28], [sflag:$0x1] =	stream.indirect_vreg.gather [hbm4b:s24+s5], $0x80, v5, vm1, $0xb8;
	[tilespmem:$0x10800] =	vst v63  }
0x5a0: {  	s28 =	simm.s32 $0x1800  }
0x5a1: {  	[tilespmem:s28], [sflag:$0x1] =	stream.indirect_vreg.gather [hbm4b:s24+s5], $0x80, v6, vm1, $0xb8;
	[tilespmem:$0x10800] =	vst v63  }
0x5a2: {  	s28 =	simm.s32 $0x1880  }
0x5a3: {  	[tilespmem:s28], [sflag:$0x1] =	stream.indirect_vreg.gather [hbm4b:s24+s5], $0x80, v7, vm1, $0xb8;
	[tilespmem:$0x10800] =	vst v63  }
0x5a4: {  	s28 =	simm.s32 $0x1900  }
0x5a5: {  	(v2sf) =	vpush v34, $0x2;
	[tilespmem:s28], [sflag:$0x1] =	stream.indirect_vreg.gather [hbm4b:s24+s5], $0x80, v8, vm1, $0xb8;
	[tilespmem:$0x10800] =	vst v63  }
0x5a6: {  	s28 =	simm.s32 $0x1980  }
0x5a7: {  	[tilespmem:s28], [sflag:$0x1] =	stream.indirect_vreg.gather [hbm4b:s24+s5], $0x80, v9, vm1, $0xb8;
	[tilespmem:$0x10800] =	vst v63  }
0x5a8: {  	s28 =	simm.s32 $0x1A00  }
0x5a9: {  	[tilespmem:s28], [sflag:$0x1] =	stream.indirect_vreg.gather [hbm4b:s24+s5], $0x80, v10, vm1, $0xb8;
	[tilespmem:$0x10800] =	vst v63  }
0x5aa: {  	s28 =	simm.s32 $0x1A80  }
0x5ab: {  	[tilespmem:s28], [sflag:$0x1] =	stream.indirect_vreg.gather [hbm4b:s24+s5], $0x80, v11, vm1, $0xb8;
	[tilespmem:$0x10800] =	vst v63  }
0x5ac: {  	s28 =	simm.s32 $0x1B00  }
0x5ad: {  	[tilespmem:s28], [sflag:$0x1] =	stream.indirect_vreg.gather [hbm4b:s24+s5], $0x80, v13, vm1, $0xb8;
	[tilespmem:$0x10800] =	vst v63  }
0x5ae: {  	s28 =	simm.s32 $0x1B80  }
0x5af: {  	[tilespmem:s28], [sflag:$0x1] =	stream.indirect_vreg.gather [hbm4b:s24+s5], $0x80, v14, vm1, $0xb8;
	[tilespmem:$0x10800] =	vst v63  }
0x5b0: {  	s28 =	simm.s32 $0x1C00  }
0x5b1: {  	[tilespmem:s28], [sflag:$0x1] =	stream.indirect_vreg.gather [hbm4b:s24+s5], $0x80, v15, vm1, $0xb8;
	[tilespmem:$0x10800] =	vst v63  }
0x5b2: {  	s28 =	simm.s32 $0x1C80  }
0x5b3: {  	[tilespmem:s28], [sflag:$0x1] =	stream.indirect_vreg.gather [hbm4b:s24+s5], $0x80, v16, vm1, $0xb8;
	[tilespmem:$0x10800] =	vst v63  }
0x5b4: {  	s24 =	spop (v2sf);
	s28 =	simm.s32 $0x5500  }
0x5b5: {  	[tilespmem:s28], [sflag:$0x1] =	stream.indirect_vreg.gather [hbm4b:s24+s5], $0x80, v0, vm1, $0xb8;
	[tilespmem:$0x10800] =	vst v63  }
0x5b6: {  	s28 =	simm.s32 $0x5580  }
0x5b7: {  	[tilespmem:s28], [sflag:$0x1] =	stream.indirect_vreg.gather [hbm4b:s24+s5], $0x80, v1, vm1, $0xb8;
	[tilespmem:$0x10800] =	vst v63  }
0x5b8: {  	s28 =	simm.s32 $0x5600  }
0x5b9: {  	[tilespmem:s28], [sflag:$0x1] =	stream.indirect_vreg.gather [hbm4b:s24+s5], $0x80, v2, vm1, $0xb8;
	[tilespmem:$0x10800] =	vst v63  }
0x5ba: {  	s28 =	simm.s32 $0x5680  }
0x5bb: {  	[tilespmem:s28], [sflag:$0x1] =	stream.indirect_vreg.gather [hbm4b:s24+s5], $0x80, v3, vm1, $0xb8;
	[tilespmem:$0x10800] =	vst v63  }
0x5bc: {  	s28 =	simm.s32 $0x5700  }
0x5bd: {  	[tilespmem:s28], [sflag:$0x1] =	stream.indirect_vreg.gather [hbm4b:s24+s5], $0x80, v4, vm1, $0xb8;
	[tilespmem:$0x10800] =	vst v63  }
0x5be: {  	s28 =	simm.s32 $0x5780  }
0x5bf: {  	[tilespmem:s28], [sflag:$0x1] =	stream.indirect_vreg.gather [hbm4b:s24+s5], $0x80, v5, vm1, $0xb8;
	[tilespmem:$0x10800] =	vst v63  }
0x5c0: {  	s28 =	simm.s32 $0x5800  }
0x5c1: {  	[tilespmem:s28], [sflag:$0x1] =	stream.indirect_vreg.gather [hbm4b:s24+s5], $0x80, v6, vm1, $0xb8;
	[tilespmem:$0x10800] =	vst v63  }
0x5c2: {  	s28 =	simm.s32 $0x5880  }
0x5c3: {  	[tilespmem:s28], [sflag:$0x1] =	stream.indirect_vreg.gather [hbm4b:s24+s5], $0x80, v7, vm1, $0xb8;
	[tilespmem:$0x10800] =	vst v63  }
0x5c4: {  	s28 =	simm.s32 $0x5900  }
0x5c5: {  	(v2sf) =	vpush v35, $0x3;
	[tilespmem:s28], [sflag:$0x1] =	stream.indirect_vreg.gather [hbm4b:s24+s5], $0x80, v8, vm1, $0xb8;
	[tilespmem:$0x10800] =	vst v63  }
0x5c6: {  	s28 =	simm.s32 $0x5980  }
0x5c7: {  	[tilespmem:s28], [sflag:$0x1] =	stream.indirect_vreg.gather [hbm4b:s24+s5], $0x80, v9, vm1, $0xb8;
	[tilespmem:$0x10800] =	vst v63  }
0x5c8: {  	s28 =	simm.s32 $0x5A00  }
0x5c9: {  	[tilespmem:s28], [sflag:$0x1] =	stream.indirect_vreg.gather [hbm4b:s24+s5], $0x80, v10, vm1, $0xb8;
	[tilespmem:$0x10800] =	vst v63  }
0x5ca: {  	s28 =	simm.s32 $0x5A80  }
0x5cb: {  	[tilespmem:s28], [sflag:$0x1] =	stream.indirect_vreg.gather [hbm4b:s24+s5], $0x80, v11, vm1, $0xb8;
	[tilespmem:$0x10800] =	vst v63  }
0x5cc: {  	s28 =	simm.s32 $0x5B00  }
0x5cd: {  	[tilespmem:s28], [sflag:$0x1] =	stream.indirect_vreg.gather [hbm4b:s24+s5], $0x80, v13, vm1, $0xb8;
	[tilespmem:$0x10800] =	vst v63  }
0x5ce: {  	s28 =	simm.s32 $0x5B80  }
0x5cf: {  	[tilespmem:s28], [sflag:$0x1] =	stream.indirect_vreg.gather [hbm4b:s24+s5], $0x80, v14, vm1, $0xb8;
	[tilespmem:$0x10800] =	vst v63  }
0x5d0: {  	s28 =	simm.s32 $0x5C00  }
0x5d1: {  	[tilespmem:s28], [sflag:$0x1] =	stream.indirect_vreg.gather [hbm4b:s24+s5], $0x80, v15, vm1, $0xb8;
	[tilespmem:$0x10800] =	vst v63  }
0x5d2: {  	s28 =	simm.s32 $0x5C80  }
0x5d3: {  	[tilespmem:s28], [sflag:$0x1] =	stream.indirect_vreg.gather [hbm4b:s24+s5], $0x80, v16, vm1, $0xb8;
	[tilespmem:$0x10800] =	vst v63  }
0x5d4: {  	s24 =	spop (v2sf);
	s28 =	simm.s32 $0x1D00  }
0x5d5: {  	[tilespmem:s28], [sflag:$0x1] =	stream.indirect_vreg.gather [hbm4b:s24+s5], $0x80, v0, vm1, $0xb8;
	[tilespmem:$0x10800] =	vst v63  }
0x5d6: {  	s28 =	simm.s32 $0x1D80  }
0x5d7: {  	[tilespmem:s28], [sflag:$0x1] =	stream.indirect_vreg.gather [hbm4b:s24+s5], $0x80, v1, vm1, $0xb8;
	[tilespmem:$0x10800] =	vst v63  }
0x5d8: {  	s28 =	simm.s32 $0x1E00  }
0x5d9: {  	[tilespmem:s28], [sflag:$0x1] =	stream.indirect_vreg.gather [hbm4b:s24+s5], $0x80, v2, vm1, $0xb8;
	[tilespmem:$0x10800] =	vst v63  }
0x5da: {  	s28 =	simm.s32 $0x1E80  }
0x5db: {  	[tilespmem:s28], [sflag:$0x1] =	stream.indirect_vreg.gather [hbm4b:s24+s5], $0x80, v3, vm1, $0xb8;
	[tilespmem:$0x10800] =	vst v63  }
0x5dc: {  	s28 =	simm.s32 $0x1F00  }
0x5dd: {  	[tilespmem:s28], [sflag:$0x1] =	stream.indirect_vreg.gather [hbm4b:s24+s5], $0x80, v4, vm1, $0xb8;
	[tilespmem:$0x10800] =	vst v63  }
0x5de: {  	s28 =	simm.s32 $0x1F80  }
0x5df: {  	[tilespmem:s28], [sflag:$0x1] =	stream.indirect_vreg.gather [hbm4b:s24+s5], $0x80, v5, vm1, $0xb8;
	[tilespmem:$0x10800] =	vst v63  }
0x5e0: {  	s28 =	simm.s32 $0x2000  }
0x5e1: {  	[tilespmem:s28], [sflag:$0x1] =	stream.indirect_vreg.gather [hbm4b:s24+s5], $0x80, v6, vm1, $0xb8;
	[tilespmem:$0x10800] =	vst v63  }
0x5e2: {  	s28 =	simm.s32 $0x2080  }
0x5e3: {  	[tilespmem:s28], [sflag:$0x1] =	stream.indirect_vreg.gather [hbm4b:s24+s5], $0x80, v7, vm1, $0xb8;
	[tilespmem:$0x10800] =	vst v63  }
0x5e4: {  	s28 =	simm.s32 $0x2100  }
0x5e5: {  	(v2sf) =	vpush v34, $0x3;
	[tilespmem:s28], [sflag:$0x1] =	stream.indirect_vreg.gather [hbm4b:s24+s5], $0x80, v8, vm1, $0xb8;
	[tilespmem:$0x10800] =	vst v63  }
0x5e6: {  	s28 =	simm.s32 $0x2180  }
0x5e7: {  	[tilespmem:s28], [sflag:$0x1] =	stream.indirect_vreg.gather [hbm4b:s24+s5], $0x80, v9, vm1, $0xb8;
	[tilespmem:$0x10800] =	vst v63  }
0x5e8: {  	s28 =	simm.s32 $0x2200  }
0x5e9: {  	[tilespmem:s28], [sflag:$0x1] =	stream.indirect_vreg.gather [hbm4b:s24+s5], $0x80, v10, vm1, $0xb8;
	[tilespmem:$0x10800] =	vst v63  }
0x5ea: {  	s28 =	simm.s32 $0x2280  }
0x5eb: {  	[tilespmem:s28], [sflag:$0x1] =	stream.indirect_vreg.gather [hbm4b:s24+s5], $0x80, v11, vm1, $0xb8;
	[tilespmem:$0x10800] =	vst v63  }
0x5ec: {  	s28 =	simm.s32 $0x2300  }
0x5ed: {  	[tilespmem:s28], [sflag:$0x1] =	stream.indirect_vreg.gather [hbm4b:s24+s5], $0x80, v13, vm1, $0xb8;
	[tilespmem:$0x10800] =	vst v63  }
0x5ee: {  	s28 =	simm.s32 $0x2380  }
0x5ef: {  	[tilespmem:s28], [sflag:$0x1] =	stream.indirect_vreg.gather [hbm4b:s24+s5], $0x80, v14, vm1, $0xb8;
	[tilespmem:$0x10800] =	vst v63  }
0x5f0: {  	s28 =	simm.s32 $0x2400  }
0x5f1: {  	[tilespmem:s28], [sflag:$0x1] =	stream.indirect_vreg.gather [hbm4b:s24+s5], $0x80, v15, vm1, $0xb8;
	[tilespmem:$0x10800] =	vst v63  }
0x5f2: {  	s28 =	simm.s32 $0x2480  }
0x5f3: {  	[tilespmem:s28], [sflag:$0x1] =	stream.indirect_vreg.gather [hbm4b:s24+s5], $0x80, v16, vm1, $0xb8;
	[tilespmem:$0x10800] =	vst v63  }
0x5f4: {  	s24 =	spop (v2sf);
	s28 =	simm.s32 $0x5D00  }
0x5f5: {  	[tilespmem:s28], [sflag:$0x1] =	stream.indirect_vreg.gather [hbm4b:s24+s5], $0x80, v0, vm1, $0xb8;
	[tilespmem:$0x10800] =	vst v63  }
0x5f6: {  	s28 =	simm.s32 $0x5D80  }
0x5f7: {  	[tilespmem:s28], [sflag:$0x1] =	stream.indirect_vreg.gather [hbm4b:s24+s5], $0x80, v1, vm1, $0xb8;
	[tilespmem:$0x10800] =	vst v63  }
0x5f8: {  	s28 =	simm.s32 $0x5E00  }
0x5f9: {  	[tilespmem:s28], [sflag:$0x1] =	stream.indirect_vreg.gather [hbm4b:s24+s5], $0x80, v2, vm1, $0xb8;
	[tilespmem:$0x10800] =	vst v63  }
0x5fa: {  	s28 =	simm.s32 $0x5E80  }
0x5fb: {  	[tilespmem:s28], [sflag:$0x1] =	stream.indirect_vreg.gather [hbm4b:s24+s5], $0x80, v3, vm1, $0xb8;
	[tilespmem:$0x10800] =	vst v63  }
0x5fc: {  	s28 =	simm.s32 $0x5F00  }
0x5fd: {  	[tilespmem:s28], [sflag:$0x1] =	stream.indirect_vreg.gather [hbm4b:s24+s5], $0x80, v4, vm1, $0xb8;
	[tilespmem:$0x10800] =	vst v63  }
0x5fe: {  	s28 =	simm.s32 $0x5F80  }
0x5ff: {  	[tilespmem:s28], [sflag:$0x1] =	stream.indirect_vreg.gather [hbm4b:s24+s5], $0x80, v5, vm1, $0xb8;
	[tilespmem:$0x10800] =	vst v63  }
0x600: {  	s28 =	simm.s32 $0x6000  }
0x601: {  	[tilespmem:s28], [sflag:$0x1] =	stream.indirect_vreg.gather [hbm4b:s24+s5], $0x80, v6, vm1, $0xb8;
	[tilespmem:$0x10800] =	vst v63  }
0x602: {  	s28 =	simm.s32 $0x6080  }
0x603: {  	[tilespmem:s28], [sflag:$0x1] =	stream.indirect_vreg.gather [hbm4b:s24+s5], $0x80, v7, vm1, $0xb8;
	[tilespmem:$0x10800] =	vst v63  }
0x604: {  	s28 =	simm.s32 $0x6100  }
0x605: {  	(v2sf) =	vpush v35, $0x4;
	[tilespmem:s28], [sflag:$0x1] =	stream.indirect_vreg.gather [hbm4b:s24+s5], $0x80, v8, vm1, $0xb8;
	[tilespmem:$0x10800] =	vst v63  }
0x606: {  	s28 =	simm.s32 $0x6180  }
0x607: {  	[tilespmem:s28], [sflag:$0x1] =	stream.indirect_vreg.gather [hbm4b:s24+s5], $0x80, v9, vm1, $0xb8;
	[tilespmem:$0x10800] =	vst v63  }
0x608: {  	s28 =	simm.s32 $0x6200  }
0x609: {  	[tilespmem:s28], [sflag:$0x1] =	stream.indirect_vreg.gather [hbm4b:s24+s5], $0x80, v10, vm1, $0xb8;
	[tilespmem:$0x10800] =	vst v63  }
0x60a: {  	s28 =	simm.s32 $0x6280  }
0x60b: {  	[tilespmem:s28], [sflag:$0x1] =	stream.indirect_vreg.gather [hbm4b:s24+s5], $0x80, v11, vm1, $0xb8;
	[tilespmem:$0x10800] =	vst v63  }
0x60c: {  	s28 =	simm.s32 $0x6300  }
0x60d: {  	[tilespmem:s28], [sflag:$0x1] =	stream.indirect_vreg.gather [hbm4b:s24+s5], $0x80, v13, vm1, $0xb8;
	[tilespmem:$0x10800] =	vst v63  }
0x60e: {  	s28 =	simm.s32 $0x6380  }
0x60f: {  	[tilespmem:s28], [sflag:$0x1] =	stream.indirect_vreg.gather [hbm4b:s24+s5], $0x80, v14, vm1, $0xb8;
	[tilespmem:$0x10800] =	vst v63  }
0x610: {  	s28 =	simm.s32 $0x6400  }
0x611: {  	[tilespmem:s28], [sflag:$0x1] =	stream.indirect_vreg.gather [hbm4b:s24+s5], $0x80, v15, vm1, $0xb8;
	[tilespmem:$0x10800] =	vst v63  }
0x612: {  	s28 =	simm.s32 $0x6480  }
0x613: {  	[tilespmem:s28], [sflag:$0x1] =	stream.indirect_vreg.gather [hbm4b:s24+s5], $0x80, v16, vm1, $0xb8;
	[tilespmem:$0x10800] =	vst v63  }
0x614: {  	s24 =	spop (v2sf);
	s28 =	simm.s32 $0x2500  }
0x615: {  	[tilespmem:s28], [sflag:$0x1] =	stream.indirect_vreg.gather [hbm4b:s24+s5], $0x80, v0, vm1, $0xb8;
	[tilespmem:$0x10800] =	vst v63  }
0x616: {  	s28 =	simm.s32 $0x2580  }
0x617: {  	[tilespmem:s28], [sflag:$0x1] =	stream.indirect_vreg.gather [hbm4b:s24+s5], $0x80, v1, vm1, $0xb8;
	[tilespmem:$0x10800] =	vst v63  }
0x618: {  	s28 =	simm.s32 $0x2600  }
0x619: {  	[tilespmem:s28], [sflag:$0x1] =	stream.indirect_vreg.gather [hbm4b:s24+s5], $0x80, v2, vm1, $0xb8;
	[tilespmem:$0x10800] =	vst v63  }
0x61a: {  	s28 =	simm.s32 $0x2680  }
0x61b: {  	[tilespmem:s28], [sflag:$0x1] =	stream.indirect_vreg.gather [hbm4b:s24+s5], $0x80, v3, vm1, $0xb8;
	[tilespmem:$0x10800] =	vst v63  }
0x61c: {  	s28 =	simm.s32 $0x2700  }
0x61d: {  	[tilespmem:s28], [sflag:$0x1] =	stream.indirect_vreg.gather [hbm4b:s24+s5], $0x80, v4, vm1, $0xb8;
	[tilespmem:$0x10800] =	vst v63  }
0x61e: {  	s28 =	simm.s32 $0x2780  }
0x61f: {  	[tilespmem:s28], [sflag:$0x1] =	stream.indirect_vreg.gather [hbm4b:s24+s5], $0x80, v5, vm1, $0xb8;
	[tilespmem:$0x10800] =	vst v63  }
0x620: {  	s28 =	simm.s32 $0x2800  }
0x621: {  	[tilespmem:s28], [sflag:$0x1] =	stream.indirect_vreg.gather [hbm4b:s24+s5], $0x80, v6, vm1, $0xb8;
	[tilespmem:$0x10800] =	vst v63  }
0x622: {  	s28 =	simm.s32 $0x2880  }
0x623: {  	[tilespmem:s28], [sflag:$0x1] =	stream.indirect_vreg.gather [hbm4b:s24+s5], $0x80, v7, vm1, $0xb8;
	[tilespmem:$0x10800] =	vst v63  }
0x624: {  	s28 =	simm.s32 $0x2900  }
0x625: {  	(v2sf) =	vpush v34, $0x4;
	[tilespmem:s28], [sflag:$0x1] =	stream.indirect_vreg.gather [hbm4b:s24+s5], $0x80, v8, vm1, $0xb8;
	[tilespmem:$0x10800] =	vst v63  }
0x626: {  	s28 =	simm.s32 $0x2980  }
0x627: {  	[tilespmem:s28], [sflag:$0x1] =	stream.indirect_vreg.gather [hbm4b:s24+s5], $0x80, v9, vm1, $0xb8;
	[tilespmem:$0x10800] =	vst v63  }
0x628: {  	s28 =	simm.s32 $0x2A00  }
0x629: {  	[tilespmem:s28], [sflag:$0x1] =	stream.indirect_vreg.gather [hbm4b:s24+s5], $0x80, v10, vm1, $0xb8;
	[tilespmem:$0x10800] =	vst v63  }
0x62a: {  	s28 =	simm.s32 $0x2A80  }
0x62b: {  	[tilespmem:s28], [sflag:$0x1] =	stream.indirect_vreg.gather [hbm4b:s24+s5], $0x80, v11, vm1, $0xb8;
	[tilespmem:$0x10800] =	vst v63  }
0x62c: {  	s28 =	simm.s32 $0x2B00  }
0x62d: {  	[tilespmem:s28], [sflag:$0x1] =	stream.indirect_vreg.gather [hbm4b:s24+s5], $0x80, v13, vm1, $0xb8;
	[tilespmem:$0x10800] =	vst v63  }
0x62e: {  	s28 =	simm.s32 $0x2B80  }
0x62f: {  	[tilespmem:s28], [sflag:$0x1] =	stream.indirect_vreg.gather [hbm4b:s24+s5], $0x80, v14, vm1, $0xb8;
	[tilespmem:$0x10800] =	vst v63  }
0x630: {  	s28 =	simm.s32 $0x2C00  }
0x631: {  	[tilespmem:s28], [sflag:$0x1] =	stream.indirect_vreg.gather [hbm4b:s24+s5], $0x80, v15, vm1, $0xb8;
	[tilespmem:$0x10800] =	vst v63  }
0x632: {  	s28 =	simm.s32 $0x2C80  }
0x633: {  	[tilespmem:s28], [sflag:$0x1] =	stream.indirect_vreg.gather [hbm4b:s24+s5], $0x80, v16, vm1, $0xb8;
	[tilespmem:$0x10800] =	vst v63  }
0x634: {  	s24 =	spop (v2sf);
	s28 =	simm.s32 $0x6500  }
0x635: {  	[tilespmem:s28], [sflag:$0x1] =	stream.indirect_vreg.gather [hbm4b:s24+s5], $0x80, v0, vm1, $0xb8;
	[tilespmem:$0x10800] =	vst v63  }
0x636: {  	s28 =	simm.s32 $0x6580  }
0x637: {  	[tilespmem:s28], [sflag:$0x1] =	stream.indirect_vreg.gather [hbm4b:s24+s5], $0x80, v1, vm1, $0xb8;
	[tilespmem:$0x10800] =	vst v63  }
0x638: {  	s28 =	simm.s32 $0x6600  }
0x639: {  	[tilespmem:s28], [sflag:$0x1] =	stream.indirect_vreg.gather [hbm4b:s24+s5], $0x80, v2, vm1, $0xb8;
	[tilespmem:$0x10800] =	vst v63  }
0x63a: {  	s28 =	simm.s32 $0x6680  }
0x63b: {  	[tilespmem:s28], [sflag:$0x1] =	stream.indirect_vreg.gather [hbm4b:s24+s5], $0x80, v3, vm1, $0xb8;
	[tilespmem:$0x10800] =	vst v63  }
0x63c: {  	s28 =	simm.s32 $0x6700  }
0x63d: {  	[tilespmem:s28], [sflag:$0x1] =	stream.indirect_vreg.gather [hbm4b:s24+s5], $0x80, v4, vm1, $0xb8;
	[tilespmem:$0x10800] =	vst v63  }
0x63e: {  	s28 =	simm.s32 $0x6780  }
0x63f: {  	[tilespmem:s28], [sflag:$0x1] =	stream.indirect_vreg.gather [hbm4b:s24+s5], $0x80, v5, vm1, $0xb8;
	[tilespmem:$0x10800] =	vst v63  }
0x640: {  	s28 =	simm.s32 $0x6800  }
0x641: {  	[tilespmem:s28], [sflag:$0x1] =	stream.indirect_vreg.gather [hbm4b:s24+s5], $0x80, v6, vm1, $0xb8;
	[tilespmem:$0x10800] =	vst v63  }
0x642: {  	s28 =	simm.s32 $0x6880  }
0x643: {  	[tilespmem:s28], [sflag:$0x1] =	stream.indirect_vreg.gather [hbm4b:s24+s5], $0x80, v7, vm1, $0xb8;
	[tilespmem:$0x10800] =	vst v63  }
0x644: {  	s28 =	simm.s32 $0x6900  }
0x645: {  	(v2sf) =	vpush v35, $0x5;
	[tilespmem:s28], [sflag:$0x1] =	stream.indirect_vreg.gather [hbm4b:s24+s5], $0x80, v8, vm1, $0xb8;
	[tilespmem:$0x10800] =	vst v63  }
0x646: {  	s28 =	simm.s32 $0x6980  }
0x647: {  	[tilespmem:s28], [sflag:$0x1] =	stream.indirect_vreg.gather [hbm4b:s24+s5], $0x80, v9, vm1, $0xb8;
	[tilespmem:$0x10800] =	vst v63  }
0x648: {  	s28 =	simm.s32 $0x6A00  }
0x649: {  	[tilespmem:s28], [sflag:$0x1] =	stream.indirect_vreg.gather [hbm4b:s24+s5], $0x80, v10, vm1, $0xb8;
	[tilespmem:$0x10800] =	vst v63  }
0x64a: {  	s28 =	simm.s32 $0x6A80  }
0x64b: {  	[tilespmem:s28], [sflag:$0x1] =	stream.indirect_vreg.gather [hbm4b:s24+s5], $0x80, v11, vm1, $0xb8;
	[tilespmem:$0x10800] =	vst v63  }
0x64c: {  	s28 =	simm.s32 $0x6B00  }
0x64d: {  	[tilespmem:s28], [sflag:$0x1] =	stream.indirect_vreg.gather [hbm4b:s24+s5], $0x80, v13, vm1, $0xb8;
	[tilespmem:$0x10800] =	vst v63  }
0x64e: {  	s28 =	simm.s32 $0x6B80  }
0x64f: {  	[tilespmem:s28], [sflag:$0x1] =	stream.indirect_vreg.gather [hbm4b:s24+s5], $0x80, v14, vm1, $0xb8;
	[tilespmem:$0x10800] =	vst v63  }
0x650: {  	s28 =	simm.s32 $0x6C00  }
0x651: {  	[tilespmem:s28], [sflag:$0x1] =	stream.indirect_vreg.gather [hbm4b:s24+s5], $0x80, v15, vm1, $0xb8;
	[tilespmem:$0x10800] =	vst v63  }
0x652: {  	s28 =	simm.s32 $0x6C80  }
0x653: {  	[tilespmem:s28], [sflag:$0x1] =	stream.indirect_vreg.gather [hbm4b:s24+s5], $0x80, v16, vm1, $0xb8;
	[tilespmem:$0x10800] =	vst v63  }
0x654: {  	s24 =	spop (v2sf);
	s28 =	simm.s32 $0x2D00  }
0x655: {  	[tilespmem:s28], [sflag:$0x1] =	stream.indirect_vreg.gather [hbm4b:s24+s5], $0x80, v0, vm1, $0xb8;
	[tilespmem:$0x10800] =	vst v63  }
0x656: {  	s28 =	simm.s32 $0x2D80  }
0x657: {  	[tilespmem:s28], [sflag:$0x1] =	stream.indirect_vreg.gather [hbm4b:s24+s5], $0x80, v1, vm1, $0xb8;
	[tilespmem:$0x10800] =	vst v63  }
0x658: {  	s28 =	simm.s32 $0x2E00  }
0x659: {  	[tilespmem:s28], [sflag:$0x1] =	stream.indirect_vreg.gather [hbm4b:s24+s5], $0x80, v2, vm1, $0xb8;
	[tilespmem:$0x10800] =	vst v63  }
0x65a: {  	s28 =	simm.s32 $0x2E80  }
0x65b: {  	[tilespmem:s28], [sflag:$0x1] =	stream.indirect_vreg.gather [hbm4b:s24+s5], $0x80, v3, vm1, $0xb8;
	[tilespmem:$0x10800] =	vst v63  }
0x65c: {  	s28 =	simm.s32 $0x2F00  }
0x65d: {  	[tilespmem:s28], [sflag:$0x1] =	stream.indirect_vreg.gather [hbm4b:s24+s5], $0x80, v4, vm1, $0xb8;
	[tilespmem:$0x10800] =	vst v63  }
0x65e: {  	s28 =	simm.s32 $0x2F80  }
0x65f: {  	[tilespmem:s28], [sflag:$0x1] =	stream.indirect_vreg.gather [hbm4b:s24+s5], $0x80, v5, vm1, $0xb8;
	[tilespmem:$0x10800] =	vst v63  }
0x660: {  	s28 =	simm.s32 $0x3000  }
0x661: {  	[tilespmem:s28], [sflag:$0x1] =	stream.indirect_vreg.gather [hbm4b:s24+s5], $0x80, v6, vm1, $0xb8;
	[tilespmem:$0x10800] =	vst v63  }
0x662: {  	s28 =	simm.s32 $0x3080  }
0x663: {  	[tilespmem:s28], [sflag:$0x1] =	stream.indirect_vreg.gather [hbm4b:s24+s5], $0x80, v7, vm1, $0xb8;
	[tilespmem:$0x10800] =	vst v63  }
0x664: {  	s28 =	simm.s32 $0x3100  }
0x665: {  	(v2sf) =	vpush v34, $0x5;
	[tilespmem:s28], [sflag:$0x1] =	stream.indirect_vreg.gather [hbm4b:s24+s5], $0x80, v8, vm1, $0xb8;
	[tilespmem:$0x10800] =	vst v63  }
0x666: {  	s28 =	simm.s32 $0x3180  }
0x667: {  	[tilespmem:s28], [sflag:$0x1] =	stream.indirect_vreg.gather [hbm4b:s24+s5], $0x80, v9, vm1, $0xb8;
	[tilespmem:$0x10800] =	vst v63  }
0x668: {  	s28 =	simm.s32 $0x3200  }
0x669: {  	[tilespmem:s28], [sflag:$0x1] =	stream.indirect_vreg.gather [hbm4b:s24+s5], $0x80, v10, vm1, $0xb8;
	[tilespmem:$0x10800] =	vst v63  }
0x66a: {  	s28 =	simm.s32 $0x3280  }
0x66b: {  	[tilespmem:s28], [sflag:$0x1] =	stream.indirect_vreg.gather [hbm4b:s24+s5], $0x80, v11, vm1, $0xb8;
	[tilespmem:$0x10800] =	vst v63  }
0x66c: {  	s28 =	simm.s32 $0x3300  }
0x66d: {  	[tilespmem:s28], [sflag:$0x1] =	stream.indirect_vreg.gather [hbm4b:s24+s5], $0x80, v13, vm1, $0xb8;
	[tilespmem:$0x10800] =	vst v63  }
0x66e: {  	s28 =	simm.s32 $0x3380  }
0x66f: {  	[tilespmem:s28], [sflag:$0x1] =	stream.indirect_vreg.gather [hbm4b:s24+s5], $0x80, v14, vm1, $0xb8;
	[tilespmem:$0x10800] =	vst v63  }
0x670: {  	s28 =	simm.s32 $0x3400  }
0x671: {  	[tilespmem:s28], [sflag:$0x1] =	stream.indirect_vreg.gather [hbm4b:s24+s5], $0x80, v15, vm1, $0xb8;
	[tilespmem:$0x10800] =	vst v63  }
0x672: {  	s28 =	simm.s32 $0x3480  }
0x673: {  	[tilespmem:s28], [sflag:$0x1] =	stream.indirect_vreg.gather [hbm4b:s24+s5], $0x80, v16, vm1, $0xb8;
	[tilespmem:$0x10800] =	vst v63  }
0x674: {  	s24 =	spop (v2sf);
	s28 =	simm.s32 $0x6D00  }
0x675: {  	[tilespmem:s28], [sflag:$0x1] =	stream.indirect_vreg.gather [hbm4b:s24+s5], $0x80, v0, vm1, $0xb8;
	[tilespmem:$0x10800] =	vst v63  }
0x676: {  	s28 =	simm.s32 $0x6D80  }
0x677: {  	[tilespmem:s28], [sflag:$0x1] =	stream.indirect_vreg.gather [hbm4b:s24+s5], $0x80, v1, vm1, $0xb8;
	[tilespmem:$0x10800] =	vst v63  }
0x678: {  	s28 =	simm.s32 $0x6E00  }
0x679: {  	[tilespmem:s28], [sflag:$0x1] =	stream.indirect_vreg.gather [hbm4b:s24+s5], $0x80, v2, vm1, $0xb8;
	[tilespmem:$0x10800] =	vst v63  }
0x67a: {  	s28 =	simm.s32 $0x6E80  }
0x67b: {  	[tilespmem:s28], [sflag:$0x1] =	stream.indirect_vreg.gather [hbm4b:s24+s5], $0x80, v3, vm1, $0xb8;
	[tilespmem:$0x10800] =	vst v63  }
0x67c: {  	s28 =	simm.s32 $0x6F00  }
0x67d: {  	[tilespmem:s28], [sflag:$0x1] =	stream.indirect_vreg.gather [hbm4b:s24+s5], $0x80, v4, vm1, $0xb8;
	[tilespmem:$0x10800] =	vst v63  }
0x67e: {  	s28 =	simm.s32 $0x6F80  }
0x67f: {  	[tilespmem:s28], [sflag:$0x1] =	stream.indirect_vreg.gather [hbm4b:s24+s5], $0x80, v5, vm1, $0xb8;
	[tilespmem:$0x10800] =	vst v63  }
0x680: {  	s28 =	simm.s32 $0x7000  }
0x681: {  	[tilespmem:s28], [sflag:$0x1] =	stream.indirect_vreg.gather [hbm4b:s24+s5], $0x80, v6, vm1, $0xb8;
	[tilespmem:$0x10800] =	vst v63  }
0x682: {  	s28 =	simm.s32 $0x7080  }
0x683: {  	[tilespmem:s28], [sflag:$0x1] =	stream.indirect_vreg.gather [hbm4b:s24+s5], $0x80, v7, vm1, $0xb8;
	[tilespmem:$0x10800] =	vst v63  }
0x684: {  	s28 =	simm.s32 $0x7100  }
0x685: {  	(v2sf) =	vpush v35, $0x6;
	[tilespmem:s28], [sflag:$0x1] =	stream.indirect_vreg.gather [hbm4b:s24+s5], $0x80, v8, vm1, $0xb8;
	[tilespmem:$0x10800] =	vst v63  }
0x686: {  	s28 =	simm.s32 $0x7180  }
0x687: {  	[tilespmem:s28], [sflag:$0x1] =	stream.indirect_vreg.gather [hbm4b:s24+s5], $0x80, v9, vm1, $0xb8;
	[tilespmem:$0x10800] =	vst v63  }
0x688: {  	s28 =	simm.s32 $0x7200  }
0x689: {  	[tilespmem:s28], [sflag:$0x1] =	stream.indirect_vreg.gather [hbm4b:s24+s5], $0x80, v10, vm1, $0xb8;
	[tilespmem:$0x10800] =	vst v63  }
0x68a: {  	s28 =	simm.s32 $0x7280  }
0x68b: {  	[tilespmem:s28], [sflag:$0x1] =	stream.indirect_vreg.gather [hbm4b:s24+s5], $0x80, v11, vm1, $0xb8;
	[tilespmem:$0x10800] =	vst v63  }
0x68c: {  	s28 =	simm.s32 $0x7300  }
0x68d: {  	[tilespmem:s28], [sflag:$0x1] =	stream.indirect_vreg.gather [hbm4b:s24+s5], $0x80, v13, vm1, $0xb8;
	[tilespmem:$0x10800] =	vst v63  }
0x68e: {  	s28 =	simm.s32 $0x7380  }
0x68f: {  	[tilespmem:s28], [sflag:$0x1] =	stream.indirect_vreg.gather [hbm4b:s24+s5], $0x80, v14, vm1, $0xb8;
	[tilespmem:$0x10800] =	vst v63  }
0x690: {  	s28 =	simm.s32 $0x7400  }
0x691: {  	[tilespmem:s28], [sflag:$0x1] =	stream.indirect_vreg.gather [hbm4b:s24+s5], $0x80, v15, vm1, $0xb8;
	[tilespmem:$0x10800] =	vst v63  }
0x692: {  	s28 =	simm.s32 $0x7480  }
0x693: {  	[tilespmem:s28], [sflag:$0x1] =	stream.indirect_vreg.gather [hbm4b:s24+s5], $0x80, v16, vm1, $0xb8;
	[tilespmem:$0x10800] =	vst v63  }
0x694: {  	s24 =	spop (v2sf);
	s28 =	simm.s32 $0x3500  }
0x695: {  	[tilespmem:s28], [sflag:$0x1] =	stream.indirect_vreg.gather [hbm4b:s24+s5], $0x80, v0, vm1, $0xb8;
	[tilespmem:$0x10800] =	vst v63  }
0x696: {  	s28 =	simm.s32 $0x3580  }
0x697: {  	[tilespmem:s28], [sflag:$0x1] =	stream.indirect_vreg.gather [hbm4b:s24+s5], $0x80, v1, vm1, $0xb8;
	[tilespmem:$0x10800] =	vst v63  }
0x698: {  	s28 =	simm.s32 $0x3600  }
0x699: {  	[tilespmem:s28], [sflag:$0x1] =	stream.indirect_vreg.gather [hbm4b:s24+s5], $0x80, v2, vm1, $0xb8;
	[tilespmem:$0x10800] =	vst v63  }
0x69a: {  	s28 =	simm.s32 $0x3680  }
0x69b: {  	[tilespmem:s28], [sflag:$0x1] =	stream.indirect_vreg.gather [hbm4b:s24+s5], $0x80, v3, vm1, $0xb8;
	[tilespmem:$0x10800] =	vst v63  }
0x69c: {  	s28 =	simm.s32 $0x3700  }
0x69d: {  	[tilespmem:s28], [sflag:$0x1] =	stream.indirect_vreg.gather [hbm4b:s24+s5], $0x80, v4, vm1, $0xb8;
	[tilespmem:$0x10800] =	vst v63  }
0x69e: {  	s28 =	simm.s32 $0x3780  }
0x69f: {  	[tilespmem:s28], [sflag:$0x1] =	stream.indirect_vreg.gather [hbm4b:s24+s5], $0x80, v5, vm1, $0xb8;
	[tilespmem:$0x10800] =	vst v63  }
0x6a0: {  	s28 =	simm.s32 $0x3800  }
0x6a1: {  	[tilespmem:s28], [sflag:$0x1] =	stream.indirect_vreg.gather [hbm4b:s24+s5], $0x80, v6, vm1, $0xb8;
	[tilespmem:$0x10800] =	vst v63  }
0x6a2: {  	s28 =	simm.s32 $0x3880  }
0x6a3: {  	[tilespmem:s28], [sflag:$0x1] =	stream.indirect_vreg.gather [hbm4b:s24+s5], $0x80, v7, vm1, $0xb8;
	[tilespmem:$0x10800] =	vst v63  }
0x6a4: {  	s28 =	simm.s32 $0x3900  }
0x6a5: {  	(v2sf) =	vpush v34, $0x6;
	[tilespmem:s28], [sflag:$0x1] =	stream.indirect_vreg.gather [hbm4b:s24+s5], $0x80, v8, vm1, $0xb8;
	[tilespmem:$0x10800] =	vst v63  }
0x6a6: {  	s28 =	simm.s32 $0x3980  }
0x6a7: {  	[tilespmem:s28], [sflag:$0x1] =	stream.indirect_vreg.gather [hbm4b:s24+s5], $0x80, v9, vm1, $0xb8;
	[tilespmem:$0x10800] =	vst v63  }
0x6a8: {  	s28 =	simm.s32 $0x3A00  }
0x6a9: {  	[tilespmem:s28], [sflag:$0x1] =	stream.indirect_vreg.gather [hbm4b:s24+s5], $0x80, v10, vm1, $0xb8;
	[tilespmem:$0x10800] =	vst v63  }
0x6aa: {  	s28 =	simm.s32 $0x3A80  }
0x6ab: {  	[tilespmem:s28], [sflag:$0x1] =	stream.indirect_vreg.gather [hbm4b:s24+s5], $0x80, v11, vm1, $0xb8;
	[tilespmem:$0x10800] =	vst v63  }
0x6ac: {  	s28 =	simm.s32 $0x3B00  }
0x6ad: {  	[tilespmem:s28], [sflag:$0x1] =	stream.indirect_vreg.gather [hbm4b:s24+s5], $0x80, v13, vm1, $0xb8;
	[tilespmem:$0x10800] =	vst v63  }
0x6ae: {  	s28 =	simm.s32 $0x3B80  }
0x6af: {  	[tilespmem:s28], [sflag:$0x1] =	stream.indirect_vreg.gather [hbm4b:s24+s5], $0x80, v14, vm1, $0xb8;
	[tilespmem:$0x10800] =	vst v63  }
0x6b0: {  	s28 =	simm.s32 $0x3C00  }
0x6b1: {  	[tilespmem:s28], [sflag:$0x1] =	stream.indirect_vreg.gather [hbm4b:s24+s5], $0x80, v15, vm1, $0xb8;
	[tilespmem:$0x10800] =	vst v63  }
0x6b2: {  	s28 =	simm.s32 $0x3C80  }
0x6b3: {  	[tilespmem:s28], [sflag:$0x1] =	stream.indirect_vreg.gather [hbm4b:s24+s5], $0x80, v16, vm1, $0xb8;
	[tilespmem:$0x10800] =	vst v63  }
0x6b4: {  	s24 =	spop (v2sf);
	s28 =	simm.s32 $0x7500  }
0x6b5: {  	[tilespmem:s28], [sflag:$0x1] =	stream.indirect_vreg.gather [hbm4b:s24+s5], $0x80, v0, vm1, $0xb8;
	[tilespmem:$0x10800] =	vst v63  }
0x6b6: {  	s28 =	simm.s32 $0x7580  }
0x6b7: {  	[tilespmem:s28], [sflag:$0x1] =	stream.indirect_vreg.gather [hbm4b:s24+s5], $0x80, v1, vm1, $0xb8;
	[tilespmem:$0x10800] =	vst v63  }
0x6b8: {  	s28 =	simm.s32 $0x7600  }
0x6b9: {  	[tilespmem:s28], [sflag:$0x1] =	stream.indirect_vreg.gather [hbm4b:s24+s5], $0x80, v2, vm1, $0xb8;
	[tilespmem:$0x10800] =	vst v63  }
0x6ba: {  	s28 =	simm.s32 $0x7680  }
0x6bb: {  	[tilespmem:s28], [sflag:$0x1] =	stream.indirect_vreg.gather [hbm4b:s24+s5], $0x80, v3, vm1, $0xb8;
	[tilespmem:$0x10800] =	vst v63  }
0x6bc: {  	s28 =	simm.s32 $0x7700  }
0x6bd: {  	[tilespmem:s28], [sflag:$0x1] =	stream.indirect_vreg.gather [hbm4b:s24+s5], $0x80, v4, vm1, $0xb8;
	[tilespmem:$0x10800] =	vst v63  }
0x6be: {  	s28 =	simm.s32 $0x7780  }
0x6bf: {  	[tilespmem:s28], [sflag:$0x1] =	stream.indirect_vreg.gather [hbm4b:s24+s5], $0x80, v5, vm1, $0xb8;
	[tilespmem:$0x10800] =	vst v63  }
0x6c0: {  	s28 =	simm.s32 $0x7800  }
0x6c1: {  	[tilespmem:s28], [sflag:$0x1] =	stream.indirect_vreg.gather [hbm4b:s24+s5], $0x80, v6, vm1, $0xb8;
	[tilespmem:$0x10800] =	vst v63  }
0x6c2: {  	s28 =	simm.s32 $0x7880  }
0x6c3: {  	[tilespmem:s28], [sflag:$0x1] =	stream.indirect_vreg.gather [hbm4b:s24+s5], $0x80, v7, vm1, $0xb8;
	[tilespmem:$0x10800] =	vst v63  }
0x6c4: {  	s28 =	simm.s32 $0x7900  }
0x6c5: {  	(v2sf) =	vpush v35, $0x7;
	[tilespmem:s28], [sflag:$0x1] =	stream.indirect_vreg.gather [hbm4b:s24+s5], $0x80, v8, vm1, $0xb8;
	[tilespmem:$0x10800] =	vst v63  }
0x6c6: {  	s28 =	simm.s32 $0x7980  }
0x6c7: {  	[tilespmem:s28], [sflag:$0x1] =	stream.indirect_vreg.gather [hbm4b:s24+s5], $0x80, v9, vm1, $0xb8;
	[tilespmem:$0x10800] =	vst v63  }
0x6c8: {  	s28 =	simm.s32 $0x7A00  }
0x6c9: {  	[tilespmem:s28], [sflag:$0x1] =	stream.indirect_vreg.gather [hbm4b:s24+s5], $0x80, v10, vm1, $0xb8;
	[tilespmem:$0x10800] =	vst v63  }
0x6ca: {  	s28 =	simm.s32 $0x7A80  }
0x6cb: {  	[tilespmem:s28], [sflag:$0x1] =	stream.indirect_vreg.gather [hbm4b:s24+s5], $0x80, v11, vm1, $0xb8;
	[tilespmem:$0x10800] =	vst v63  }
0x6cc: {  	s28 =	simm.s32 $0x7B00  }
0x6cd: {  	[tilespmem:s28], [sflag:$0x1] =	stream.indirect_vreg.gather [hbm4b:s24+s5], $0x80, v13, vm1, $0xb8;
	[tilespmem:$0x10800] =	vst v63  }
0x6ce: {  	s28 =	simm.s32 $0x7B80  }
0x6cf: {  	[tilespmem:s28], [sflag:$0x1] =	stream.indirect_vreg.gather [hbm4b:s24+s5], $0x80, v14, vm1, $0xb8;
	[tilespmem:$0x10800] =	vst v63  }
0x6d0: {  	s28 =	simm.s32 $0x7C00  }
0x6d1: {  	[tilespmem:s28], [sflag:$0x1] =	stream.indirect_vreg.gather [hbm4b:s24+s5], $0x80, v15, vm1, $0xb8;
	[tilespmem:$0x10800] =	vst v63  }
0x6d2: {  	s28 =	simm.s32 $0x7C80  }
0x6d3: {  	[tilespmem:s28], [sflag:$0x1] =	stream.indirect_vreg.gather [hbm4b:s24+s5], $0x80, v16, vm1, $0xb8;
	[tilespmem:$0x10800] =	vst v63  }
0x6d4: {  	s24 =	spop (v2sf);
	s28 =	simm.s32 $0x3D00  }
0x6d5: {  	[tilespmem:s28], [sflag:$0x1] =	stream.indirect_vreg.gather [hbm4b:s24+s5], $0x80, v0, vm1, $0xb8;
	[tilespmem:$0x10800] =	vst v63  }
0x6d6: {  	s28 =	simm.s32 $0x3D80  }
0x6d7: {  	[tilespmem:s28], [sflag:$0x1] =	stream.indirect_vreg.gather [hbm4b:s24+s5], $0x80, v1, vm1, $0xb8;
	[tilespmem:$0x10800] =	vst v63  }
0x6d8: {  	s28 =	simm.s32 $0x3E00  }
0x6d9: {  	[tilespmem:s28], [sflag:$0x1] =	stream.indirect_vreg.gather [hbm4b:s24+s5], $0x80, v2, vm1, $0xb8;
	[tilespmem:$0x10800] =	vst v63  }
0x6da: {  	s28 =	simm.s32 $0x3E80  }
0x6db: {  	[tilespmem:s28], [sflag:$0x1] =	stream.indirect_vreg.gather [hbm4b:s24+s5], $0x80, v3, vm1, $0xb8;
	[tilespmem:$0x10800] =	vst v63  }
0x6dc: {  	s28 =	simm.s32 $0x3F00  }
0x6dd: {  	[tilespmem:s28], [sflag:$0x1] =	stream.indirect_vreg.gather [hbm4b:s24+s5], $0x80, v4, vm1, $0xb8;
	[tilespmem:$0x10800] =	vst v63  }
0x6de: {  	s28 =	simm.s32 $0x3F80  }
0x6df: {  	[tilespmem:s28], [sflag:$0x1] =	stream.indirect_vreg.gather [hbm4b:s24+s5], $0x80, v5, vm1, $0xb8;
	[tilespmem:$0x10800] =	vst v63  }
0x6e0: {  	s28 =	simm.s32 $0x4000  }
0x6e1: {  	[tilespmem:s28], [sflag:$0x1] =	stream.indirect_vreg.gather [hbm4b:s24+s5], $0x80, v6, vm1, $0xb8;
	[tilespmem:$0x10800] =	vst v63  }
0x6e2: {  	s28 =	simm.s32 $0x4080  }
0x6e3: {  	[tilespmem:s28], [sflag:$0x1] =	stream.indirect_vreg.gather [hbm4b:s24+s5], $0x80, v7, vm1, $0xb8;
	[tilespmem:$0x10800] =	vst v63  }
0x6e4: {  	s28 =	simm.s32 $0x4100  }
0x6e5: {  	(v2sf) =	vpush v34, $0x7;
	[tilespmem:s28], [sflag:$0x1] =	stream.indirect_vreg.gather [hbm4b:s24+s5], $0x80, v8, vm1, $0xb8;
	[tilespmem:$0x10800] =	vst v63  }
0x6e6: {  	s28 =	simm.s32 $0x4180  }
0x6e7: {  	[tilespmem:s28], [sflag:$0x1] =	stream.indirect_vreg.gather [hbm4b:s24+s5], $0x80, v9, vm1, $0xb8;
	[tilespmem:$0x10800] =	vst v63  }
0x6e8: {  	s28 =	simm.s32 $0x4200  }
0x6e9: {  	[tilespmem:s28], [sflag:$0x1] =	stream.indirect_vreg.gather [hbm4b:s24+s5], $0x80, v10, vm1, $0xb8;
	[tilespmem:$0x10800] =	vst v63  }
0x6ea: {  	s28 =	simm.s32 $0x4280  }
0x6eb: {  	[tilespmem:s28], [sflag:$0x1] =	stream.indirect_vreg.gather [hbm4b:s24+s5], $0x80, v11, vm1, $0xb8;
	[tilespmem:$0x10800] =	vst v63  }
0x6ec: {  	s28 =	simm.s32 $0x4300  }
0x6ed: {  	[tilespmem:s28], [sflag:$0x1] =	stream.indirect_vreg.gather [hbm4b:s24+s5], $0x80, v13, vm1, $0xb8;
	[tilespmem:$0x10800] =	vst v63  }
0x6ee: {  	s28 =	simm.s32 $0x4380  }
0x6ef: {  	[tilespmem:s28], [sflag:$0x1] =	stream.indirect_vreg.gather [hbm4b:s24+s5], $0x80, v14, vm1, $0xb8;
	[tilespmem:$0x10800] =	vst v63  }
0x6f0: {  	s28 =	simm.s32 $0x4400  }
0x6f1: {  	[tilespmem:s28], [sflag:$0x1] =	stream.indirect_vreg.gather [hbm4b:s24+s5], $0x80, v15, vm1, $0xb8;
	[tilespmem:$0x10800] =	vst v63  }
0x6f2: {  	s28 =	simm.s32 $0x4480  }
0x6f3: {  	[tilespmem:s28], [sflag:$0x1] =	stream.indirect_vreg.gather [hbm4b:s24+s5], $0x80, v16, vm1, $0xb8;
	[tilespmem:$0x10800] =	vst v63  }
0x6f4: {  	s24 =	spop (v2sf);
	s28 =	simm.s32 $0x7D00  }
0x6f5: {  	[tilespmem:s28], [sflag:$0x1] =	stream.indirect_vreg.gather [hbm4b:s24+s5], $0x80, v0, vm1, $0xb8;
	[tilespmem:$0x10800] =	vst v63  }
0x6f6: {  	s28 =	simm.s32 $0x7D80  }
0x6f7: {  	[tilespmem:s28], [sflag:$0x1] =	stream.indirect_vreg.gather [hbm4b:s24+s5], $0x80, v1, vm1, $0xb8;
	[tilespmem:$0x10800] =	vst v63  }
0x6f8: {  	s28 =	simm.s32 $0x7E00  }
0x6f9: {  	[tilespmem:s28], [sflag:$0x1] =	stream.indirect_vreg.gather [hbm4b:s24+s5], $0x80, v2, vm1, $0xb8;
	[tilespmem:$0x10800] =	vst v63  }
0x6fa: {  	s28 =	simm.s32 $0x7E80  }
0x6fb: {  	[tilespmem:s28], [sflag:$0x1] =	stream.indirect_vreg.gather [hbm4b:s24+s5], $0x80, v3, vm1, $0xb8;
	[tilespmem:$0x10800] =	vst v63  }
0x6fc: {  	s28 =	simm.s32 $0x7F00  }
0x6fd: {  	[tilespmem:s28], [sflag:$0x1] =	stream.indirect_vreg.gather [hbm4b:s24+s5], $0x80, v4, vm1, $0xb8;
	[tilespmem:$0x10800] =	vst v63  }
0x6fe: {  	s28 =	simm.s32 $0x7F80  }
0x6ff: {  	[tilespmem:s28], [sflag:$0x1] =	stream.indirect_vreg.gather [hbm4b:s24+s5], $0x80, v5, vm1, $0xb8;
	[tilespmem:$0x10800] =	vst v63  }
0x700: {  	s28 =	simm.s32 $0x8000  }
0x701: {  	[tilespmem:s28], [sflag:$0x1] =	stream.indirect_vreg.gather [hbm4b:s24+s5], $0x80, v6, vm1, $0xb8;
	[tilespmem:$0x10800] =	vst v63  }
0x702: {  	s28 =	simm.s32 $0x8080  }
0x703: {  	[tilespmem:s28], [sflag:$0x1] =	stream.indirect_vreg.gather [hbm4b:s24+s5], $0x80, v7, vm1, $0xb8;
	[tilespmem:$0x10800] =	vst v63  }
0x704: {  	s28 =	simm.s32 $0x8100  }
0x705: {  	[tilespmem:s28], [sflag:$0x1] =	stream.indirect_vreg.gather [hbm4b:s24+s5], $0x80, v8, vm1, $0xb8;
	[tilespmem:$0x10800] =	vst v63  }
0x706: {  	s28 =	simm.s32 $0x8180  }
0x707: {  	[tilespmem:s28], [sflag:$0x1] =	stream.indirect_vreg.gather [hbm4b:s24+s5], $0x80, v9, vm1, $0xb8;
	[tilespmem:$0x10800] =	vst v63  }
0x708: {  	s28 =	simm.s32 $0x8200  }
0x709: {  	[tilespmem:s28], [sflag:$0x1] =	stream.indirect_vreg.gather [hbm4b:s24+s5], $0x80, v10, vm1, $0xb8;
	[tilespmem:$0x10800] =	vst v63  }
0x70a: {  	s28 =	simm.s32 $0x8280  }
0x70b: {  	[tilespmem:s28], [sflag:$0x1] =	stream.indirect_vreg.gather [hbm4b:s24+s5], $0x80, v11, vm1, $0xb8;
	[tilespmem:$0x10800] =	vst v63  }
0x70c: {  	s28 =	simm.s32 $0x8300  }
0x70d: {  	[tilespmem:s28], [sflag:$0x1] =	stream.indirect_vreg.gather [hbm4b:s24+s5], $0x80, v13, vm1, $0xb8;
	[tilespmem:$0x10800] =	vst v63  }
0x70e: {  	s28 =	simm.s32 $0x8380  }
0x70f: {  	[tilespmem:s28], [sflag:$0x1] =	stream.indirect_vreg.gather [hbm4b:s24+s5], $0x80, v14, vm1, $0xb8;
	[tilespmem:$0x10800] =	vst v63  }
.Ltmp5:
0x710: {  	_ = 	snop;
	(pc) =	sbr.rel .LBB2_4-.Ltmp5, $4  }
0x711: {  	s28 =	simm.s32 $0x8400  }
0x712: {  	[tilespmem:s28], [sflag:$0x1] =	stream.indirect_vreg.gather [hbm4b:s24+s5], $0x80, v15, vm1, $0xb8;
	[tilespmem:$0x10800] =	vst v63  }
0x713: {  	s25 =	simm.s32 $0xC680;
	s28 =	simm.s32 $0x8480  }
0x714: {  	[tilespmem:s28], [sflag:$0x1] =	stream.indirect_vreg.gather [hbm4b:s24+s5], $0x80, v16, vm1, $0xb8;
	[tilespmem:$0x10800] =	vst v63  }
.LBB2_6:
0x715: {  	_ =	sfence.sel $0x180000  }
0x716: {  	[bflag:$0x0] =	sbarrier.arrive $0xFFFF  }
0x717: {  	_ =	strace $0x90000047  }
0x718: {  	s0 =	stileid.u32;
	[bflag:$0x2] =	sbarrier.arrive $0xFFFF  }
0x719: {  	p0 =	sne.s32 s0, $0x0;
	s0 =	rddreg [dreg:$0x7]  }
0x71a: {  	s0 =	sadd.s32 @!p0 $0x100000, s0  }
0x71b: {  	[sflag:s0] =	ssyncadd.tile.s32 @!p0 $0x1;
	_ =	shalt  }
.Lfunc_end2:
_tile_overlayer_lowered:
.L_overlay_start_2:
0x71c: {  	(tag) =	ssettag $0x2  }
0x71d: {  	s0 =	rddreg [dreg:$0x0];
	s2 =	stileid.u32  }
0x71e: {  	s1 =	rddreg [dreg:$0x1];
	p0 =	sne.s32 s2, $0x0  }
0x71f: {  	s3 =	rddreg [dreg:$0x2];
	[bflag:$0x3] =	sbarrier.arrive $0xFFFF;
	s2 =	simm.s32 @!p0 $0x1C03  }
0x720: {  	[timem:s3], [sflag:s2] =	dma.local @!p0 [hbm:s0], s1  }
0x721: {  	s0 =	simm.s32 @!p0 $0x3  }
0x722: {  	_ =	swait.ge @!p0 [sflag:s0], s1  }
0x723: {  	s1 =	ssub.s32 @!p0 $0x0, s1;
	[sflag:s0] =	ssyncset.done @!p0 $0x0  }
0x724: {  	[sflag:s0] =	ssyncadd.s32 @!p0 s1  }
0x725: {  	[bflag:$0x3] =	sbarrier.arrive $0xFFFF  }
0x726: {  	_ =	shalt  }

</sc_bundles>
